<compile_context>
chip_gen: v7x
topology: tpu7x:2x2x1
jax: 0.10.2.dev20260603
libtpu: 0.0.44.dev20260713+nightly
codegen_flags: <defaults>
</compile_context>

<pallas_src>
import functools

import jax
import jax.numpy as jnp
from jax import lax
from jax.experimental import pallas as pl
from jax.experimental.pallas import tpu as pltpu
from jax.experimental.pallas import tpu_sc as plsc

_N = 10000
_E = 320000
_D = 128
_R = 200
_RP = 256

_K = 5
_CHUNKS = (32000, 57600, 76800, 76800, 76800)
_OFFS = (0, 32000, 89600, 166400, 243200)

_NC = 2
_NS = 16
_NW = _NC * _NS
_C = 128

_STAGE = 632
_STAGE_LAST = _N - 15 * _STAGE


def _make_sc_body(per_w):
  nfull = per_w // _C
  tail = per_w - nfull * _C
  pairs = nfull // 2

  def _sc_gather_body(node_hbm, idx_hbm, out_hbm, table_sp, idx_v, rows0,
                      rows1, g0, g1):
    sid = lax.axis_index("s")
    wid = sid * _NC + lax.axis_index("c")
    base = pl.multiple_of(wid * per_w, 8)

    @pl.when(sid < _NS - 1)
    def _():
        soff = pl.multiple_of(sid * _STAGE, 8)
        pltpu.sync_copy(
            node_hbm.at[pl.ds(soff, _STAGE)],
            table_sp.at[pl.ds(soff, _STAGE)],
        )

    @pl.when(sid == _NS - 1)
    def _():
        pltpu.sync_copy(
            node_hbm.at[pl.ds(15 * _STAGE, _STAGE_LAST)],
            table_sp.at[pl.ds(15 * _STAGE, _STAGE_LAST)],
        )

    pltpu.sync_copy(idx_hbm.at[pl.ds(base, per_w)], idx_v)
    plsc.subcore_barrier()

    bufs = (rows0, rows1)
    sems = (g0, g1)

    def start(j, b):
        off = pl.multiple_of(j * _C, 8)
        return pltpu.async_copy(
            table_sp.at[idx_v.at[pl.ds(off, _C)]], bufs[b], sems[b]
        )

    def drain(j, b):
        pltpu.make_async_copy(
            table_sp.at[idx_v.at[pl.ds(0, _C)]], bufs[b], sems[b]
        ).wait()
        off = pl.multiple_of(j * _C, 8)
        pltpu.sync_copy(bufs[b], out_hbm.at[pl.ds(base + off, _C)])

    start(0, 0)

    def pair(m, carry):
        j0 = 2 * m
        start(j0 + 1, 1)
        drain(j0, 0)

        @pl.when(m + 1 < pairs)
        def _():
            start(j0 + 2, 0)

        drain(j0 + 1, 1)
        return carry

    lax.fori_loop(0, pairs, pair, 0)
    if nfull % 2:
        start(nfull - 1, 0)
        drain(nfull - 1, 0)
    if tail:
        toff = pl.multiple_of(nfull * _C, 8)
        pltpu.async_copy(
            table_sp.at[idx_v.at[pl.ds(toff, tail)]],
            rows1.at[pl.ds(0, tail)],
            g1,
        ).wait()
        pltpu.sync_copy(
            rows1.at[pl.ds(0, tail)], out_hbm.at[pl.ds(base + toff, tail)]
        )

  return _sc_gather_body


def _sc_gather(node_feat, idx_chunk, ec):
    per_w = ec // _NW
    mesh = plsc.VectorSubcoreMesh(core_axis_name="c", subcore_axis_name="s")
    fn = functools.partial(
        pl.kernel,
        mesh=mesh,
        out_type=jax.ShapeDtypeStruct((ec, _D), jnp.float32),
        scratch_types=[
            pltpu.VMEM_SHARED((_N, _D), jnp.float32),
            pltpu.VMEM((per_w,), jnp.int32),
            pltpu.VMEM((_C, _D), jnp.float32),
            pltpu.VMEM((_C, _D), jnp.float32),
            pltpu.SemaphoreType.DMA,
            pltpu.SemaphoreType.DMA,
        ],
    )(_make_sc_body(per_w))
    return fn(node_feat, idx_chunk)


_B = 6400
_G = _B // 128


def _tc_math(et, src, ef, emb, wur, wc, bu, br):
    iota_r = lax.broadcasted_iota(jnp.int32, (_RP, 128), 0)
    gs = []
    for t in range(_G):
        oht = (iota_r == et[0, t:t + 1, :]).astype(jnp.float32)
        gs.append(lax.dot_general(
            oht, emb, (((0,), (0,)), ((), ())),
            preferred_element_type=jnp.float32))
    g = jnp.concatenate(gs, axis=0)
    pur = jnp.dot(src, wur, preferred_element_type=jnp.float32)
    u = jax.nn.sigmoid(g[:, :_D] * ef + pur[:, :_D] + bu)
    r = jax.nn.sigmoid(g[:, _D:2 * _D] * ef + pur[:, _D:] + br)
    c = jnp.tanh(
        g[:, 2 * _D:] * ef
        + jnp.dot(r * src, wc, preferred_element_type=jnp.float32)
    )
    return u * c + (1.0 - u) * src


def _tc_body(et_ref, src_ref, ef_ref, emb_ref, wur_ref, wc_ref, bu_ref, br_ref,
             out_ref):
    out_ref[...] = _tc_math(
        et_ref[...], src_ref[...], ef_ref[...], emb_ref[...], wur_ref[...],
        wc_ref[...], bu_ref[...], br_ref[...])


def _tc_body_alias(et_ref, src_ref, ef_ref, emb_ref, wur_ref, wc_ref, bu_ref,
                   br_ref, buf_ref, out_ref):
    out_ref[...] = _tc_math(
        et_ref[...], src_ref[...], ef_ref[...], emb_ref[...], wur_ref[...],
        wc_ref[...], bu_ref[...], br_ref[...])


def _tc_chunk(et2, src_k, edge_feat, emb_all, wur, wc, bu, br, buf, row0, cb):
    base_specs = [
        pl.BlockSpec((1, _G, 128), lambda i, r=row0: (r + i, 0, 0)),
        pl.BlockSpec((_B, _D), lambda i: (i, 0)),
        pl.BlockSpec((_B, _D), lambda i, r=row0: (r + i, 0)),
        pl.BlockSpec((_RP, 3 * _D), lambda i: (0, 0)),
        pl.BlockSpec((_D, 2 * _D), lambda i: (0, 0)),
        pl.BlockSpec((_D, _D), lambda i: (0, 0)),
        pl.BlockSpec((1, _D), lambda i: (0, 0)),
        pl.BlockSpec((1, _D), lambda i: (0, 0)),
    ]
    out_spec = pl.BlockSpec((_B, _D), lambda i, r=row0: (r + i, 0))
    out_shape = jax.ShapeDtypeStruct((_E, _D), jnp.float32)
    if buf is None:
        return pl.pallas_call(
            _tc_body,
            grid=(cb,),
            in_specs=base_specs,
            out_specs=out_spec,
            out_shape=out_shape,
        )(et2, src_k, edge_feat, emb_all, wur, wc, bu, br)
    return pl.pallas_call(
        _tc_body_alias,
        grid=(cb,),
        in_specs=base_specs + [pl.BlockSpec((8, _D), lambda i: (0, 0))],
        out_specs=out_spec,
        out_shape=out_shape,
        input_output_aliases={8: 0},
    )(et2, src_k, edge_feat, emb_all, wur, wc, bu, br, buf)


def kernel(node_feat, edge_feat, src_idx, edge_type, emb_update, emb_reset,
           emb_candidate, W_update, b_update, W_reset, b_reset, W_candidate):
    src_idx = src_idx.astype(jnp.int32)
    edge_type = edge_type.astype(jnp.int32)
    emb_all = jnp.pad(
        jnp.concatenate([emb_update, emb_reset, emb_candidate], axis=1),
        ((0, _RP - _R), (0, 0)),
    )
    wur = jnp.concatenate([W_update.T, W_reset.T], axis=1)
    et3 = edge_type.reshape(_E // (_G * 128), _G, 128)
    bu = b_update.reshape(1, _D)
    br = b_reset.reshape(1, _D)
    wc = W_candidate.T

    src_chunks = [
        _sc_gather(node_feat,
                   lax.slice(src_idx, (_OFFS[k],), (_OFFS[k] + _CHUNKS[k],)),
                   _CHUNKS[k])
        for k in range(_K)
    ]
    buf = None
    for k in range(_K):
        buf = _tc_chunk(et3, src_chunks[k], edge_feat, emb_all, wur, wc, bu,
                        br, buf, _OFFS[k] // _B, _CHUNKS[k] // _B)
    return buf

# --- scband reference (transcript-rebuilt; emitter-appended) ---
"""Pipeline reference for scband-grumessage-passer-9509057593720 (READ-ONLY COPY).

The authoritative reference and input builder live on the scoring server;
editing this copy changes nothing except your own understanding.
"""

import jax, jax.numpy as jnp
import numpy as np

N = 10000
E = 320000
D = 128
R = 200


def setup_inputs(seed: int = 0) -> dict:
    key = jax.random.key(seed)
    ks = jax.random.split(key, 12)
    node_feat = jax.random.normal(ks[0], (N, D), dtype=jnp.float32)
    edge_feat = jax.random.normal(ks[1], (E, D), dtype=jnp.float32)
    src_idx = jax.random.randint(ks[2], (E,), 0, N, dtype=jnp.int64) if jax.config.jax_enable_x64 else jax.random.randint(ks[2], (E,), 0, N, dtype=jnp.int32)
    edge_type = jax.random.randint(ks[3], (E,), 0, R, dtype=jnp.int64) if jax.config.jax_enable_x64 else jax.random.randint(ks[3], (E,), 0, R, dtype=jnp.int32)
    # nn.Embedding default init: N(0, 1)
    emb_update = jax.random.normal(ks[4], (R, D), dtype=jnp.float32)
    emb_reset = jax.random.normal(ks[5], (R, D), dtype=jnp.float32)
    emb_candidate = jax.random.normal(ks[6], (R, D), dtype=jnp.float32)
    # nn.Linear default init: U(-1/sqrt(fan_in), 1/sqrt(fan_in))
    s = 1.0 / np.sqrt(D)
    W_update = jax.random.uniform(ks[7], (D, D), minval=-s, maxval=s, dtype=jnp.float32)
    b_update = jax.random.uniform(ks[8], (D,), minval=-s, maxval=s, dtype=jnp.float32)
    W_reset = jax.random.uniform(ks[9], (D, D), minval=-s, maxval=s, dtype=jnp.float32)
    b_reset = jax.random.uniform(ks[10], (D,), minval=-s, maxval=s, dtype=jnp.float32)
    W_candidate = jax.random.uniform(ks[11], (D, D), minval=-s, maxval=s, dtype=jnp.float32)
    return {
        "node_feat": node_feat,
        "edge_feat": edge_feat,
        "src_idx": src_idx,
        "edge_type": edge_type,
        "emb_update": emb_update,
        "emb_reset": emb_reset,
        "emb_candidate": emb_candidate,
        "W_update": W_update,
        "b_update": b_update,
        "W_reset": W_reset,
        "b_reset": b_reset,
        "W_candidate": W_candidate,
    }


def reference(node_feat, edge_feat, src_idx, edge_type, emb_update, emb_reset,
              emb_candidate, W_update, b_update, W_reset, b_reset, W_candidate):
    # Gather per-edge source node features (edges.src['node_feat'])
    src = jnp.take(node_feat, src_idx, axis=0)
    # Gather relation-wise gate embeddings (edges.data['type'])
    eu = jnp.take(emb_update, edge_type, axis=0)
    er = jnp.take(emb_reset, edge_type, axis=0)
    ec = jnp.take(emb_candidate, edge_type, axis=0)
    # update gate (dropout is identity since p=0)
    update_vector = jax.nn.sigmoid(eu * edge_feat + src @ W_update.T + b_update)
    # reset gate
    reset_vector = jax.nn.sigmoid(er * edge_feat + src @ W_reset.T + b_reset)
    # candidate (no bias on candidate projection)
    candidate_vector = jnp.tanh(ec * edge_feat + (reset_vector * src) @ W_candidate.T)
    # GRU-style message
    message = update_vector * candidate_vector + (1.0 - update_vector) * src
    return message

if __name__ == "__main__":
    import jax
    _d = setup_inputs()
    print(jax.jit(kernel)(*tuple(_d.values())))

</pallas_src>

<mosaic_0001>
#map = affine_map<(d0, d1) -> (0, 0)>
#map1 = affine_map<(d0, d1) -> (0)>
module attributes {stable_mosaic.version = 14 : i64} {
  func.func @_sc_gather_body(%arg0: i32, %arg1: i32, %arg2: memref<10000x128xf32, #tpu.memory_space<hbm>>, %arg3: memref<32000xi32, #tpu.memory_space<hbm>>, %arg4: memref<32000x128xf32, #tpu.memory_space<hbm>>, %arg5: memref<10000x128xf32, #tpu.memory_space<vmem_shared>>, %arg6: memref<1000xi32, #tpu.memory_space<vmem>>, %arg7: memref<128x128xf32, #tpu.memory_space<vmem>>, %arg8: memref<128x128xf32, #tpu.memory_space<vmem>>, %arg9: memref<!tpu.dma_semaphore, #tpu.memory_space<semaphore_mem>>, %arg10: memref<!tpu.dma_semaphore, #tpu.memory_space<semaphore_mem>>) attributes {dimension_semantics = [#tpu.dimension_semantics<core_parallel>, #tpu.dimension_semantics<subcore_parallel>], iteration_bounds = array<i64: 2, 16>, scalar_prefetch = 0 : i64, scratch_operands = 6 : i64, tpu.core_type = #tpu.core_type<sc_vector_subcore>, window_params = [{transform_indices = #map}, {transform_indices = #map1}, {transform_indices = #map}]} {
    %mul3A = arith.constant 2 : i32
    %mul3A_0 = arith.muli %arg1, %mul3A : i32
    %add3A = arith.addi %mul3A_0, %arg0 : i32
    %mul3A_1 = arith.constant 1000 : i32
    %mul3A_2 = arith.muli %add3A, %mul3A_1 : i32
    %multiple_of3A = tpu.assume_multiple %mul3A_2, 8 : i32
    %lt3A = arith.constant 15 : i32
    %lt3A_3 = arith.cmpi slt, %arg1, %lt3A : i32
    %convert_element_type3A = arith.extui %lt3A_3 : i1 to i32
    %cond3A = arith.constant 0 : i32
    %cond3A_4 = arith.cmpi ne, %convert_element_type3A, %cond3A : i32
    scf.if %cond3A_4 {
      %mul3A_49 = arith.constant 632 : i32
      %mul3A_50 = arith.muli %arg1, %mul3A_49 : i32
      %multiple_of3A_51 = tpu.assume_multiple %mul3A_50, 8 : i32
      "tpu.region"() ({
        %run_scoped3A = tpu.sem_alloc : memref<!tpu.dma_semaphore, #tpu.memory_space<semaphore_mem>>
        %dma_start3A_52 = arith.constant 0 : i32
        %dma_start3A_53 = tpu.memref_slice %arg5[%multiple_of3A_51, %dma_start3A_52] : memref<10000x128xf32, #tpu.memory_space<vmem_shared>> -> memref<632x128xf32, #tpu.memory_space<vmem_shared>>
        %dma_start3A_54 = arith.constant 0 : i32
        %dma_start3A_55 = tpu.memref_slice %arg2[%multiple_of3A_51, %dma_start3A_54] : memref<10000x128xf32, #tpu.memory_space<hbm>> -> memref<632x128xf32, #tpu.memory_space<hbm>>
        tpu.enqueue_dma source(%dma_start3A_55 : memref<632x128xf32, #tpu.memory_space<hbm>>) target(%dma_start3A_53 : memref<632x128xf32, #tpu.memory_space<vmem_shared>>) target_semaphore(%run_scoped3A : memref<!tpu.dma_semaphore, #tpu.memory_space<semaphore_mem>>)
        %dma_wait3A_56 = arith.constant 0 : i32
        %dma_wait3A_57 = tpu.memref_slice %arg5[%multiple_of3A_51, %dma_wait3A_56] : memref<10000x128xf32, #tpu.memory_space<vmem_shared>> -> memref<632x128xf32, #tpu.memory_space<vmem_shared>>
        %dma_wait3A_58 = arith.constant 0 : i32
        %dma_wait3A_59 = tpu.memref_slice %arg2[%multiple_of3A_51, %dma_wait3A_58] : memref<10000x128xf32, #tpu.memory_space<hbm>> -> memref<632x128xf32, #tpu.memory_space<hbm>>
        tpu.wait_dma2 semaphore(%run_scoped3A : memref<!tpu.dma_semaphore, #tpu.memory_space<semaphore_mem>>) src(%dma_wait3A_59 : memref<632x128xf32, #tpu.memory_space<hbm>>) dst(%dma_wait3A_57 : memref<632x128xf32, #tpu.memory_space<vmem_shared>>)
        tpu.yield
      }) : () -> ()
    } else {
    }
    %eq3A = arith.constant 15 : i32
    %eq3A_5 = arith.cmpi eq, %arg1, %eq3A : i32
    %convert_element_type3A_6 = arith.extui %eq3A_5 : i1 to i32
    %cond3A_7 = arith.constant 0 : i32
    %cond3A_8 = arith.cmpi ne, %convert_element_type3A_6, %cond3A_7 : i32
    scf.if %cond3A_8 {
      "tpu.region"() ({
        %run_scoped3A = tpu.sem_alloc : memref<!tpu.dma_semaphore, #tpu.memory_space<semaphore_mem>>
        %dma_start3A_49 = arith.constant 9480 : i32
        %dma_start3A_50 = arith.constant 0 : i32
        %dma_start3A_51 = tpu.memref_slice %arg5[%dma_start3A_49, %dma_start3A_50] : memref<10000x128xf32, #tpu.memory_space<vmem_shared>> -> memref<520x128xf32, #tpu.memory_space<vmem_shared>>
        %dma_start3A_52 = arith.constant 9480 : i32
        %dma_start3A_53 = arith.constant 0 : i32
        %dma_start3A_54 = tpu.memref_slice %arg2[%dma_start3A_52, %dma_start3A_53] : memref<10000x128xf32, #tpu.memory_space<hbm>> -> memref<520x128xf32, #tpu.memory_space<hbm>>
        tpu.enqueue_dma source(%dma_start3A_54 : memref<520x128xf32, #tpu.memory_space<hbm>>) target(%dma_start3A_51 : memref<520x128xf32, #tpu.memory_space<vmem_shared>>) target_semaphore(%run_scoped3A : memref<!tpu.dma_semaphore, #tpu.memory_space<semaphore_mem>>)
        %dma_wait3A_55 = arith.constant 9480 : i32
        %dma_wait3A_56 = arith.constant 0 : i32
        %dma_wait3A_57 = tpu.memref_slice %arg5[%dma_wait3A_55, %dma_wait3A_56] : memref<10000x128xf32, #tpu.memory_space<vmem_shared>> -> memref<520x128xf32, #tpu.memory_space<vmem_shared>>
        %dma_wait3A_58 = arith.constant 9480 : i32
        %dma_wait3A_59 = arith.constant 0 : i32
        %dma_wait3A_60 = tpu.memref_slice %arg2[%dma_wait3A_58, %dma_wait3A_59] : memref<10000x128xf32, #tpu.memory_space<hbm>> -> memref<520x128xf32, #tpu.memory_space<hbm>>
        tpu.wait_dma2 semaphore(%run_scoped3A : memref<!tpu.dma_semaphore, #tpu.memory_space<semaphore_mem>>) src(%dma_wait3A_60 : memref<520x128xf32, #tpu.memory_space<hbm>>) dst(%dma_wait3A_57 : memref<520x128xf32, #tpu.memory_space<vmem_shared>>)
        tpu.yield
      }) : () -> ()
    } else {
    }
    "tpu.region"() ({
      %run_scoped3A = tpu.sem_alloc : memref<!tpu.dma_semaphore, #tpu.memory_space<semaphore_mem>>
      %dma_start3A_49 = tpu.memref_slice %arg3[%multiple_of3A] : memref<32000xi32, #tpu.memory_space<hbm>> -> memref<1000xi32, #tpu.memory_space<hbm>>
      %dma_start3A_50 = tpu.memref_slice %arg3[%multiple_of3A] : memref<32000xi32, #tpu.memory_space<hbm>> -> memref<1000xi32, #tpu.memory_space<hbm>>
      tpu.enqueue_dma source(%dma_start3A_50 : memref<1000xi32, #tpu.memory_space<hbm>>) target(%arg6 : memref<1000xi32, #tpu.memory_space<vmem>>) target_semaphore(%run_scoped3A : memref<!tpu.dma_semaphore, #tpu.memory_space<semaphore_mem>>)
      %dma_wait3A_51 = tpu.memref_slice %arg3[%multiple_of3A] : memref<32000xi32, #tpu.memory_space<hbm>> -> memref<1000xi32, #tpu.memory_space<hbm>>
      %dma_wait3A_52 = tpu.memref_slice %arg3[%multiple_of3A] : memref<32000xi32, #tpu.memory_space<hbm>> -> memref<1000xi32, #tpu.memory_space<hbm>>
      tpu.wait_dma2 semaphore(%run_scoped3A : memref<!tpu.dma_semaphore, #tpu.memory_space<semaphore_mem>>) src(%dma_wait3A_52 : memref<1000xi32, #tpu.memory_space<hbm>>) dst(%arg6 : memref<1000xi32, #tpu.memory_space<vmem>>)
      tpu.yield
    }) : () -> ()
    %barrier3A = arith.constant 0 : index
    tpu.barrier barrier_id(%barrier3A)
    %multiple_of3A_9 = arith.constant 0 : i32
    %multiple_of3A_10 = tpu.assume_multiple %multiple_of3A_9, 8 : i32
    %dma_start3A = tpu.memref_slice %arg6[%multiple_of3A_10] : memref<1000xi32, #tpu.memory_space<vmem>> -> memref<128xi32, #tpu.memory_space<vmem>>
    %dma_start3A_11 = arith.constant 0 : i32
    %dma_start3A_12 = arith.constant 0 : i32
    %dma_start3A_13 = tpu.memref_slice %arg5[%dma_start3A_11, %dma_start3A_12] : memref<10000x128xf32, #tpu.memory_space<vmem_shared>> -> memref<10000x128xf32, #tpu.memory_space<vmem_shared>>
    tpu.enqueue_indirect_dma source(%dma_start3A_13 : memref<10000x128xf32, #tpu.memory_space<vmem_shared>>) target(%arg7 : memref<128x128xf32, #tpu.memory_space<vmem>>) offsets(%dma_start3A : memref<128xi32, #tpu.memory_space<vmem>>) semaphore(%arg9 : memref<!tpu.dma_semaphore, #tpu.memory_space<semaphore_mem>>)
    %scan3A = arith.constant 0 : i32
    %scan3A_14 = arith.constant 0 : i32
    %scan3A_15 = arith.constant 3 : i32
    %scan3A_16 = arith.addi %scan3A_14, %scan3A_15 : i32
    %scan3A_17 = arith.constant 1 : i32
    scf.for %scan3A_49 = %scan3A_14 to %scan3A_16 step %scan3A_17  : i32 {
      %mul3A_50 = arith.constant 2 : i32
      %mul3A_51 = arith.muli %mul3A_50, %scan3A_49 : i32
      %add3A_52 = arith.constant 1 : i32
      %add3A_53 = arith.addi %mul3A_51, %add3A_52 : i32
      %mul3A_54 = arith.constant 128 : i32
      %mul3A_55 = arith.muli %add3A_53, %mul3A_54 : i32
      %multiple_of3A_56 = tpu.assume_multiple %mul3A_55, 8 : i32
      %dma_start3A_57 = tpu.memref_slice %arg6[%multiple_of3A_56] : memref<1000xi32, #tpu.memory_space<vmem>> -> memref<128xi32, #tpu.memory_space<vmem>>
      %dma_start3A_58 = arith.constant 0 : i32
      %dma_start3A_59 = arith.constant 0 : i32
      %dma_start3A_60 = tpu.memref_slice %arg5[%dma_start3A_58, %dma_start3A_59] : memref<10000x128xf32, #tpu.memory_space<vmem_shared>> -> memref<10000x128xf32, #tpu.memory_space<vmem_shared>>
      tpu.enqueue_indirect_dma source(%dma_start3A_60 : memref<10000x128xf32, #tpu.memory_space<vmem_shared>>) target(%arg8 : memref<128x128xf32, #tpu.memory_space<vmem>>) offsets(%dma_start3A_57 : memref<128xi32, #tpu.memory_space<vmem>>) semaphore(%arg10 : memref<!tpu.dma_semaphore, #tpu.memory_space<semaphore_mem>>)
      %dma_wait3A_61 = arith.constant 0 : i32
      %dma_wait3A_62 = tpu.memref_slice %arg6[%dma_wait3A_61] : memref<1000xi32, #tpu.memory_space<vmem>> -> memref<128xi32, #tpu.memory_space<vmem>>
      %dma_wait3A_63 = arith.constant 0 : i32
      %dma_wait3A_64 = arith.constant 0 : i32
      %dma_wait3A_65 = tpu.memref_slice %arg5[%dma_wait3A_63, %dma_wait3A_64] : memref<10000x128xf32, #tpu.memory_space<vmem_shared>> -> memref<10000x128xf32, #tpu.memory_space<vmem_shared>>
      tpu.wait_indirect_dma semaphore(%arg9 : memref<!tpu.dma_semaphore, #tpu.memory_space<semaphore_mem>>) src(%dma_wait3A_65 : memref<10000x128xf32, #tpu.memory_space<vmem_shared>>) dst(%arg7 : memref<128x128xf32, #tpu.memory_space<vmem>>)
      %mul3A_66 = arith.constant 128 : i32
      %mul3A_67 = arith.muli %mul3A_51, %mul3A_66 : i32
      %multiple_of3A_68 = tpu.assume_multiple %mul3A_67, 8 : i32
      %add3A_69 = arith.addi %multiple_of3A, %multiple_of3A_68 : i32
      "tpu.region"() ({
        %run_scoped3A = tpu.sem_alloc : memref<!tpu.dma_semaphore, #tpu.memory_space<semaphore_mem>>
        %dma_start3A_88 = arith.constant 0 : i32
        %dma_start3A_89 = tpu.memref_slice %arg4[%add3A_69, %dma_start3A_88] : memref<32000x128xf32, #tpu.memory_space<hbm>> -> memref<128x128xf32, #tpu.memory_space<hbm>>
        %dma_start3A_90 = arith.constant 0 : i32
        %dma_start3A_91 = tpu.memref_slice %arg4[%add3A_69, %dma_start3A_90] : memref<32000x128xf32, #tpu.memory_space<hbm>> -> memref<128x128xf32, #tpu.memory_space<hbm>>
        tpu.enqueue_dma source(%arg7 : memref<128x128xf32, #tpu.memory_space<vmem>>) target(%dma_start3A_91 : memref<128x128xf32, #tpu.memory_space<hbm>>) target_semaphore(%run_scoped3A : memref<!tpu.dma_semaphore, #tpu.memory_space<semaphore_mem>>)
        %dma_wait3A_92 = arith.constant 0 : i32
        %dma_wait3A_93 = tpu.memref_slice %arg4[%add3A_69, %dma_wait3A_92] : memref<32000x128xf32, #tpu.memory_space<hbm>> -> memref<128x128xf32, #tpu.memory_space<hbm>>
        %dma_wait3A_94 = arith.constant 0 : i32
        %dma_wait3A_95 = tpu.memref_slice %arg4[%add3A_69, %dma_wait3A_94] : memref<32000x128xf32, #tpu.memory_space<hbm>> -> memref<128x128xf32, #tpu.memory_space<hbm>>
        tpu.wait_dma2 semaphore(%run_scoped3A : memref<!tpu.dma_semaphore, #tpu.memory_space<semaphore_mem>>) src(%arg7 : memref<128x128xf32, #tpu.memory_space<vmem>>) dst(%dma_wait3A_95 : memref<128x128xf32, #tpu.memory_space<hbm>>)
        tpu.yield
      }) : () -> ()
      %add3A_70 = arith.constant 1 : i32
      %add3A_71 = arith.addi %scan3A_49, %add3A_70 : i32
      %lt3A_72 = arith.constant 3 : i32
      %lt3A_73 = arith.cmpi slt, %add3A_71, %lt3A_72 : i32
      %convert_element_type3A_74 = arith.extui %lt3A_73 : i1 to i32
      %cond3A_75 = arith.constant 0 : i32
      %cond3A_76 = arith.cmpi ne, %convert_element_type3A_74, %cond3A_75 : i32
      scf.if %cond3A_76 {
        %add3A_88 = arith.constant 2 : i32
        %add3A_89 = arith.addi %mul3A_51, %add3A_88 : i32
        %mul3A_90 = arith.constant 128 : i32
        %mul3A_91 = arith.muli %add3A_89, %mul3A_90 : i32
        %multiple_of3A_92 = tpu.assume_multiple %mul3A_91, 8 : i32
        %dma_start3A_93 = tpu.memref_slice %arg6[%multiple_of3A_92] : memref<1000xi32, #tpu.memory_space<vmem>> -> memref<128xi32, #tpu.memory_space<vmem>>
        %dma_start3A_94 = arith.constant 0 : i32
        %dma_start3A_95 = arith.constant 0 : i32
        %dma_start3A_96 = tpu.memref_slice %arg5[%dma_start3A_94, %dma_start3A_95] : memref<10000x128xf32, #tpu.memory_space<vmem_shared>> -> memref<10000x128xf32, #tpu.memory_space<vmem_shared>>
        tpu.enqueue_indirect_dma source(%dma_start3A_96 : memref<10000x128xf32, #tpu.memory_space<vmem_shared>>) target(%arg7 : memref<128x128xf32, #tpu.memory_space<vmem>>) offsets(%dma_start3A_93 : memref<128xi32, #tpu.memory_space<vmem>>) semaphore(%arg9 : memref<!tpu.dma_semaphore, #tpu.memory_space<semaphore_mem>>)
      } else {
      }
      %add3A_77 = arith.constant 1 : i32
      %add3A_78 = arith.addi %mul3A_51, %add3A_77 : i32
      %dma_wait3A_79 = arith.constant 0 : i32
      %dma_wait3A_80 = tpu.memref_slice %arg6[%dma_wait3A_79] : memref<1000xi32, #tpu.memory_space<vmem>> -> memref<128xi32, #tpu.memory_space<vmem>>
      %dma_wait3A_81 = arith.constant 0 : i32
      %dma_wait3A_82 = arith.constant 0 : i32
      %dma_wait3A_83 = tpu.memref_slice %arg5[%dma_wait3A_81, %dma_wait3A_82] : memref<10000x128xf32, #tpu.memory_space<vmem_shared>> -> memref<10000x128xf32, #tpu.memory_space<vmem_shared>>
      tpu.wait_indirect_dma semaphore(%arg10 : memref<!tpu.dma_semaphore, #tpu.memory_space<semaphore_mem>>) src(%dma_wait3A_83 : memref<10000x128xf32, #tpu.memory_space<vmem_shared>>) dst(%arg8 : memref<128x128xf32, #tpu.memory_space<vmem>>)
      %mul3A_84 = arith.constant 128 : i32
      %mul3A_85 = arith.muli %add3A_78, %mul3A_84 : i32
      %multiple_of3A_86 = tpu.assume_multiple %mul3A_85, 8 : i32
      %add3A_87 = arith.addi %multiple_of3A, %multiple_of3A_86 : i32
      "tpu.region"() ({
        %run_scoped3A = tpu.sem_alloc : memref<!tpu.dma_semaphore, #tpu.memory_space<semaphore_mem>>
        %dma_start3A_88 = arith.constant 0 : i32
        %dma_start3A_89 = tpu.memref_slice %arg4[%add3A_87, %dma_start3A_88] : memref<32000x128xf32, #tpu.memory_space<hbm>> -> memref<128x128xf32, #tpu.memory_space<hbm>>
        %dma_start3A_90 = arith.constant 0 : i32
        %dma_start3A_91 = tpu.memref_slice %arg4[%add3A_87, %dma_start3A_90] : memref<32000x128xf32, #tpu.memory_space<hbm>> -> memref<128x128xf32, #tpu.memory_space<hbm>>
        tpu.enqueue_dma source(%arg8 : memref<128x128xf32, #tpu.memory_space<vmem>>) target(%dma_start3A_91 : memref<128x128xf32, #tpu.memory_space<hbm>>) target_semaphore(%run_scoped3A : memref<!tpu.dma_semaphore, #tpu.memory_space<semaphore_mem>>)
        %dma_wait3A_92 = arith.constant 0 : i32
        %dma_wait3A_93 = tpu.memref_slice %arg4[%add3A_87, %dma_wait3A_92] : memref<32000x128xf32, #tpu.memory_space<hbm>> -> memref<128x128xf32, #tpu.memory_space<hbm>>
        %dma_wait3A_94 = arith.constant 0 : i32
        %dma_wait3A_95 = tpu.memref_slice %arg4[%add3A_87, %dma_wait3A_94] : memref<32000x128xf32, #tpu.memory_space<hbm>> -> memref<128x128xf32, #tpu.memory_space<hbm>>
        tpu.wait_dma2 semaphore(%run_scoped3A : memref<!tpu.dma_semaphore, #tpu.memory_space<semaphore_mem>>) src(%arg8 : memref<128x128xf32, #tpu.memory_space<vmem>>) dst(%dma_wait3A_95 : memref<128x128xf32, #tpu.memory_space<hbm>>)
        tpu.yield
      }) : () -> ()
    }
    %scan3A_18 = arith.constant 3 : i32
    %multiple_of3A_19 = arith.constant 768 : i32
    %multiple_of3A_20 = tpu.assume_multiple %multiple_of3A_19, 8 : i32
    %dma_start3A_21 = tpu.memref_slice %arg6[%multiple_of3A_20] : memref<1000xi32, #tpu.memory_space<vmem>> -> memref<128xi32, #tpu.memory_space<vmem>>
    %dma_start3A_22 = arith.constant 0 : i32
    %dma_start3A_23 = arith.constant 0 : i32
    %dma_start3A_24 = tpu.memref_slice %arg5[%dma_start3A_22, %dma_start3A_23] : memref<10000x128xf32, #tpu.memory_space<vmem_shared>> -> memref<10000x128xf32, #tpu.memory_space<vmem_shared>>
    tpu.enqueue_indirect_dma source(%dma_start3A_24 : memref<10000x128xf32, #tpu.memory_space<vmem_shared>>) target(%arg7 : memref<128x128xf32, #tpu.memory_space<vmem>>) offsets(%dma_start3A_21 : memref<128xi32, #tpu.memory_space<vmem>>) semaphore(%arg9 : memref<!tpu.dma_semaphore, #tpu.memory_space<semaphore_mem>>)
    %dma_wait3A = arith.constant 0 : i32
    %dma_wait3A_25 = tpu.memref_slice %arg6[%dma_wait3A] : memref<1000xi32, #tpu.memory_space<vmem>> -> memref<128xi32, #tpu.memory_space<vmem>>
    %dma_wait3A_26 = arith.constant 0 : i32
    %dma_wait3A_27 = arith.constant 0 : i32
    %dma_wait3A_28 = tpu.memref_slice %arg5[%dma_wait3A_26, %dma_wait3A_27] : memref<10000x128xf32, #tpu.memory_space<vmem_shared>> -> memref<10000x128xf32, #tpu.memory_space<vmem_shared>>
    tpu.wait_indirect_dma semaphore(%arg9 : memref<!tpu.dma_semaphore, #tpu.memory_space<semaphore_mem>>) src(%dma_wait3A_28 : memref<10000x128xf32, #tpu.memory_space<vmem_shared>>) dst(%arg7 : memref<128x128xf32, #tpu.memory_space<vmem>>)
    %multiple_of3A_29 = arith.constant 768 : i32
    %multiple_of3A_30 = tpu.assume_multiple %multiple_of3A_29, 8 : i32
    %add3A_31 = arith.addi %multiple_of3A, %multiple_of3A_30 : i32
    "tpu.region"() ({
      %run_scoped3A = tpu.sem_alloc : memref<!tpu.dma_semaphore, #tpu.memory_space<semaphore_mem>>
      %dma_start3A_49 = arith.constant 0 : i32
      %dma_start3A_50 = tpu.memref_slice %arg4[%add3A_31, %dma_start3A_49] : memref<32000x128xf32, #tpu.memory_space<hbm>> -> memref<128x128xf32, #tpu.memory_space<hbm>>
      %dma_start3A_51 = arith.constant 0 : i32
      %dma_start3A_52 = tpu.memref_slice %arg4[%add3A_31, %dma_start3A_51] : memref<32000x128xf32, #tpu.memory_space<hbm>> -> memref<128x128xf32, #tpu.memory_space<hbm>>
      tpu.enqueue_dma source(%arg7 : memref<128x128xf32, #tpu.memory_space<vmem>>) target(%dma_start3A_52 : memref<128x128xf32, #tpu.memory_space<hbm>>) target_semaphore(%run_scoped3A : memref<!tpu.dma_semaphore, #tpu.memory_space<semaphore_mem>>)
      %dma_wait3A_53 = arith.constant 0 : i32
      %dma_wait3A_54 = tpu.memref_slice %arg4[%add3A_31, %dma_wait3A_53] : memref<32000x128xf32, #tpu.memory_space<hbm>> -> memref<128x128xf32, #tpu.memory_space<hbm>>
      %dma_wait3A_55 = arith.constant 0 : i32
      %dma_wait3A_56 = tpu.memref_slice %arg4[%add3A_31, %dma_wait3A_55] : memref<32000x128xf32, #tpu.memory_space<hbm>> -> memref<128x128xf32, #tpu.memory_space<hbm>>
      tpu.wait_dma2 semaphore(%run_scoped3A : memref<!tpu.dma_semaphore, #tpu.memory_space<semaphore_mem>>) src(%arg7 : memref<128x128xf32, #tpu.memory_space<vmem>>) dst(%dma_wait3A_56 : memref<128x128xf32, #tpu.memory_space<hbm>>)
      tpu.yield
    }) : () -> ()
    %multiple_of3A_32 = arith.constant 896 : i32
    %multiple_of3A_33 = tpu.assume_multiple %multiple_of3A_32, 8 : i32
    %dma_start3A_34 = arith.constant 0 : i32
    %dma_start3A_35 = arith.constant 0 : i32
    %dma_start3A_36 = tpu.memref_slice %arg8[%dma_start3A_34, %dma_start3A_35] : memref<128x128xf32, #tpu.memory_space<vmem>> -> memref<104x128xf32, #tpu.memory_space<vmem>>
    %dma_start3A_37 = tpu.memref_slice %arg6[%multiple_of3A_33] : memref<1000xi32, #tpu.memory_space<vmem>> -> memref<104xi32, #tpu.memory_space<vmem>>
    %dma_start3A_38 = arith.constant 0 : i32
    %dma_start3A_39 = arith.constant 0 : i32
    %dma_start3A_40 = tpu.memref_slice %arg5[%dma_start3A_38, %dma_start3A_39] : memref<10000x128xf32, #tpu.memory_space<vmem_shared>> -> memref<10000x128xf32, #tpu.memory_space<vmem_shared>>
    tpu.enqueue_indirect_dma source(%dma_start3A_40 : memref<10000x128xf32, #tpu.memory_space<vmem_shared>>) target(%dma_start3A_36 : memref<104x128xf32, #tpu.memory_space<vmem>>) offsets(%dma_start3A_37 : memref<104xi32, #tpu.memory_space<vmem>>) semaphore(%arg10 : memref<!tpu.dma_semaphore, #tpu.memory_space<semaphore_mem>>)
    %dma_wait3A_41 = arith.constant 0 : i32
    %dma_wait3A_42 = arith.constant 0 : i32
    %dma_wait3A_43 = tpu.memref_slice %arg8[%dma_wait3A_41, %dma_wait3A_42] : memref<128x128xf32, #tpu.memory_space<vmem>> -> memref<104x128xf32, #tpu.memory_space<vmem>>
    %dma_wait3A_44 = tpu.memref_slice %arg6[%multiple_of3A_33] : memref<1000xi32, #tpu.memory_space<vmem>> -> memref<104xi32, #tpu.memory_space<vmem>>
    %dma_wait3A_45 = arith.constant 0 : i32
    %dma_wait3A_46 = arith.constant 0 : i32
    %dma_wait3A_47 = tpu.memref_slice %arg5[%dma_wait3A_45, %dma_wait3A_46] : memref<10000x128xf32, #tpu.memory_space<vmem_shared>> -> memref<10000x128xf32, #tpu.memory_space<vmem_shared>>
    tpu.wait_indirect_dma semaphore(%arg10 : memref<!tpu.dma_semaphore, #tpu.memory_space<semaphore_mem>>) src(%dma_wait3A_47 : memref<10000x128xf32, #tpu.memory_space<vmem_shared>>) dst(%dma_wait3A_43 : memref<104x128xf32, #tpu.memory_space<vmem>>)
    %add3A_48 = arith.addi %multiple_of3A, %multiple_of3A_33 : i32
    "tpu.region"() ({
      %run_scoped3A = tpu.sem_alloc : memref<!tpu.dma_semaphore, #tpu.memory_space<semaphore_mem>>
      %dma_start3A_49 = arith.constant 0 : i32
      %dma_start3A_50 = arith.constant 0 : i32
      %dma_start3A_51 = tpu.memref_slice %arg8[%dma_start3A_49, %dma_start3A_50] : memref<128x128xf32, #tpu.memory_space<vmem>> -> memref<104x128xf32, #tpu.memory_space<vmem>>
      %dma_start3A_52 = arith.constant 0 : i32
      %dma_start3A_53 = tpu.memref_slice %arg4[%add3A_48, %dma_start3A_52] : memref<32000x128xf32, #tpu.memory_space<hbm>> -> memref<104x128xf32, #tpu.memory_space<hbm>>
      %dma_start3A_54 = arith.constant 0 : i32
      %dma_start3A_55 = tpu.memref_slice %arg4[%add3A_48, %dma_start3A_54] : memref<32000x128xf32, #tpu.memory_space<hbm>> -> memref<104x128xf32, #tpu.memory_space<hbm>>
      %dma_start3A_56 = arith.constant 0 : i32
      %dma_start3A_57 = arith.constant 0 : i32
      %dma_start3A_58 = tpu.memref_slice %arg8[%dma_start3A_56, %dma_start3A_57] : memref<128x128xf32, #tpu.memory_space<vmem>> -> memref<104x128xf32, #tpu.memory_space<vmem>>
      tpu.enqueue_dma source(%dma_start3A_58 : memref<104x128xf32, #tpu.memory_space<vmem>>) target(%dma_start3A_55 : memref<104x128xf32, #tpu.memory_space<hbm>>) target_semaphore(%run_scoped3A : memref<!tpu.dma_semaphore, #tpu.memory_space<semaphore_mem>>)
      %dma_wait3A_59 = arith.constant 0 : i32
      %dma_wait3A_60 = arith.constant 0 : i32
      %dma_wait3A_61 = tpu.memref_slice %arg8[%dma_wait3A_59, %dma_wait3A_60] : memref<128x128xf32, #tpu.memory_space<vmem>> -> memref<104x128xf32, #tpu.memory_space<vmem>>
      %dma_wait3A_62 = arith.constant 0 : i32
      %dma_wait3A_63 = tpu.memref_slice %arg4[%add3A_48, %dma_wait3A_62] : memref<32000x128xf32, #tpu.memory_space<hbm>> -> memref<104x128xf32, #tpu.memory_space<hbm>>
      %dma_wait3A_64 = arith.constant 0 : i32
      %dma_wait3A_65 = tpu.memref_slice %arg4[%add3A_48, %dma_wait3A_64] : memref<32000x128xf32, #tpu.memory_space<hbm>> -> memref<104x128xf32, #tpu.memory_space<hbm>>
      %dma_wait3A_66 = arith.constant 0 : i32
      %dma_wait3A_67 = arith.constant 0 : i32
      %dma_wait3A_68 = tpu.memref_slice %arg8[%dma_wait3A_66, %dma_wait3A_67] : memref<128x128xf32, #tpu.memory_space<vmem>> -> memref<104x128xf32, #tpu.memory_space<vmem>>
      tpu.wait_dma2 semaphore(%run_scoped3A : memref<!tpu.dma_semaphore, #tpu.memory_space<semaphore_mem>>) src(%dma_wait3A_68 : memref<104x128xf32, #tpu.memory_space<vmem>>) dst(%dma_wait3A_65 : memref<104x128xf32, #tpu.memory_space<hbm>>)
      tpu.yield
    }) : () -> ()
    return
  }
}

#map = affine_map<(d0, d1) -> (0, 0)>
#map1 = affine_map<(d0, d1) -> (0)>
module attributes {stable_mosaic.version = 14 : i64} {
  func.func @_sc_gather_body(%arg0: i32, %arg1: i32, %arg2: memref<10000x128xf32, #tpu.memory_space<hbm>>, %arg3: memref<57600xi32, #tpu.memory_space<hbm>>, %arg4: memref<57600x128xf32, #tpu.memory_space<hbm>>, %arg5: memref<10000x128xf32, #tpu.memory_space<vmem_shared>>, %arg6: memref<1800xi32, #tpu.memory_space<vmem>>, %arg7: memref<128x128xf32, #tpu.memory_space<vmem>>, %arg8: memref<128x128xf32, #tpu.memory_space<vmem>>, %arg9: memref<!tpu.dma_semaphore, #tpu.memory_space<semaphore_mem>>, %arg10: memref<!tpu.dma_semaphore, #tpu.memory_space<semaphore_mem>>) attributes {dimension_semantics = [#tpu.dimension_semantics<core_parallel>, #tpu.dimension_semantics<subcore_parallel>], iteration_bounds = array<i64: 2, 16>, scalar_prefetch = 0 : i64, scratch_operands = 6 : i64, tpu.core_type = #tpu.core_type<sc_vector_subcore>, window_params = [{transform_indices = #map}, {transform_indices = #map1}, {transform_indices = #map}]} {
    %mul3A = arith.constant 2 : i32
    %mul3A_0 = arith.muli %arg1, %mul3A : i32
    %add3A = arith.addi %mul3A_0, %arg0 : i32
    %mul3A_1 = arith.constant 1800 : i32
    %mul3A_2 = arith.muli %add3A, %mul3A_1 : i32
    %multiple_of3A = tpu.assume_multiple %mul3A_2, 8 : i32
    %lt3A = arith.constant 15 : i32
    %lt3A_3 = arith.cmpi slt, %arg1, %lt3A : i32
    %convert_element_type3A = arith.extui %lt3A_3 : i1 to i32
    %cond3A = arith.constant 0 : i32
    %cond3A_4 = arith.cmpi ne, %convert_element_type3A, %cond3A : i32
    scf.if %cond3A_4 {
      %mul3A_35 = arith.constant 632 : i32
      %mul3A_36 = arith.muli %arg1, %mul3A_35 : i32
      %multiple_of3A_37 = tpu.assume_multiple %mul3A_36, 8 : i32
      "tpu.region"() ({
        %run_scoped3A = tpu.sem_alloc : memref<!tpu.dma_semaphore, #tpu.memory_space<semaphore_mem>>
        %dma_start3A_38 = arith.constant 0 : i32
        %dma_start3A_39 = tpu.memref_slice %arg5[%multiple_of3A_37, %dma_start3A_38] : memref<10000x128xf32, #tpu.memory_space<vmem_shared>> -> memref<632x128xf32, #tpu.memory_space<vmem_shared>>
        %dma_start3A_40 = arith.constant 0 : i32
        %dma_start3A_41 = tpu.memref_slice %arg2[%multiple_of3A_37, %dma_start3A_40] : memref<10000x128xf32, #tpu.memory_space<hbm>> -> memref<632x128xf32, #tpu.memory_space<hbm>>
        tpu.enqueue_dma source(%dma_start3A_41 : memref<632x128xf32, #tpu.memory_space<hbm>>) target(%dma_start3A_39 : memref<632x128xf32, #tpu.memory_space<vmem_shared>>) target_semaphore(%run_scoped3A : memref<!tpu.dma_semaphore, #tpu.memory_space<semaphore_mem>>)
        %dma_wait3A_42 = arith.constant 0 : i32
        %dma_wait3A_43 = tpu.memref_slice %arg5[%multiple_of3A_37, %dma_wait3A_42] : memref<10000x128xf32, #tpu.memory_space<vmem_shared>> -> memref<632x128xf32, #tpu.memory_space<vmem_shared>>
        %dma_wait3A_44 = arith.constant 0 : i32
        %dma_wait3A_45 = tpu.memref_slice %arg2[%multiple_of3A_37, %dma_wait3A_44] : memref<10000x128xf32, #tpu.memory_space<hbm>> -> memref<632x128xf32, #tpu.memory_space<hbm>>
        tpu.wait_dma2 semaphore(%run_scoped3A : memref<!tpu.dma_semaphore, #tpu.memory_space<semaphore_mem>>) src(%dma_wait3A_45 : memref<632x128xf32, #tpu.memory_space<hbm>>) dst(%dma_wait3A_43 : memref<632x128xf32, #tpu.memory_space<vmem_shared>>)
        tpu.yield
      }) : () -> ()
    } else {
    }
    %eq3A = arith.constant 15 : i32
    %eq3A_5 = arith.cmpi eq, %arg1, %eq3A : i32
    %convert_element_type3A_6 = arith.extui %eq3A_5 : i1 to i32
    %cond3A_7 = arith.constant 0 : i32
    %cond3A_8 = arith.cmpi ne, %convert_element_type3A_6, %cond3A_7 : i32
    scf.if %cond3A_8 {
      "tpu.region"() ({
        %run_scoped3A = tpu.sem_alloc : memref<!tpu.dma_semaphore, #tpu.memory_space<semaphore_mem>>
        %dma_start3A_35 = arith.constant 9480 : i32
        %dma_start3A_36 = arith.constant 0 : i32
        %dma_start3A_37 = tpu.memref_slice %arg5[%dma_start3A_35, %dma_start3A_36] : memref<10000x128xf32, #tpu.memory_space<vmem_shared>> -> memref<520x128xf32, #tpu.memory_space<vmem_shared>>
        %dma_start3A_38 = arith.constant 9480 : i32
        %dma_start3A_39 = arith.constant 0 : i32
        %dma_start3A_40 = tpu.memref_slice %arg2[%dma_start3A_38, %dma_start3A_39] : memref<10000x128xf32, #tpu.memory_space<hbm>> -> memref<520x128xf32, #tpu.memory_space<hbm>>
        tpu.enqueue_dma source(%dma_start3A_40 : memref<520x128xf32, #tpu.memory_space<hbm>>) target(%dma_start3A_37 : memref<520x128xf32, #tpu.memory_space<vmem_shared>>) target_semaphore(%run_scoped3A : memref<!tpu.dma_semaphore, #tpu.memory_space<semaphore_mem>>)
        %dma_wait3A_41 = arith.constant 9480 : i32
        %dma_wait3A_42 = arith.constant 0 : i32
        %dma_wait3A_43 = tpu.memref_slice %arg5[%dma_wait3A_41, %dma_wait3A_42] : memref<10000x128xf32, #tpu.memory_space<vmem_shared>> -> memref<520x128xf32, #tpu.memory_space<vmem_shared>>
        %dma_wait3A_44 = arith.constant 9480 : i32
        %dma_wait3A_45 = arith.constant 0 : i32
        %dma_wait3A_46 = tpu.memref_slice %arg2[%dma_wait3A_44, %dma_wait3A_45] : memref<10000x128xf32, #tpu.memory_space<hbm>> -> memref<520x128xf32, #tpu.memory_space<hbm>>
        tpu.wait_dma2 semaphore(%run_scoped3A : memref<!tpu.dma_semaphore, #tpu.memory_space<semaphore_mem>>) src(%dma_wait3A_46 : memref<520x128xf32, #tpu.memory_space<hbm>>) dst(%dma_wait3A_43 : memref<520x128xf32, #tpu.memory_space<vmem_shared>>)
        tpu.yield
      }) : () -> ()
    } else {
    }
    "tpu.region"() ({
      %run_scoped3A = tpu.sem_alloc : memref<!tpu.dma_semaphore, #tpu.memory_space<semaphore_mem>>
      %dma_start3A_35 = tpu.memref_slice %arg3[%multiple_of3A] : memref<57600xi32, #tpu.memory_space<hbm>> -> memref<1800xi32, #tpu.memory_space<hbm>>
      %dma_start3A_36 = tpu.memref_slice %arg3[%multiple_of3A] : memref<57600xi32, #tpu.memory_space<hbm>> -> memref<1800xi32, #tpu.memory_space<hbm>>
      tpu.enqueue_dma source(%dma_start3A_36 : memref<1800xi32, #tpu.memory_space<hbm>>) target(%arg6 : memref<1800xi32, #tpu.memory_space<vmem>>) target_semaphore(%run_scoped3A : memref<!tpu.dma_semaphore, #tpu.memory_space<semaphore_mem>>)
      %dma_wait3A_37 = tpu.memref_slice %arg3[%multiple_of3A] : memref<57600xi32, #tpu.memory_space<hbm>> -> memref<1800xi32, #tpu.memory_space<hbm>>
      %dma_wait3A_38 = tpu.memref_slice %arg3[%multiple_of3A] : memref<57600xi32, #tpu.memory_space<hbm>> -> memref<1800xi32, #tpu.memory_space<hbm>>
      tpu.wait_dma2 semaphore(%run_scoped3A : memref<!tpu.dma_semaphore, #tpu.memory_space<semaphore_mem>>) src(%dma_wait3A_38 : memref<1800xi32, #tpu.memory_space<hbm>>) dst(%arg6 : memref<1800xi32, #tpu.memory_space<vmem>>)
      tpu.yield
    }) : () -> ()
    %barrier3A = arith.constant 0 : index
    tpu.barrier barrier_id(%barrier3A)
    %multiple_of3A_9 = arith.constant 0 : i32
    %multiple_of3A_10 = tpu.assume_multiple %multiple_of3A_9, 8 : i32
    %dma_start3A = tpu.memref_slice %arg6[%multiple_of3A_10] : memref<1800xi32, #tpu.memory_space<vmem>> -> memref<128xi32, #tpu.memory_space<vmem>>
    %dma_start3A_11 = arith.constant 0 : i32
    %dma_start3A_12 = arith.constant 0 : i32
    %dma_start3A_13 = tpu.memref_slice %arg5[%dma_start3A_11, %dma_start3A_12] : memref<10000x128xf32, #tpu.memory_space<vmem_shared>> -> memref<10000x128xf32, #tpu.memory_space<vmem_shared>>
    tpu.enqueue_indirect_dma source(%dma_start3A_13 : memref<10000x128xf32, #tpu.memory_space<vmem_shared>>) target(%arg7 : memref<128x128xf32, #tpu.memory_space<vmem>>) offsets(%dma_start3A : memref<128xi32, #tpu.memory_space<vmem>>) semaphore(%arg9 : memref<!tpu.dma_semaphore, #tpu.memory_space<semaphore_mem>>)
    %scan3A = arith.constant 0 : i32
    %scan3A_14 = arith.constant 0 : i32
    %scan3A_15 = arith.constant 7 : i32
    %scan3A_16 = arith.addi %scan3A_14, %scan3A_15 : i32
    %scan3A_17 = arith.constant 1 : i32
    scf.for %scan3A_35 = %scan3A_14 to %scan3A_16 step %scan3A_17  : i32 {
      %mul3A_36 = arith.constant 2 : i32
      %mul3A_37 = arith.muli %mul3A_36, %scan3A_35 : i32
      %add3A_38 = arith.constant 1 : i32
      %add3A_39 = arith.addi %mul3A_37, %add3A_38 : i32
      %mul3A_40 = arith.constant 128 : i32
      %mul3A_41 = arith.muli %add3A_39, %mul3A_40 : i32
      %multiple_of3A_42 = tpu.assume_multiple %mul3A_41, 8 : i32
      %dma_start3A_43 = tpu.memref_slice %arg6[%multiple_of3A_42] : memref<1800xi32, #tpu.memory_space<vmem>> -> memref<128xi32, #tpu.memory_space<vmem>>
      %dma_start3A_44 = arith.constant 0 : i32
      %dma_start3A_45 = arith.constant 0 : i32
      %dma_start3A_46 = tpu.memref_slice %arg5[%dma_start3A_44, %dma_start3A_45] : memref<10000x128xf32, #tpu.memory_space<vmem_shared>> -> memref<10000x128xf32, #tpu.memory_space<vmem_shared>>
      tpu.enqueue_indirect_dma source(%dma_start3A_46 : memref<10000x128xf32, #tpu.memory_space<vmem_shared>>) target(%arg8 : memref<128x128xf32, #tpu.memory_space<vmem>>) offsets(%dma_start3A_43 : memref<128xi32, #tpu.memory_space<vmem>>) semaphore(%arg10 : memref<!tpu.dma_semaphore, #tpu.memory_space<semaphore_mem>>)
      %dma_wait3A_47 = arith.constant 0 : i32
      %dma_wait3A_48 = tpu.memref_slice %arg6[%dma_wait3A_47] : memref<1800xi32, #tpu.memory_space<vmem>> -> memref<128xi32, #tpu.memory_space<vmem>>
      %dma_wait3A_49 = arith.constant 0 : i32
      %dma_wait3A_50 = arith.constant 0 : i32
      %dma_wait3A_51 = tpu.memref_slice %arg5[%dma_wait3A_49, %dma_wait3A_50] : memref<10000x128xf32, #tpu.memory_space<vmem_shared>> -> memref<10000x128xf32, #tpu.memory_space<vmem_shared>>
      tpu.wait_indirect_dma semaphore(%arg9 : memref<!tpu.dma_semaphore, #tpu.memory_space<semaphore_mem>>) src(%dma_wait3A_51 : memref<10000x128xf32, #tpu.memory_space<vmem_shared>>) dst(%arg7 : memref<128x128xf32, #tpu.memory_space<vmem>>)
      %mul3A_52 = arith.constant 128 : i32
      %mul3A_53 = arith.muli %mul3A_37, %mul3A_52 : i32
      %multiple_of3A_54 = tpu.assume_multiple %mul3A_53, 8 : i32
      %add3A_55 = arith.addi %multiple_of3A, %multiple_of3A_54 : i32
      "tpu.region"() ({
        %run_scoped3A = tpu.sem_alloc : memref<!tpu.dma_semaphore, #tpu.memory_space<semaphore_mem>>
        %dma_start3A_74 = arith.constant 0 : i32
        %dma_start3A_75 = tpu.memref_slice %arg4[%add3A_55, %dma_start3A_74] : memref<57600x128xf32, #tpu.memory_space<hbm>> -> memref<128x128xf32, #tpu.memory_space<hbm>>
        %dma_start3A_76 = arith.constant 0 : i32
        %dma_start3A_77 = tpu.memref_slice %arg4[%add3A_55, %dma_start3A_76] : memref<57600x128xf32, #tpu.memory_space<hbm>> -> memref<128x128xf32, #tpu.memory_space<hbm>>
        tpu.enqueue_dma source(%arg7 : memref<128x128xf32, #tpu.memory_space<vmem>>) target(%dma_start3A_77 : memref<128x128xf32, #tpu.memory_space<hbm>>) target_semaphore(%run_scoped3A : memref<!tpu.dma_semaphore, #tpu.memory_space<semaphore_mem>>)
        %dma_wait3A_78 = arith.constant 0 : i32
        %dma_wait3A_79 = tpu.memref_slice %arg4[%add3A_55, %dma_wait3A_78] : memref<57600x128xf32, #tpu.memory_space<hbm>> -> memref<128x128xf32, #tpu.memory_space<hbm>>
        %dma_wait3A_80 = arith.constant 0 : i32
        %dma_wait3A_81 = tpu.memref_slice %arg4[%add3A_55, %dma_wait3A_80] : memref<57600x128xf32, #tpu.memory_space<hbm>> -> memref<128x128xf32, #tpu.memory_space<hbm>>
        tpu.wait_dma2 semaphore(%run_scoped3A : memref<!tpu.dma_semaphore, #tpu.memory_space<semaphore_mem>>) src(%arg7 : memref<128x128xf32, #tpu.memory_space<vmem>>) dst(%dma_wait3A_81 : memref<128x128xf32, #tpu.memory_space<hbm>>)
        tpu.yield
      }) : () -> ()
      %add3A_56 = arith.constant 1 : i32
      %add3A_57 = arith.addi %scan3A_35, %add3A_56 : i32
      %lt3A_58 = arith.constant 7 : i32
      %lt3A_59 = arith.cmpi slt, %add3A_57, %lt3A_58 : i32
      %convert_element_type3A_60 = arith.extui %lt3A_59 : i1 to i32
      %cond3A_61 = arith.constant 0 : i32
      %cond3A_62 = arith.cmpi ne, %convert_element_type3A_60, %cond3A_61 : i32
      scf.if %cond3A_62 {
        %add3A_74 = arith.constant 2 : i32
        %add3A_75 = arith.addi %mul3A_37, %add3A_74 : i32
        %mul3A_76 = arith.constant 128 : i32
        %mul3A_77 = arith.muli %add3A_75, %mul3A_76 : i32
        %multiple_of3A_78 = tpu.assume_multiple %mul3A_77, 8 : i32
        %dma_start3A_79 = tpu.memref_slice %arg6[%multiple_of3A_78] : memref<1800xi32, #tpu.memory_space<vmem>> -> memref<128xi32, #tpu.memory_space<vmem>>
        %dma_start3A_80 = arith.constant 0 : i32
        %dma_start3A_81 = arith.constant 0 : i32
        %dma_start3A_82 = tpu.memref_slice %arg5[%dma_start3A_80, %dma_start3A_81] : memref<10000x128xf32, #tpu.memory_space<vmem_shared>> -> memref<10000x128xf32, #tpu.memory_space<vmem_shared>>
        tpu.enqueue_indirect_dma source(%dma_start3A_82 : memref<10000x128xf32, #tpu.memory_space<vmem_shared>>) target(%arg7 : memref<128x128xf32, #tpu.memory_space<vmem>>) offsets(%dma_start3A_79 : memref<128xi32, #tpu.memory_space<vmem>>) semaphore(%arg9 : memref<!tpu.dma_semaphore, #tpu.memory_space<semaphore_mem>>)
      } else {
      }
      %add3A_63 = arith.constant 1 : i32
      %add3A_64 = arith.addi %mul3A_37, %add3A_63 : i32
      %dma_wait3A_65 = arith.constant 0 : i32
      %dma_wait3A_66 = tpu.memref_slice %arg6[%dma_wait3A_65] : memref<1800xi32, #tpu.memory_space<vmem>> -> memref<128xi32, #tpu.memory_space<vmem>>
      %dma_wait3A_67 = arith.constant 0 : i32
      %dma_wait3A_68 = arith.constant 0 : i32
      %dma_wait3A_69 = tpu.memref_slice %arg5[%dma_wait3A_67, %dma_wait3A_68] : memref<10000x128xf32, #tpu.memory_space<vmem_shared>> -> memref<10000x128xf32, #tpu.memory_space<vmem_shared>>
      tpu.wait_indirect_dma semaphore(%arg10 : memref<!tpu.dma_semaphore, #tpu.memory_space<semaphore_mem>>) src(%dma_wait3A_69 : memref<10000x128xf32, #tpu.memory_space<vmem_shared>>) dst(%arg8 : memref<128x128xf32, #tpu.memory_space<vmem>>)
      %mul3A_70 = arith.constant 128 : i32
      %mul3A_71 = arith.muli %add3A_64, %mul3A_70 : i32
      %multiple_of3A_72 = tpu.assume_multiple %mul3A_71, 8 : i32
      %add3A_73 = arith.addi %multiple_of3A, %multiple_of3A_72 : i32
      "tpu.region"() ({
        %run_scoped3A = tpu.sem_alloc : memref<!tpu.dma_semaphore, #tpu.memory_space<semaphore_mem>>
        %dma_start3A_74 = arith.constant 0 : i32
        %dma_start3A_75 = tpu.memref_slice %arg4[%add3A_73, %dma_start3A_74] : memref<57600x128xf32, #tpu.memory_space<hbm>> -> memref<128x128xf32, #tpu.memory_space<hbm>>
        %dma_start3A_76 = arith.constant 0 : i32
        %dma_start3A_77 = tpu.memref_slice %arg4[%add3A_73, %dma_start3A_76] : memref<57600x128xf32, #tpu.memory_space<hbm>> -> memref<128x128xf32, #tpu.memory_space<hbm>>
        tpu.enqueue_dma source(%arg8 : memref<128x128xf32, #tpu.memory_space<vmem>>) target(%dma_start3A_77 : memref<128x128xf32, #tpu.memory_space<hbm>>) target_semaphore(%run_scoped3A : memref<!tpu.dma_semaphore, #tpu.memory_space<semaphore_mem>>)
        %dma_wait3A_78 = arith.constant 0 : i32
        %dma_wait3A_79 = tpu.memref_slice %arg4[%add3A_73, %dma_wait3A_78] : memref<57600x128xf32, #tpu.memory_space<hbm>> -> memref<128x128xf32, #tpu.memory_space<hbm>>
        %dma_wait3A_80 = arith.constant 0 : i32
        %dma_wait3A_81 = tpu.memref_slice %arg4[%add3A_73, %dma_wait3A_80] : memref<57600x128xf32, #tpu.memory_space<hbm>> -> memref<128x128xf32, #tpu.memory_space<hbm>>
        tpu.wait_dma2 semaphore(%run_scoped3A : memref<!tpu.dma_semaphore, #tpu.memory_space<semaphore_mem>>) src(%arg8 : memref<128x128xf32, #tpu.memory_space<vmem>>) dst(%dma_wait3A_81 : memref<128x128xf32, #tpu.memory_space<hbm>>)
        tpu.yield
      }) : () -> ()
    }
    %scan3A_18 = arith.constant 7 : i32
    %multiple_of3A_19 = arith.constant 1792 : i32
    %multiple_of3A_20 = tpu.assume_multiple %multiple_of3A_19, 8 : i32
    %dma_start3A_21 = arith.constant 0 : i32
    %dma_start3A_22 = arith.constant 0 : i32
    %dma_start3A_23 = tpu.memref_slice %arg8[%dma_start3A_21, %dma_start3A_22] : memref<128x128xf32, #tpu.memory_space<vmem>> -> memref<8x128xf32, #tpu.memory_space<vmem>>
    %dma_start3A_24 = tpu.memref_slice %arg6[%multiple_of3A_20] : memref<1800xi32, #tpu.memory_space<vmem>> -> memref<8xi32, #tpu.memory_space<vmem>>
    %dma_start3A_25 = arith.constant 0 : i32
    %dma_start3A_26 = arith.constant 0 : i32
    %dma_start3A_27 = tpu.memref_slice %arg5[%dma_start3A_25, %dma_start3A_26] : memref<10000x128xf32, #tpu.memory_space<vmem_shared>> -> memref<10000x128xf32, #tpu.memory_space<vmem_shared>>
    tpu.enqueue_indirect_dma source(%dma_start3A_27 : memref<10000x128xf32, #tpu.memory_space<vmem_shared>>) target(%dma_start3A_23 : memref<8x128xf32, #tpu.memory_space<vmem>>) offsets(%dma_start3A_24 : memref<8xi32, #tpu.memory_space<vmem>>) semaphore(%arg10 : memref<!tpu.dma_semaphore, #tpu.memory_space<semaphore_mem>>)
    %dma_wait3A = arith.constant 0 : i32
    %dma_wait3A_28 = arith.constant 0 : i32
    %dma_wait3A_29 = tpu.memref_slice %arg8[%dma_wait3A, %dma_wait3A_28] : memref<128x128xf32, #tpu.memory_space<vmem>> -> memref<8x128xf32, #tpu.memory_space<vmem>>
    %dma_wait3A_30 = tpu.memref_slice %arg6[%multiple_of3A_20] : memref<1800xi32, #tpu.memory_space<vmem>> -> memref<8xi32, #tpu.memory_space<vmem>>
    %dma_wait3A_31 = arith.constant 0 : i32
    %dma_wait3A_32 = arith.constant 0 : i32
    %dma_wait3A_33 = tpu.memref_slice %arg5[%dma_wait3A_31, %dma_wait3A_32] : memref<10000x128xf32, #tpu.memory_space<vmem_shared>> -> memref<10000x128xf32, #tpu.memory_space<vmem_shared>>
    tpu.wait_indirect_dma semaphore(%arg10 : memref<!tpu.dma_semaphore, #tpu.memory_space<semaphore_mem>>) src(%dma_wait3A_33 : memref<10000x128xf32, #tpu.memory_space<vmem_shared>>) dst(%dma_wait3A_29 : memref<8x128xf32, #tpu.memory_space<vmem>>)
    %add3A_34 = arith.addi %multiple_of3A, %multiple_of3A_20 : i32
    "tpu.region"() ({
      %run_scoped3A = tpu.sem_alloc : memref<!tpu.dma_semaphore, #tpu.memory_space<semaphore_mem>>
      %dma_start3A_35 = arith.constant 0 : i32
      %dma_start3A_36 = arith.constant 0 : i32
      %dma_start3A_37 = tpu.memref_slice %arg8[%dma_start3A_35, %dma_start3A_36] : memref<128x128xf32, #tpu.memory_space<vmem>> -> memref<8x128xf32, #tpu.memory_space<vmem>>
      %dma_start3A_38 = arith.constant 0 : i32
      %dma_start3A_39 = tpu.memref_slice %arg4[%add3A_34, %dma_start3A_38] : memref<57600x128xf32, #tpu.memory_space<hbm>> -> memref<8x128xf32, #tpu.memory_space<hbm>>
      %dma_start3A_40 = arith.constant 0 : i32
      %dma_start3A_41 = tpu.memref_slice %arg4[%add3A_34, %dma_start3A_40] : memref<57600x128xf32, #tpu.memory_space<hbm>> -> memref<8x128xf32, #tpu.memory_space<hbm>>
      %dma_start3A_42 = arith.constant 0 : i32
      %dma_start3A_43 = arith.constant 0 : i32
      %dma_start3A_44 = tpu.memref_slice %arg8[%dma_start3A_42, %dma_start3A_43] : memref<128x128xf32, #tpu.memory_space<vmem>> -> memref<8x128xf32, #tpu.memory_space<vmem>>
      tpu.enqueue_dma source(%dma_start3A_44 : memref<8x128xf32, #tpu.memory_space<vmem>>) target(%dma_start3A_41 : memref<8x128xf32, #tpu.memory_space<hbm>>) target_semaphore(%run_scoped3A : memref<!tpu.dma_semaphore, #tpu.memory_space<semaphore_mem>>)
      %dma_wait3A_45 = arith.constant 0 : i32
      %dma_wait3A_46 = arith.constant 0 : i32
      %dma_wait3A_47 = tpu.memref_slice %arg8[%dma_wait3A_45, %dma_wait3A_46] : memref<128x128xf32, #tpu.memory_space<vmem>> -> memref<8x128xf32, #tpu.memory_space<vmem>>
      %dma_wait3A_48 = arith.constant 0 : i32
      %dma_wait3A_49 = tpu.memref_slice %arg4[%add3A_34, %dma_wait3A_48] : memref<57600x128xf32, #tpu.memory_space<hbm>> -> memref<8x128xf32, #tpu.memory_space<hbm>>
      %dma_wait3A_50 = arith.constant 0 : i32
      %dma_wait3A_51 = tpu.memref_slice %arg4[%add3A_34, %dma_wait3A_50] : memref<57600x128xf32, #tpu.memory_space<hbm>> -> memref<8x128xf32, #tpu.memory_space<hbm>>
      %dma_wait3A_52 = arith.constant 0 : i32
      %dma_wait3A_53 = arith.constant 0 : i32
      %dma_wait3A_54 = tpu.memref_slice %arg8[%dma_wait3A_52, %dma_wait3A_53] : memref<128x128xf32, #tpu.memory_space<vmem>> -> memref<8x128xf32, #tpu.memory_space<vmem>>
      tpu.wait_dma2 semaphore(%run_scoped3A : memref<!tpu.dma_semaphore, #tpu.memory_space<semaphore_mem>>) src(%dma_wait3A_54 : memref<8x128xf32, #tpu.memory_space<vmem>>) dst(%dma_wait3A_51 : memref<8x128xf32, #tpu.memory_space<hbm>>)
      tpu.yield
    }) : () -> ()
    return
  }
}

#map = affine_map<(d0, d1) -> (0, 0)>
#map1 = affine_map<(d0, d1) -> (0)>
module attributes {stable_mosaic.version = 14 : i64} {
  func.func @_sc_gather_body(%arg0: i32, %arg1: i32, %arg2: memref<10000x128xf32, #tpu.memory_space<hbm>>, %arg3: memref<76800xi32, #tpu.memory_space<hbm>>, %arg4: memref<76800x128xf32, #tpu.memory_space<hbm>>, %arg5: memref<10000x128xf32, #tpu.memory_space<vmem_shared>>, %arg6: memref<2400xi32, #tpu.memory_space<vmem>>, %arg7: memref<128x128xf32, #tpu.memory_space<vmem>>, %arg8: memref<128x128xf32, #tpu.memory_space<vmem>>, %arg9: memref<!tpu.dma_semaphore, #tpu.memory_space<semaphore_mem>>, %arg10: memref<!tpu.dma_semaphore, #tpu.memory_space<semaphore_mem>>) attributes {dimension_semantics = [#tpu.dimension_semantics<core_parallel>, #tpu.dimension_semantics<subcore_parallel>], iteration_bounds = array<i64: 2, 16>, scalar_prefetch = 0 : i64, scratch_operands = 6 : i64, tpu.core_type = #tpu.core_type<sc_vector_subcore>, window_params = [{transform_indices = #map}, {transform_indices = #map1}, {transform_indices = #map}]} {
    %mul3A = arith.constant 2 : i32
    %mul3A_0 = arith.muli %arg1, %mul3A : i32
    %add3A = arith.addi %mul3A_0, %arg0 : i32
    %mul3A_1 = arith.constant 2400 : i32
    %mul3A_2 = arith.muli %add3A, %mul3A_1 : i32
    %multiple_of3A = tpu.assume_multiple %mul3A_2, 8 : i32
    %lt3A = arith.constant 15 : i32
    %lt3A_3 = arith.cmpi slt, %arg1, %lt3A : i32
    %convert_element_type3A = arith.extui %lt3A_3 : i1 to i32
    %cond3A = arith.constant 0 : i32
    %cond3A_4 = arith.cmpi ne, %convert_element_type3A, %cond3A : i32
    scf.if %cond3A_4 {
      %mul3A_35 = arith.constant 632 : i32
      %mul3A_36 = arith.muli %arg1, %mul3A_35 : i32
      %multiple_of3A_37 = tpu.assume_multiple %mul3A_36, 8 : i32
      "tpu.region"() ({
        %run_scoped3A = tpu.sem_alloc : memref<!tpu.dma_semaphore, #tpu.memory_space<semaphore_mem>>
        %dma_start3A_38 = arith.constant 0 : i32
        %dma_start3A_39 = tpu.memref_slice %arg5[%multiple_of3A_37, %dma_start3A_38] : memref<10000x128xf32, #tpu.memory_space<vmem_shared>> -> memref<632x128xf32, #tpu.memory_space<vmem_shared>>
        %dma_start3A_40 = arith.constant 0 : i32
        %dma_start3A_41 = tpu.memref_slice %arg2[%multiple_of3A_37, %dma_start3A_40] : memref<10000x128xf32, #tpu.memory_space<hbm>> -> memref<632x128xf32, #tpu.memory_space<hbm>>
        tpu.enqueue_dma source(%dma_start3A_41 : memref<632x128xf32, #tpu.memory_space<hbm>>) target(%dma_start3A_39 : memref<632x128xf32, #tpu.memory_space<vmem_shared>>) target_semaphore(%run_scoped3A : memref<!tpu.dma_semaphore, #tpu.memory_space<semaphore_mem>>)
        %dma_wait3A_42 = arith.constant 0 : i32
        %dma_wait3A_43 = tpu.memref_slice %arg5[%multiple_of3A_37, %dma_wait3A_42] : memref<10000x128xf32, #tpu.memory_space<vmem_shared>> -> memref<632x128xf32, #tpu.memory_space<vmem_shared>>
        %dma_wait3A_44 = arith.constant 0 : i32
        %dma_wait3A_45 = tpu.memref_slice %arg2[%multiple_of3A_37, %dma_wait3A_44] : memref<10000x128xf32, #tpu.memory_space<hbm>> -> memref<632x128xf32, #tpu.memory_space<hbm>>
        tpu.wait_dma2 semaphore(%run_scoped3A : memref<!tpu.dma_semaphore, #tpu.memory_space<semaphore_mem>>) src(%dma_wait3A_45 : memref<632x128xf32, #tpu.memory_space<hbm>>) dst(%dma_wait3A_43 : memref<632x128xf32, #tpu.memory_space<vmem_shared>>)
        tpu.yield
      }) : () -> ()
    } else {
    }
    %eq3A = arith.constant 15 : i32
    %eq3A_5 = arith.cmpi eq, %arg1, %eq3A : i32
    %convert_element_type3A_6 = arith.extui %eq3A_5 : i1 to i32
    %cond3A_7 = arith.constant 0 : i32
    %cond3A_8 = arith.cmpi ne, %convert_element_type3A_6, %cond3A_7 : i32
    scf.if %cond3A_8 {
      "tpu.region"() ({
        %run_scoped3A = tpu.sem_alloc : memref<!tpu.dma_semaphore, #tpu.memory_space<semaphore_mem>>
        %dma_start3A_35 = arith.constant 9480 : i32
        %dma_start3A_36 = arith.constant 0 : i32
        %dma_start3A_37 = tpu.memref_slice %arg5[%dma_start3A_35, %dma_start3A_36] : memref<10000x128xf32, #tpu.memory_space<vmem_shared>> -> memref<520x128xf32, #tpu.memory_space<vmem_shared>>
        %dma_start3A_38 = arith.constant 9480 : i32
        %dma_start3A_39 = arith.constant 0 : i32
        %dma_start3A_40 = tpu.memref_slice %arg2[%dma_start3A_38, %dma_start3A_39] : memref<10000x128xf32, #tpu.memory_space<hbm>> -> memref<520x128xf32, #tpu.memory_space<hbm>>
        tpu.enqueue_dma source(%dma_start3A_40 : memref<520x128xf32, #tpu.memory_space<hbm>>) target(%dma_start3A_37 : memref<520x128xf32, #tpu.memory_space<vmem_shared>>) target_semaphore(%run_scoped3A : memref<!tpu.dma_semaphore, #tpu.memory_space<semaphore_mem>>)
        %dma_wait3A_41 = arith.constant 9480 : i32
        %dma_wait3A_42 = arith.constant 0 : i32
        %dma_wait3A_43 = tpu.memref_slice %arg5[%dma_wait3A_41, %dma_wait3A_42] : memref<10000x128xf32, #tpu.memory_space<vmem_shared>> -> memref<520x128xf32, #tpu.memory_space<vmem_shared>>
        %dma_wait3A_44 = arith.constant 9480 : i32
        %dma_wait3A_45 = arith.constant 0 : i32
        %dma_wait3A_46 = tpu.memref_slice %arg2[%dma_wait3A_44, %dma_wait3A_45] : memref<10000x128xf32, #tpu.memory_space<hbm>> -> memref<520x128xf32, #tpu.memory_space<hbm>>
        tpu.wait_dma2 semaphore(%run_scoped3A : memref<!tpu.dma_semaphore, #tpu.memory_space<semaphore_mem>>) src(%dma_wait3A_46 : memref<520x128xf32, #tpu.memory_space<hbm>>) dst(%dma_wait3A_43 : memref<520x128xf32, #tpu.memory_space<vmem_shared>>)
        tpu.yield
      }) : () -> ()
    } else {
    }
    "tpu.region"() ({
      %run_scoped3A = tpu.sem_alloc : memref<!tpu.dma_semaphore, #tpu.memory_space<semaphore_mem>>
      %dma_start3A_35 = tpu.memref_slice %arg3[%multiple_of3A] : memref<76800xi32, #tpu.memory_space<hbm>> -> memref<2400xi32, #tpu.memory_space<hbm>>
      %dma_start3A_36 = tpu.memref_slice %arg3[%multiple_of3A] : memref<76800xi32, #tpu.memory_space<hbm>> -> memref<2400xi32, #tpu.memory_space<hbm>>
      tpu.enqueue_dma source(%dma_start3A_36 : memref<2400xi32, #tpu.memory_space<hbm>>) target(%arg6 : memref<2400xi32, #tpu.memory_space<vmem>>) target_semaphore(%run_scoped3A : memref<!tpu.dma_semaphore, #tpu.memory_space<semaphore_mem>>)
      %dma_wait3A_37 = tpu.memref_slice %arg3[%multiple_of3A] : memref<76800xi32, #tpu.memory_space<hbm>> -> memref<2400xi32, #tpu.memory_space<hbm>>
      %dma_wait3A_38 = tpu.memref_slice %arg3[%multiple_of3A] : memref<76800xi32, #tpu.memory_space<hbm>> -> memref<2400xi32, #tpu.memory_space<hbm>>
      tpu.wait_dma2 semaphore(%run_scoped3A : memref<!tpu.dma_semaphore, #tpu.memory_space<semaphore_mem>>) src(%dma_wait3A_38 : memref<2400xi32, #tpu.memory_space<hbm>>) dst(%arg6 : memref<2400xi32, #tpu.memory_space<vmem>>)
      tpu.yield
    }) : () -> ()
    %barrier3A = arith.constant 0 : index
    tpu.barrier barrier_id(%barrier3A)
    %multiple_of3A_9 = arith.constant 0 : i32
    %multiple_of3A_10 = tpu.assume_multiple %multiple_of3A_9, 8 : i32
    %dma_start3A = tpu.memref_slice %arg6[%multiple_of3A_10] : memref<2400xi32, #tpu.memory_space<vmem>> -> memref<128xi32, #tpu.memory_space<vmem>>
    %dma_start3A_11 = arith.constant 0 : i32
    %dma_start3A_12 = arith.constant 0 : i32
    %dma_start3A_13 = tpu.memref_slice %arg5[%dma_start3A_11, %dma_start3A_12] : memref<10000x128xf32, #tpu.memory_space<vmem_shared>> -> memref<10000x128xf32, #tpu.memory_space<vmem_shared>>
    tpu.enqueue_indirect_dma source(%dma_start3A_13 : memref<10000x128xf32, #tpu.memory_space<vmem_shared>>) target(%arg7 : memref<128x128xf32, #tpu.memory_space<vmem>>) offsets(%dma_start3A : memref<128xi32, #tpu.memory_space<vmem>>) semaphore(%arg9 : memref<!tpu.dma_semaphore, #tpu.memory_space<semaphore_mem>>)
    %scan3A = arith.constant 0 : i32
    %scan3A_14 = arith.constant 0 : i32
    %scan3A_15 = arith.constant 9 : i32
    %scan3A_16 = arith.addi %scan3A_14, %scan3A_15 : i32
    %scan3A_17 = arith.constant 1 : i32
    scf.for %scan3A_35 = %scan3A_14 to %scan3A_16 step %scan3A_17  : i32 {
      %mul3A_36 = arith.constant 2 : i32
      %mul3A_37 = arith.muli %mul3A_36, %scan3A_35 : i32
      %add3A_38 = arith.constant 1 : i32
      %add3A_39 = arith.addi %mul3A_37, %add3A_38 : i32
      %mul3A_40 = arith.constant 128 : i32
      %mul3A_41 = arith.muli %add3A_39, %mul3A_40 : i32
      %multiple_of3A_42 = tpu.assume_multiple %mul3A_41, 8 : i32
      %dma_start3A_43 = tpu.memref_slice %arg6[%multiple_of3A_42] : memref<2400xi32, #tpu.memory_space<vmem>> -> memref<128xi32, #tpu.memory_space<vmem>>
      %dma_start3A_44 = arith.constant 0 : i32
      %dma_start3A_45 = arith.constant 0 : i32
      %dma_start3A_46 = tpu.memref_slice %arg5[%dma_start3A_44, %dma_start3A_45] : memref<10000x128xf32, #tpu.memory_space<vmem_shared>> -> memref<10000x128xf32, #tpu.memory_space<vmem_shared>>
      tpu.enqueue_indirect_dma source(%dma_start3A_46 : memref<10000x128xf32, #tpu.memory_space<vmem_shared>>) target(%arg8 : memref<128x128xf32, #tpu.memory_space<vmem>>) offsets(%dma_start3A_43 : memref<128xi32, #tpu.memory_space<vmem>>) semaphore(%arg10 : memref<!tpu.dma_semaphore, #tpu.memory_space<semaphore_mem>>)
      %dma_wait3A_47 = arith.constant 0 : i32
      %dma_wait3A_48 = tpu.memref_slice %arg6[%dma_wait3A_47] : memref<2400xi32, #tpu.memory_space<vmem>> -> memref<128xi32, #tpu.memory_space<vmem>>
      %dma_wait3A_49 = arith.constant 0 : i32
      %dma_wait3A_50 = arith.constant 0 : i32
      %dma_wait3A_51 = tpu.memref_slice %arg5[%dma_wait3A_49, %dma_wait3A_50] : memref<10000x128xf32, #tpu.memory_space<vmem_shared>> -> memref<10000x128xf32, #tpu.memory_space<vmem_shared>>
      tpu.wait_indirect_dma semaphore(%arg9 : memref<!tpu.dma_semaphore, #tpu.memory_space<semaphore_mem>>) src(%dma_wait3A_51 : memref<10000x128xf32, #tpu.memory_space<vmem_shared>>) dst(%arg7 : memref<128x128xf32, #tpu.memory_space<vmem>>)
      %mul3A_52 = arith.constant 128 : i32
      %mul3A_53 = arith.muli %mul3A_37, %mul3A_52 : i32
      %multiple_of3A_54 = tpu.assume_multiple %mul3A_53, 8 : i32
      %add3A_55 = arith.addi %multiple_of3A, %multiple_of3A_54 : i32
      "tpu.region"() ({
        %run_scoped3A = tpu.sem_alloc : memref<!tpu.dma_semaphore, #tpu.memory_space<semaphore_mem>>
        %dma_start3A_74 = arith.constant 0 : i32
        %dma_start3A_75 = tpu.memref_slice %arg4[%add3A_55, %dma_start3A_74] : memref<76800x128xf32, #tpu.memory_space<hbm>> -> memref<128x128xf32, #tpu.memory_space<hbm>>
        %dma_start3A_76 = arith.constant 0 : i32
        %dma_start3A_77 = tpu.memref_slice %arg4[%add3A_55, %dma_start3A_76] : memref<76800x128xf32, #tpu.memory_space<hbm>> -> memref<128x128xf32, #tpu.memory_space<hbm>>
        tpu.enqueue_dma source(%arg7 : memref<128x128xf32, #tpu.memory_space<vmem>>) target(%dma_start3A_77 : memref<128x128xf32, #tpu.memory_space<hbm>>) target_semaphore(%run_scoped3A : memref<!tpu.dma_semaphore, #tpu.memory_space<semaphore_mem>>)
        %dma_wait3A_78 = arith.constant 0 : i32
        %dma_wait3A_79 = tpu.memref_slice %arg4[%add3A_55, %dma_wait3A_78] : memref<76800x128xf32, #tpu.memory_space<hbm>> -> memref<128x128xf32, #tpu.memory_space<hbm>>
        %dma_wait3A_80 = arith.constant 0 : i32
        %dma_wait3A_81 = tpu.memref_slice %arg4[%add3A_55, %dma_wait3A_80] : memref<76800x128xf32, #tpu.memory_space<hbm>> -> memref<128x128xf32, #tpu.memory_space<hbm>>
        tpu.wait_dma2 semaphore(%run_scoped3A : memref<!tpu.dma_semaphore, #tpu.memory_space<semaphore_mem>>) src(%arg7 : memref<128x128xf32, #tpu.memory_space<vmem>>) dst(%dma_wait3A_81 : memref<128x128xf32, #tpu.memory_space<hbm>>)
        tpu.yield
      }) : () -> ()
      %add3A_56 = arith.constant 1 : i32
      %add3A_57 = arith.addi %scan3A_35, %add3A_56 : i32
      %lt3A_58 = arith.constant 9 : i32
      %lt3A_59 = arith.cmpi slt, %add3A_57, %lt3A_58 : i32
      %convert_element_type3A_60 = arith.extui %lt3A_59 : i1 to i32
      %cond3A_61 = arith.constant 0 : i32
      %cond3A_62 = arith.cmpi ne, %convert_element_type3A_60, %cond3A_61 : i32
      scf.if %cond3A_62 {
        %add3A_74 = arith.constant 2 : i32
        %add3A_75 = arith.addi %mul3A_37, %add3A_74 : i32
        %mul3A_76 = arith.constant 128 : i32
        %mul3A_77 = arith.muli %add3A_75, %mul3A_76 : i32
        %multiple_of3A_78 = tpu.assume_multiple %mul3A_77, 8 : i32
        %dma_start3A_79 = tpu.memref_slice %arg6[%multiple_of3A_78] : memref<2400xi32, #tpu.memory_space<vmem>> -> memref<128xi32, #tpu.memory_space<vmem>>
        %dma_start3A_80 = arith.constant 0 : i32
        %dma_start3A_81 = arith.constant 0 : i32
        %dma_start3A_82 = tpu.memref_slice %arg5[%dma_start3A_80, %dma_start3A_81] : memref<10000x128xf32, #tpu.memory_space<vmem_shared>> -> memref<10000x128xf32, #tpu.memory_space<vmem_shared>>
        tpu.enqueue_indirect_dma source(%dma_start3A_82 : memref<10000x128xf32, #tpu.memory_space<vmem_shared>>) target(%arg7 : memref<128x128xf32, #tpu.memory_space<vmem>>) offsets(%dma_start3A_79 : memref<128xi32, #tpu.memory_space<vmem>>) semaphore(%arg9 : memref<!tpu.dma_semaphore, #tpu.memory_space<semaphore_mem>>)
      } else {
      }
      %add3A_63 = arith.constant 1 : i32
      %add3A_64 = arith.addi %mul3A_37, %add3A_63 : i32
      %dma_wait3A_65 = arith.constant 0 : i32
      %dma_wait3A_66 = tpu.memref_slice %arg6[%dma_wait3A_65] : memref<2400xi32, #tpu.memory_space<vmem>> -> memref<128xi32, #tpu.memory_space<vmem>>
      %dma_wait3A_67 = arith.constant 0 : i32
      %dma_wait3A_68 = arith.constant 0 : i32
      %dma_wait3A_69 = tpu.memref_slice %arg5[%dma_wait3A_67, %dma_wait3A_68] : memref<10000x128xf32, #tpu.memory_space<vmem_shared>> -> memref<10000x128xf32, #tpu.memory_space<vmem_shared>>
      tpu.wait_indirect_dma semaphore(%arg10 : memref<!tpu.dma_semaphore, #tpu.memory_space<semaphore_mem>>) src(%dma_wait3A_69 : memref<10000x128xf32, #tpu.memory_space<vmem_shared>>) dst(%arg8 : memref<128x128xf32, #tpu.memory_space<vmem>>)
      %mul3A_70 = arith.constant 128 : i32
      %mul3A_71 = arith.muli %add3A_64, %mul3A_70 : i32
      %multiple_of3A_72 = tpu.assume_multiple %mul3A_71, 8 : i32
      %add3A_73 = arith.addi %multiple_of3A, %multiple_of3A_72 : i32
      "tpu.region"() ({
        %run_scoped3A = tpu.sem_alloc : memref<!tpu.dma_semaphore, #tpu.memory_space<semaphore_mem>>
        %dma_start3A_74 = arith.constant 0 : i32
        %dma_start3A_75 = tpu.memref_slice %arg4[%add3A_73, %dma_start3A_74] : memref<76800x128xf32, #tpu.memory_space<hbm>> -> memref<128x128xf32, #tpu.memory_space<hbm>>
        %dma_start3A_76 = arith.constant 0 : i32
        %dma_start3A_77 = tpu.memref_slice %arg4[%add3A_73, %dma_start3A_76] : memref<76800x128xf32, #tpu.memory_space<hbm>> -> memref<128x128xf32, #tpu.memory_space<hbm>>
        tpu.enqueue_dma source(%arg8 : memref<128x128xf32, #tpu.memory_space<vmem>>) target(%dma_start3A_77 : memref<128x128xf32, #tpu.memory_space<hbm>>) target_semaphore(%run_scoped3A : memref<!tpu.dma_semaphore, #tpu.memory_space<semaphore_mem>>)
        %dma_wait3A_78 = arith.constant 0 : i32
        %dma_wait3A_79 = tpu.memref_slice %arg4[%add3A_73, %dma_wait3A_78] : memref<76800x128xf32, #tpu.memory_space<hbm>> -> memref<128x128xf32, #tpu.memory_space<hbm>>
        %dma_wait3A_80 = arith.constant 0 : i32
        %dma_wait3A_81 = tpu.memref_slice %arg4[%add3A_73, %dma_wait3A_80] : memref<76800x128xf32, #tpu.memory_space<hbm>> -> memref<128x128xf32, #tpu.memory_space<hbm>>
        tpu.wait_dma2 semaphore(%run_scoped3A : memref<!tpu.dma_semaphore, #tpu.memory_space<semaphore_mem>>) src(%arg8 : memref<128x128xf32, #tpu.memory_space<vmem>>) dst(%dma_wait3A_81 : memref<128x128xf32, #tpu.memory_space<hbm>>)
        tpu.yield
      }) : () -> ()
    }
    %scan3A_18 = arith.constant 9 : i32
    %multiple_of3A_19 = arith.constant 2304 : i32
    %multiple_of3A_20 = tpu.assume_multiple %multiple_of3A_19, 8 : i32
    %dma_start3A_21 = arith.constant 0 : i32
    %dma_start3A_22 = arith.constant 0 : i32
    %dma_start3A_23 = tpu.memref_slice %arg8[%dma_start3A_21, %dma_start3A_22] : memref<128x128xf32, #tpu.memory_space<vmem>> -> memref<96x128xf32, #tpu.memory_space<vmem>>
    %dma_start3A_24 = tpu.memref_slice %arg6[%multiple_of3A_20] : memref<2400xi32, #tpu.memory_space<vmem>> -> memref<96xi32, #tpu.memory_space<vmem>>
    %dma_start3A_25 = arith.constant 0 : i32
    %dma_start3A_26 = arith.constant 0 : i32
    %dma_start3A_27 = tpu.memref_slice %arg5[%dma_start3A_25, %dma_start3A_26] : memref<10000x128xf32, #tpu.memory_space<vmem_shared>> -> memref<10000x128xf32, #tpu.memory_space<vmem_shared>>
    tpu.enqueue_indirect_dma source(%dma_start3A_27 : memref<10000x128xf32, #tpu.memory_space<vmem_shared>>) target(%dma_start3A_23 : memref<96x128xf32, #tpu.memory_space<vmem>>) offsets(%dma_start3A_24 : memref<96xi32, #tpu.memory_space<vmem>>) semaphore(%arg10 : memref<!tpu.dma_semaphore, #tpu.memory_space<semaphore_mem>>)
    %dma_wait3A = arith.constant 0 : i32
    %dma_wait3A_28 = arith.constant 0 : i32
    %dma_wait3A_29 = tpu.memref_slice %arg8[%dma_wait3A, %dma_wait3A_28] : memref<128x128xf32, #tpu.memory_space<vmem>> -> memref<96x128xf32, #tpu.memory_space<vmem>>
    %dma_wait3A_30 = tpu.memref_slice %arg6[%multiple_of3A_20] : memref<2400xi32, #tpu.memory_space<vmem>> -> memref<96xi32, #tpu.memory_space<vmem>>
    %dma_wait3A_31 = arith.constant 0 : i32
    %dma_wait3A_32 = arith.constant 0 : i32
    %dma_wait3A_33 = tpu.memref_slice %arg5[%dma_wait3A_31, %dma_wait3A_32] : memref<10000x128xf32, #tpu.memory_space<vmem_shared>> -> memref<10000x128xf32, #tpu.memory_space<vmem_shared>>
    tpu.wait_indirect_dma semaphore(%arg10 : memref<!tpu.dma_semaphore, #tpu.memory_space<semaphore_mem>>) src(%dma_wait3A_33 : memref<10000x128xf32, #tpu.memory_space<vmem_shared>>) dst(%dma_wait3A_29 : memref<96x128xf32, #tpu.memory_space<vmem>>)
    %add3A_34 = arith.addi %multiple_of3A, %multiple_of3A_20 : i32
    "tpu.region"() ({
      %run_scoped3A = tpu.sem_alloc : memref<!tpu.dma_semaphore, #tpu.memory_space<semaphore_mem>>
      %dma_start3A_35 = arith.constant 0 : i32
      %dma_start3A_36 = arith.constant 0 : i32
      %dma_start3A_37 = tpu.memref_slice %arg8[%dma_start3A_35, %dma_start3A_36] : memref<128x128xf32, #tpu.memory_space<vmem>> -> memref<96x128xf32, #tpu.memory_space<vmem>>
      %dma_start3A_38 = arith.constant 0 : i32
      %dma_start3A_39 = tpu.memref_slice %arg4[%add3A_34, %dma_start3A_38] : memref<76800x128xf32, #tpu.memory_space<hbm>> -> memref<96x128xf32, #tpu.memory_space<hbm>>
      %dma_start3A_40 = arith.constant 0 : i32
      %dma_start3A_41 = tpu.memref_slice %arg4[%add3A_34, %dma_start3A_40] : memref<76800x128xf32, #tpu.memory_space<hbm>> -> memref<96x128xf32, #tpu.memory_space<hbm>>
      %dma_start3A_42 = arith.constant 0 : i32
      %dma_start3A_43 = arith.constant 0 : i32
      %dma_start3A_44 = tpu.memref_slice %arg8[%dma_start3A_42, %dma_start3A_43] : memref<128x128xf32, #tpu.memory_space<vmem>> -> memref<96x128xf32, #tpu.memory_space<vmem>>
      tpu.enqueue_dma source(%dma_start3A_44 : memref<96x128xf32, #tpu.memory_space<vmem>>) target(%dma_start3A_41 : memref<96x128xf32, #tpu.memory_space<hbm>>) target_semaphore(%run_scoped3A : memref<!tpu.dma_semaphore, #tpu.memory_space<semaphore_mem>>)
      %dma_wait3A_45 = arith.constant 0 : i32
      %dma_wait3A_46 = arith.constant 0 : i32
      %dma_wait3A_47 = tpu.memref_slice %arg8[%dma_wait3A_45, %dma_wait3A_46] : memref<128x128xf32, #tpu.memory_space<vmem>> -> memref<96x128xf32, #tpu.memory_space<vmem>>
      %dma_wait3A_48 = arith.constant 0 : i32
      %dma_wait3A_49 = tpu.memref_slice %arg4[%add3A_34, %dma_wait3A_48] : memref<76800x128xf32, #tpu.memory_space<hbm>> -> memref<96x128xf32, #tpu.memory_space<hbm>>
      %dma_wait3A_50 = arith.constant 0 : i32
      %dma_wait3A_51 = tpu.memref_slice %arg4[%add3A_34, %dma_wait3A_50] : memref<76800x128xf32, #tpu.memory_space<hbm>> -> memref<96x128xf32, #tpu.memory_space<hbm>>
      %dma_wait3A_52 = arith.constant 0 : i32
      %dma_wait3A_53 = arith.constant 0 : i32
      %dma_wait3A_54 = tpu.memref_slice %arg8[%dma_wait3A_52, %dma_wait3A_53] : memref<128x128xf32, #tpu.memory_space<vmem>> -> memref<96x128xf32, #tpu.memory_space<vmem>>
      tpu.wait_dma2 semaphore(%run_scoped3A : memref<!tpu.dma_semaphore, #tpu.memory_space<semaphore_mem>>) src(%dma_wait3A_54 : memref<96x128xf32, #tpu.memory_space<vmem>>) dst(%dma_wait3A_51 : memref<96x128xf32, #tpu.memory_space<hbm>>)
      tpu.yield
    }) : () -> ()
    return
  }
}

#map = affine_map<(d0, d1) -> (0, 0)>
#map1 = affine_map<(d0, d1) -> (0)>
module attributes {stable_mosaic.version = 14 : i64} {
  func.func @_sc_gather_body(%arg0: i32, %arg1: i32, %arg2: memref<10000x128xf32, #tpu.memory_space<hbm>>, %arg3: memref<76800xi32, #tpu.memory_space<hbm>>, %arg4: memref<76800x128xf32, #tpu.memory_space<hbm>>, %arg5: memref<10000x128xf32, #tpu.memory_space<vmem_shared>>, %arg6: memref<2400xi32, #tpu.memory_space<vmem>>, %arg7: memref<128x128xf32, #tpu.memory_space<vmem>>, %arg8: memref<128x128xf32, #tpu.memory_space<vmem>>, %arg9: memref<!tpu.dma_semaphore, #tpu.memory_space<semaphore_mem>>, %arg10: memref<!tpu.dma_semaphore, #tpu.memory_space<semaphore_mem>>) attributes {dimension_semantics = [#tpu.dimension_semantics<core_parallel>, #tpu.dimension_semantics<subcore_parallel>], iteration_bounds = array<i64: 2, 16>, scalar_prefetch = 0 : i64, scratch_operands = 6 : i64, tpu.core_type = #tpu.core_type<sc_vector_subcore>, window_params = [{transform_indices = #map}, {transform_indices = #map1}, {transform_indices = #map}]} {
    %mul3A = arith.constant 2 : i32
    %mul3A_0 = arith.muli %arg1, %mul3A : i32
    %add3A = arith.addi %mul3A_0, %arg0 : i32
    %mul3A_1 = arith.constant 2400 : i32
    %mul3A_2 = arith.muli %add3A, %mul3A_1 : i32
    %multiple_of3A = tpu.assume_multiple %mul3A_2, 8 : i32
    %lt3A = arith.constant 15 : i32
    %lt3A_3 = arith.cmpi slt, %arg1, %lt3A : i32
    %convert_element_type3A = arith.extui %lt3A_3 : i1 to i32
    %cond3A = arith.constant 0 : i32
    %cond3A_4 = arith.cmpi ne, %convert_element_type3A, %cond3A : i32
    scf.if %cond3A_4 {
      %mul3A_35 = arith.constant 632 : i32
      %mul3A_36 = arith.muli %arg1, %mul3A_35 : i32
      %multiple_of3A_37 = tpu.assume_multiple %mul3A_36, 8 : i32
      "tpu.region"() ({
        %run_scoped3A = tpu.sem_alloc : memref<!tpu.dma_semaphore, #tpu.memory_space<semaphore_mem>>
        %dma_start3A_38 = arith.constant 0 : i32
        %dma_start3A_39 = tpu.memref_slice %arg5[%multiple_of3A_37, %dma_start3A_38] : memref<10000x128xf32, #tpu.memory_space<vmem_shared>> -> memref<632x128xf32, #tpu.memory_space<vmem_shared>>
        %dma_start3A_40 = arith.constant 0 : i32
        %dma_start3A_41 = tpu.memref_slice %arg2[%multiple_of3A_37, %dma_start3A_40] : memref<10000x128xf32, #tpu.memory_space<hbm>> -> memref<632x128xf32, #tpu.memory_space<hbm>>
        tpu.enqueue_dma source(%dma_start3A_41 : memref<632x128xf32, #tpu.memory_space<hbm>>) target(%dma_start3A_39 : memref<632x128xf32, #tpu.memory_space<vmem_shared>>) target_semaphore(%run_scoped3A : memref<!tpu.dma_semaphore, #tpu.memory_space<semaphore_mem>>)
        %dma_wait3A_42 = arith.constant 0 : i32
        %dma_wait3A_43 = tpu.memref_slice %arg5[%multiple_of3A_37, %dma_wait3A_42] : memref<10000x128xf32, #tpu.memory_space<vmem_shared>> -> memref<632x128xf32, #tpu.memory_space<vmem_shared>>
        %dma_wait3A_44 = arith.constant 0 : i32
        %dma_wait3A_45 = tpu.memref_slice %arg2[%multiple_of3A_37, %dma_wait3A_44] : memref<10000x128xf32, #tpu.memory_space<hbm>> -> memref<632x128xf32, #tpu.memory_space<hbm>>
        tpu.wait_dma2 semaphore(%run_scoped3A : memref<!tpu.dma_semaphore, #tpu.memory_space<semaphore_mem>>) src(%dma_wait3A_45 : memref<632x128xf32, #tpu.memory_space<hbm>>) dst(%dma_wait3A_43 : memref<632x128xf32, #tpu.memory_space<vmem_shared>>)
        tpu.yield
      }) : () -> ()
    } else {
    }
    %eq3A = arith.constant 15 : i32
    %eq3A_5 = arith.cmpi eq, %arg1, %eq3A : i32
    %convert_element_type3A_6 = arith.extui %eq3A_5 : i1 to i32
    %cond3A_7 = arith.constant 0 : i32
    %cond3A_8 = arith.cmpi ne, %convert_element_type3A_6, %cond3A_7 : i32
    scf.if %cond3A_8 {
      "tpu.region"() ({
        %run_scoped3A = tpu.sem_alloc : memref<!tpu.dma_semaphore, #tpu.memory_space<semaphore_mem>>
        %dma_start3A_35 = arith.constant 9480 : i32
        %dma_start3A_36 = arith.constant 0 : i32
        %dma_start3A_37 = tpu.memref_slice %arg5[%dma_start3A_35, %dma_start3A_36] : memref<10000x128xf32, #tpu.memory_space<vmem_shared>> -> memref<520x128xf32, #tpu.memory_space<vmem_shared>>
        %dma_start3A_38 = arith.constant 9480 : i32
        %dma_start3A_39 = arith.constant 0 : i32
        %dma_start3A_40 = tpu.memref_slice %arg2[%dma_start3A_38, %dma_start3A_39] : memref<10000x128xf32, #tpu.memory_space<hbm>> -> memref<520x128xf32, #tpu.memory_space<hbm>>
        tpu.enqueue_dma source(%dma_start3A_40 : memref<520x128xf32, #tpu.memory_space<hbm>>) target(%dma_start3A_37 : memref<520x128xf32, #tpu.memory_space<vmem_shared>>) target_semaphore(%run_scoped3A : memref<!tpu.dma_semaphore, #tpu.memory_space<semaphore_mem>>)
        %dma_wait3A_41 = arith.constant 9480 : i32
        %dma_wait3A_42 = arith.constant 0 : i32
        %dma_wait3A_43 = tpu.memref_slice %arg5[%dma_wait3A_41, %dma_wait3A_42] : memref<10000x128xf32, #tpu.memory_space<vmem_shared>> -> memref<520x128xf32, #tpu.memory_space<vmem_shared>>
        %dma_wait3A_44 = arith.constant 9480 : i32
        %dma_wait3A_45 = arith.constant 0 : i32
        %dma_wait3A_46 = tpu.memref_slice %arg2[%dma_wait3A_44, %dma_wait3A_45] : memref<10000x128xf32, #tpu.memory_space<hbm>> -> memref<520x128xf32, #tpu.memory_space<hbm>>
        tpu.wait_dma2 semaphore(%run_scoped3A : memref<!tpu.dma_semaphore, #tpu.memory_space<semaphore_mem>>) src(%dma_wait3A_46 : memref<520x128xf32, #tpu.memory_space<hbm>>) dst(%dma_wait3A_43 : memref<520x128xf32, #tpu.memory_space<vmem_shared>>)
        tpu.yield
      }) : () -> ()
    } else {
    }
    "tpu.region"() ({
      %run_scoped3A = tpu.sem_alloc : memref<!tpu.dma_semaphore, #tpu.memory_space<semaphore_mem>>
      %dma_start3A_35 = tpu.memref_slice %arg3[%multiple_of3A] : memref<76800xi32, #tpu.memory_space<hbm>> -> memref<2400xi32, #tpu.memory_space<hbm>>
      %dma_start3A_36 = tpu.memref_slice %arg3[%multiple_of3A] : memref<76800xi32, #tpu.memory_space<hbm>> -> memref<2400xi32, #tpu.memory_space<hbm>>
      tpu.enqueue_dma source(%dma_start3A_36 : memref<2400xi32, #tpu.memory_space<hbm>>) target(%arg6 : memref<2400xi32, #tpu.memory_space<vmem>>) target_semaphore(%run_scoped3A : memref<!tpu.dma_semaphore, #tpu.memory_space<semaphore_mem>>)
      %dma_wait3A_37 = tpu.memref_slice %arg3[%multiple_of3A] : memref<76800xi32, #tpu.memory_space<hbm>> -> memref<2400xi32, #tpu.memory_space<hbm>>
      %dma_wait3A_38 = tpu.memref_slice %arg3[%multiple_of3A] : memref<76800xi32, #tpu.memory_space<hbm>> -> memref<2400xi32, #tpu.memory_space<hbm>>
      tpu.wait_dma2 semaphore(%run_scoped3A : memref<!tpu.dma_semaphore, #tpu.memory_space<semaphore_mem>>) src(%dma_wait3A_38 : memref<2400xi32, #tpu.memory_space<hbm>>) dst(%arg6 : memref<2400xi32, #tpu.memory_space<vmem>>)
      tpu.yield
    }) : () -> ()
    %barrier3A = arith.constant 0 : index
    tpu.barrier barrier_id(%barrier3A)
    %multiple_of3A_9 = arith.constant 0 : i32
    %multiple_of3A_10 = tpu.assume_multiple %multiple_of3A_9, 8 : i32
    %dma_start3A = tpu.memref_slice %arg6[%multiple_of3A_10] : memref<2400xi32, #tpu.memory_space<vmem>> -> memref<128xi32, #tpu.memory_space<vmem>>
    %dma_start3A_11 = arith.constant 0 : i32
    %dma_start3A_12 = arith.constant 0 : i32
    %dma_start3A_13 = tpu.memref_slice %arg5[%dma_start3A_11, %dma_start3A_12] : memref<10000x128xf32, #tpu.memory_space<vmem_shared>> -> memref<10000x128xf32, #tpu.memory_space<vmem_shared>>
    tpu.enqueue_indirect_dma source(%dma_start3A_13 : memref<10000x128xf32, #tpu.memory_space<vmem_shared>>) target(%arg7 : memref<128x128xf32, #tpu.memory_space<vmem>>) offsets(%dma_start3A : memref<128xi32, #tpu.memory_space<vmem>>) semaphore(%arg9 : memref<!tpu.dma_semaphore, #tpu.memory_space<semaphore_mem>>)
    %scan3A = arith.constant 0 : i32
    %scan3A_14 = arith.constant 0 : i32
    %scan3A_15 = arith.constant 9 : i32
    %scan3A_16 = arith.addi %scan3A_14, %scan3A_15 : i32
    %scan3A_17 = arith.constant 1 : i32
    scf.for %scan3A_35 = %scan3A_14 to %scan3A_16 step %scan3A_17  : i32 {
      %mul3A_36 = arith.constant 2 : i32
      %mul3A_37 = arith.muli %mul3A_36, %scan3A_35 : i32
      %add3A_38 = arith.constant 1 : i32
      %add3A_39 = arith.addi %mul3A_37, %add3A_38 : i32
      %mul3A_40 = arith.constant 128 : i32
      %mul3A_41 = arith.muli %add3A_39, %mul3A_40 : i32
      %multiple_of3A_42 = tpu.assume_multiple %mul3A_41, 8 : i32
      %dma_start3A_43 = tpu.memref_slice %arg6[%multiple_of3A_42] : memref<2400xi32, #tpu.memory_space<vmem>> -> memref<128xi32, #tpu.memory_space<vmem>>
      %dma_start3A_44 = arith.constant 0 : i32
      %dma_start3A_45 = arith.constant 0 : i32
      %dma_start3A_46 = tpu.memref_slice %arg5[%dma_start3A_44, %dma_start3A_45] : memref<10000x128xf32, #tpu.memory_space<vmem_shared>> -> memref<10000x128xf32, #tpu.memory_space<vmem_shared>>
      tpu.enqueue_indirect_dma source(%dma_start3A_46 : memref<10000x128xf32, #tpu.memory_space<vmem_shared>>) target(%arg8 : memref<128x128xf32, #tpu.memory_space<vmem>>) offsets(%dma_start3A_43 : memref<128xi32, #tpu.memory_space<vmem>>) semaphore(%arg10 : memref<!tpu.dma_semaphore, #tpu.memory_space<semaphore_mem>>)
      %dma_wait3A_47 = arith.constant 0 : i32
      %dma_wait3A_48 = tpu.memref_slice %arg6[%dma_wait3A_47] : memref<2400xi32, #tpu.memory_space<vmem>> -> memref<128xi32, #tpu.memory_space<vmem>>
      %dma_wait3A_49 = arith.constant 0 : i32
      %dma_wait3A_50 = arith.constant 0 : i32
      %dma_wait3A_51 = tpu.memref_slice %arg5[%dma_wait3A_49, %dma_wait3A_50] : memref<10000x128xf32, #tpu.memory_space<vmem_shared>> -> memref<10000x128xf32, #tpu.memory_space<vmem_shared>>
      tpu.wait_indirect_dma semaphore(%arg9 : memref<!tpu.dma_semaphore, #tpu.memory_space<semaphore_mem>>) src(%dma_wait3A_51 : memref<10000x128xf32, #tpu.memory_space<vmem_shared>>) dst(%arg7 : memref<128x128xf32, #tpu.memory_space<vmem>>)
      %mul3A_52 = arith.constant 128 : i32
      %mul3A_53 = arith.muli %mul3A_37, %mul3A_52 : i32
      %multiple_of3A_54 = tpu.assume_multiple %mul3A_53, 8 : i32
      %add3A_55 = arith.addi %multiple_of3A, %multiple_of3A_54 : i32
      "tpu.region"() ({
        %run_scoped3A = tpu.sem_alloc : memref<!tpu.dma_semaphore, #tpu.memory_space<semaphore_mem>>
        %dma_start3A_74 = arith.constant 0 : i32
        %dma_start3A_75 = tpu.memref_slice %arg4[%add3A_55, %dma_start3A_74] : memref<76800x128xf32, #tpu.memory_space<hbm>> -> memref<128x128xf32, #tpu.memory_space<hbm>>
        %dma_start3A_76 = arith.constant 0 : i32
        %dma_start3A_77 = tpu.memref_slice %arg4[%add3A_55, %dma_start3A_76] : memref<76800x128xf32, #tpu.memory_space<hbm>> -> memref<128x128xf32, #tpu.memory_space<hbm>>
        tpu.enqueue_dma source(%arg7 : memref<128x128xf32, #tpu.memory_space<vmem>>) target(%dma_start3A_77 : memref<128x128xf32, #tpu.memory_space<hbm>>) target_semaphore(%run_scoped3A : memref<!tpu.dma_semaphore, #tpu.memory_space<semaphore_mem>>)
        %dma_wait3A_78 = arith.constant 0 : i32
        %dma_wait3A_79 = tpu.memref_slice %arg4[%add3A_55, %dma_wait3A_78] : memref<76800x128xf32, #tpu.memory_space<hbm>> -> memref<128x128xf32, #tpu.memory_space<hbm>>
        %dma_wait3A_80 = arith.constant 0 : i32
        %dma_wait3A_81 = tpu.memref_slice %arg4[%add3A_55, %dma_wait3A_80] : memref<76800x128xf32, #tpu.memory_space<hbm>> -> memref<128x128xf32, #tpu.memory_space<hbm>>
        tpu.wait_dma2 semaphore(%run_scoped3A : memref<!tpu.dma_semaphore, #tpu.memory_space<semaphore_mem>>) src(%arg7 : memref<128x128xf32, #tpu.memory_space<vmem>>) dst(%dma_wait3A_81 : memref<128x128xf32, #tpu.memory_space<hbm>>)
        tpu.yield
      }) : () -> ()
      %add3A_56 = arith.constant 1 : i32
      %add3A_57 = arith.addi %scan3A_35, %add3A_56 : i32
      %lt3A_58 = arith.constant 9 : i32
      %lt3A_59 = arith.cmpi slt, %add3A_57, %lt3A_58 : i32
      %convert_element_type3A_60 = arith.extui %lt3A_59 : i1 to i32
      %cond3A_61 = arith.constant 0 : i32
      %cond3A_62 = arith.cmpi ne, %convert_element_type3A_60, %cond3A_61 : i32
      scf.if %cond3A_62 {
        %add3A_74 = arith.constant 2 : i32
        %add3A_75 = arith.addi %mul3A_37, %add3A_74 : i32
        %mul3A_76 = arith.constant 128 : i32
        %mul3A_77 = arith.muli %add3A_75, %mul3A_76 : i32
        %multiple_of3A_78 = tpu.assume_multiple %mul3A_77, 8 : i32
        %dma_start3A_79 = tpu.memref_slice %arg6[%multiple_of3A_78] : memref<2400xi32, #tpu.memory_space<vmem>> -> memref<128xi32, #tpu.memory_space<vmem>>
        %dma_start3A_80 = arith.constant 0 : i32
        %dma_start3A_81 = arith.constant 0 : i32
        %dma_start3A_82 = tpu.memref_slice %arg5[%dma_start3A_80, %dma_start3A_81] : memref<10000x128xf32, #tpu.memory_space<vmem_shared>> -> memref<10000x128xf32, #tpu.memory_space<vmem_shared>>
        tpu.enqueue_indirect_dma source(%dma_start3A_82 : memref<10000x128xf32, #tpu.memory_space<vmem_shared>>) target(%arg7 : memref<128x128xf32, #tpu.memory_space<vmem>>) offsets(%dma_start3A_79 : memref<128xi32, #tpu.memory_space<vmem>>) semaphore(%arg9 : memref<!tpu.dma_semaphore, #tpu.memory_space<semaphore_mem>>)
      } else {
      }
      %add3A_63 = arith.constant 1 : i32
      %add3A_64 = arith.addi %mul3A_37, %add3A_63 : i32
      %dma_wait3A_65 = arith.constant 0 : i32
      %dma_wait3A_66 = tpu.memref_slice %arg6[%dma_wait3A_65] : memref<2400xi32, #tpu.memory_space<vmem>> -> memref<128xi32, #tpu.memory_space<vmem>>
      %dma_wait3A_67 = arith.constant 0 : i32
      %dma_wait3A_68 = arith.constant 0 : i32
      %dma_wait3A_69 = tpu.memref_slice %arg5[%dma_wait3A_67, %dma_wait3A_68] : memref<10000x128xf32, #tpu.memory_space<vmem_shared>> -> memref<10000x128xf32, #tpu.memory_space<vmem_shared>>
      tpu.wait_indirect_dma semaphore(%arg10 : memref<!tpu.dma_semaphore, #tpu.memory_space<semaphore_mem>>) src(%dma_wait3A_69 : memref<10000x128xf32, #tpu.memory_space<vmem_shared>>) dst(%arg8 : memref<128x128xf32, #tpu.memory_space<vmem>>)
      %mul3A_70 = arith.constant 128 : i32
      %mul3A_71 = arith.muli %add3A_64, %mul3A_70 : i32
      %multiple_of3A_72 = tpu.assume_multiple %mul3A_71, 8 : i32
      %add3A_73 = arith.addi %multiple_of3A, %multiple_of3A_72 : i32
      "tpu.region"() ({
        %run_scoped3A = tpu.sem_alloc : memref<!tpu.dma_semaphore, #tpu.memory_space<semaphore_mem>>
        %dma_start3A_74 = arith.constant 0 : i32
        %dma_start3A_75 = tpu.memref_slice %arg4[%add3A_73, %dma_start3A_74] : memref<76800x128xf32, #tpu.memory_space<hbm>> -> memref<128x128xf32, #tpu.memory_space<hbm>>
        %dma_start3A_76 = arith.constant 0 : i32
        %dma_start3A_77 = tpu.memref_slice %arg4[%add3A_73, %dma_start3A_76] : memref<76800x128xf32, #tpu.memory_space<hbm>> -> memref<128x128xf32, #tpu.memory_space<hbm>>
        tpu.enqueue_dma source(%arg8 : memref<128x128xf32, #tpu.memory_space<vmem>>) target(%dma_start3A_77 : memref<128x128xf32, #tpu.memory_space<hbm>>) target_semaphore(%run_scoped3A : memref<!tpu.dma_semaphore, #tpu.memory_space<semaphore_mem>>)
        %dma_wait3A_78 = arith.constant 0 : i32
        %dma_wait3A_79 = tpu.memref_slice %arg4[%add3A_73, %dma_wait3A_78] : memref<76800x128xf32, #tpu.memory_space<hbm>> -> memref<128x128xf32, #tpu.memory_space<hbm>>
        %dma_wait3A_80 = arith.constant 0 : i32
        %dma_wait3A_81 = tpu.memref_slice %arg4[%add3A_73, %dma_wait3A_80] : memref<76800x128xf32, #tpu.memory_space<hbm>> -> memref<128x128xf32, #tpu.memory_space<hbm>>
        tpu.wait_dma2 semaphore(%run_scoped3A : memref<!tpu.dma_semaphore, #tpu.memory_space<semaphore_mem>>) src(%arg8 : memref<128x128xf32, #tpu.memory_space<vmem>>) dst(%dma_wait3A_81 : memref<128x128xf32, #tpu.memory_space<hbm>>)
        tpu.yield
      }) : () -> ()
    }
    %scan3A_18 = arith.constant 9 : i32
    %multiple_of3A_19 = arith.constant 2304 : i32
    %multiple_of3A_20 = tpu.assume_multiple %multiple_of3A_19, 8 : i32
    %dma_start3A_21 = arith.constant 0 : i32
    %dma_start3A_22 = arith.constant 0 : i32
    %dma_start3A_23 = tpu.memref_slice %arg8[%dma_start3A_21, %dma_start3A_22] : memref<128x128xf32, #tpu.memory_space<vmem>> -> memref<96x128xf32, #tpu.memory_space<vmem>>
    %dma_start3A_24 = tpu.memref_slice %arg6[%multiple_of3A_20] : memref<2400xi32, #tpu.memory_space<vmem>> -> memref<96xi32, #tpu.memory_space<vmem>>
    %dma_start3A_25 = arith.constant 0 : i32
    %dma_start3A_26 = arith.constant 0 : i32
    %dma_start3A_27 = tpu.memref_slice %arg5[%dma_start3A_25, %dma_start3A_26] : memref<10000x128xf32, #tpu.memory_space<vmem_shared>> -> memref<10000x128xf32, #tpu.memory_space<vmem_shared>>
    tpu.enqueue_indirect_dma source(%dma_start3A_27 : memref<10000x128xf32, #tpu.memory_space<vmem_shared>>) target(%dma_start3A_23 : memref<96x128xf32, #tpu.memory_space<vmem>>) offsets(%dma_start3A_24 : memref<96xi32, #tpu.memory_space<vmem>>) semaphore(%arg10 : memref<!tpu.dma_semaphore, #tpu.memory_space<semaphore_mem>>)
    %dma_wait3A = arith.constant 0 : i32
    %dma_wait3A_28 = arith.constant 0 : i32
    %dma_wait3A_29 = tpu.memref_slice %arg8[%dma_wait3A, %dma_wait3A_28] : memref<128x128xf32, #tpu.memory_space<vmem>> -> memref<96x128xf32, #tpu.memory_space<vmem>>
    %dma_wait3A_30 = tpu.memref_slice %arg6[%multiple_of3A_20] : memref<2400xi32, #tpu.memory_space<vmem>> -> memref<96xi32, #tpu.memory_space<vmem>>
    %dma_wait3A_31 = arith.constant 0 : i32
    %dma_wait3A_32 = arith.constant 0 : i32
    %dma_wait3A_33 = tpu.memref_slice %arg5[%dma_wait3A_31, %dma_wait3A_32] : memref<10000x128xf32, #tpu.memory_space<vmem_shared>> -> memref<10000x128xf32, #tpu.memory_space<vmem_shared>>
    tpu.wait_indirect_dma semaphore(%arg10 : memref<!tpu.dma_semaphore, #tpu.memory_space<semaphore_mem>>) src(%dma_wait3A_33 : memref<10000x128xf32, #tpu.memory_space<vmem_shared>>) dst(%dma_wait3A_29 : memref<96x128xf32, #tpu.memory_space<vmem>>)
    %add3A_34 = arith.addi %multiple_of3A, %multiple_of3A_20 : i32
    "tpu.region"() ({
      %run_scoped3A = tpu.sem_alloc : memref<!tpu.dma_semaphore, #tpu.memory_space<semaphore_mem>>
      %dma_start3A_35 = arith.constant 0 : i32
      %dma_start3A_36 = arith.constant 0 : i32
      %dma_start3A_37 = tpu.memref_slice %arg8[%dma_start3A_35, %dma_start3A_36] : memref<128x128xf32, #tpu.memory_space<vmem>> -> memref<96x128xf32, #tpu.memory_space<vmem>>
      %dma_start3A_38 = arith.constant 0 : i32
      %dma_start3A_39 = tpu.memref_slice %arg4[%add3A_34, %dma_start3A_38] : memref<76800x128xf32, #tpu.memory_space<hbm>> -> memref<96x128xf32, #tpu.memory_space<hbm>>
      %dma_start3A_40 = arith.constant 0 : i32
      %dma_start3A_41 = tpu.memref_slice %arg4[%add3A_34, %dma_start3A_40] : memref<76800x128xf32, #tpu.memory_space<hbm>> -> memref<96x128xf32, #tpu.memory_space<hbm>>
      %dma_start3A_42 = arith.constant 0 : i32
      %dma_start3A_43 = arith.constant 0 : i32
      %dma_start3A_44 = tpu.memref_slice %arg8[%dma_start3A_42, %dma_start3A_43] : memref<128x128xf32, #tpu.memory_space<vmem>> -> memref<96x128xf32, #tpu.memory_space<vmem>>
      tpu.enqueue_dma source(%dma_start3A_44 : memref<96x128xf32, #tpu.memory_space<vmem>>) target(%dma_start3A_41 : memref<96x128xf32, #tpu.memory_space<hbm>>) target_semaphore(%run_scoped3A : memref<!tpu.dma_semaphore, #tpu.memory_space<semaphore_mem>>)
      %dma_wait3A_45 = arith.constant 0 : i32
      %dma_wait3A_46 = arith.constant 0 : i32
      %dma_wait3A_47 = tpu.memref_slice %arg8[%dma_wait3A_45, %dma_wait3A_46] : memref<128x128xf32, #tpu.memory_space<vmem>> -> memref<96x128xf32, #tpu.memory_space<vmem>>
      %dma_wait3A_48 = arith.constant 0 : i32
      %dma_wait3A_49 = tpu.memref_slice %arg4[%add3A_34, %dma_wait3A_48] : memref<76800x128xf32, #tpu.memory_space<hbm>> -> memref<96x128xf32, #tpu.memory_space<hbm>>
      %dma_wait3A_50 = arith.constant 0 : i32
      %dma_wait3A_51 = tpu.memref_slice %arg4[%add3A_34, %dma_wait3A_50] : memref<76800x128xf32, #tpu.memory_space<hbm>> -> memref<96x128xf32, #tpu.memory_space<hbm>>
      %dma_wait3A_52 = arith.constant 0 : i32
      %dma_wait3A_53 = arith.constant 0 : i32
      %dma_wait3A_54 = tpu.memref_slice %arg8[%dma_wait3A_52, %dma_wait3A_53] : memref<128x128xf32, #tpu.memory_space<vmem>> -> memref<96x128xf32, #tpu.memory_space<vmem>>
      tpu.wait_dma2 semaphore(%run_scoped3A : memref<!tpu.dma_semaphore, #tpu.memory_space<semaphore_mem>>) src(%dma_wait3A_54 : memref<96x128xf32, #tpu.memory_space<vmem>>) dst(%dma_wait3A_51 : memref<96x128xf32, #tpu.memory_space<hbm>>)
      tpu.yield
    }) : () -> ()
    return
  }
}

#map = affine_map<(d0, d1) -> (0, 0)>
#map1 = affine_map<(d0, d1) -> (0)>
module attributes {stable_mosaic.version = 14 : i64} {
  func.func @_sc_gather_body(%arg0: i32, %arg1: i32, %arg2: memref<10000x128xf32, #tpu.memory_space<hbm>>, %arg3: memref<76800xi32, #tpu.memory_space<hbm>>, %arg4: memref<76800x128xf32, #tpu.memory_space<hbm>>, %arg5: memref<10000x128xf32, #tpu.memory_space<vmem_shared>>, %arg6: memref<2400xi32, #tpu.memory_space<vmem>>, %arg7: memref<128x128xf32, #tpu.memory_space<vmem>>, %arg8: memref<128x128xf32, #tpu.memory_space<vmem>>, %arg9: memref<!tpu.dma_semaphore, #tpu.memory_space<semaphore_mem>>, %arg10: memref<!tpu.dma_semaphore, #tpu.memory_space<semaphore_mem>>) attributes {dimension_semantics = [#tpu.dimension_semantics<core_parallel>, #tpu.dimension_semantics<subcore_parallel>], iteration_bounds = array<i64: 2, 16>, scalar_prefetch = 0 : i64, scratch_operands = 6 : i64, tpu.core_type = #tpu.core_type<sc_vector_subcore>, window_params = [{transform_indices = #map}, {transform_indices = #map1}, {transform_indices = #map}]} {
    %mul3A = arith.constant 2 : i32
    %mul3A_0 = arith.muli %arg1, %mul3A : i32
    %add3A = arith.addi %mul3A_0, %arg0 : i32
    %mul3A_1 = arith.constant 2400 : i32
    %mul3A_2 = arith.muli %add3A, %mul3A_1 : i32
    %multiple_of3A = tpu.assume_multiple %mul3A_2, 8 : i32
    %lt3A = arith.constant 15 : i32
    %lt3A_3 = arith.cmpi slt, %arg1, %lt3A : i32
    %convert_element_type3A = arith.extui %lt3A_3 : i1 to i32
    %cond3A = arith.constant 0 : i32
    %cond3A_4 = arith.cmpi ne, %convert_element_type3A, %cond3A : i32
    scf.if %cond3A_4 {
      %mul3A_35 = arith.constant 632 : i32
      %mul3A_36 = arith.muli %arg1, %mul3A_35 : i32
      %multiple_of3A_37 = tpu.assume_multiple %mul3A_36, 8 : i32
      "tpu.region"() ({
        %run_scoped3A = tpu.sem_alloc : memref<!tpu.dma_semaphore, #tpu.memory_space<semaphore_mem>>
        %dma_start3A_38 = arith.constant 0 : i32
        %dma_start3A_39 = tpu.memref_slice %arg5[%multiple_of3A_37, %dma_start3A_38] : memref<10000x128xf32, #tpu.memory_space<vmem_shared>> -> memref<632x128xf32, #tpu.memory_space<vmem_shared>>
        %dma_start3A_40 = arith.constant 0 : i32
        %dma_start3A_41 = tpu.memref_slice %arg2[%multiple_of3A_37, %dma_start3A_40] : memref<10000x128xf32, #tpu.memory_space<hbm>> -> memref<632x128xf32, #tpu.memory_space<hbm>>
        tpu.enqueue_dma source(%dma_start3A_41 : memref<632x128xf32, #tpu.memory_space<hbm>>) target(%dma_start3A_39 : memref<632x128xf32, #tpu.memory_space<vmem_shared>>) target_semaphore(%run_scoped3A : memref<!tpu.dma_semaphore, #tpu.memory_space<semaphore_mem>>)
        %dma_wait3A_42 = arith.constant 0 : i32
        %dma_wait3A_43 = tpu.memref_slice %arg5[%multiple_of3A_37, %dma_wait3A_42] : memref<10000x128xf32, #tpu.memory_space<vmem_shared>> -> memref<632x128xf32, #tpu.memory_space<vmem_shared>>
        %dma_wait3A_44 = arith.constant 0 : i32
        %dma_wait3A_45 = tpu.memref_slice %arg2[%multiple_of3A_37, %dma_wait3A_44] : memref<10000x128xf32, #tpu.memory_space<hbm>> -> memref<632x128xf32, #tpu.memory_space<hbm>>
        tpu.wait_dma2 semaphore(%run_scoped3A : memref<!tpu.dma_semaphore, #tpu.memory_space<semaphore_mem>>) src(%dma_wait3A_45 : memref<632x128xf32, #tpu.memory_space<hbm>>) dst(%dma_wait3A_43 : memref<632x128xf32, #tpu.memory_space<vmem_shared>>)
        tpu.yield
      }) : () -> ()
    } else {
    }
    %eq3A = arith.constant 15 : i32
    %eq3A_5 = arith.cmpi eq, %arg1, %eq3A : i32
    %convert_element_type3A_6 = arith.extui %eq3A_5 : i1 to i32
    %cond3A_7 = arith.constant 0 : i32
    %cond3A_8 = arith.cmpi ne, %convert_element_type3A_6, %cond3A_7 : i32
    scf.if %cond3A_8 {
      "tpu.region"() ({
        %run_scoped3A = tpu.sem_alloc : memref<!tpu.dma_semaphore, #tpu.memory_space<semaphore_mem>>
        %dma_start3A_35 = arith.constant 9480 : i32
        %dma_start3A_36 = arith.constant 0 : i32
        %dma_start3A_37 = tpu.memref_slice %arg5[%dma_start3A_35, %dma_start3A_36] : memref<10000x128xf32, #tpu.memory_space<vmem_shared>> -> memref<520x128xf32, #tpu.memory_space<vmem_shared>>
        %dma_start3A_38 = arith.constant 9480 : i32
        %dma_start3A_39 = arith.constant 0 : i32
        %dma_start3A_40 = tpu.memref_slice %arg2[%dma_start3A_38, %dma_start3A_39] : memref<10000x128xf32, #tpu.memory_space<hbm>> -> memref<520x128xf32, #tpu.memory_space<hbm>>
        tpu.enqueue_dma source(%dma_start3A_40 : memref<520x128xf32, #tpu.memory_space<hbm>>) target(%dma_start3A_37 : memref<520x128xf32, #tpu.memory_space<vmem_shared>>) target_semaphore(%run_scoped3A : memref<!tpu.dma_semaphore, #tpu.memory_space<semaphore_mem>>)
        %dma_wait3A_41 = arith.constant 9480 : i32
        %dma_wait3A_42 = arith.constant 0 : i32
        %dma_wait3A_43 = tpu.memref_slice %arg5[%dma_wait3A_41, %dma_wait3A_42] : memref<10000x128xf32, #tpu.memory_space<vmem_shared>> -> memref<520x128xf32, #tpu.memory_space<vmem_shared>>
        %dma_wait3A_44 = arith.constant 9480 : i32
        %dma_wait3A_45 = arith.constant 0 : i32
        %dma_wait3A_46 = tpu.memref_slice %arg2[%dma_wait3A_44, %dma_wait3A_45] : memref<10000x128xf32, #tpu.memory_space<hbm>> -> memref<520x128xf32, #tpu.memory_space<hbm>>
        tpu.wait_dma2 semaphore(%run_scoped3A : memref<!tpu.dma_semaphore, #tpu.memory_space<semaphore_mem>>) src(%dma_wait3A_46 : memref<520x128xf32, #tpu.memory_space<hbm>>) dst(%dma_wait3A_43 : memref<520x128xf32, #tpu.memory_space<vmem_shared>>)
        tpu.yield
      }) : () -> ()
    } else {
    }
    "tpu.region"() ({
      %run_scoped3A = tpu.sem_alloc : memref<!tpu.dma_semaphore, #tpu.memory_space<semaphore_mem>>
      %dma_start3A_35 = tpu.memref_slice %arg3[%multiple_of3A] : memref<76800xi32, #tpu.memory_space<hbm>> -> memref<2400xi32, #tpu.memory_space<hbm>>
      %dma_start3A_36 = tpu.memref_slice %arg3[%multiple_of3A] : memref<76800xi32, #tpu.memory_space<hbm>> -> memref<2400xi32, #tpu.memory_space<hbm>>
      tpu.enqueue_dma source(%dma_start3A_36 : memref<2400xi32, #tpu.memory_space<hbm>>) target(%arg6 : memref<2400xi32, #tpu.memory_space<vmem>>) target_semaphore(%run_scoped3A : memref<!tpu.dma_semaphore, #tpu.memory_space<semaphore_mem>>)
      %dma_wait3A_37 = tpu.memref_slice %arg3[%multiple_of3A] : memref<76800xi32, #tpu.memory_space<hbm>> -> memref<2400xi32, #tpu.memory_space<hbm>>
      %dma_wait3A_38 = tpu.memref_slice %arg3[%multiple_of3A] : memref<76800xi32, #tpu.memory_space<hbm>> -> memref<2400xi32, #tpu.memory_space<hbm>>
      tpu.wait_dma2 semaphore(%run_scoped3A : memref<!tpu.dma_semaphore, #tpu.memory_space<semaphore_mem>>) src(%dma_wait3A_38 : memref<2400xi32, #tpu.memory_space<hbm>>) dst(%arg6 : memref<2400xi32, #tpu.memory_space<vmem>>)
      tpu.yield
    }) : () -> ()
    %barrier3A = arith.constant 0 : index
    tpu.barrier barrier_id(%barrier3A)
    %multiple_of3A_9 = arith.constant 0 : i32
    %multiple_of3A_10 = tpu.assume_multiple %multiple_of3A_9, 8 : i32
    %dma_start3A = tpu.memref_slice %arg6[%multiple_of3A_10] : memref<2400xi32, #tpu.memory_space<vmem>> -> memref<128xi32, #tpu.memory_space<vmem>>
    %dma_start3A_11 = arith.constant 0 : i32
    %dma_start3A_12 = arith.constant 0 : i32
    %dma_start3A_13 = tpu.memref_slice %arg5[%dma_start3A_11, %dma_start3A_12] : memref<10000x128xf32, #tpu.memory_space<vmem_shared>> -> memref<10000x128xf32, #tpu.memory_space<vmem_shared>>
    tpu.enqueue_indirect_dma source(%dma_start3A_13 : memref<10000x128xf32, #tpu.memory_space<vmem_shared>>) target(%arg7 : memref<128x128xf32, #tpu.memory_space<vmem>>) offsets(%dma_start3A : memref<128xi32, #tpu.memory_space<vmem>>) semaphore(%arg9 : memref<!tpu.dma_semaphore, #tpu.memory_space<semaphore_mem>>)
    %scan3A = arith.constant 0 : i32
    %scan3A_14 = arith.constant 0 : i32
    %scan3A_15 = arith.constant 9 : i32
    %scan3A_16 = arith.addi %scan3A_14, %scan3A_15 : i32
    %scan3A_17 = arith.constant 1 : i32
    scf.for %scan3A_35 = %scan3A_14 to %scan3A_16 step %scan3A_17  : i32 {
      %mul3A_36 = arith.constant 2 : i32
      %mul3A_37 = arith.muli %mul3A_36, %scan3A_35 : i32
      %add3A_38 = arith.constant 1 : i32
      %add3A_39 = arith.addi %mul3A_37, %add3A_38 : i32
      %mul3A_40 = arith.constant 128 : i32
      %mul3A_41 = arith.muli %add3A_39, %mul3A_40 : i32
      %multiple_of3A_42 = tpu.assume_multiple %mul3A_41, 8 : i32
      %dma_start3A_43 = tpu.memref_slice %arg6[%multiple_of3A_42] : memref<2400xi32, #tpu.memory_space<vmem>> -> memref<128xi32, #tpu.memory_space<vmem>>
      %dma_start3A_44 = arith.constant 0 : i32
      %dma_start3A_45 = arith.constant 0 : i32
      %dma_start3A_46 = tpu.memref_slice %arg5[%dma_start3A_44, %dma_start3A_45] : memref<10000x128xf32, #tpu.memory_space<vmem_shared>> -> memref<10000x128xf32, #tpu.memory_space<vmem_shared>>
      tpu.enqueue_indirect_dma source(%dma_start3A_46 : memref<10000x128xf32, #tpu.memory_space<vmem_shared>>) target(%arg8 : memref<128x128xf32, #tpu.memory_space<vmem>>) offsets(%dma_start3A_43 : memref<128xi32, #tpu.memory_space<vmem>>) semaphore(%arg10 : memref<!tpu.dma_semaphore, #tpu.memory_space<semaphore_mem>>)
      %dma_wait3A_47 = arith.constant 0 : i32
      %dma_wait3A_48 = tpu.memref_slice %arg6[%dma_wait3A_47] : memref<2400xi32, #tpu.memory_space<vmem>> -> memref<128xi32, #tpu.memory_space<vmem>>
      %dma_wait3A_49 = arith.constant 0 : i32
      %dma_wait3A_50 = arith.constant 0 : i32
      %dma_wait3A_51 = tpu.memref_slice %arg5[%dma_wait3A_49, %dma_wait3A_50] : memref<10000x128xf32, #tpu.memory_space<vmem_shared>> -> memref<10000x128xf32, #tpu.memory_space<vmem_shared>>
      tpu.wait_indirect_dma semaphore(%arg9 : memref<!tpu.dma_semaphore, #tpu.memory_space<semaphore_mem>>) src(%dma_wait3A_51 : memref<10000x128xf32, #tpu.memory_space<vmem_shared>>) dst(%arg7 : memref<128x128xf32, #tpu.memory_space<vmem>>)
      %mul3A_52 = arith.constant 128 : i32
      %mul3A_53 = arith.muli %mul3A_37, %mul3A_52 : i32
      %multiple_of3A_54 = tpu.assume_multiple %mul3A_53, 8 : i32
      %add3A_55 = arith.addi %multiple_of3A, %multiple_of3A_54 : i32
      "tpu.region"() ({
        %run_scoped3A = tpu.sem_alloc : memref<!tpu.dma_semaphore, #tpu.memory_space<semaphore_mem>>
        %dma_start3A_74 = arith.constant 0 : i32
        %dma_start3A_75 = tpu.memref_slice %arg4[%add3A_55, %dma_start3A_74] : memref<76800x128xf32, #tpu.memory_space<hbm>> -> memref<128x128xf32, #tpu.memory_space<hbm>>
        %dma_start3A_76 = arith.constant 0 : i32
        %dma_start3A_77 = tpu.memref_slice %arg4[%add3A_55, %dma_start3A_76] : memref<76800x128xf32, #tpu.memory_space<hbm>> -> memref<128x128xf32, #tpu.memory_space<hbm>>
        tpu.enqueue_dma source(%arg7 : memref<128x128xf32, #tpu.memory_space<vmem>>) target(%dma_start3A_77 : memref<128x128xf32, #tpu.memory_space<hbm>>) target_semaphore(%run_scoped3A : memref<!tpu.dma_semaphore, #tpu.memory_space<semaphore_mem>>)
        %dma_wait3A_78 = arith.constant 0 : i32
        %dma_wait3A_79 = tpu.memref_slice %arg4[%add3A_55, %dma_wait3A_78] : memref<76800x128xf32, #tpu.memory_space<hbm>> -> memref<128x128xf32, #tpu.memory_space<hbm>>
        %dma_wait3A_80 = arith.constant 0 : i32
        %dma_wait3A_81 = tpu.memref_slice %arg4[%add3A_55, %dma_wait3A_80] : memref<76800x128xf32, #tpu.memory_space<hbm>> -> memref<128x128xf32, #tpu.memory_space<hbm>>
        tpu.wait_dma2 semaphore(%run_scoped3A : memref<!tpu.dma_semaphore, #tpu.memory_space<semaphore_mem>>) src(%arg7 : memref<128x128xf32, #tpu.memory_space<vmem>>) dst(%dma_wait3A_81 : memref<128x128xf32, #tpu.memory_space<hbm>>)
        tpu.yield
      }) : () -> ()
      %add3A_56 = arith.constant 1 : i32
      %add3A_57 = arith.addi %scan3A_35, %add3A_56 : i32
      %lt3A_58 = arith.constant 9 : i32
      %lt3A_59 = arith.cmpi slt, %add3A_57, %lt3A_58 : i32
      %convert_element_type3A_60 = arith.extui %lt3A_59 : i1 to i32
      %cond3A_61 = arith.constant 0 : i32
      %cond3A_62 = arith.cmpi ne, %convert_element_type3A_60, %cond3A_61 : i32
      scf.if %cond3A_62 {
        %add3A_74 = arith.constant 2 : i32
        %add3A_75 = arith.addi %mul3A_37, %add3A_74 : i32
        %mul3A_76 = arith.constant 128 : i32
        %mul3A_77 = arith.muli %add3A_75, %mul3A_76 : i32
        %multiple_of3A_78 = tpu.assume_multiple %mul3A_77, 8 : i32
        %dma_start3A_79 = tpu.memref_slice %arg6[%multiple_of3A_78] : memref<2400xi32, #tpu.memory_space<vmem>> -> memref<128xi32, #tpu.memory_space<vmem>>
        %dma_start3A_80 = arith.constant 0 : i32
        %dma_start3A_81 = arith.constant 0 : i32
        %dma_start3A_82 = tpu.memref_slice %arg5[%dma_start3A_80, %dma_start3A_81] : memref<10000x128xf32, #tpu.memory_space<vmem_shared>> -> memref<10000x128xf32, #tpu.memory_space<vmem_shared>>
        tpu.enqueue_indirect_dma source(%dma_start3A_82 : memref<10000x128xf32, #tpu.memory_space<vmem_shared>>) target(%arg7 : memref<128x128xf32, #tpu.memory_space<vmem>>) offsets(%dma_start3A_79 : memref<128xi32, #tpu.memory_space<vmem>>) semaphore(%arg9 : memref<!tpu.dma_semaphore, #tpu.memory_space<semaphore_mem>>)
      } else {
      }
      %add3A_63 = arith.constant 1 : i32
      %add3A_64 = arith.addi %mul3A_37, %add3A_63 : i32
      %dma_wait3A_65 = arith.constant 0 : i32
      %dma_wait3A_66 = tpu.memref_slice %arg6[%dma_wait3A_65] : memref<2400xi32, #tpu.memory_space<vmem>> -> memref<128xi32, #tpu.memory_space<vmem>>
      %dma_wait3A_67 = arith.constant 0 : i32
      %dma_wait3A_68 = arith.constant 0 : i32
      %dma_wait3A_69 = tpu.memref_slice %arg5[%dma_wait3A_67, %dma_wait3A_68] : memref<10000x128xf32, #tpu.memory_space<vmem_shared>> -> memref<10000x128xf32, #tpu.memory_space<vmem_shared>>
      tpu.wait_indirect_dma semaphore(%arg10 : memref<!tpu.dma_semaphore, #tpu.memory_space<semaphore_mem>>) src(%dma_wait3A_69 : memref<10000x128xf32, #tpu.memory_space<vmem_shared>>) dst(%arg8 : memref<128x128xf32, #tpu.memory_space<vmem>>)
      %mul3A_70 = arith.constant 128 : i32
      %mul3A_71 = arith.muli %add3A_64, %mul3A_70 : i32
      %multiple_of3A_72 = tpu.assume_multiple %mul3A_71, 8 : i32
      %add3A_73 = arith.addi %multiple_of3A, %multiple_of3A_72 : i32
      "tpu.region"() ({
        %run_scoped3A = tpu.sem_alloc : memref<!tpu.dma_semaphore, #tpu.memory_space<semaphore_mem>>
        %dma_start3A_74 = arith.constant 0 : i32
        %dma_start3A_75 = tpu.memref_slice %arg4[%add3A_73, %dma_start3A_74] : memref<76800x128xf32, #tpu.memory_space<hbm>> -> memref<128x128xf32, #tpu.memory_space<hbm>>
        %dma_start3A_76 = arith.constant 0 : i32
        %dma_start3A_77 = tpu.memref_slice %arg4[%add3A_73, %dma_start3A_76] : memref<76800x128xf32, #tpu.memory_space<hbm>> -> memref<128x128xf32, #tpu.memory_space<hbm>>
        tpu.enqueue_dma source(%arg8 : memref<128x128xf32, #tpu.memory_space<vmem>>) target(%dma_start3A_77 : memref<128x128xf32, #tpu.memory_space<hbm>>) target_semaphore(%run_scoped3A : memref<!tpu.dma_semaphore, #tpu.memory_space<semaphore_mem>>)
        %dma_wait3A_78 = arith.constant 0 : i32
        %dma_wait3A_79 = tpu.memref_slice %arg4[%add3A_73, %dma_wait3A_78] : memref<76800x128xf32, #tpu.memory_space<hbm>> -> memref<128x128xf32, #tpu.memory_space<hbm>>
        %dma_wait3A_80 = arith.constant 0 : i32
        %dma_wait3A_81 = tpu.memref_slice %arg4[%add3A_73, %dma_wait3A_80] : memref<76800x128xf32, #tpu.memory_space<hbm>> -> memref<128x128xf32, #tpu.memory_space<hbm>>
        tpu.wait_dma2 semaphore(%run_scoped3A : memref<!tpu.dma_semaphore, #tpu.memory_space<semaphore_mem>>) src(%arg8 : memref<128x128xf32, #tpu.memory_space<vmem>>) dst(%dma_wait3A_81 : memref<128x128xf32, #tpu.memory_space<hbm>>)
        tpu.yield
      }) : () -> ()
    }
    %scan3A_18 = arith.constant 9 : i32
    %multiple_of3A_19 = arith.constant 2304 : i32
    %multiple_of3A_20 = tpu.assume_multiple %multiple_of3A_19, 8 : i32
    %dma_start3A_21 = arith.constant 0 : i32
    %dma_start3A_22 = arith.constant 0 : i32
    %dma_start3A_23 = tpu.memref_slice %arg8[%dma_start3A_21, %dma_start3A_22] : memref<128x128xf32, #tpu.memory_space<vmem>> -> memref<96x128xf32, #tpu.memory_space<vmem>>
    %dma_start3A_24 = tpu.memref_slice %arg6[%multiple_of3A_20] : memref<2400xi32, #tpu.memory_space<vmem>> -> memref<96xi32, #tpu.memory_space<vmem>>
    %dma_start3A_25 = arith.constant 0 : i32
    %dma_start3A_26 = arith.constant 0 : i32
    %dma_start3A_27 = tpu.memref_slice %arg5[%dma_start3A_25, %dma_start3A_26] : memref<10000x128xf32, #tpu.memory_space<vmem_shared>> -> memref<10000x128xf32, #tpu.memory_space<vmem_shared>>
    tpu.enqueue_indirect_dma source(%dma_start3A_27 : memref<10000x128xf32, #tpu.memory_space<vmem_shared>>) target(%dma_start3A_23 : memref<96x128xf32, #tpu.memory_space<vmem>>) offsets(%dma_start3A_24 : memref<96xi32, #tpu.memory_space<vmem>>) semaphore(%arg10 : memref<!tpu.dma_semaphore, #tpu.memory_space<semaphore_mem>>)
    %dma_wait3A = arith.constant 0 : i32
    %dma_wait3A_28 = arith.constant 0 : i32
    %dma_wait3A_29 = tpu.memref_slice %arg8[%dma_wait3A, %dma_wait3A_28] : memref<128x128xf32, #tpu.memory_space<vmem>> -> memref<96x128xf32, #tpu.memory_space<vmem>>
    %dma_wait3A_30 = tpu.memref_slice %arg6[%multiple_of3A_20] : memref<2400xi32, #tpu.memory_space<vmem>> -> memref<96xi32, #tpu.memory_space<vmem>>
    %dma_wait3A_31 = arith.constant 0 : i32
    %dma_wait3A_32 = arith.constant 0 : i32
    %dma_wait3A_33 = tpu.memref_slice %arg5[%dma_wait3A_31, %dma_wait3A_32] : memref<10000x128xf32, #tpu.memory_space<vmem_shared>> -> memref<10000x128xf32, #tpu.memory_space<vmem_shared>>
    tpu.wait_indirect_dma semaphore(%arg10 : memref<!tpu.dma_semaphore, #tpu.memory_space<semaphore_mem>>) src(%dma_wait3A_33 : memref<10000x128xf32, #tpu.memory_space<vmem_shared>>) dst(%dma_wait3A_29 : memref<96x128xf32, #tpu.memory_space<vmem>>)
    %add3A_34 = arith.addi %multiple_of3A, %multiple_of3A_20 : i32
    "tpu.region"() ({
      %run_scoped3A = tpu.sem_alloc : memref<!tpu.dma_semaphore, #tpu.memory_space<semaphore_mem>>
      %dma_start3A_35 = arith.constant 0 : i32
      %dma_start3A_36 = arith.constant 0 : i32
      %dma_start3A_37 = tpu.memref_slice %arg8[%dma_start3A_35, %dma_start3A_36] : memref<128x128xf32, #tpu.memory_space<vmem>> -> memref<96x128xf32, #tpu.memory_space<vmem>>
      %dma_start3A_38 = arith.constant 0 : i32
      %dma_start3A_39 = tpu.memref_slice %arg4[%add3A_34, %dma_start3A_38] : memref<76800x128xf32, #tpu.memory_space<hbm>> -> memref<96x128xf32, #tpu.memory_space<hbm>>
      %dma_start3A_40 = arith.constant 0 : i32
      %dma_start3A_41 = tpu.memref_slice %arg4[%add3A_34, %dma_start3A_40] : memref<76800x128xf32, #tpu.memory_space<hbm>> -> memref<96x128xf32, #tpu.memory_space<hbm>>
      %dma_start3A_42 = arith.constant 0 : i32
      %dma_start3A_43 = arith.constant 0 : i32
      %dma_start3A_44 = tpu.memref_slice %arg8[%dma_start3A_42, %dma_start3A_43] : memref<128x128xf32, #tpu.memory_space<vmem>> -> memref<96x128xf32, #tpu.memory_space<vmem>>
      tpu.enqueue_dma source(%dma_start3A_44 : memref<96x128xf32, #tpu.memory_space<vmem>>) target(%dma_start3A_41 : memref<96x128xf32, #tpu.memory_space<hbm>>) target_semaphore(%run_scoped3A : memref<!tpu.dma_semaphore, #tpu.memory_space<semaphore_mem>>)
      %dma_wait3A_45 = arith.constant 0 : i32
      %dma_wait3A_46 = arith.constant 0 : i32
      %dma_wait3A_47 = tpu.memref_slice %arg8[%dma_wait3A_45, %dma_wait3A_46] : memref<128x128xf32, #tpu.memory_space<vmem>> -> memref<96x128xf32, #tpu.memory_space<vmem>>
      %dma_wait3A_48 = arith.constant 0 : i32
      %dma_wait3A_49 = tpu.memref_slice %arg4[%add3A_34, %dma_wait3A_48] : memref<76800x128xf32, #tpu.memory_space<hbm>> -> memref<96x128xf32, #tpu.memory_space<hbm>>
      %dma_wait3A_50 = arith.constant 0 : i32
      %dma_wait3A_51 = tpu.memref_slice %arg4[%add3A_34, %dma_wait3A_50] : memref<76800x128xf32, #tpu.memory_space<hbm>> -> memref<96x128xf32, #tpu.memory_space<hbm>>
      %dma_wait3A_52 = arith.constant 0 : i32
      %dma_wait3A_53 = arith.constant 0 : i32
      %dma_wait3A_54 = tpu.memref_slice %arg8[%dma_wait3A_52, %dma_wait3A_53] : memref<128x128xf32, #tpu.memory_space<vmem>> -> memref<96x128xf32, #tpu.memory_space<vmem>>
      tpu.wait_dma2 semaphore(%run_scoped3A : memref<!tpu.dma_semaphore, #tpu.memory_space<semaphore_mem>>) src(%dma_wait3A_54 : memref<96x128xf32, #tpu.memory_space<vmem>>) dst(%dma_wait3A_51 : memref<96x128xf32, #tpu.memory_space<hbm>>)
      tpu.yield
    }) : () -> ()
    return
  }
}

module attributes {stable_mosaic.version = 14 : i64} {
  func.func @_tc_body_alias(%arg0: i32, %arg1: memref<1x50x128xi32, #tpu.memory_space<vmem>>, %arg2: memref<6400x128xf32, #tpu.memory_space<vmem>>, %arg3: memref<6400x128xf32, #tpu.memory_space<vmem>>, %arg4: memref<256x384xf32, #tpu.memory_space<vmem>>, %arg5: memref<128x256xf32, #tpu.memory_space<vmem>>, %arg6: memref<128x128xf32, #tpu.memory_space<vmem>>, %arg7: memref<1x128xf32, #tpu.memory_space<vmem>>, %arg8: memref<1x128xf32, #tpu.memory_space<vmem>>, %arg9: memref<8x128xf32, #tpu.memory_space<vmem>>, %arg10: memref<6400x128xf32, #tpu.memory_space<vmem>>) attributes {dimension_semantics = [#tpu.dimension_semantics<arbitrary>], iteration_bounds = array<i64: 9>, scalar_prefetch = 0 : i64, scratch_operands = 0 : i64, tpu.core_type = #tpu.core_type<tc>, window_params = [{transform_indices = @transform_0, window_bounds = array<i64: 1, 50, 128>}, {transform_indices = @transform_1, window_bounds = array<i64: 6400, 128>}, {transform_indices = @transform_2, window_bounds = array<i64: 6400, 128>}, {pipeline_mode = #tpu.pipeline_mode<synchronous>, transform_indices = @transform_3, window_bounds = array<i64: 256, 384>}, {pipeline_mode = #tpu.pipeline_mode<synchronous>, transform_indices = @transform_4, window_bounds = array<i64: 128, 256>}, {pipeline_mode = #tpu.pipeline_mode<synchronous>, transform_indices = @transform_5, window_bounds = array<i64: 128, 128>}, {pipeline_mode = #tpu.pipeline_mode<synchronous>, transform_indices = @transform_6, window_bounds = array<i64: 1, 128>}, {pipeline_mode = #tpu.pipeline_mode<synchronous>, transform_indices = @transform_7, window_bounds = array<i64: 1, 128>}, {transform_indices = @transform_8, window_bounds = array<i64: 8, 128>}, {transform_indices = @transform_9, window_bounds = array<i64: 6400, 128>}]} {
    %get3A = arith.constant 0 : index
    %get3A_0 = arith.constant 0 : index
    %get3A_1 = arith.constant 0 : index
    %get3A_2 = vector.load %arg1[%get3A, %get3A_0, %get3A_1] : memref<1x50x128xi32, #tpu.memory_space<vmem>>, vector<1x50x128xi32>
    %get3A_3 = arith.constant 0 : index
    %get3A_4 = arith.constant 0 : index
    %get3A_5 = vector.load %arg2[%get3A_3, %get3A_4] : memref<6400x128xf32, #tpu.memory_space<vmem>>, vector<6400x128xf32>
    %get3A_6 = arith.constant 0 : index
    %get3A_7 = arith.constant 0 : index
    %get3A_8 = vector.load %arg3[%get3A_6, %get3A_7] : memref<6400x128xf32, #tpu.memory_space<vmem>>, vector<6400x128xf32>
    %get3A_9 = arith.constant 0 : index
    %get3A_10 = arith.constant 0 : index
    %get3A_11 = vector.load %arg4[%get3A_9, %get3A_10] : memref<256x384xf32, #tpu.memory_space<vmem>>, vector<256x384xf32>
    %get3A_12 = arith.constant 0 : index
    %get3A_13 = arith.constant 0 : index
    %get3A_14 = vector.load %arg5[%get3A_12, %get3A_13] : memref<128x256xf32, #tpu.memory_space<vmem>>, vector<128x256xf32>
    %get3A_15 = arith.constant 0 : index
    %get3A_16 = arith.constant 0 : index
    %get3A_17 = vector.load %arg6[%get3A_15, %get3A_16] : memref<128x128xf32, #tpu.memory_space<vmem>>, vector<128x128xf32>
    %get3A_18 = arith.constant 0 : index
    %get3A_19 = arith.constant 0 : index
    %get3A_20 = vector.load %arg7[%get3A_18, %get3A_19] : memref<1x128xf32, #tpu.memory_space<vmem>>, vector<1x128xf32>
    %get3A_21 = arith.constant 0 : index
    %get3A_22 = arith.constant 0 : index
    %get3A_23 = vector.load %arg8[%get3A_21, %get3A_22] : memref<1x128xf32, #tpu.memory_space<vmem>>, vector<1x128xf32>
    %iota3A = tpu.iota {dimensions = array<i32: 0>} : vector<256x128xi32>
    %slice3A = vector.extract_strided_slice %get3A_2 {offsets = [0, 0, 0], sizes = [1, 1, 128], strides = [1, 1, 1]} : vector<1x50x128xi32> to vector<1x1x128xi32>
    %squeeze3A = vector.shape_cast %slice3A : vector<1x1x128xi32> to vector<1x128xi32>
    %eq3A = vector.broadcast %squeeze3A : vector<1x128xi32> to vector<256x128xi32>
    %eq3A_24 = arith.cmpi eq, %iota3A, %eq3A : vector<256x128xi32>
    %convert_element_type3A = arith.extui %eq3A_24 : vector<256x128xi1> to vector<256x128xi32>
    %convert_element_type3A_25 = arith.sitofp %convert_element_type3A : vector<256x128xi32> to vector<256x128xf32>
    %dot_general3A = arith.constant dense<0.000000e+00> : vector<128x384xf32>
    %dot_general3A_26 = tpu.matmul %convert_element_type3A_25, %get3A_11, %dot_general3A {dimension_numbers = #tpu.dot_dimension_numbers<[0], [0], [1], [1], [0, 1, 1, 1], [], []>, transpose_lhs_hint = false} : vector<256x128xf32>, vector<256x384xf32>, vector<128x384xf32> -> vector<128x384xf32>
    %slice3A_27 = vector.extract_strided_slice %get3A_2 {offsets = [0, 1, 0], sizes = [1, 1, 128], strides = [1, 1, 1]} : vector<1x50x128xi32> to vector<1x1x128xi32>
    %squeeze3A_28 = vector.shape_cast %slice3A_27 : vector<1x1x128xi32> to vector<1x128xi32>
    %eq3A_29 = vector.broadcast %squeeze3A_28 : vector<1x128xi32> to vector<256x128xi32>
    %eq3A_30 = arith.cmpi eq, %iota3A, %eq3A_29 : vector<256x128xi32>
    %convert_element_type3A_31 = arith.extui %eq3A_30 : vector<256x128xi1> to vector<256x128xi32>
    %convert_element_type3A_32 = arith.sitofp %convert_element_type3A_31 : vector<256x128xi32> to vector<256x128xf32>
    %dot_general3A_33 = arith.constant dense<0.000000e+00> : vector<128x384xf32>
    %dot_general3A_34 = tpu.matmul %convert_element_type3A_32, %get3A_11, %dot_general3A_33 {dimension_numbers = #tpu.dot_dimension_numbers<[0], [0], [1], [1], [0, 1, 1, 1], [], []>, transpose_lhs_hint = false} : vector<256x128xf32>, vector<256x384xf32>, vector<128x384xf32> -> vector<128x384xf32>
    %slice3A_35 = vector.extract_strided_slice %get3A_2 {offsets = [0, 2, 0], sizes = [1, 1, 128], strides = [1, 1, 1]} : vector<1x50x128xi32> to vector<1x1x128xi32>
    %squeeze3A_36 = vector.shape_cast %slice3A_35 : vector<1x1x128xi32> to vector<1x128xi32>
    %eq3A_37 = vector.broadcast %squeeze3A_36 : vector<1x128xi32> to vector<256x128xi32>
    %eq3A_38 = arith.cmpi eq, %iota3A, %eq3A_37 : vector<256x128xi32>
    %convert_element_type3A_39 = arith.extui %eq3A_38 : vector<256x128xi1> to vector<256x128xi32>
    %convert_element_type3A_40 = arith.sitofp %convert_element_type3A_39 : vector<256x128xi32> to vector<256x128xf32>
    %dot_general3A_41 = arith.constant dense<0.000000e+00> : vector<128x384xf32>
    %dot_general3A_42 = tpu.matmul %convert_element_type3A_40, %get3A_11, %dot_general3A_41 {dimension_numbers = #tpu.dot_dimension_numbers<[0], [0], [1], [1], [0, 1, 1, 1], [], []>, transpose_lhs_hint = false} : vector<256x128xf32>, vector<256x384xf32>, vector<128x384xf32> -> vector<128x384xf32>
    %slice3A_43 = vector.extract_strided_slice %get3A_2 {offsets = [0, 3, 0], sizes = [1, 1, 128], strides = [1, 1, 1]} : vector<1x50x128xi32> to vector<1x1x128xi32>
    %squeeze3A_44 = vector.shape_cast %slice3A_43 : vector<1x1x128xi32> to vector<1x128xi32>
    %eq3A_45 = vector.broadcast %squeeze3A_44 : vector<1x128xi32> to vector<256x128xi32>
    %eq3A_46 = arith.cmpi eq, %iota3A, %eq3A_45 : vector<256x128xi32>
    %convert_element_type3A_47 = arith.extui %eq3A_46 : vector<256x128xi1> to vector<256x128xi32>
    %convert_element_type3A_48 = arith.sitofp %convert_element_type3A_47 : vector<256x128xi32> to vector<256x128xf32>
    %dot_general3A_49 = arith.constant dense<0.000000e+00> : vector<128x384xf32>
    %dot_general3A_50 = tpu.matmul %convert_element_type3A_48, %get3A_11, %dot_general3A_49 {dimension_numbers = #tpu.dot_dimension_numbers<[0], [0], [1], [1], [0, 1, 1, 1], [], []>, transpose_lhs_hint = false} : vector<256x128xf32>, vector<256x384xf32>, vector<128x384xf32> -> vector<128x384xf32>
    %slice3A_51 = vector.extract_strided_slice %get3A_2 {offsets = [0, 4, 0], sizes = [1, 1, 128], strides = [1, 1, 1]} : vector<1x50x128xi32> to vector<1x1x128xi32>
    %squeeze3A_52 = vector.shape_cast %slice3A_51 : vector<1x1x128xi32> to vector<1x128xi32>
    %eq3A_53 = vector.broadcast %squeeze3A_52 : vector<1x128xi32> to vector<256x128xi32>
    %eq3A_54 = arith.cmpi eq, %iota3A, %eq3A_53 : vector<256x128xi32>
    %convert_element_type3A_55 = arith.extui %eq3A_54 : vector<256x128xi1> to vector<256x128xi32>
    %convert_element_type3A_56 = arith.sitofp %convert_element_type3A_55 : vector<256x128xi32> to vector<256x128xf32>
    %dot_general3A_57 = arith.constant dense<0.000000e+00> : vector<128x384xf32>
    %dot_general3A_58 = tpu.matmul %convert_element_type3A_56, %get3A_11, %dot_general3A_57 {dimension_numbers = #tpu.dot_dimension_numbers<[0], [0], [1], [1], [0, 1, 1, 1], [], []>, transpose_lhs_hint = false} : vector<256x128xf32>, vector<256x384xf32>, vector<128x384xf32> -> vector<128x384xf32>
    %slice3A_59 = vector.extract_strided_slice %get3A_2 {offsets = [0, 5, 0], sizes = [1, 1, 128], strides = [1, 1, 1]} : vector<1x50x128xi32> to vector<1x1x128xi32>
    %squeeze3A_60 = vector.shape_cast %slice3A_59 : vector<1x1x128xi32> to vector<1x128xi32>
    %eq3A_61 = vector.broadcast %squeeze3A_60 : vector<1x128xi32> to vector<256x128xi32>
    %eq3A_62 = arith.cmpi eq, %iota3A, %eq3A_61 : vector<256x128xi32>
    %convert_element_type3A_63 = arith.extui %eq3A_62 : vector<256x128xi1> to vector<256x128xi32>
    %convert_element_type3A_64 = arith.sitofp %convert_element_type3A_63 : vector<256x128xi32> to vector<256x128xf32>
    %dot_general3A_65 = arith.constant dense<0.000000e+00> : vector<128x384xf32>
    %dot_general3A_66 = tpu.matmul %convert_element_type3A_64, %get3A_11, %dot_general3A_65 {dimension_numbers = #tpu.dot_dimension_numbers<[0], [0], [1], [1], [0, 1, 1, 1], [], []>, transpose_lhs_hint = false} : vector<256x128xf32>, vector<256x384xf32>, vector<128x384xf32> -> vector<128x384xf32>
    %slice3A_67 = vector.extract_strided_slice %get3A_2 {offsets = [0, 6, 0], sizes = [1, 1, 128], strides = [1, 1, 1]} : vector<1x50x128xi32> to vector<1x1x128xi32>
    %squeeze3A_68 = vector.shape_cast %slice3A_67 : vector<1x1x128xi32> to vector<1x128xi32>
    %eq3A_69 = vector.broadcast %squeeze3A_68 : vector<1x128xi32> to vector<256x128xi32>
    %eq3A_70 = arith.cmpi eq, %iota3A, %eq3A_69 : vector<256x128xi32>
    %convert_element_type3A_71 = arith.extui %eq3A_70 : vector<256x128xi1> to vector<256x128xi32>
    %convert_element_type3A_72 = arith.sitofp %convert_element_type3A_71 : vector<256x128xi32> to vector<256x128xf32>
    %dot_general3A_73 = arith.constant dense<0.000000e+00> : vector<128x384xf32>
    %dot_general3A_74 = tpu.matmul %convert_element_type3A_72, %get3A_11, %dot_general3A_73 {dimension_numbers = #tpu.dot_dimension_numbers<[0], [0], [1], [1], [0, 1, 1, 1], [], []>, transpose_lhs_hint = false} : vector<256x128xf32>, vector<256x384xf32>, vector<128x384xf32> -> vector<128x384xf32>
    %slice3A_75 = vector.extract_strided_slice %get3A_2 {offsets = [0, 7, 0], sizes = [1, 1, 128], strides = [1, 1, 1]} : vector<1x50x128xi32> to vector<1x1x128xi32>
    %squeeze3A_76 = vector.shape_cast %slice3A_75 : vector<1x1x128xi32> to vector<1x128xi32>
    %eq3A_77 = vector.broadcast %squeeze3A_76 : vector<1x128xi32> to vector<256x128xi32>
    %eq3A_78 = arith.cmpi eq, %iota3A, %eq3A_77 : vector<256x128xi32>
    %convert_element_type3A_79 = arith.extui %eq3A_78 : vector<256x128xi1> to vector<256x128xi32>
    %convert_element_type3A_80 = arith.sitofp %convert_element_type3A_79 : vector<256x128xi32> to vector<256x128xf32>
    %dot_general3A_81 = arith.constant dense<0.000000e+00> : vector<128x384xf32>
    %dot_general3A_82 = tpu.matmul %convert_element_type3A_80, %get3A_11, %dot_general3A_81 {dimension_numbers = #tpu.dot_dimension_numbers<[0], [0], [1], [1], [0, 1, 1, 1], [], []>, transpose_lhs_hint = false} : vector<256x128xf32>, vector<256x384xf32>, vector<128x384xf32> -> vector<128x384xf32>
    %slice3A_83 = vector.extract_strided_slice %get3A_2 {offsets = [0, 8, 0], sizes = [1, 1, 128], strides = [1, 1, 1]} : vector<1x50x128xi32> to vector<1x1x128xi32>
    %squeeze3A_84 = vector.shape_cast %slice3A_83 : vector<1x1x128xi32> to vector<1x128xi32>
    %eq3A_85 = vector.broadcast %squeeze3A_84 : vector<1x128xi32> to vector<256x128xi32>
    %eq3A_86 = arith.cmpi eq, %iota3A, %eq3A_85 : vector<256x128xi32>
    %convert_element_type3A_87 = arith.extui %eq3A_86 : vector<256x128xi1> to vector<256x128xi32>
    %convert_element_type3A_88 = arith.sitofp %convert_element_type3A_87 : vector<256x128xi32> to vector<256x128xf32>
    %dot_general3A_89 = arith.constant dense<0.000000e+00> : vector<128x384xf32>
    %dot_general3A_90 = tpu.matmul %convert_element_type3A_88, %get3A_11, %dot_general3A_89 {dimension_numbers = #tpu.dot_dimension_numbers<[0], [0], [1], [1], [0, 1, 1, 1], [], []>, transpose_lhs_hint = false} : vector<256x128xf32>, vector<256x384xf32>, vector<128x384xf32> -> vector<128x384xf32>
    %slice3A_91 = vector.extract_strided_slice %get3A_2 {offsets = [0, 9, 0], sizes = [1, 1, 128], strides = [1, 1, 1]} : vector<1x50x128xi32> to vector<1x1x128xi32>
    %squeeze3A_92 = vector.shape_cast %slice3A_91 : vector<1x1x128xi32> to vector<1x128xi32>
    %eq3A_93 = vector.broadcast %squeeze3A_92 : vector<1x128xi32> to vector<256x128xi32>
    %eq3A_94 = arith.cmpi eq, %iota3A, %eq3A_93 : vector<256x128xi32>
    %convert_element_type3A_95 = arith.extui %eq3A_94 : vector<256x128xi1> to vector<256x128xi32>
    %convert_element_type3A_96 = arith.sitofp %convert_element_type3A_95 : vector<256x128xi32> to vector<256x128xf32>
    %dot_general3A_97 = arith.constant dense<0.000000e+00> : vector<128x384xf32>
    %dot_general3A_98 = tpu.matmul %convert_element_type3A_96, %get3A_11, %dot_general3A_97 {dimension_numbers = #tpu.dot_dimension_numbers<[0], [0], [1], [1], [0, 1, 1, 1], [], []>, transpose_lhs_hint = false} : vector<256x128xf32>, vector<256x384xf32>, vector<128x384xf32> -> vector<128x384xf32>
    %slice3A_99 = vector.extract_strided_slice %get3A_2 {offsets = [0, 10, 0], sizes = [1, 1, 128], strides = [1, 1, 1]} : vector<1x50x128xi32> to vector<1x1x128xi32>
    %squeeze3A_100 = vector.shape_cast %slice3A_99 : vector<1x1x128xi32> to vector<1x128xi32>
    %eq3A_101 = vector.broadcast %squeeze3A_100 : vector<1x128xi32> to vector<256x128xi32>
    %eq3A_102 = arith.cmpi eq, %iota3A, %eq3A_101 : vector<256x128xi32>
    %convert_element_type3A_103 = arith.extui %eq3A_102 : vector<256x128xi1> to vector<256x128xi32>
    %convert_element_type3A_104 = arith.sitofp %convert_element_type3A_103 : vector<256x128xi32> to vector<256x128xf32>
    %dot_general3A_105 = arith.constant dense<0.000000e+00> : vector<128x384xf32>
    %dot_general3A_106 = tpu.matmul %convert_element_type3A_104, %get3A_11, %dot_general3A_105 {dimension_numbers = #tpu.dot_dimension_numbers<[0], [0], [1], [1], [0, 1, 1, 1], [], []>, transpose_lhs_hint = false} : vector<256x128xf32>, vector<256x384xf32>, vector<128x384xf32> -> vector<128x384xf32>
    %slice3A_107 = vector.extract_strided_slice %get3A_2 {offsets = [0, 11, 0], sizes = [1, 1, 128], strides = [1, 1, 1]} : vector<1x50x128xi32> to vector<1x1x128xi32>
    %squeeze3A_108 = vector.shape_cast %slice3A_107 : vector<1x1x128xi32> to vector<1x128xi32>
    %eq3A_109 = vector.broadcast %squeeze3A_108 : vector<1x128xi32> to vector<256x128xi32>
    %eq3A_110 = arith.cmpi eq, %iota3A, %eq3A_109 : vector<256x128xi32>
    %convert_element_type3A_111 = arith.extui %eq3A_110 : vector<256x128xi1> to vector<256x128xi32>
    %convert_element_type3A_112 = arith.sitofp %convert_element_type3A_111 : vector<256x128xi32> to vector<256x128xf32>
    %dot_general3A_113 = arith.constant dense<0.000000e+00> : vector<128x384xf32>
    %dot_general3A_114 = tpu.matmul %convert_element_type3A_112, %get3A_11, %dot_general3A_113 {dimension_numbers = #tpu.dot_dimension_numbers<[0], [0], [1], [1], [0, 1, 1, 1], [], []>, transpose_lhs_hint = false} : vector<256x128xf32>, vector<256x384xf32>, vector<128x384xf32> -> vector<128x384xf32>
    %slice3A_115 = vector.extract_strided_slice %get3A_2 {offsets = [0, 12, 0], sizes = [1, 1, 128], strides = [1, 1, 1]} : vector<1x50x128xi32> to vector<1x1x128xi32>
    %squeeze3A_116 = vector.shape_cast %slice3A_115 : vector<1x1x128xi32> to vector<1x128xi32>
    %eq3A_117 = vector.broadcast %squeeze3A_116 : vector<1x128xi32> to vector<256x128xi32>
    %eq3A_118 = arith.cmpi eq, %iota3A, %eq3A_117 : vector<256x128xi32>
    %convert_element_type3A_119 = arith.extui %eq3A_118 : vector<256x128xi1> to vector<256x128xi32>
    %convert_element_type3A_120 = arith.sitofp %convert_element_type3A_119 : vector<256x128xi32> to vector<256x128xf32>
    %dot_general3A_121 = arith.constant dense<0.000000e+00> : vector<128x384xf32>
    %dot_general3A_122 = tpu.matmul %convert_element_type3A_120, %get3A_11, %dot_general3A_121 {dimension_numbers = #tpu.dot_dimension_numbers<[0], [0], [1], [1], [0, 1, 1, 1], [], []>, transpose_lhs_hint = false} : vector<256x128xf32>, vector<256x384xf32>, vector<128x384xf32> -> vector<128x384xf32>
    %slice3A_123 = vector.extract_strided_slice %get3A_2 {offsets = [0, 13, 0], sizes = [1, 1, 128], strides = [1, 1, 1]} : vector<1x50x128xi32> to vector<1x1x128xi32>
    %squeeze3A_124 = vector.shape_cast %slice3A_123 : vector<1x1x128xi32> to vector<1x128xi32>
    %eq3A_125 = vector.broadcast %squeeze3A_124 : vector<1x128xi32> to vector<256x128xi32>
    %eq3A_126 = arith.cmpi eq, %iota3A, %eq3A_125 : vector<256x128xi32>
    %convert_element_type3A_127 = arith.extui %eq3A_126 : vector<256x128xi1> to vector<256x128xi32>
    %convert_element_type3A_128 = arith.sitofp %convert_element_type3A_127 : vector<256x128xi32> to vector<256x128xf32>
    %dot_general3A_129 = arith.constant dense<0.000000e+00> : vector<128x384xf32>
    %dot_general3A_130 = tpu.matmul %convert_element_type3A_128, %get3A_11, %dot_general3A_129 {dimension_numbers = #tpu.dot_dimension_numbers<[0], [0], [1], [1], [0, 1, 1, 1], [], []>, transpose_lhs_hint = false} : vector<256x128xf32>, vector<256x384xf32>, vector<128x384xf32> -> vector<128x384xf32>
    %slice3A_131 = vector.extract_strided_slice %get3A_2 {offsets = [0, 14, 0], sizes = [1, 1, 128], strides = [1, 1, 1]} : vector<1x50x128xi32> to vector<1x1x128xi32>
    %squeeze3A_132 = vector.shape_cast %slice3A_131 : vector<1x1x128xi32> to vector<1x128xi32>
    %eq3A_133 = vector.broadcast %squeeze3A_132 : vector<1x128xi32> to vector<256x128xi32>
    %eq3A_134 = arith.cmpi eq, %iota3A, %eq3A_133 : vector<256x128xi32>
    %convert_element_type3A_135 = arith.extui %eq3A_134 : vector<256x128xi1> to vector<256x128xi32>
    %convert_element_type3A_136 = arith.sitofp %convert_element_type3A_135 : vector<256x128xi32> to vector<256x128xf32>
    %dot_general3A_137 = arith.constant dense<0.000000e+00> : vector<128x384xf32>
    %dot_general3A_138 = tpu.matmul %convert_element_type3A_136, %get3A_11, %dot_general3A_137 {dimension_numbers = #tpu.dot_dimension_numbers<[0], [0], [1], [1], [0, 1, 1, 1], [], []>, transpose_lhs_hint = false} : vector<256x128xf32>, vector<256x384xf32>, vector<128x384xf32> -> vector<128x384xf32>
    %slice3A_139 = vector.extract_strided_slice %get3A_2 {offsets = [0, 15, 0], sizes = [1, 1, 128], strides = [1, 1, 1]} : vector<1x50x128xi32> to vector<1x1x128xi32>
    %squeeze3A_140 = vector.shape_cast %slice3A_139 : vector<1x1x128xi32> to vector<1x128xi32>
    %eq3A_141 = vector.broadcast %squeeze3A_140 : vector<1x128xi32> to vector<256x128xi32>
    %eq3A_142 = arith.cmpi eq, %iota3A, %eq3A_141 : vector<256x128xi32>
    %convert_element_type3A_143 = arith.extui %eq3A_142 : vector<256x128xi1> to vector<256x128xi32>
    %convert_element_type3A_144 = arith.sitofp %convert_element_type3A_143 : vector<256x128xi32> to vector<256x128xf32>
    %dot_general3A_145 = arith.constant dense<0.000000e+00> : vector<128x384xf32>
    %dot_general3A_146 = tpu.matmul %convert_element_type3A_144, %get3A_11, %dot_general3A_145 {dimension_numbers = #tpu.dot_dimension_numbers<[0], [0], [1], [1], [0, 1, 1, 1], [], []>, transpose_lhs_hint = false} : vector<256x128xf32>, vector<256x384xf32>, vector<128x384xf32> -> vector<128x384xf32>
    %slice3A_147 = vector.extract_strided_slice %get3A_2 {offsets = [0, 16, 0], sizes = [1, 1, 128], strides = [1, 1, 1]} : vector<1x50x128xi32> to vector<1x1x128xi32>
    %squeeze3A_148 = vector.shape_cast %slice3A_147 : vector<1x1x128xi32> to vector<1x128xi32>
    %eq3A_149 = vector.broadcast %squeeze3A_148 : vector<1x128xi32> to vector<256x128xi32>
    %eq3A_150 = arith.cmpi eq, %iota3A, %eq3A_149 : vector<256x128xi32>
    %convert_element_type3A_151 = arith.extui %eq3A_150 : vector<256x128xi1> to vector<256x128xi32>
    %convert_element_type3A_152 = arith.sitofp %convert_element_type3A_151 : vector<256x128xi32> to vector<256x128xf32>
    %dot_general3A_153 = arith.constant dense<0.000000e+00> : vector<128x384xf32>
    %dot_general3A_154 = tpu.matmul %convert_element_type3A_152, %get3A_11, %dot_general3A_153 {dimension_numbers = #tpu.dot_dimension_numbers<[0], [0], [1], [1], [0, 1, 1, 1], [], []>, transpose_lhs_hint = false} : vector<256x128xf32>, vector<256x384xf32>, vector<128x384xf32> -> vector<128x384xf32>
    %slice3A_155 = vector.extract_strided_slice %get3A_2 {offsets = [0, 17, 0], sizes = [1, 1, 128], strides = [1, 1, 1]} : vector<1x50x128xi32> to vector<1x1x128xi32>
    %squeeze3A_156 = vector.shape_cast %slice3A_155 : vector<1x1x128xi32> to vector<1x128xi32>
    %eq3A_157 = vector.broadcast %squeeze3A_156 : vector<1x128xi32> to vector<256x128xi32>
    %eq3A_158 = arith.cmpi eq, %iota3A, %eq3A_157 : vector<256x128xi32>
    %convert_element_type3A_159 = arith.extui %eq3A_158 : vector<256x128xi1> to vector<256x128xi32>
    %convert_element_type3A_160 = arith.sitofp %convert_element_type3A_159 : vector<256x128xi32> to vector<256x128xf32>
    %dot_general3A_161 = arith.constant dense<0.000000e+00> : vector<128x384xf32>
    %dot_general3A_162 = tpu.matmul %convert_element_type3A_160, %get3A_11, %dot_general3A_161 {dimension_numbers = #tpu.dot_dimension_numbers<[0], [0], [1], [1], [0, 1, 1, 1], [], []>, transpose_lhs_hint = false} : vector<256x128xf32>, vector<256x384xf32>, vector<128x384xf32> -> vector<128x384xf32>
    %slice3A_163 = vector.extract_strided_slice %get3A_2 {offsets = [0, 18, 0], sizes = [1, 1, 128], strides = [1, 1, 1]} : vector<1x50x128xi32> to vector<1x1x128xi32>
    %squeeze3A_164 = vector.shape_cast %slice3A_163 : vector<1x1x128xi32> to vector<1x128xi32>
    %eq3A_165 = vector.broadcast %squeeze3A_164 : vector<1x128xi32> to vector<256x128xi32>
    %eq3A_166 = arith.cmpi eq, %iota3A, %eq3A_165 : vector<256x128xi32>
    %convert_element_type3A_167 = arith.extui %eq3A_166 : vector<256x128xi1> to vector<256x128xi32>
    %convert_element_type3A_168 = arith.sitofp %convert_element_type3A_167 : vector<256x128xi32> to vector<256x128xf32>
    %dot_general3A_169 = arith.constant dense<0.000000e+00> : vector<128x384xf32>
    %dot_general3A_170 = tpu.matmul %convert_element_type3A_168, %get3A_11, %dot_general3A_169 {dimension_numbers = #tpu.dot_dimension_numbers<[0], [0], [1], [1], [0, 1, 1, 1], [], []>, transpose_lhs_hint = false} : vector<256x128xf32>, vector<256x384xf32>, vector<128x384xf32> -> vector<128x384xf32>
    %slice3A_171 = vector.extract_strided_slice %get3A_2 {offsets = [0, 19, 0], sizes = [1, 1, 128], strides = [1, 1, 1]} : vector<1x50x128xi32> to vector<1x1x128xi32>
    %squeeze3A_172 = vector.shape_cast %slice3A_171 : vector<1x1x128xi32> to vector<1x128xi32>
    %eq3A_173 = vector.broadcast %squeeze3A_172 : vector<1x128xi32> to vector<256x128xi32>
    %eq3A_174 = arith.cmpi eq, %iota3A, %eq3A_173 : vector<256x128xi32>
    %convert_element_type3A_175 = arith.extui %eq3A_174 : vector<256x128xi1> to vector<256x128xi32>
    %convert_element_type3A_176 = arith.sitofp %convert_element_type3A_175 : vector<256x128xi32> to vector<256x128xf32>
    %dot_general3A_177 = arith.constant dense<0.000000e+00> : vector<128x384xf32>
    %dot_general3A_178 = tpu.matmul %convert_element_type3A_176, %get3A_11, %dot_general3A_177 {dimension_numbers = #tpu.dot_dimension_numbers<[0], [0], [1], [1], [0, 1, 1, 1], [], []>, transpose_lhs_hint = false} : vector<256x128xf32>, vector<256x384xf32>, vector<128x384xf32> -> vector<128x384xf32>
    %slice3A_179 = vector.extract_strided_slice %get3A_2 {offsets = [0, 20, 0], sizes = [1, 1, 128], strides = [1, 1, 1]} : vector<1x50x128xi32> to vector<1x1x128xi32>
    %squeeze3A_180 = vector.shape_cast %slice3A_179 : vector<1x1x128xi32> to vector<1x128xi32>
    %eq3A_181 = vector.broadcast %squeeze3A_180 : vector<1x128xi32> to vector<256x128xi32>
    %eq3A_182 = arith.cmpi eq, %iota3A, %eq3A_181 : vector<256x128xi32>
    %convert_element_type3A_183 = arith.extui %eq3A_182 : vector<256x128xi1> to vector<256x128xi32>
    %convert_element_type3A_184 = arith.sitofp %convert_element_type3A_183 : vector<256x128xi32> to vector<256x128xf32>
    %dot_general3A_185 = arith.constant dense<0.000000e+00> : vector<128x384xf32>
    %dot_general3A_186 = tpu.matmul %convert_element_type3A_184, %get3A_11, %dot_general3A_185 {dimension_numbers = #tpu.dot_dimension_numbers<[0], [0], [1], [1], [0, 1, 1, 1], [], []>, transpose_lhs_hint = false} : vector<256x128xf32>, vector<256x384xf32>, vector<128x384xf32> -> vector<128x384xf32>
    %slice3A_187 = vector.extract_strided_slice %get3A_2 {offsets = [0, 21, 0], sizes = [1, 1, 128], strides = [1, 1, 1]} : vector<1x50x128xi32> to vector<1x1x128xi32>
    %squeeze3A_188 = vector.shape_cast %slice3A_187 : vector<1x1x128xi32> to vector<1x128xi32>
    %eq3A_189 = vector.broadcast %squeeze3A_188 : vector<1x128xi32> to vector<256x128xi32>
    %eq3A_190 = arith.cmpi eq, %iota3A, %eq3A_189 : vector<256x128xi32>
    %convert_element_type3A_191 = arith.extui %eq3A_190 : vector<256x128xi1> to vector<256x128xi32>
    %convert_element_type3A_192 = arith.sitofp %convert_element_type3A_191 : vector<256x128xi32> to vector<256x128xf32>
    %dot_general3A_193 = arith.constant dense<0.000000e+00> : vector<128x384xf32>
    %dot_general3A_194 = tpu.matmul %convert_element_type3A_192, %get3A_11, %dot_general3A_193 {dimension_numbers = #tpu.dot_dimension_numbers<[0], [0], [1], [1], [0, 1, 1, 1], [], []>, transpose_lhs_hint = false} : vector<256x128xf32>, vector<256x384xf32>, vector<128x384xf32> -> vector<128x384xf32>
    %slice3A_195 = vector.extract_strided_slice %get3A_2 {offsets = [0, 22, 0], sizes = [1, 1, 128], strides = [1, 1, 1]} : vector<1x50x128xi32> to vector<1x1x128xi32>
    %squeeze3A_196 = vector.shape_cast %slice3A_195 : vector<1x1x128xi32> to vector<1x128xi32>
    %eq3A_197 = vector.broadcast %squeeze3A_196 : vector<1x128xi32> to vector<256x128xi32>
    %eq3A_198 = arith.cmpi eq, %iota3A, %eq3A_197 : vector<256x128xi32>
    %convert_element_type3A_199 = arith.extui %eq3A_198 : vector<256x128xi1> to vector<256x128xi32>
    %convert_element_type3A_200 = arith.sitofp %convert_element_type3A_199 : vector<256x128xi32> to vector<256x128xf32>
    %dot_general3A_201 = arith.constant dense<0.000000e+00> : vector<128x384xf32>
    %dot_general3A_202 = tpu.matmul %convert_element_type3A_200, %get3A_11, %dot_general3A_201 {dimension_numbers = #tpu.dot_dimension_numbers<[0], [0], [1], [1], [0, 1, 1, 1], [], []>, transpose_lhs_hint = false} : vector<256x128xf32>, vector<256x384xf32>, vector<128x384xf32> -> vector<128x384xf32>
    %slice3A_203 = vector.extract_strided_slice %get3A_2 {offsets = [0, 23, 0], sizes = [1, 1, 128], strides = [1, 1, 1]} : vector<1x50x128xi32> to vector<1x1x128xi32>
    %squeeze3A_204 = vector.shape_cast %slice3A_203 : vector<1x1x128xi32> to vector<1x128xi32>
    %eq3A_205 = vector.broadcast %squeeze3A_204 : vector<1x128xi32> to vector<256x128xi32>
    %eq3A_206 = arith.cmpi eq, %iota3A, %eq3A_205 : vector<256x128xi32>
    %convert_element_type3A_207 = arith.extui %eq3A_206 : vector<256x128xi1> to vector<256x128xi32>
    %convert_element_type3A_208 = arith.sitofp %convert_element_type3A_207 : vector<256x128xi32> to vector<256x128xf32>
    %dot_general3A_209 = arith.constant dense<0.000000e+00> : vector<128x384xf32>
    %dot_general3A_210 = tpu.matmul %convert_element_type3A_208, %get3A_11, %dot_general3A_209 {dimension_numbers = #tpu.dot_dimension_numbers<[0], [0], [1], [1], [0, 1, 1, 1], [], []>, transpose_lhs_hint = false} : vector<256x128xf32>, vector<256x384xf32>, vector<128x384xf32> -> vector<128x384xf32>
    %slice3A_211 = vector.extract_strided_slice %get3A_2 {offsets = [0, 24, 0], sizes = [1, 1, 128], strides = [1, 1, 1]} : vector<1x50x128xi32> to vector<1x1x128xi32>
    %squeeze3A_212 = vector.shape_cast %slice3A_211 : vector<1x1x128xi32> to vector<1x128xi32>
    %eq3A_213 = vector.broadcast %squeeze3A_212 : vector<1x128xi32> to vector<256x128xi32>
    %eq3A_214 = arith.cmpi eq, %iota3A, %eq3A_213 : vector<256x128xi32>
    %convert_element_type3A_215 = arith.extui %eq3A_214 : vector<256x128xi1> to vector<256x128xi32>
    %convert_element_type3A_216 = arith.sitofp %convert_element_type3A_215 : vector<256x128xi32> to vector<256x128xf32>
    %dot_general3A_217 = arith.constant dense<0.000000e+00> : vector<128x384xf32>
    %dot_general3A_218 = tpu.matmul %convert_element_type3A_216, %get3A_11, %dot_general3A_217 {dimension_numbers = #tpu.dot_dimension_numbers<[0], [0], [1], [1], [0, 1, 1, 1], [], []>, transpose_lhs_hint = false} : vector<256x128xf32>, vector<256x384xf32>, vector<128x384xf32> -> vector<128x384xf32>
    %slice3A_219 = vector.extract_strided_slice %get3A_2 {offsets = [0, 25, 0], sizes = [1, 1, 128], strides = [1, 1, 1]} : vector<1x50x128xi32> to vector<1x1x128xi32>
    %squeeze3A_220 = vector.shape_cast %slice3A_219 : vector<1x1x128xi32> to vector<1x128xi32>
    %eq3A_221 = vector.broadcast %squeeze3A_220 : vector<1x128xi32> to vector<256x128xi32>
    %eq3A_222 = arith.cmpi eq, %iota3A, %eq3A_221 : vector<256x128xi32>
    %convert_element_type3A_223 = arith.extui %eq3A_222 : vector<256x128xi1> to vector<256x128xi32>
    %convert_element_type3A_224 = arith.sitofp %convert_element_type3A_223 : vector<256x128xi32> to vector<256x128xf32>
    %dot_general3A_225 = arith.constant dense<0.000000e+00> : vector<128x384xf32>
    %dot_general3A_226 = tpu.matmul %convert_element_type3A_224, %get3A_11, %dot_general3A_225 {dimension_numbers = #tpu.dot_dimension_numbers<[0], [0], [1], [1], [0, 1, 1, 1], [], []>, transpose_lhs_hint = false} : vector<256x128xf32>, vector<256x384xf32>, vector<128x384xf32> -> vector<128x384xf32>
    %slice3A_227 = vector.extract_strided_slice %get3A_2 {offsets = [0, 26, 0], sizes = [1, 1, 128], strides = [1, 1, 1]} : vector<1x50x128xi32> to vector<1x1x128xi32>
    %squeeze3A_228 = vector.shape_cast %slice3A_227 : vector<1x1x128xi32> to vector<1x128xi32>
    %eq3A_229 = vector.broadcast %squeeze3A_228 : vector<1x128xi32> to vector<256x128xi32>
    %eq3A_230 = arith.cmpi eq, %iota3A, %eq3A_229 : vector<256x128xi32>
    %convert_element_type3A_231 = arith.extui %eq3A_230 : vector<256x128xi1> to vector<256x128xi32>
    %convert_element_type3A_232 = arith.sitofp %convert_element_type3A_231 : vector<256x128xi32> to vector<256x128xf32>
    %dot_general3A_233 = arith.constant dense<0.000000e+00> : vector<128x384xf32>
    %dot_general3A_234 = tpu.matmul %convert_element_type3A_232, %get3A_11, %dot_general3A_233 {dimension_numbers = #tpu.dot_dimension_numbers<[0], [0], [1], [1], [0, 1, 1, 1], [], []>, transpose_lhs_hint = false} : vector<256x128xf32>, vector<256x384xf32>, vector<128x384xf32> -> vector<128x384xf32>
    %slice3A_235 = vector.extract_strided_slice %get3A_2 {offsets = [0, 27, 0], sizes = [1, 1, 128], strides = [1, 1, 1]} : vector<1x50x128xi32> to vector<1x1x128xi32>
    %squeeze3A_236 = vector.shape_cast %slice3A_235 : vector<1x1x128xi32> to vector<1x128xi32>
    %eq3A_237 = vector.broadcast %squeeze3A_236 : vector<1x128xi32> to vector<256x128xi32>
    %eq3A_238 = arith.cmpi eq, %iota3A, %eq3A_237 : vector<256x128xi32>
    %convert_element_type3A_239 = arith.extui %eq3A_238 : vector<256x128xi1> to vector<256x128xi32>
    %convert_element_type3A_240 = arith.sitofp %convert_element_type3A_239 : vector<256x128xi32> to vector<256x128xf32>
    %dot_general3A_241 = arith.constant dense<0.000000e+00> : vector<128x384xf32>
    %dot_general3A_242 = tpu.matmul %convert_element_type3A_240, %get3A_11, %dot_general3A_241 {dimension_numbers = #tpu.dot_dimension_numbers<[0], [0], [1], [1], [0, 1, 1, 1], [], []>, transpose_lhs_hint = false} : vector<256x128xf32>, vector<256x384xf32>, vector<128x384xf32> -> vector<128x384xf32>
    %slice3A_243 = vector.extract_strided_slice %get3A_2 {offsets = [0, 28, 0], sizes = [1, 1, 128], strides = [1, 1, 1]} : vector<1x50x128xi32> to vector<1x1x128xi32>
    %squeeze3A_244 = vector.shape_cast %slice3A_243 : vector<1x1x128xi32> to vector<1x128xi32>
    %eq3A_245 = vector.broadcast %squeeze3A_244 : vector<1x128xi32> to vector<256x128xi32>
    %eq3A_246 = arith.cmpi eq, %iota3A, %eq3A_245 : vector<256x128xi32>
    %convert_element_type3A_247 = arith.extui %eq3A_246 : vector<256x128xi1> to vector<256x128xi32>
    %convert_element_type3A_248 = arith.sitofp %convert_element_type3A_247 : vector<256x128xi32> to vector<256x128xf32>
    %dot_general3A_249 = arith.constant dense<0.000000e+00> : vector<128x384xf32>
    %dot_general3A_250 = tpu.matmul %convert_element_type3A_248, %get3A_11, %dot_general3A_249 {dimension_numbers = #tpu.dot_dimension_numbers<[0], [0], [1], [1], [0, 1, 1, 1], [], []>, transpose_lhs_hint = false} : vector<256x128xf32>, vector<256x384xf32>, vector<128x384xf32> -> vector<128x384xf32>
    %slice3A_251 = vector.extract_strided_slice %get3A_2 {offsets = [0, 29, 0], sizes = [1, 1, 128], strides = [1, 1, 1]} : vector<1x50x128xi32> to vector<1x1x128xi32>
    %squeeze3A_252 = vector.shape_cast %slice3A_251 : vector<1x1x128xi32> to vector<1x128xi32>
    %eq3A_253 = vector.broadcast %squeeze3A_252 : vector<1x128xi32> to vector<256x128xi32>
    %eq3A_254 = arith.cmpi eq, %iota3A, %eq3A_253 : vector<256x128xi32>
    %convert_element_type3A_255 = arith.extui %eq3A_254 : vector<256x128xi1> to vector<256x128xi32>
    %convert_element_type3A_256 = arith.sitofp %convert_element_type3A_255 : vector<256x128xi32> to vector<256x128xf32>
    %dot_general3A_257 = arith.constant dense<0.000000e+00> : vector<128x384xf32>
    %dot_general3A_258 = tpu.matmul %convert_element_type3A_256, %get3A_11, %dot_general3A_257 {dimension_numbers = #tpu.dot_dimension_numbers<[0], [0], [1], [1], [0, 1, 1, 1], [], []>, transpose_lhs_hint = false} : vector<256x128xf32>, vector<256x384xf32>, vector<128x384xf32> -> vector<128x384xf32>
    %slice3A_259 = vector.extract_strided_slice %get3A_2 {offsets = [0, 30, 0], sizes = [1, 1, 128], strides = [1, 1, 1]} : vector<1x50x128xi32> to vector<1x1x128xi32>
    %squeeze3A_260 = vector.shape_cast %slice3A_259 : vector<1x1x128xi32> to vector<1x128xi32>
    %eq3A_261 = vector.broadcast %squeeze3A_260 : vector<1x128xi32> to vector<256x128xi32>
    %eq3A_262 = arith.cmpi eq, %iota3A, %eq3A_261 : vector<256x128xi32>
    %convert_element_type3A_263 = arith.extui %eq3A_262 : vector<256x128xi1> to vector<256x128xi32>
    %convert_element_type3A_264 = arith.sitofp %convert_element_type3A_263 : vector<256x128xi32> to vector<256x128xf32>
    %dot_general3A_265 = arith.constant dense<0.000000e+00> : vector<128x384xf32>
    %dot_general3A_266 = tpu.matmul %convert_element_type3A_264, %get3A_11, %dot_general3A_265 {dimension_numbers = #tpu.dot_dimension_numbers<[0], [0], [1], [1], [0, 1, 1, 1], [], []>, transpose_lhs_hint = false} : vector<256x128xf32>, vector<256x384xf32>, vector<128x384xf32> -> vector<128x384xf32>
    %slice3A_267 = vector.extract_strided_slice %get3A_2 {offsets = [0, 31, 0], sizes = [1, 1, 128], strides = [1, 1, 1]} : vector<1x50x128xi32> to vector<1x1x128xi32>
    %squeeze3A_268 = vector.shape_cast %slice3A_267 : vector<1x1x128xi32> to vector<1x128xi32>
    %eq3A_269 = vector.broadcast %squeeze3A_268 : vector<1x128xi32> to vector<256x128xi32>
    %eq3A_270 = arith.cmpi eq, %iota3A, %eq3A_269 : vector<256x128xi32>
    %convert_element_type3A_271 = arith.extui %eq3A_270 : vector<256x128xi1> to vector<256x128xi32>
    %convert_element_type3A_272 = arith.sitofp %convert_element_type3A_271 : vector<256x128xi32> to vector<256x128xf32>
    %dot_general3A_273 = arith.constant dense<0.000000e+00> : vector<128x384xf32>
    %dot_general3A_274 = tpu.matmul %convert_element_type3A_272, %get3A_11, %dot_general3A_273 {dimension_numbers = #tpu.dot_dimension_numbers<[0], [0], [1], [1], [0, 1, 1, 1], [], []>, transpose_lhs_hint = false} : vector<256x128xf32>, vector<256x384xf32>, vector<128x384xf32> -> vector<128x384xf32>
    %slice3A_275 = vector.extract_strided_slice %get3A_2 {offsets = [0, 32, 0], sizes = [1, 1, 128], strides = [1, 1, 1]} : vector<1x50x128xi32> to vector<1x1x128xi32>
    %squeeze3A_276 = vector.shape_cast %slice3A_275 : vector<1x1x128xi32> to vector<1x128xi32>
    %eq3A_277 = vector.broadcast %squeeze3A_276 : vector<1x128xi32> to vector<256x128xi32>
    %eq3A_278 = arith.cmpi eq, %iota3A, %eq3A_277 : vector<256x128xi32>
    %convert_element_type3A_279 = arith.extui %eq3A_278 : vector<256x128xi1> to vector<256x128xi32>
    %convert_element_type3A_280 = arith.sitofp %convert_element_type3A_279 : vector<256x128xi32> to vector<256x128xf32>
    %dot_general3A_281 = arith.constant dense<0.000000e+00> : vector<128x384xf32>
    %dot_general3A_282 = tpu.matmul %convert_element_type3A_280, %get3A_11, %dot_general3A_281 {dimension_numbers = #tpu.dot_dimension_numbers<[0], [0], [1], [1], [0, 1, 1, 1], [], []>, transpose_lhs_hint = false} : vector<256x128xf32>, vector<256x384xf32>, vector<128x384xf32> -> vector<128x384xf32>
    %slice3A_283 = vector.extract_strided_slice %get3A_2 {offsets = [0, 33, 0], sizes = [1, 1, 128], strides = [1, 1, 1]} : vector<1x50x128xi32> to vector<1x1x128xi32>
    %squeeze3A_284 = vector.shape_cast %slice3A_283 : vector<1x1x128xi32> to vector<1x128xi32>
    %eq3A_285 = vector.broadcast %squeeze3A_284 : vector<1x128xi32> to vector<256x128xi32>
    %eq3A_286 = arith.cmpi eq, %iota3A, %eq3A_285 : vector<256x128xi32>
    %convert_element_type3A_287 = arith.extui %eq3A_286 : vector<256x128xi1> to vector<256x128xi32>
    %convert_element_type3A_288 = arith.sitofp %convert_element_type3A_287 : vector<256x128xi32> to vector<256x128xf32>
    %dot_general3A_289 = arith.constant dense<0.000000e+00> : vector<128x384xf32>
    %dot_general3A_290 = tpu.matmul %convert_element_type3A_288, %get3A_11, %dot_general3A_289 {dimension_numbers = #tpu.dot_dimension_numbers<[0], [0], [1], [1], [0, 1, 1, 1], [], []>, transpose_lhs_hint = false} : vector<256x128xf32>, vector<256x384xf32>, vector<128x384xf32> -> vector<128x384xf32>
    %slice3A_291 = vector.extract_strided_slice %get3A_2 {offsets = [0, 34, 0], sizes = [1, 1, 128], strides = [1, 1, 1]} : vector<1x50x128xi32> to vector<1x1x128xi32>
    %squeeze3A_292 = vector.shape_cast %slice3A_291 : vector<1x1x128xi32> to vector<1x128xi32>
    %eq3A_293 = vector.broadcast %squeeze3A_292 : vector<1x128xi32> to vector<256x128xi32>
    %eq3A_294 = arith.cmpi eq, %iota3A, %eq3A_293 : vector<256x128xi32>
    %convert_element_type3A_295 = arith.extui %eq3A_294 : vector<256x128xi1> to vector<256x128xi32>
    %convert_element_type3A_296 = arith.sitofp %convert_element_type3A_295 : vector<256x128xi32> to vector<256x128xf32>
    %dot_general3A_297 = arith.constant dense<0.000000e+00> : vector<128x384xf32>
    %dot_general3A_298 = tpu.matmul %convert_element_type3A_296, %get3A_11, %dot_general3A_297 {dimension_numbers = #tpu.dot_dimension_numbers<[0], [0], [1], [1], [0, 1, 1, 1], [], []>, transpose_lhs_hint = false} : vector<256x128xf32>, vector<256x384xf32>, vector<128x384xf32> -> vector<128x384xf32>
    %slice3A_299 = vector.extract_strided_slice %get3A_2 {offsets = [0, 35, 0], sizes = [1, 1, 128], strides = [1, 1, 1]} : vector<1x50x128xi32> to vector<1x1x128xi32>
    %squeeze3A_300 = vector.shape_cast %slice3A_299 : vector<1x1x128xi32> to vector<1x128xi32>
    %eq3A_301 = vector.broadcast %squeeze3A_300 : vector<1x128xi32> to vector<256x128xi32>
    %eq3A_302 = arith.cmpi eq, %iota3A, %eq3A_301 : vector<256x128xi32>
    %convert_element_type3A_303 = arith.extui %eq3A_302 : vector<256x128xi1> to vector<256x128xi32>
    %convert_element_type3A_304 = arith.sitofp %convert_element_type3A_303 : vector<256x128xi32> to vector<256x128xf32>
    %dot_general3A_305 = arith.constant dense<0.000000e+00> : vector<128x384xf32>
    %dot_general3A_306 = tpu.matmul %convert_element_type3A_304, %get3A_11, %dot_general3A_305 {dimension_numbers = #tpu.dot_dimension_numbers<[0], [0], [1], [1], [0, 1, 1, 1], [], []>, transpose_lhs_hint = false} : vector<256x128xf32>, vector<256x384xf32>, vector<128x384xf32> -> vector<128x384xf32>
    %slice3A_307 = vector.extract_strided_slice %get3A_2 {offsets = [0, 36, 0], sizes = [1, 1, 128], strides = [1, 1, 1]} : vector<1x50x128xi32> to vector<1x1x128xi32>
    %squeeze3A_308 = vector.shape_cast %slice3A_307 : vector<1x1x128xi32> to vector<1x128xi32>
    %eq3A_309 = vector.broadcast %squeeze3A_308 : vector<1x128xi32> to vector<256x128xi32>
    %eq3A_310 = arith.cmpi eq, %iota3A, %eq3A_309 : vector<256x128xi32>
    %convert_element_type3A_311 = arith.extui %eq3A_310 : vector<256x128xi1> to vector<256x128xi32>
    %convert_element_type3A_312 = arith.sitofp %convert_element_type3A_311 : vector<256x128xi32> to vector<256x128xf32>
    %dot_general3A_313 = arith.constant dense<0.000000e+00> : vector<128x384xf32>
    %dot_general3A_314 = tpu.matmul %convert_element_type3A_312, %get3A_11, %dot_general3A_313 {dimension_numbers = #tpu.dot_dimension_numbers<[0], [0], [1], [1], [0, 1, 1, 1], [], []>, transpose_lhs_hint = false} : vector<256x128xf32>, vector<256x384xf32>, vector<128x384xf32> -> vector<128x384xf32>
    %slice3A_315 = vector.extract_strided_slice %get3A_2 {offsets = [0, 37, 0], sizes = [1, 1, 128], strides = [1, 1, 1]} : vector<1x50x128xi32> to vector<1x1x128xi32>
    %squeeze3A_316 = vector.shape_cast %slice3A_315 : vector<1x1x128xi32> to vector<1x128xi32>
    %eq3A_317 = vector.broadcast %squeeze3A_316 : vector<1x128xi32> to vector<256x128xi32>
    %eq3A_318 = arith.cmpi eq, %iota3A, %eq3A_317 : vector<256x128xi32>
    %convert_element_type3A_319 = arith.extui %eq3A_318 : vector<256x128xi1> to vector<256x128xi32>
    %convert_element_type3A_320 = arith.sitofp %convert_element_type3A_319 : vector<256x128xi32> to vector<256x128xf32>
    %dot_general3A_321 = arith.constant dense<0.000000e+00> : vector<128x384xf32>
    %dot_general3A_322 = tpu.matmul %convert_element_type3A_320, %get3A_11, %dot_general3A_321 {dimension_numbers = #tpu.dot_dimension_numbers<[0], [0], [1], [1], [0, 1, 1, 1], [], []>, transpose_lhs_hint = false} : vector<256x128xf32>, vector<256x384xf32>, vector<128x384xf32> -> vector<128x384xf32>
    %slice3A_323 = vector.extract_strided_slice %get3A_2 {offsets = [0, 38, 0], sizes = [1, 1, 128], strides = [1, 1, 1]} : vector<1x50x128xi32> to vector<1x1x128xi32>
    %squeeze3A_324 = vector.shape_cast %slice3A_323 : vector<1x1x128xi32> to vector<1x128xi32>
    %eq3A_325 = vector.broadcast %squeeze3A_324 : vector<1x128xi32> to vector<256x128xi32>
    %eq3A_326 = arith.cmpi eq, %iota3A, %eq3A_325 : vector<256x128xi32>
    %convert_element_type3A_327 = arith.extui %eq3A_326 : vector<256x128xi1> to vector<256x128xi32>
    %convert_element_type3A_328 = arith.sitofp %convert_element_type3A_327 : vector<256x128xi32> to vector<256x128xf32>
    %dot_general3A_329 = arith.constant dense<0.000000e+00> : vector<128x384xf32>
    %dot_general3A_330 = tpu.matmul %convert_element_type3A_328, %get3A_11, %dot_general3A_329 {dimension_numbers = #tpu.dot_dimension_numbers<[0], [0], [1], [1], [0, 1, 1, 1], [], []>, transpose_lhs_hint = false} : vector<256x128xf32>, vector<256x384xf32>, vector<128x384xf32> -> vector<128x384xf32>
    %slice3A_331 = vector.extract_strided_slice %get3A_2 {offsets = [0, 39, 0], sizes = [1, 1, 128], strides = [1, 1, 1]} : vector<1x50x128xi32> to vector<1x1x128xi32>
    %squeeze3A_332 = vector.shape_cast %slice3A_331 : vector<1x1x128xi32> to vector<1x128xi32>
    %eq3A_333 = vector.broadcast %squeeze3A_332 : vector<1x128xi32> to vector<256x128xi32>
    %eq3A_334 = arith.cmpi eq, %iota3A, %eq3A_333 : vector<256x128xi32>
    %convert_element_type3A_335 = arith.extui %eq3A_334 : vector<256x128xi1> to vector<256x128xi32>
    %convert_element_type3A_336 = arith.sitofp %convert_element_type3A_335 : vector<256x128xi32> to vector<256x128xf32>
    %dot_general3A_337 = arith.constant dense<0.000000e+00> : vector<128x384xf32>
    %dot_general3A_338 = tpu.matmul %convert_element_type3A_336, %get3A_11, %dot_general3A_337 {dimension_numbers = #tpu.dot_dimension_numbers<[0], [0], [1], [1], [0, 1, 1, 1], [], []>, transpose_lhs_hint = false} : vector<256x128xf32>, vector<256x384xf32>, vector<128x384xf32> -> vector<128x384xf32>
    %slice3A_339 = vector.extract_strided_slice %get3A_2 {offsets = [0, 40, 0], sizes = [1, 1, 128], strides = [1, 1, 1]} : vector<1x50x128xi32> to vector<1x1x128xi32>
    %squeeze3A_340 = vector.shape_cast %slice3A_339 : vector<1x1x128xi32> to vector<1x128xi32>
    %eq3A_341 = vector.broadcast %squeeze3A_340 : vector<1x128xi32> to vector<256x128xi32>
    %eq3A_342 = arith.cmpi eq, %iota3A, %eq3A_341 : vector<256x128xi32>
    %convert_element_type3A_343 = arith.extui %eq3A_342 : vector<256x128xi1> to vector<256x128xi32>
    %convert_element_type3A_344 = arith.sitofp %convert_element_type3A_343 : vector<256x128xi32> to vector<256x128xf32>
    %dot_general3A_345 = arith.constant dense<0.000000e+00> : vector<128x384xf32>
    %dot_general3A_346 = tpu.matmul %convert_element_type3A_344, %get3A_11, %dot_general3A_345 {dimension_numbers = #tpu.dot_dimension_numbers<[0], [0], [1], [1], [0, 1, 1, 1], [], []>, transpose_lhs_hint = false} : vector<256x128xf32>, vector<256x384xf32>, vector<128x384xf32> -> vector<128x384xf32>
    %slice3A_347 = vector.extract_strided_slice %get3A_2 {offsets = [0, 41, 0], sizes = [1, 1, 128], strides = [1, 1, 1]} : vector<1x50x128xi32> to vector<1x1x128xi32>
    %squeeze3A_348 = vector.shape_cast %slice3A_347 : vector<1x1x128xi32> to vector<1x128xi32>
    %eq3A_349 = vector.broadcast %squeeze3A_348 : vector<1x128xi32> to vector<256x128xi32>
    %eq3A_350 = arith.cmpi eq, %iota3A, %eq3A_349 : vector<256x128xi32>
    %convert_element_type3A_351 = arith.extui %eq3A_350 : vector<256x128xi1> to vector<256x128xi32>
    %convert_element_type3A_352 = arith.sitofp %convert_element_type3A_351 : vector<256x128xi32> to vector<256x128xf32>
    %dot_general3A_353 = arith.constant dense<0.000000e+00> : vector<128x384xf32>
    %dot_general3A_354 = tpu.matmul %convert_element_type3A_352, %get3A_11, %dot_general3A_353 {dimension_numbers = #tpu.dot_dimension_numbers<[0], [0], [1], [1], [0, 1, 1, 1], [], []>, transpose_lhs_hint = false} : vector<256x128xf32>, vector<256x384xf32>, vector<128x384xf32> -> vector<128x384xf32>
    %slice3A_355 = vector.extract_strided_slice %get3A_2 {offsets = [0, 42, 0], sizes = [1, 1, 128], strides = [1, 1, 1]} : vector<1x50x128xi32> to vector<1x1x128xi32>
    %squeeze3A_356 = vector.shape_cast %slice3A_355 : vector<1x1x128xi32> to vector<1x128xi32>
    %eq3A_357 = vector.broadcast %squeeze3A_356 : vector<1x128xi32> to vector<256x128xi32>
    %eq3A_358 = arith.cmpi eq, %iota3A, %eq3A_357 : vector<256x128xi32>
    %convert_element_type3A_359 = arith.extui %eq3A_358 : vector<256x128xi1> to vector<256x128xi32>
    %convert_element_type3A_360 = arith.sitofp %convert_element_type3A_359 : vector<256x128xi32> to vector<256x128xf32>
    %dot_general3A_361 = arith.constant dense<0.000000e+00> : vector<128x384xf32>
    %dot_general3A_362 = tpu.matmul %convert_element_type3A_360, %get3A_11, %dot_general3A_361 {dimension_numbers = #tpu.dot_dimension_numbers<[0], [0], [1], [1], [0, 1, 1, 1], [], []>, transpose_lhs_hint = false} : vector<256x128xf32>, vector<256x384xf32>, vector<128x384xf32> -> vector<128x384xf32>
    %slice3A_363 = vector.extract_strided_slice %get3A_2 {offsets = [0, 43, 0], sizes = [1, 1, 128], strides = [1, 1, 1]} : vector<1x50x128xi32> to vector<1x1x128xi32>
    %squeeze3A_364 = vector.shape_cast %slice3A_363 : vector<1x1x128xi32> to vector<1x128xi32>
    %eq3A_365 = vector.broadcast %squeeze3A_364 : vector<1x128xi32> to vector<256x128xi32>
    %eq3A_366 = arith.cmpi eq, %iota3A, %eq3A_365 : vector<256x128xi32>
    %convert_element_type3A_367 = arith.extui %eq3A_366 : vector<256x128xi1> to vector<256x128xi32>
    %convert_element_type3A_368 = arith.sitofp %convert_element_type3A_367 : vector<256x128xi32> to vector<256x128xf32>
    %dot_general3A_369 = arith.constant dense<0.000000e+00> : vector<128x384xf32>
    %dot_general3A_370 = tpu.matmul %convert_element_type3A_368, %get3A_11, %dot_general3A_369 {dimension_numbers = #tpu.dot_dimension_numbers<[0], [0], [1], [1], [0, 1, 1, 1], [], []>, transpose_lhs_hint = false} : vector<256x128xf32>, vector<256x384xf32>, vector<128x384xf32> -> vector<128x384xf32>
    %slice3A_371 = vector.extract_strided_slice %get3A_2 {offsets = [0, 44, 0], sizes = [1, 1, 128], strides = [1, 1, 1]} : vector<1x50x128xi32> to vector<1x1x128xi32>
    %squeeze3A_372 = vector.shape_cast %slice3A_371 : vector<1x1x128xi32> to vector<1x128xi32>
    %eq3A_373 = vector.broadcast %squeeze3A_372 : vector<1x128xi32> to vector<256x128xi32>
    %eq3A_374 = arith.cmpi eq, %iota3A, %eq3A_373 : vector<256x128xi32>
    %convert_element_type3A_375 = arith.extui %eq3A_374 : vector<256x128xi1> to vector<256x128xi32>
    %convert_element_type3A_376 = arith.sitofp %convert_element_type3A_375 : vector<256x128xi32> to vector<256x128xf32>
    %dot_general3A_377 = arith.constant dense<0.000000e+00> : vector<128x384xf32>
    %dot_general3A_378 = tpu.matmul %convert_element_type3A_376, %get3A_11, %dot_general3A_377 {dimension_numbers = #tpu.dot_dimension_numbers<[0], [0], [1], [1], [0, 1, 1, 1], [], []>, transpose_lhs_hint = false} : vector<256x128xf32>, vector<256x384xf32>, vector<128x384xf32> -> vector<128x384xf32>
    %slice3A_379 = vector.extract_strided_slice %get3A_2 {offsets = [0, 45, 0], sizes = [1, 1, 128], strides = [1, 1, 1]} : vector<1x50x128xi32> to vector<1x1x128xi32>
    %squeeze3A_380 = vector.shape_cast %slice3A_379 : vector<1x1x128xi32> to vector<1x128xi32>
    %eq3A_381 = vector.broadcast %squeeze3A_380 : vector<1x128xi32> to vector<256x128xi32>
    %eq3A_382 = arith.cmpi eq, %iota3A, %eq3A_381 : vector<256x128xi32>
    %convert_element_type3A_383 = arith.extui %eq3A_382 : vector<256x128xi1> to vector<256x128xi32>
    %convert_element_type3A_384 = arith.sitofp %convert_element_type3A_383 : vector<256x128xi32> to vector<256x128xf32>
    %dot_general3A_385 = arith.constant dense<0.000000e+00> : vector<128x384xf32>
    %dot_general3A_386 = tpu.matmul %convert_element_type3A_384, %get3A_11, %dot_general3A_385 {dimension_numbers = #tpu.dot_dimension_numbers<[0], [0], [1], [1], [0, 1, 1, 1], [], []>, transpose_lhs_hint = false} : vector<256x128xf32>, vector<256x384xf32>, vector<128x384xf32> -> vector<128x384xf32>
    %slice3A_387 = vector.extract_strided_slice %get3A_2 {offsets = [0, 46, 0], sizes = [1, 1, 128], strides = [1, 1, 1]} : vector<1x50x128xi32> to vector<1x1x128xi32>
    %squeeze3A_388 = vector.shape_cast %slice3A_387 : vector<1x1x128xi32> to vector<1x128xi32>
    %eq3A_389 = vector.broadcast %squeeze3A_388 : vector<1x128xi32> to vector<256x128xi32>
    %eq3A_390 = arith.cmpi eq, %iota3A, %eq3A_389 : vector<256x128xi32>
    %convert_element_type3A_391 = arith.extui %eq3A_390 : vector<256x128xi1> to vector<256x128xi32>
    %convert_element_type3A_392 = arith.sitofp %convert_element_type3A_391 : vector<256x128xi32> to vector<256x128xf32>
    %dot_general3A_393 = arith.constant dense<0.000000e+00> : vector<128x384xf32>
    %dot_general3A_394 = tpu.matmul %convert_element_type3A_392, %get3A_11, %dot_general3A_393 {dimension_numbers = #tpu.dot_dimension_numbers<[0], [0], [1], [1], [0, 1, 1, 1], [], []>, transpose_lhs_hint = false} : vector<256x128xf32>, vector<256x384xf32>, vector<128x384xf32> -> vector<128x384xf32>
    %slice3A_395 = vector.extract_strided_slice %get3A_2 {offsets = [0, 47, 0], sizes = [1, 1, 128], strides = [1, 1, 1]} : vector<1x50x128xi32> to vector<1x1x128xi32>
    %squeeze3A_396 = vector.shape_cast %slice3A_395 : vector<1x1x128xi32> to vector<1x128xi32>
    %eq3A_397 = vector.broadcast %squeeze3A_396 : vector<1x128xi32> to vector<256x128xi32>
    %eq3A_398 = arith.cmpi eq, %iota3A, %eq3A_397 : vector<256x128xi32>
    %convert_element_type3A_399 = arith.extui %eq3A_398 : vector<256x128xi1> to vector<256x128xi32>
    %convert_element_type3A_400 = arith.sitofp %convert_element_type3A_399 : vector<256x128xi32> to vector<256x128xf32>
    %dot_general3A_401 = arith.constant dense<0.000000e+00> : vector<128x384xf32>
    %dot_general3A_402 = tpu.matmul %convert_element_type3A_400, %get3A_11, %dot_general3A_401 {dimension_numbers = #tpu.dot_dimension_numbers<[0], [0], [1], [1], [0, 1, 1, 1], [], []>, transpose_lhs_hint = false} : vector<256x128xf32>, vector<256x384xf32>, vector<128x384xf32> -> vector<128x384xf32>
    %slice3A_403 = vector.extract_strided_slice %get3A_2 {offsets = [0, 48, 0], sizes = [1, 1, 128], strides = [1, 1, 1]} : vector<1x50x128xi32> to vector<1x1x128xi32>
    %squeeze3A_404 = vector.shape_cast %slice3A_403 : vector<1x1x128xi32> to vector<1x128xi32>
    %eq3A_405 = vector.broadcast %squeeze3A_404 : vector<1x128xi32> to vector<256x128xi32>
    %eq3A_406 = arith.cmpi eq, %iota3A, %eq3A_405 : vector<256x128xi32>
    %convert_element_type3A_407 = arith.extui %eq3A_406 : vector<256x128xi1> to vector<256x128xi32>
    %convert_element_type3A_408 = arith.sitofp %convert_element_type3A_407 : vector<256x128xi32> to vector<256x128xf32>
    %dot_general3A_409 = arith.constant dense<0.000000e+00> : vector<128x384xf32>
    %dot_general3A_410 = tpu.matmul %convert_element_type3A_408, %get3A_11, %dot_general3A_409 {dimension_numbers = #tpu.dot_dimension_numbers<[0], [0], [1], [1], [0, 1, 1, 1], [], []>, transpose_lhs_hint = false} : vector<256x128xf32>, vector<256x384xf32>, vector<128x384xf32> -> vector<128x384xf32>
    %slice3A_411 = vector.extract_strided_slice %get3A_2 {offsets = [0, 49, 0], sizes = [1, 1, 128], strides = [1, 1, 1]} : vector<1x50x128xi32> to vector<1x1x128xi32>
    %squeeze3A_412 = vector.shape_cast %slice3A_411 : vector<1x1x128xi32> to vector<1x128xi32>
    %eq3A_413 = vector.broadcast %squeeze3A_412 : vector<1x128xi32> to vector<256x128xi32>
    %eq3A_414 = arith.cmpi eq, %iota3A, %eq3A_413 : vector<256x128xi32>
    %convert_element_type3A_415 = arith.extui %eq3A_414 : vector<256x128xi1> to vector<256x128xi32>
    %convert_element_type3A_416 = arith.sitofp %convert_element_type3A_415 : vector<256x128xi32> to vector<256x128xf32>
    %dot_general3A_417 = arith.constant dense<0.000000e+00> : vector<128x384xf32>
    %dot_general3A_418 = tpu.matmul %convert_element_type3A_416, %get3A_11, %dot_general3A_417 {dimension_numbers = #tpu.dot_dimension_numbers<[0], [0], [1], [1], [0, 1, 1, 1], [], []>, transpose_lhs_hint = false} : vector<256x128xf32>, vector<256x384xf32>, vector<128x384xf32> -> vector<128x384xf32>
    %concatenate3A = tpu.concatenate %dot_general3A_26, %dot_general3A_34, %dot_general3A_42, %dot_general3A_50, %dot_general3A_58, %dot_general3A_66, %dot_general3A_74, %dot_general3A_82, %dot_general3A_90, %dot_general3A_98, %dot_general3A_106, %dot_general3A_114, %dot_general3A_122, %dot_general3A_130, %dot_general3A_138, %dot_general3A_146, %dot_general3A_154, %dot_general3A_162, %dot_general3A_170, %dot_general3A_178, %dot_general3A_186, %dot_general3A_194, %dot_general3A_202, %dot_general3A_210, %dot_general3A_218, %dot_general3A_226, %dot_general3A_234, %dot_general3A_242, %dot_general3A_250, %dot_general3A_258, %dot_general3A_266, %dot_general3A_274, %dot_general3A_282, %dot_general3A_290, %dot_general3A_298, %dot_general3A_306, %dot_general3A_314, %dot_general3A_322, %dot_general3A_330, %dot_general3A_338, %dot_general3A_346, %dot_general3A_354, %dot_general3A_362, %dot_general3A_370, %dot_general3A_378, %dot_general3A_386, %dot_general3A_394, %dot_general3A_402, %dot_general3A_410, %dot_general3A_418 in 0 : vector<128x384xf32>, vector<128x384xf32>, vector<128x384xf32>, vector<128x384xf32>, vector<128x384xf32>, vector<128x384xf32>, vector<128x384xf32>, vector<128x384xf32>, vector<128x384xf32>, vector<128x384xf32>, vector<128x384xf32>, vector<128x384xf32>, vector<128x384xf32>, vector<128x384xf32>, vector<128x384xf32>, vector<128x384xf32>, vector<128x384xf32>, vector<128x384xf32>, vector<128x384xf32>, vector<128x384xf32>, vector<128x384xf32>, vector<128x384xf32>, vector<128x384xf32>, vector<128x384xf32>, vector<128x384xf32>, vector<128x384xf32>, vector<128x384xf32>, vector<128x384xf32>, vector<128x384xf32>, vector<128x384xf32>, vector<128x384xf32>, vector<128x384xf32>, vector<128x384xf32>, vector<128x384xf32>, vector<128x384xf32>, vector<128x384xf32>, vector<128x384xf32>, vector<128x384xf32>, vector<128x384xf32>, vector<128x384xf32>, vector<128x384xf32>, vector<128x384xf32>, vector<128x384xf32>, vector<128x384xf32>, vector<128x384xf32>, vector<128x384xf32>, vector<128x384xf32>, vector<128x384xf32>, vector<128x384xf32>, vector<128x384xf32> -> vector<6400x384xf32>
    %dot_general3A_419 = arith.constant dense<0.000000e+00> : vector<6400x256xf32>
    %dot_general3A_420 = tpu.matmul %get3A_5, %get3A_14, %dot_general3A_419 {dimension_numbers = #tpu.dot_dimension_numbers<[1], [0], [0], [1], [0, 0, 1, 1], [], []>, transpose_lhs_hint = false} : vector<6400x128xf32>, vector<128x256xf32>, vector<6400x256xf32> -> vector<6400x256xf32>
    %slice3A_421 = vector.extract_strided_slice %concatenate3A {offsets = [0, 0], sizes = [6400, 128], strides = [1, 1]} : vector<6400x384xf32> to vector<6400x128xf32>
    %mul3A = arith.mulf %slice3A_421, %get3A_8 : vector<6400x128xf32>
    %slice3A_422 = vector.extract_strided_slice %dot_general3A_420 {offsets = [0, 0], sizes = [6400, 128], strides = [1, 1]} : vector<6400x256xf32> to vector<6400x128xf32>
    %add3A = arith.addf %mul3A, %slice3A_422 : vector<6400x128xf32>
    %add3A_423 = vector.broadcast %get3A_20 : vector<1x128xf32> to vector<6400x128xf32>
    %add3A_424 = arith.addf %add3A, %add3A_423 : vector<6400x128xf32>
    %logistic3A = arith.negf %add3A_424 : vector<6400x128xf32>
    %logistic3A_425 = math.exp %logistic3A : vector<6400x128xf32>
    %logistic3A_426 = arith.constant 1.000000e+00 : f32
    %logistic3A_427 = vector.broadcast %logistic3A_426 : f32 to vector<6400x128xf32>
    %logistic3A_428 = arith.addf %logistic3A_427, %logistic3A_425 : vector<6400x128xf32>
    %logistic3A_429 = arith.divf %logistic3A_427, %logistic3A_428 : vector<6400x128xf32>
    %slice3A_430 = vector.extract_strided_slice %concatenate3A {offsets = [0, 128], sizes = [6400, 128], strides = [1, 1]} : vector<6400x384xf32> to vector<6400x128xf32>
    %mul3A_431 = arith.mulf %slice3A_430, %get3A_8 : vector<6400x128xf32>
    %slice3A_432 = vector.extract_strided_slice %dot_general3A_420 {offsets = [0, 128], sizes = [6400, 128], strides = [1, 1]} : vector<6400x256xf32> to vector<6400x128xf32>
    %add3A_433 = arith.addf %mul3A_431, %slice3A_432 : vector<6400x128xf32>
    %add3A_434 = vector.broadcast %get3A_23 : vector<1x128xf32> to vector<6400x128xf32>
    %add3A_435 = arith.addf %add3A_433, %add3A_434 : vector<6400x128xf32>
    %logistic3A_436 = arith.negf %add3A_435 : vector<6400x128xf32>
    %logistic3A_437 = math.exp %logistic3A_436 : vector<6400x128xf32>
    %logistic3A_438 = arith.constant 1.000000e+00 : f32
    %logistic3A_439 = vector.broadcast %logistic3A_438 : f32 to vector<6400x128xf32>
    %logistic3A_440 = arith.addf %logistic3A_439, %logistic3A_437 : vector<6400x128xf32>
    %logistic3A_441 = arith.divf %logistic3A_439, %logistic3A_440 : vector<6400x128xf32>
    %slice3A_442 = vector.extract_strided_slice %concatenate3A {offsets = [0, 256], sizes = [6400, 128], strides = [1, 1]} : vector<6400x384xf32> to vector<6400x128xf32>
    %mul3A_443 = arith.mulf %slice3A_442, %get3A_8 : vector<6400x128xf32>
    %mul3A_444 = arith.mulf %logistic3A_441, %get3A_5 : vector<6400x128xf32>
    %dot_general3A_445 = arith.constant dense<0.000000e+00> : vector<6400x128xf32>
    %dot_general3A_446 = tpu.matmul %mul3A_444, %get3A_17, %dot_general3A_445 {dimension_numbers = #tpu.dot_dimension_numbers<[1], [0], [0], [1], [0, 0, 1, 1], [], []>, transpose_lhs_hint = false} : vector<6400x128xf32>, vector<128x128xf32>, vector<6400x128xf32> -> vector<6400x128xf32>
    %add3A_447 = arith.addf %mul3A_443, %dot_general3A_446 : vector<6400x128xf32>
    %tanh3A = math.tanh %add3A_447 : vector<6400x128xf32>
    %mul3A_448 = arith.mulf %logistic3A_429, %tanh3A : vector<6400x128xf32>
    %sub3A = arith.constant 1.000000e+00 : f32
    %sub3A_449 = vector.broadcast %sub3A : f32 to vector<6400x128xf32>
    %sub3A_450 = arith.subf %sub3A_449, %logistic3A_429 : vector<6400x128xf32>
    %mul3A_451 = arith.mulf %sub3A_450, %get3A_5 : vector<6400x128xf32>
    %add3A_452 = arith.addf %mul3A_448, %mul3A_451 : vector<6400x128xf32>
    %swap3A = arith.constant 0 : index
    %swap3A_453 = arith.constant 0 : index
    %swap3A_454 = vector.load %arg10[%swap3A, %swap3A_453] : memref<6400x128xf32, #tpu.memory_space<vmem>>, vector<6400x128xf32>
    tpu.vector_store %arg10[%swap3A, %swap3A_453], %add3A_452 {strides = array<i32>} : memref<6400x128xf32, #tpu.memory_space<vmem>>, vector<6400x128xf32>,
    return
  }
  func.func @transform_0(%arg0: i32) -> (i32, i32, i32) {
    %add3A = arith.constant 5 : i32
    %add3A_0 = arith.addi %add3A, %arg0 : i32
    %c0_i32 = arith.constant 0 : i32
    %c0_i32_1 = arith.constant 0 : i32
    %c0_i32_2 = arith.constant 0 : i32
    return %add3A_0, %c0_i32, %c0_i32_1 : i32, i32, i32
  }
  func.func @transform_1(%arg0: i32) -> (i32, i32) {
    %c0_i32 = arith.constant 0 : i32
    %c0_i32_0 = arith.constant 0 : i32
    return %arg0, %c0_i32 : i32, i32
  }
  func.func @transform_2(%arg0: i32) -> (i32, i32) {
    %add3A = arith.constant 5 : i32
    %add3A_0 = arith.addi %add3A, %arg0 : i32
    %c0_i32 = arith.constant 0 : i32
    %c0_i32_1 = arith.constant 0 : i32
    return %add3A_0, %c0_i32 : i32, i32
  }
  func.func @transform_3(%arg0: i32) -> (i32, i32) {
    %c0_i32 = arith.constant 0 : i32
    %c0_i32_0 = arith.constant 0 : i32
    %c0_i32_1 = arith.constant 0 : i32
    return %c0_i32, %c0_i32_0 : i32, i32
  }
  func.func @transform_4(%arg0: i32) -> (i32, i32) {
    %c0_i32 = arith.constant 0 : i32
    %c0_i32_0 = arith.constant 0 : i32
    %c0_i32_1 = arith.constant 0 : i32
    return %c0_i32, %c0_i32_0 : i32, i32
  }
  func.func @transform_5(%arg0: i32) -> (i32, i32) {
    %c0_i32 = arith.constant 0 : i32
    %c0_i32_0 = arith.constant 0 : i32
    %c0_i32_1 = arith.constant 0 : i32
    return %c0_i32, %c0_i32_0 : i32, i32
  }
  func.func @transform_6(%arg0: i32) -> (i32, i32) {
    %c0_i32 = arith.constant 0 : i32
    %c0_i32_0 = arith.constant 0 : i32
    %c0_i32_1 = arith.constant 0 : i32
    return %c0_i32, %c0_i32_0 : i32, i32
  }
  func.func @transform_7(%arg0: i32) -> (i32, i32) {
    %c0_i32 = arith.constant 0 : i32
    %c0_i32_0 = arith.constant 0 : i32
    %c0_i32_1 = arith.constant 0 : i32
    return %c0_i32, %c0_i32_0 : i32, i32
  }
  func.func @transform_8(%arg0: i32) -> (i32, i32) {
    %c0_i32 = arith.constant 0 : i32
    %c0_i32_0 = arith.constant 0 : i32
    %c0_i32_1 = arith.constant 0 : i32
    return %c0_i32, %c0_i32_0 : i32, i32
  }
  func.func @transform_9(%arg0: i32) -> (i32, i32) {
    %add3A = arith.constant 5 : i32
    %add3A_0 = arith.addi %add3A, %arg0 : i32
    %c0_i32 = arith.constant 0 : i32
    %c0_i32_1 = arith.constant 0 : i32
    return %add3A_0, %c0_i32 : i32, i32
  }
}

module attributes {stable_mosaic.version = 14 : i64} {
  func.func @_tc_body_alias(%arg0: i32, %arg1: memref<1x50x128xi32, #tpu.memory_space<vmem>>, %arg2: memref<6400x128xf32, #tpu.memory_space<vmem>>, %arg3: memref<6400x128xf32, #tpu.memory_space<vmem>>, %arg4: memref<256x384xf32, #tpu.memory_space<vmem>>, %arg5: memref<128x256xf32, #tpu.memory_space<vmem>>, %arg6: memref<128x128xf32, #tpu.memory_space<vmem>>, %arg7: memref<1x128xf32, #tpu.memory_space<vmem>>, %arg8: memref<1x128xf32, #tpu.memory_space<vmem>>, %arg9: memref<8x128xf32, #tpu.memory_space<vmem>>, %arg10: memref<6400x128xf32, #tpu.memory_space<vmem>>) attributes {dimension_semantics = [#tpu.dimension_semantics<arbitrary>], iteration_bounds = array<i64: 12>, scalar_prefetch = 0 : i64, scratch_operands = 0 : i64, tpu.core_type = #tpu.core_type<tc>, window_params = [{transform_indices = @transform_0, window_bounds = array<i64: 1, 50, 128>}, {transform_indices = @transform_1, window_bounds = array<i64: 6400, 128>}, {transform_indices = @transform_2, window_bounds = array<i64: 6400, 128>}, {pipeline_mode = #tpu.pipeline_mode<synchronous>, transform_indices = @transform_3, window_bounds = array<i64: 256, 384>}, {pipeline_mode = #tpu.pipeline_mode<synchronous>, transform_indices = @transform_4, window_bounds = array<i64: 128, 256>}, {pipeline_mode = #tpu.pipeline_mode<synchronous>, transform_indices = @transform_5, window_bounds = array<i64: 128, 128>}, {pipeline_mode = #tpu.pipeline_mode<synchronous>, transform_indices = @transform_6, window_bounds = array<i64: 1, 128>}, {pipeline_mode = #tpu.pipeline_mode<synchronous>, transform_indices = @transform_7, window_bounds = array<i64: 1, 128>}, {transform_indices = @transform_8, window_bounds = array<i64: 8, 128>}, {transform_indices = @transform_9, window_bounds = array<i64: 6400, 128>}]} {
    %get3A = arith.constant 0 : index
    %get3A_0 = arith.constant 0 : index
    %get3A_1 = arith.constant 0 : index
    %get3A_2 = vector.load %arg1[%get3A, %get3A_0, %get3A_1] : memref<1x50x128xi32, #tpu.memory_space<vmem>>, vector<1x50x128xi32>
    %get3A_3 = arith.constant 0 : index
    %get3A_4 = arith.constant 0 : index
    %get3A_5 = vector.load %arg2[%get3A_3, %get3A_4] : memref<6400x128xf32, #tpu.memory_space<vmem>>, vector<6400x128xf32>
    %get3A_6 = arith.constant 0 : index
    %get3A_7 = arith.constant 0 : index
    %get3A_8 = vector.load %arg3[%get3A_6, %get3A_7] : memref<6400x128xf32, #tpu.memory_space<vmem>>, vector<6400x128xf32>
    %get3A_9 = arith.constant 0 : index
    %get3A_10 = arith.constant 0 : index
    %get3A_11 = vector.load %arg4[%get3A_9, %get3A_10] : memref<256x384xf32, #tpu.memory_space<vmem>>, vector<256x384xf32>
    %get3A_12 = arith.constant 0 : index
    %get3A_13 = arith.constant 0 : index
    %get3A_14 = vector.load %arg5[%get3A_12, %get3A_13] : memref<128x256xf32, #tpu.memory_space<vmem>>, vector<128x256xf32>
    %get3A_15 = arith.constant 0 : index
    %get3A_16 = arith.constant 0 : index
    %get3A_17 = vector.load %arg6[%get3A_15, %get3A_16] : memref<128x128xf32, #tpu.memory_space<vmem>>, vector<128x128xf32>
    %get3A_18 = arith.constant 0 : index
    %get3A_19 = arith.constant 0 : index
    %get3A_20 = vector.load %arg7[%get3A_18, %get3A_19] : memref<1x128xf32, #tpu.memory_space<vmem>>, vector<1x128xf32>
    %get3A_21 = arith.constant 0 : index
    %get3A_22 = arith.constant 0 : index
    %get3A_23 = vector.load %arg8[%get3A_21, %get3A_22] : memref<1x128xf32, #tpu.memory_space<vmem>>, vector<1x128xf32>
    %iota3A = tpu.iota {dimensions = array<i32: 0>} : vector<256x128xi32>
    %slice3A = vector.extract_strided_slice %get3A_2 {offsets = [0, 0, 0], sizes = [1, 1, 128], strides = [1, 1, 1]} : vector<1x50x128xi32> to vector<1x1x128xi32>
    %squeeze3A = vector.shape_cast %slice3A : vector<1x1x128xi32> to vector<1x128xi32>
    %eq3A = vector.broadcast %squeeze3A : vector<1x128xi32> to vector<256x128xi32>
    %eq3A_24 = arith.cmpi eq, %iota3A, %eq3A : vector<256x128xi32>
    %convert_element_type3A = arith.extui %eq3A_24 : vector<256x128xi1> to vector<256x128xi32>
    %convert_element_type3A_25 = arith.sitofp %convert_element_type3A : vector<256x128xi32> to vector<256x128xf32>
    %dot_general3A = arith.constant dense<0.000000e+00> : vector<128x384xf32>
    %dot_general3A_26 = tpu.matmul %convert_element_type3A_25, %get3A_11, %dot_general3A {dimension_numbers = #tpu.dot_dimension_numbers<[0], [0], [1], [1], [0, 1, 1, 1], [], []>, transpose_lhs_hint = false} : vector<256x128xf32>, vector<256x384xf32>, vector<128x384xf32> -> vector<128x384xf32>
    %slice3A_27 = vector.extract_strided_slice %get3A_2 {offsets = [0, 1, 0], sizes = [1, 1, 128], strides = [1, 1, 1]} : vector<1x50x128xi32> to vector<1x1x128xi32>
    %squeeze3A_28 = vector.shape_cast %slice3A_27 : vector<1x1x128xi32> to vector<1x128xi32>
    %eq3A_29 = vector.broadcast %squeeze3A_28 : vector<1x128xi32> to vector<256x128xi32>
    %eq3A_30 = arith.cmpi eq, %iota3A, %eq3A_29 : vector<256x128xi32>
    %convert_element_type3A_31 = arith.extui %eq3A_30 : vector<256x128xi1> to vector<256x128xi32>
    %convert_element_type3A_32 = arith.sitofp %convert_element_type3A_31 : vector<256x128xi32> to vector<256x128xf32>
    %dot_general3A_33 = arith.constant dense<0.000000e+00> : vector<128x384xf32>
    %dot_general3A_34 = tpu.matmul %convert_element_type3A_32, %get3A_11, %dot_general3A_33 {dimension_numbers = #tpu.dot_dimension_numbers<[0], [0], [1], [1], [0, 1, 1, 1], [], []>, transpose_lhs_hint = false} : vector<256x128xf32>, vector<256x384xf32>, vector<128x384xf32> -> vector<128x384xf32>
    %slice3A_35 = vector.extract_strided_slice %get3A_2 {offsets = [0, 2, 0], sizes = [1, 1, 128], strides = [1, 1, 1]} : vector<1x50x128xi32> to vector<1x1x128xi32>
    %squeeze3A_36 = vector.shape_cast %slice3A_35 : vector<1x1x128xi32> to vector<1x128xi32>
    %eq3A_37 = vector.broadcast %squeeze3A_36 : vector<1x128xi32> to vector<256x128xi32>
    %eq3A_38 = arith.cmpi eq, %iota3A, %eq3A_37 : vector<256x128xi32>
    %convert_element_type3A_39 = arith.extui %eq3A_38 : vector<256x128xi1> to vector<256x128xi32>
    %convert_element_type3A_40 = arith.sitofp %convert_element_type3A_39 : vector<256x128xi32> to vector<256x128xf32>
    %dot_general3A_41 = arith.constant dense<0.000000e+00> : vector<128x384xf32>
    %dot_general3A_42 = tpu.matmul %convert_element_type3A_40, %get3A_11, %dot_general3A_41 {dimension_numbers = #tpu.dot_dimension_numbers<[0], [0], [1], [1], [0, 1, 1, 1], [], []>, transpose_lhs_hint = false} : vector<256x128xf32>, vector<256x384xf32>, vector<128x384xf32> -> vector<128x384xf32>
    %slice3A_43 = vector.extract_strided_slice %get3A_2 {offsets = [0, 3, 0], sizes = [1, 1, 128], strides = [1, 1, 1]} : vector<1x50x128xi32> to vector<1x1x128xi32>
    %squeeze3A_44 = vector.shape_cast %slice3A_43 : vector<1x1x128xi32> to vector<1x128xi32>
    %eq3A_45 = vector.broadcast %squeeze3A_44 : vector<1x128xi32> to vector<256x128xi32>
    %eq3A_46 = arith.cmpi eq, %iota3A, %eq3A_45 : vector<256x128xi32>
    %convert_element_type3A_47 = arith.extui %eq3A_46 : vector<256x128xi1> to vector<256x128xi32>
    %convert_element_type3A_48 = arith.sitofp %convert_element_type3A_47 : vector<256x128xi32> to vector<256x128xf32>
    %dot_general3A_49 = arith.constant dense<0.000000e+00> : vector<128x384xf32>
    %dot_general3A_50 = tpu.matmul %convert_element_type3A_48, %get3A_11, %dot_general3A_49 {dimension_numbers = #tpu.dot_dimension_numbers<[0], [0], [1], [1], [0, 1, 1, 1], [], []>, transpose_lhs_hint = false} : vector<256x128xf32>, vector<256x384xf32>, vector<128x384xf32> -> vector<128x384xf32>
    %slice3A_51 = vector.extract_strided_slice %get3A_2 {offsets = [0, 4, 0], sizes = [1, 1, 128], strides = [1, 1, 1]} : vector<1x50x128xi32> to vector<1x1x128xi32>
    %squeeze3A_52 = vector.shape_cast %slice3A_51 : vector<1x1x128xi32> to vector<1x128xi32>
    %eq3A_53 = vector.broadcast %squeeze3A_52 : vector<1x128xi32> to vector<256x128xi32>
    %eq3A_54 = arith.cmpi eq, %iota3A, %eq3A_53 : vector<256x128xi32>
    %convert_element_type3A_55 = arith.extui %eq3A_54 : vector<256x128xi1> to vector<256x128xi32>
    %convert_element_type3A_56 = arith.sitofp %convert_element_type3A_55 : vector<256x128xi32> to vector<256x128xf32>
    %dot_general3A_57 = arith.constant dense<0.000000e+00> : vector<128x384xf32>
    %dot_general3A_58 = tpu.matmul %convert_element_type3A_56, %get3A_11, %dot_general3A_57 {dimension_numbers = #tpu.dot_dimension_numbers<[0], [0], [1], [1], [0, 1, 1, 1], [], []>, transpose_lhs_hint = false} : vector<256x128xf32>, vector<256x384xf32>, vector<128x384xf32> -> vector<128x384xf32>
    %slice3A_59 = vector.extract_strided_slice %get3A_2 {offsets = [0, 5, 0], sizes = [1, 1, 128], strides = [1, 1, 1]} : vector<1x50x128xi32> to vector<1x1x128xi32>
    %squeeze3A_60 = vector.shape_cast %slice3A_59 : vector<1x1x128xi32> to vector<1x128xi32>
    %eq3A_61 = vector.broadcast %squeeze3A_60 : vector<1x128xi32> to vector<256x128xi32>
    %eq3A_62 = arith.cmpi eq, %iota3A, %eq3A_61 : vector<256x128xi32>
    %convert_element_type3A_63 = arith.extui %eq3A_62 : vector<256x128xi1> to vector<256x128xi32>
    %convert_element_type3A_64 = arith.sitofp %convert_element_type3A_63 : vector<256x128xi32> to vector<256x128xf32>
    %dot_general3A_65 = arith.constant dense<0.000000e+00> : vector<128x384xf32>
    %dot_general3A_66 = tpu.matmul %convert_element_type3A_64, %get3A_11, %dot_general3A_65 {dimension_numbers = #tpu.dot_dimension_numbers<[0], [0], [1], [1], [0, 1, 1, 1], [], []>, transpose_lhs_hint = false} : vector<256x128xf32>, vector<256x384xf32>, vector<128x384xf32> -> vector<128x384xf32>
    %slice3A_67 = vector.extract_strided_slice %get3A_2 {offsets = [0, 6, 0], sizes = [1, 1, 128], strides = [1, 1, 1]} : vector<1x50x128xi32> to vector<1x1x128xi32>
    %squeeze3A_68 = vector.shape_cast %slice3A_67 : vector<1x1x128xi32> to vector<1x128xi32>
    %eq3A_69 = vector.broadcast %squeeze3A_68 : vector<1x128xi32> to vector<256x128xi32>
    %eq3A_70 = arith.cmpi eq, %iota3A, %eq3A_69 : vector<256x128xi32>
    %convert_element_type3A_71 = arith.extui %eq3A_70 : vector<256x128xi1> to vector<256x128xi32>
    %convert_element_type3A_72 = arith.sitofp %convert_element_type3A_71 : vector<256x128xi32> to vector<256x128xf32>
    %dot_general3A_73 = arith.constant dense<0.000000e+00> : vector<128x384xf32>
    %dot_general3A_74 = tpu.matmul %convert_element_type3A_72, %get3A_11, %dot_general3A_73 {dimension_numbers = #tpu.dot_dimension_numbers<[0], [0], [1], [1], [0, 1, 1, 1], [], []>, transpose_lhs_hint = false} : vector<256x128xf32>, vector<256x384xf32>, vector<128x384xf32> -> vector<128x384xf32>
    %slice3A_75 = vector.extract_strided_slice %get3A_2 {offsets = [0, 7, 0], sizes = [1, 1, 128], strides = [1, 1, 1]} : vector<1x50x128xi32> to vector<1x1x128xi32>
    %squeeze3A_76 = vector.shape_cast %slice3A_75 : vector<1x1x128xi32> to vector<1x128xi32>
    %eq3A_77 = vector.broadcast %squeeze3A_76 : vector<1x128xi32> to vector<256x128xi32>
    %eq3A_78 = arith.cmpi eq, %iota3A, %eq3A_77 : vector<256x128xi32>
    %convert_element_type3A_79 = arith.extui %eq3A_78 : vector<256x128xi1> to vector<256x128xi32>
    %convert_element_type3A_80 = arith.sitofp %convert_element_type3A_79 : vector<256x128xi32> to vector<256x128xf32>
    %dot_general3A_81 = arith.constant dense<0.000000e+00> : vector<128x384xf32>
    %dot_general3A_82 = tpu.matmul %convert_element_type3A_80, %get3A_11, %dot_general3A_81 {dimension_numbers = #tpu.dot_dimension_numbers<[0], [0], [1], [1], [0, 1, 1, 1], [], []>, transpose_lhs_hint = false} : vector<256x128xf32>, vector<256x384xf32>, vector<128x384xf32> -> vector<128x384xf32>
    %slice3A_83 = vector.extract_strided_slice %get3A_2 {offsets = [0, 8, 0], sizes = [1, 1, 128], strides = [1, 1, 1]} : vector<1x50x128xi32> to vector<1x1x128xi32>
    %squeeze3A_84 = vector.shape_cast %slice3A_83 : vector<1x1x128xi32> to vector<1x128xi32>
    %eq3A_85 = vector.broadcast %squeeze3A_84 : vector<1x128xi32> to vector<256x128xi32>
    %eq3A_86 = arith.cmpi eq, %iota3A, %eq3A_85 : vector<256x128xi32>
    %convert_element_type3A_87 = arith.extui %eq3A_86 : vector<256x128xi1> to vector<256x128xi32>
    %convert_element_type3A_88 = arith.sitofp %convert_element_type3A_87 : vector<256x128xi32> to vector<256x128xf32>
    %dot_general3A_89 = arith.constant dense<0.000000e+00> : vector<128x384xf32>
    %dot_general3A_90 = tpu.matmul %convert_element_type3A_88, %get3A_11, %dot_general3A_89 {dimension_numbers = #tpu.dot_dimension_numbers<[0], [0], [1], [1], [0, 1, 1, 1], [], []>, transpose_lhs_hint = false} : vector<256x128xf32>, vector<256x384xf32>, vector<128x384xf32> -> vector<128x384xf32>
    %slice3A_91 = vector.extract_strided_slice %get3A_2 {offsets = [0, 9, 0], sizes = [1, 1, 128], strides = [1, 1, 1]} : vector<1x50x128xi32> to vector<1x1x128xi32>
    %squeeze3A_92 = vector.shape_cast %slice3A_91 : vector<1x1x128xi32> to vector<1x128xi32>
    %eq3A_93 = vector.broadcast %squeeze3A_92 : vector<1x128xi32> to vector<256x128xi32>
    %eq3A_94 = arith.cmpi eq, %iota3A, %eq3A_93 : vector<256x128xi32>
    %convert_element_type3A_95 = arith.extui %eq3A_94 : vector<256x128xi1> to vector<256x128xi32>
    %convert_element_type3A_96 = arith.sitofp %convert_element_type3A_95 : vector<256x128xi32> to vector<256x128xf32>
    %dot_general3A_97 = arith.constant dense<0.000000e+00> : vector<128x384xf32>
    %dot_general3A_98 = tpu.matmul %convert_element_type3A_96, %get3A_11, %dot_general3A_97 {dimension_numbers = #tpu.dot_dimension_numbers<[0], [0], [1], [1], [0, 1, 1, 1], [], []>, transpose_lhs_hint = false} : vector<256x128xf32>, vector<256x384xf32>, vector<128x384xf32> -> vector<128x384xf32>
    %slice3A_99 = vector.extract_strided_slice %get3A_2 {offsets = [0, 10, 0], sizes = [1, 1, 128], strides = [1, 1, 1]} : vector<1x50x128xi32> to vector<1x1x128xi32>
    %squeeze3A_100 = vector.shape_cast %slice3A_99 : vector<1x1x128xi32> to vector<1x128xi32>
    %eq3A_101 = vector.broadcast %squeeze3A_100 : vector<1x128xi32> to vector<256x128xi32>
    %eq3A_102 = arith.cmpi eq, %iota3A, %eq3A_101 : vector<256x128xi32>
    %convert_element_type3A_103 = arith.extui %eq3A_102 : vector<256x128xi1> to vector<256x128xi32>
    %convert_element_type3A_104 = arith.sitofp %convert_element_type3A_103 : vector<256x128xi32> to vector<256x128xf32>
    %dot_general3A_105 = arith.constant dense<0.000000e+00> : vector<128x384xf32>
    %dot_general3A_106 = tpu.matmul %convert_element_type3A_104, %get3A_11, %dot_general3A_105 {dimension_numbers = #tpu.dot_dimension_numbers<[0], [0], [1], [1], [0, 1, 1, 1], [], []>, transpose_lhs_hint = false} : vector<256x128xf32>, vector<256x384xf32>, vector<128x384xf32> -> vector<128x384xf32>
    %slice3A_107 = vector.extract_strided_slice %get3A_2 {offsets = [0, 11, 0], sizes = [1, 1, 128], strides = [1, 1, 1]} : vector<1x50x128xi32> to vector<1x1x128xi32>
    %squeeze3A_108 = vector.shape_cast %slice3A_107 : vector<1x1x128xi32> to vector<1x128xi32>
    %eq3A_109 = vector.broadcast %squeeze3A_108 : vector<1x128xi32> to vector<256x128xi32>
    %eq3A_110 = arith.cmpi eq, %iota3A, %eq3A_109 : vector<256x128xi32>
    %convert_element_type3A_111 = arith.extui %eq3A_110 : vector<256x128xi1> to vector<256x128xi32>
    %convert_element_type3A_112 = arith.sitofp %convert_element_type3A_111 : vector<256x128xi32> to vector<256x128xf32>
    %dot_general3A_113 = arith.constant dense<0.000000e+00> : vector<128x384xf32>
    %dot_general3A_114 = tpu.matmul %convert_element_type3A_112, %get3A_11, %dot_general3A_113 {dimension_numbers = #tpu.dot_dimension_numbers<[0], [0], [1], [1], [0, 1, 1, 1], [], []>, transpose_lhs_hint = false} : vector<256x128xf32>, vector<256x384xf32>, vector<128x384xf32> -> vector<128x384xf32>
    %slice3A_115 = vector.extract_strided_slice %get3A_2 {offsets = [0, 12, 0], sizes = [1, 1, 128], strides = [1, 1, 1]} : vector<1x50x128xi32> to vector<1x1x128xi32>
    %squeeze3A_116 = vector.shape_cast %slice3A_115 : vector<1x1x128xi32> to vector<1x128xi32>
    %eq3A_117 = vector.broadcast %squeeze3A_116 : vector<1x128xi32> to vector<256x128xi32>
    %eq3A_118 = arith.cmpi eq, %iota3A, %eq3A_117 : vector<256x128xi32>
    %convert_element_type3A_119 = arith.extui %eq3A_118 : vector<256x128xi1> to vector<256x128xi32>
    %convert_element_type3A_120 = arith.sitofp %convert_element_type3A_119 : vector<256x128xi32> to vector<256x128xf32>
    %dot_general3A_121 = arith.constant dense<0.000000e+00> : vector<128x384xf32>
    %dot_general3A_122 = tpu.matmul %convert_element_type3A_120, %get3A_11, %dot_general3A_121 {dimension_numbers = #tpu.dot_dimension_numbers<[0], [0], [1], [1], [0, 1, 1, 1], [], []>, transpose_lhs_hint = false} : vector<256x128xf32>, vector<256x384xf32>, vector<128x384xf32> -> vector<128x384xf32>
    %slice3A_123 = vector.extract_strided_slice %get3A_2 {offsets = [0, 13, 0], sizes = [1, 1, 128], strides = [1, 1, 1]} : vector<1x50x128xi32> to vector<1x1x128xi32>
    %squeeze3A_124 = vector.shape_cast %slice3A_123 : vector<1x1x128xi32> to vector<1x128xi32>
    %eq3A_125 = vector.broadcast %squeeze3A_124 : vector<1x128xi32> to vector<256x128xi32>
    %eq3A_126 = arith.cmpi eq, %iota3A, %eq3A_125 : vector<256x128xi32>
    %convert_element_type3A_127 = arith.extui %eq3A_126 : vector<256x128xi1> to vector<256x128xi32>
    %convert_element_type3A_128 = arith.sitofp %convert_element_type3A_127 : vector<256x128xi32> to vector<256x128xf32>
    %dot_general3A_129 = arith.constant dense<0.000000e+00> : vector<128x384xf32>
    %dot_general3A_130 = tpu.matmul %convert_element_type3A_128, %get3A_11, %dot_general3A_129 {dimension_numbers = #tpu.dot_dimension_numbers<[0], [0], [1], [1], [0, 1, 1, 1], [], []>, transpose_lhs_hint = false} : vector<256x128xf32>, vector<256x384xf32>, vector<128x384xf32> -> vector<128x384xf32>
    %slice3A_131 = vector.extract_strided_slice %get3A_2 {offsets = [0, 14, 0], sizes = [1, 1, 128], strides = [1, 1, 1]} : vector<1x50x128xi32> to vector<1x1x128xi32>
    %squeeze3A_132 = vector.shape_cast %slice3A_131 : vector<1x1x128xi32> to vector<1x128xi32>
    %eq3A_133 = vector.broadcast %squeeze3A_132 : vector<1x128xi32> to vector<256x128xi32>
    %eq3A_134 = arith.cmpi eq, %iota3A, %eq3A_133 : vector<256x128xi32>
    %convert_element_type3A_135 = arith.extui %eq3A_134 : vector<256x128xi1> to vector<256x128xi32>
    %convert_element_type3A_136 = arith.sitofp %convert_element_type3A_135 : vector<256x128xi32> to vector<256x128xf32>
    %dot_general3A_137 = arith.constant dense<0.000000e+00> : vector<128x384xf32>
    %dot_general3A_138 = tpu.matmul %convert_element_type3A_136, %get3A_11, %dot_general3A_137 {dimension_numbers = #tpu.dot_dimension_numbers<[0], [0], [1], [1], [0, 1, 1, 1], [], []>, transpose_lhs_hint = false} : vector<256x128xf32>, vector<256x384xf32>, vector<128x384xf32> -> vector<128x384xf32>
    %slice3A_139 = vector.extract_strided_slice %get3A_2 {offsets = [0, 15, 0], sizes = [1, 1, 128], strides = [1, 1, 1]} : vector<1x50x128xi32> to vector<1x1x128xi32>
    %squeeze3A_140 = vector.shape_cast %slice3A_139 : vector<1x1x128xi32> to vector<1x128xi32>
    %eq3A_141 = vector.broadcast %squeeze3A_140 : vector<1x128xi32> to vector<256x128xi32>
    %eq3A_142 = arith.cmpi eq, %iota3A, %eq3A_141 : vector<256x128xi32>
    %convert_element_type3A_143 = arith.extui %eq3A_142 : vector<256x128xi1> to vector<256x128xi32>
    %convert_element_type3A_144 = arith.sitofp %convert_element_type3A_143 : vector<256x128xi32> to vector<256x128xf32>
    %dot_general3A_145 = arith.constant dense<0.000000e+00> : vector<128x384xf32>
    %dot_general3A_146 = tpu.matmul %convert_element_type3A_144, %get3A_11, %dot_general3A_145 {dimension_numbers = #tpu.dot_dimension_numbers<[0], [0], [1], [1], [0, 1, 1, 1], [], []>, transpose_lhs_hint = false} : vector<256x128xf32>, vector<256x384xf32>, vector<128x384xf32> -> vector<128x384xf32>
    %slice3A_147 = vector.extract_strided_slice %get3A_2 {offsets = [0, 16, 0], sizes = [1, 1, 128], strides = [1, 1, 1]} : vector<1x50x128xi32> to vector<1x1x128xi32>
    %squeeze3A_148 = vector.shape_cast %slice3A_147 : vector<1x1x128xi32> to vector<1x128xi32>
    %eq3A_149 = vector.broadcast %squeeze3A_148 : vector<1x128xi32> to vector<256x128xi32>
    %eq3A_150 = arith.cmpi eq, %iota3A, %eq3A_149 : vector<256x128xi32>
    %convert_element_type3A_151 = arith.extui %eq3A_150 : vector<256x128xi1> to vector<256x128xi32>
    %convert_element_type3A_152 = arith.sitofp %convert_element_type3A_151 : vector<256x128xi32> to vector<256x128xf32>
    %dot_general3A_153 = arith.constant dense<0.000000e+00> : vector<128x384xf32>
    %dot_general3A_154 = tpu.matmul %convert_element_type3A_152, %get3A_11, %dot_general3A_153 {dimension_numbers = #tpu.dot_dimension_numbers<[0], [0], [1], [1], [0, 1, 1, 1], [], []>, transpose_lhs_hint = false} : vector<256x128xf32>, vector<256x384xf32>, vector<128x384xf32> -> vector<128x384xf32>
    %slice3A_155 = vector.extract_strided_slice %get3A_2 {offsets = [0, 17, 0], sizes = [1, 1, 128], strides = [1, 1, 1]} : vector<1x50x128xi32> to vector<1x1x128xi32>
    %squeeze3A_156 = vector.shape_cast %slice3A_155 : vector<1x1x128xi32> to vector<1x128xi32>
    %eq3A_157 = vector.broadcast %squeeze3A_156 : vector<1x128xi32> to vector<256x128xi32>
    %eq3A_158 = arith.cmpi eq, %iota3A, %eq3A_157 : vector<256x128xi32>
    %convert_element_type3A_159 = arith.extui %eq3A_158 : vector<256x128xi1> to vector<256x128xi32>
    %convert_element_type3A_160 = arith.sitofp %convert_element_type3A_159 : vector<256x128xi32> to vector<256x128xf32>
    %dot_general3A_161 = arith.constant dense<0.000000e+00> : vector<128x384xf32>
    %dot_general3A_162 = tpu.matmul %convert_element_type3A_160, %get3A_11, %dot_general3A_161 {dimension_numbers = #tpu.dot_dimension_numbers<[0], [0], [1], [1], [0, 1, 1, 1], [], []>, transpose_lhs_hint = false} : vector<256x128xf32>, vector<256x384xf32>, vector<128x384xf32> -> vector<128x384xf32>
    %slice3A_163 = vector.extract_strided_slice %get3A_2 {offsets = [0, 18, 0], sizes = [1, 1, 128], strides = [1, 1, 1]} : vector<1x50x128xi32> to vector<1x1x128xi32>
    %squeeze3A_164 = vector.shape_cast %slice3A_163 : vector<1x1x128xi32> to vector<1x128xi32>
    %eq3A_165 = vector.broadcast %squeeze3A_164 : vector<1x128xi32> to vector<256x128xi32>
    %eq3A_166 = arith.cmpi eq, %iota3A, %eq3A_165 : vector<256x128xi32>
    %convert_element_type3A_167 = arith.extui %eq3A_166 : vector<256x128xi1> to vector<256x128xi32>
    %convert_element_type3A_168 = arith.sitofp %convert_element_type3A_167 : vector<256x128xi32> to vector<256x128xf32>
    %dot_general3A_169 = arith.constant dense<0.000000e+00> : vector<128x384xf32>
    %dot_general3A_170 = tpu.matmul %convert_element_type3A_168, %get3A_11, %dot_general3A_169 {dimension_numbers = #tpu.dot_dimension_numbers<[0], [0], [1], [1], [0, 1, 1, 1], [], []>, transpose_lhs_hint = false} : vector<256x128xf32>, vector<256x384xf32>, vector<128x384xf32> -> vector<128x384xf32>
    %slice3A_171 = vector.extract_strided_slice %get3A_2 {offsets = [0, 19, 0], sizes = [1, 1, 128], strides = [1, 1, 1]} : vector<1x50x128xi32> to vector<1x1x128xi32>
    %squeeze3A_172 = vector.shape_cast %slice3A_171 : vector<1x1x128xi32> to vector<1x128xi32>
    %eq3A_173 = vector.broadcast %squeeze3A_172 : vector<1x128xi32> to vector<256x128xi32>
    %eq3A_174 = arith.cmpi eq, %iota3A, %eq3A_173 : vector<256x128xi32>
    %convert_element_type3A_175 = arith.extui %eq3A_174 : vector<256x128xi1> to vector<256x128xi32>
    %convert_element_type3A_176 = arith.sitofp %convert_element_type3A_175 : vector<256x128xi32> to vector<256x128xf32>
    %dot_general3A_177 = arith.constant dense<0.000000e+00> : vector<128x384xf32>
    %dot_general3A_178 = tpu.matmul %convert_element_type3A_176, %get3A_11, %dot_general3A_177 {dimension_numbers = #tpu.dot_dimension_numbers<[0], [0], [1], [1], [0, 1, 1, 1], [], []>, transpose_lhs_hint = false} : vector<256x128xf32>, vector<256x384xf32>, vector<128x384xf32> -> vector<128x384xf32>
    %slice3A_179 = vector.extract_strided_slice %get3A_2 {offsets = [0, 20, 0], sizes = [1, 1, 128], strides = [1, 1, 1]} : vector<1x50x128xi32> to vector<1x1x128xi32>
    %squeeze3A_180 = vector.shape_cast %slice3A_179 : vector<1x1x128xi32> to vector<1x128xi32>
    %eq3A_181 = vector.broadcast %squeeze3A_180 : vector<1x128xi32> to vector<256x128xi32>
    %eq3A_182 = arith.cmpi eq, %iota3A, %eq3A_181 : vector<256x128xi32>
    %convert_element_type3A_183 = arith.extui %eq3A_182 : vector<256x128xi1> to vector<256x128xi32>
    %convert_element_type3A_184 = arith.sitofp %convert_element_type3A_183 : vector<256x128xi32> to vector<256x128xf32>
    %dot_general3A_185 = arith.constant dense<0.000000e+00> : vector<128x384xf32>
    %dot_general3A_186 = tpu.matmul %convert_element_type3A_184, %get3A_11, %dot_general3A_185 {dimension_numbers = #tpu.dot_dimension_numbers<[0], [0], [1], [1], [0, 1, 1, 1], [], []>, transpose_lhs_hint = false} : vector<256x128xf32>, vector<256x384xf32>, vector<128x384xf32> -> vector<128x384xf32>
    %slice3A_187 = vector.extract_strided_slice %get3A_2 {offsets = [0, 21, 0], sizes = [1, 1, 128], strides = [1, 1, 1]} : vector<1x50x128xi32> to vector<1x1x128xi32>
    %squeeze3A_188 = vector.shape_cast %slice3A_187 : vector<1x1x128xi32> to vector<1x128xi32>
    %eq3A_189 = vector.broadcast %squeeze3A_188 : vector<1x128xi32> to vector<256x128xi32>
    %eq3A_190 = arith.cmpi eq, %iota3A, %eq3A_189 : vector<256x128xi32>
    %convert_element_type3A_191 = arith.extui %eq3A_190 : vector<256x128xi1> to vector<256x128xi32>
    %convert_element_type3A_192 = arith.sitofp %convert_element_type3A_191 : vector<256x128xi32> to vector<256x128xf32>
    %dot_general3A_193 = arith.constant dense<0.000000e+00> : vector<128x384xf32>
    %dot_general3A_194 = tpu.matmul %convert_element_type3A_192, %get3A_11, %dot_general3A_193 {dimension_numbers = #tpu.dot_dimension_numbers<[0], [0], [1], [1], [0, 1, 1, 1], [], []>, transpose_lhs_hint = false} : vector<256x128xf32>, vector<256x384xf32>, vector<128x384xf32> -> vector<128x384xf32>
    %slice3A_195 = vector.extract_strided_slice %get3A_2 {offsets = [0, 22, 0], sizes = [1, 1, 128], strides = [1, 1, 1]} : vector<1x50x128xi32> to vector<1x1x128xi32>
    %squeeze3A_196 = vector.shape_cast %slice3A_195 : vector<1x1x128xi32> to vector<1x128xi32>
    %eq3A_197 = vector.broadcast %squeeze3A_196 : vector<1x128xi32> to vector<256x128xi32>
    %eq3A_198 = arith.cmpi eq, %iota3A, %eq3A_197 : vector<256x128xi32>
    %convert_element_type3A_199 = arith.extui %eq3A_198 : vector<256x128xi1> to vector<256x128xi32>
    %convert_element_type3A_200 = arith.sitofp %convert_element_type3A_199 : vector<256x128xi32> to vector<256x128xf32>
    %dot_general3A_201 = arith.constant dense<0.000000e+00> : vector<128x384xf32>
    %dot_general3A_202 = tpu.matmul %convert_element_type3A_200, %get3A_11, %dot_general3A_201 {dimension_numbers = #tpu.dot_dimension_numbers<[0], [0], [1], [1], [0, 1, 1, 1], [], []>, transpose_lhs_hint = false} : vector<256x128xf32>, vector<256x384xf32>, vector<128x384xf32> -> vector<128x384xf32>
    %slice3A_203 = vector.extract_strided_slice %get3A_2 {offsets = [0, 23, 0], sizes = [1, 1, 128], strides = [1, 1, 1]} : vector<1x50x128xi32> to vector<1x1x128xi32>
    %squeeze3A_204 = vector.shape_cast %slice3A_203 : vector<1x1x128xi32> to vector<1x128xi32>
    %eq3A_205 = vector.broadcast %squeeze3A_204 : vector<1x128xi32> to vector<256x128xi32>
    %eq3A_206 = arith.cmpi eq, %iota3A, %eq3A_205 : vector<256x128xi32>
    %convert_element_type3A_207 = arith.extui %eq3A_206 : vector<256x128xi1> to vector<256x128xi32>
    %convert_element_type3A_208 = arith.sitofp %convert_element_type3A_207 : vector<256x128xi32> to vector<256x128xf32>
    %dot_general3A_209 = arith.constant dense<0.000000e+00> : vector<128x384xf32>
    %dot_general3A_210 = tpu.matmul %convert_element_type3A_208, %get3A_11, %dot_general3A_209 {dimension_numbers = #tpu.dot_dimension_numbers<[0], [0], [1], [1], [0, 1, 1, 1], [], []>, transpose_lhs_hint = false} : vector<256x128xf32>, vector<256x384xf32>, vector<128x384xf32> -> vector<128x384xf32>
    %slice3A_211 = vector.extract_strided_slice %get3A_2 {offsets = [0, 24, 0], sizes = [1, 1, 128], strides = [1, 1, 1]} : vector<1x50x128xi32> to vector<1x1x128xi32>
    %squeeze3A_212 = vector.shape_cast %slice3A_211 : vector<1x1x128xi32> to vector<1x128xi32>
    %eq3A_213 = vector.broadcast %squeeze3A_212 : vector<1x128xi32> to vector<256x128xi32>
    %eq3A_214 = arith.cmpi eq, %iota3A, %eq3A_213 : vector<256x128xi32>
    %convert_element_type3A_215 = arith.extui %eq3A_214 : vector<256x128xi1> to vector<256x128xi32>
    %convert_element_type3A_216 = arith.sitofp %convert_element_type3A_215 : vector<256x128xi32> to vector<256x128xf32>
    %dot_general3A_217 = arith.constant dense<0.000000e+00> : vector<128x384xf32>
    %dot_general3A_218 = tpu.matmul %convert_element_type3A_216, %get3A_11, %dot_general3A_217 {dimension_numbers = #tpu.dot_dimension_numbers<[0], [0], [1], [1], [0, 1, 1, 1], [], []>, transpose_lhs_hint = false} : vector<256x128xf32>, vector<256x384xf32>, vector<128x384xf32> -> vector<128x384xf32>
    %slice3A_219 = vector.extract_strided_slice %get3A_2 {offsets = [0, 25, 0], sizes = [1, 1, 128], strides = [1, 1, 1]} : vector<1x50x128xi32> to vector<1x1x128xi32>
    %squeeze3A_220 = vector.shape_cast %slice3A_219 : vector<1x1x128xi32> to vector<1x128xi32>
    %eq3A_221 = vector.broadcast %squeeze3A_220 : vector<1x128xi32> to vector<256x128xi32>
    %eq3A_222 = arith.cmpi eq, %iota3A, %eq3A_221 : vector<256x128xi32>
    %convert_element_type3A_223 = arith.extui %eq3A_222 : vector<256x128xi1> to vector<256x128xi32>
    %convert_element_type3A_224 = arith.sitofp %convert_element_type3A_223 : vector<256x128xi32> to vector<256x128xf32>
    %dot_general3A_225 = arith.constant dense<0.000000e+00> : vector<128x384xf32>
    %dot_general3A_226 = tpu.matmul %convert_element_type3A_224, %get3A_11, %dot_general3A_225 {dimension_numbers = #tpu.dot_dimension_numbers<[0], [0], [1], [1], [0, 1, 1, 1], [], []>, transpose_lhs_hint = false} : vector<256x128xf32>, vector<256x384xf32>, vector<128x384xf32> -> vector<128x384xf32>
    %slice3A_227 = vector.extract_strided_slice %get3A_2 {offsets = [0, 26, 0], sizes = [1, 1, 128], strides = [1, 1, 1]} : vector<1x50x128xi32> to vector<1x1x128xi32>
    %squeeze3A_228 = vector.shape_cast %slice3A_227 : vector<1x1x128xi32> to vector<1x128xi32>
    %eq3A_229 = vector.broadcast %squeeze3A_228 : vector<1x128xi32> to vector<256x128xi32>
    %eq3A_230 = arith.cmpi eq, %iota3A, %eq3A_229 : vector<256x128xi32>
    %convert_element_type3A_231 = arith.extui %eq3A_230 : vector<256x128xi1> to vector<256x128xi32>
    %convert_element_type3A_232 = arith.sitofp %convert_element_type3A_231 : vector<256x128xi32> to vector<256x128xf32>
    %dot_general3A_233 = arith.constant dense<0.000000e+00> : vector<128x384xf32>
    %dot_general3A_234 = tpu.matmul %convert_element_type3A_232, %get3A_11, %dot_general3A_233 {dimension_numbers = #tpu.dot_dimension_numbers<[0], [0], [1], [1], [0, 1, 1, 1], [], []>, transpose_lhs_hint = false} : vector<256x128xf32>, vector<256x384xf32>, vector<128x384xf32> -> vector<128x384xf32>
    %slice3A_235 = vector.extract_strided_slice %get3A_2 {offsets = [0, 27, 0], sizes = [1, 1, 128], strides = [1, 1, 1]} : vector<1x50x128xi32> to vector<1x1x128xi32>
    %squeeze3A_236 = vector.shape_cast %slice3A_235 : vector<1x1x128xi32> to vector<1x128xi32>
    %eq3A_237 = vector.broadcast %squeeze3A_236 : vector<1x128xi32> to vector<256x128xi32>
    %eq3A_238 = arith.cmpi eq, %iota3A, %eq3A_237 : vector<256x128xi32>
    %convert_element_type3A_239 = arith.extui %eq3A_238 : vector<256x128xi1> to vector<256x128xi32>
    %convert_element_type3A_240 = arith.sitofp %convert_element_type3A_239 : vector<256x128xi32> to vector<256x128xf32>
    %dot_general3A_241 = arith.constant dense<0.000000e+00> : vector<128x384xf32>
    %dot_general3A_242 = tpu.matmul %convert_element_type3A_240, %get3A_11, %dot_general3A_241 {dimension_numbers = #tpu.dot_dimension_numbers<[0], [0], [1], [1], [0, 1, 1, 1], [], []>, transpose_lhs_hint = false} : vector<256x128xf32>, vector<256x384xf32>, vector<128x384xf32> -> vector<128x384xf32>
    %slice3A_243 = vector.extract_strided_slice %get3A_2 {offsets = [0, 28, 0], sizes = [1, 1, 128], strides = [1, 1, 1]} : vector<1x50x128xi32> to vector<1x1x128xi32>
    %squeeze3A_244 = vector.shape_cast %slice3A_243 : vector<1x1x128xi32> to vector<1x128xi32>
    %eq3A_245 = vector.broadcast %squeeze3A_244 : vector<1x128xi32> to vector<256x128xi32>
    %eq3A_246 = arith.cmpi eq, %iota3A, %eq3A_245 : vector<256x128xi32>
    %convert_element_type3A_247 = arith.extui %eq3A_246 : vector<256x128xi1> to vector<256x128xi32>
    %convert_element_type3A_248 = arith.sitofp %convert_element_type3A_247 : vector<256x128xi32> to vector<256x128xf32>
    %dot_general3A_249 = arith.constant dense<0.000000e+00> : vector<128x384xf32>
    %dot_general3A_250 = tpu.matmul %convert_element_type3A_248, %get3A_11, %dot_general3A_249 {dimension_numbers = #tpu.dot_dimension_numbers<[0], [0], [1], [1], [0, 1, 1, 1], [], []>, transpose_lhs_hint = false} : vector<256x128xf32>, vector<256x384xf32>, vector<128x384xf32> -> vector<128x384xf32>
    %slice3A_251 = vector.extract_strided_slice %get3A_2 {offsets = [0, 29, 0], sizes = [1, 1, 128], strides = [1, 1, 1]} : vector<1x50x128xi32> to vector<1x1x128xi32>
    %squeeze3A_252 = vector.shape_cast %slice3A_251 : vector<1x1x128xi32> to vector<1x128xi32>
    %eq3A_253 = vector.broadcast %squeeze3A_252 : vector<1x128xi32> to vector<256x128xi32>
    %eq3A_254 = arith.cmpi eq, %iota3A, %eq3A_253 : vector<256x128xi32>
    %convert_element_type3A_255 = arith.extui %eq3A_254 : vector<256x128xi1> to vector<256x128xi32>
    %convert_element_type3A_256 = arith.sitofp %convert_element_type3A_255 : vector<256x128xi32> to vector<256x128xf32>
    %dot_general3A_257 = arith.constant dense<0.000000e+00> : vector<128x384xf32>
    %dot_general3A_258 = tpu.matmul %convert_element_type3A_256, %get3A_11, %dot_general3A_257 {dimension_numbers = #tpu.dot_dimension_numbers<[0], [0], [1], [1], [0, 1, 1, 1], [], []>, transpose_lhs_hint = false} : vector<256x128xf32>, vector<256x384xf32>, vector<128x384xf32> -> vector<128x384xf32>
    %slice3A_259 = vector.extract_strided_slice %get3A_2 {offsets = [0, 30, 0], sizes = [1, 1, 128], strides = [1, 1, 1]} : vector<1x50x128xi32> to vector<1x1x128xi32>
    %squeeze3A_260 = vector.shape_cast %slice3A_259 : vector<1x1x128xi32> to vector<1x128xi32>
    %eq3A_261 = vector.broadcast %squeeze3A_260 : vector<1x128xi32> to vector<256x128xi32>
    %eq3A_262 = arith.cmpi eq, %iota3A, %eq3A_261 : vector<256x128xi32>
    %convert_element_type3A_263 = arith.extui %eq3A_262 : vector<256x128xi1> to vector<256x128xi32>
    %convert_element_type3A_264 = arith.sitofp %convert_element_type3A_263 : vector<256x128xi32> to vector<256x128xf32>
    %dot_general3A_265 = arith.constant dense<0.000000e+00> : vector<128x384xf32>
    %dot_general3A_266 = tpu.matmul %convert_element_type3A_264, %get3A_11, %dot_general3A_265 {dimension_numbers = #tpu.dot_dimension_numbers<[0], [0], [1], [1], [0, 1, 1, 1], [], []>, transpose_lhs_hint = false} : vector<256x128xf32>, vector<256x384xf32>, vector<128x384xf32> -> vector<128x384xf32>
    %slice3A_267 = vector.extract_strided_slice %get3A_2 {offsets = [0, 31, 0], sizes = [1, 1, 128], strides = [1, 1, 1]} : vector<1x50x128xi32> to vector<1x1x128xi32>
    %squeeze3A_268 = vector.shape_cast %slice3A_267 : vector<1x1x128xi32> to vector<1x128xi32>
    %eq3A_269 = vector.broadcast %squeeze3A_268 : vector<1x128xi32> to vector<256x128xi32>
    %eq3A_270 = arith.cmpi eq, %iota3A, %eq3A_269 : vector<256x128xi32>
    %convert_element_type3A_271 = arith.extui %eq3A_270 : vector<256x128xi1> to vector<256x128xi32>
    %convert_element_type3A_272 = arith.sitofp %convert_element_type3A_271 : vector<256x128xi32> to vector<256x128xf32>
    %dot_general3A_273 = arith.constant dense<0.000000e+00> : vector<128x384xf32>
    %dot_general3A_274 = tpu.matmul %convert_element_type3A_272, %get3A_11, %dot_general3A_273 {dimension_numbers = #tpu.dot_dimension_numbers<[0], [0], [1], [1], [0, 1, 1, 1], [], []>, transpose_lhs_hint = false} : vector<256x128xf32>, vector<256x384xf32>, vector<128x384xf32> -> vector<128x384xf32>
    %slice3A_275 = vector.extract_strided_slice %get3A_2 {offsets = [0, 32, 0], sizes = [1, 1, 128], strides = [1, 1, 1]} : vector<1x50x128xi32> to vector<1x1x128xi32>
    %squeeze3A_276 = vector.shape_cast %slice3A_275 : vector<1x1x128xi32> to vector<1x128xi32>
    %eq3A_277 = vector.broadcast %squeeze3A_276 : vector<1x128xi32> to vector<256x128xi32>
    %eq3A_278 = arith.cmpi eq, %iota3A, %eq3A_277 : vector<256x128xi32>
    %convert_element_type3A_279 = arith.extui %eq3A_278 : vector<256x128xi1> to vector<256x128xi32>
    %convert_element_type3A_280 = arith.sitofp %convert_element_type3A_279 : vector<256x128xi32> to vector<256x128xf32>
    %dot_general3A_281 = arith.constant dense<0.000000e+00> : vector<128x384xf32>
    %dot_general3A_282 = tpu.matmul %convert_element_type3A_280, %get3A_11, %dot_general3A_281 {dimension_numbers = #tpu.dot_dimension_numbers<[0], [0], [1], [1], [0, 1, 1, 1], [], []>, transpose_lhs_hint = false} : vector<256x128xf32>, vector<256x384xf32>, vector<128x384xf32> -> vector<128x384xf32>
    %slice3A_283 = vector.extract_strided_slice %get3A_2 {offsets = [0, 33, 0], sizes = [1, 1, 128], strides = [1, 1, 1]} : vector<1x50x128xi32> to vector<1x1x128xi32>
    %squeeze3A_284 = vector.shape_cast %slice3A_283 : vector<1x1x128xi32> to vector<1x128xi32>
    %eq3A_285 = vector.broadcast %squeeze3A_284 : vector<1x128xi32> to vector<256x128xi32>
    %eq3A_286 = arith.cmpi eq, %iota3A, %eq3A_285 : vector<256x128xi32>
    %convert_element_type3A_287 = arith.extui %eq3A_286 : vector<256x128xi1> to vector<256x128xi32>
    %convert_element_type3A_288 = arith.sitofp %convert_element_type3A_287 : vector<256x128xi32> to vector<256x128xf32>
    %dot_general3A_289 = arith.constant dense<0.000000e+00> : vector<128x384xf32>
    %dot_general3A_290 = tpu.matmul %convert_element_type3A_288, %get3A_11, %dot_general3A_289 {dimension_numbers = #tpu.dot_dimension_numbers<[0], [0], [1], [1], [0, 1, 1, 1], [], []>, transpose_lhs_hint = false} : vector<256x128xf32>, vector<256x384xf32>, vector<128x384xf32> -> vector<128x384xf32>
    %slice3A_291 = vector.extract_strided_slice %get3A_2 {offsets = [0, 34, 0], sizes = [1, 1, 128], strides = [1, 1, 1]} : vector<1x50x128xi32> to vector<1x1x128xi32>
    %squeeze3A_292 = vector.shape_cast %slice3A_291 : vector<1x1x128xi32> to vector<1x128xi32>
    %eq3A_293 = vector.broadcast %squeeze3A_292 : vector<1x128xi32> to vector<256x128xi32>
    %eq3A_294 = arith.cmpi eq, %iota3A, %eq3A_293 : vector<256x128xi32>
    %convert_element_type3A_295 = arith.extui %eq3A_294 : vector<256x128xi1> to vector<256x128xi32>
    %convert_element_type3A_296 = arith.sitofp %convert_element_type3A_295 : vector<256x128xi32> to vector<256x128xf32>
    %dot_general3A_297 = arith.constant dense<0.000000e+00> : vector<128x384xf32>
    %dot_general3A_298 = tpu.matmul %convert_element_type3A_296, %get3A_11, %dot_general3A_297 {dimension_numbers = #tpu.dot_dimension_numbers<[0], [0], [1], [1], [0, 1, 1, 1], [], []>, transpose_lhs_hint = false} : vector<256x128xf32>, vector<256x384xf32>, vector<128x384xf32> -> vector<128x384xf32>
    %slice3A_299 = vector.extract_strided_slice %get3A_2 {offsets = [0, 35, 0], sizes = [1, 1, 128], strides = [1, 1, 1]} : vector<1x50x128xi32> to vector<1x1x128xi32>
    %squeeze3A_300 = vector.shape_cast %slice3A_299 : vector<1x1x128xi32> to vector<1x128xi32>
    %eq3A_301 = vector.broadcast %squeeze3A_300 : vector<1x128xi32> to vector<256x128xi32>
    %eq3A_302 = arith.cmpi eq, %iota3A, %eq3A_301 : vector<256x128xi32>
    %convert_element_type3A_303 = arith.extui %eq3A_302 : vector<256x128xi1> to vector<256x128xi32>
    %convert_element_type3A_304 = arith.sitofp %convert_element_type3A_303 : vector<256x128xi32> to vector<256x128xf32>
    %dot_general3A_305 = arith.constant dense<0.000000e+00> : vector<128x384xf32>
    %dot_general3A_306 = tpu.matmul %convert_element_type3A_304, %get3A_11, %dot_general3A_305 {dimension_numbers = #tpu.dot_dimension_numbers<[0], [0], [1], [1], [0, 1, 1, 1], [], []>, transpose_lhs_hint = false} : vector<256x128xf32>, vector<256x384xf32>, vector<128x384xf32> -> vector<128x384xf32>
    %slice3A_307 = vector.extract_strided_slice %get3A_2 {offsets = [0, 36, 0], sizes = [1, 1, 128], strides = [1, 1, 1]} : vector<1x50x128xi32> to vector<1x1x128xi32>
    %squeeze3A_308 = vector.shape_cast %slice3A_307 : vector<1x1x128xi32> to vector<1x128xi32>
    %eq3A_309 = vector.broadcast %squeeze3A_308 : vector<1x128xi32> to vector<256x128xi32>
    %eq3A_310 = arith.cmpi eq, %iota3A, %eq3A_309 : vector<256x128xi32>
    %convert_element_type3A_311 = arith.extui %eq3A_310 : vector<256x128xi1> to vector<256x128xi32>
    %convert_element_type3A_312 = arith.sitofp %convert_element_type3A_311 : vector<256x128xi32> to vector<256x128xf32>
    %dot_general3A_313 = arith.constant dense<0.000000e+00> : vector<128x384xf32>
    %dot_general3A_314 = tpu.matmul %convert_element_type3A_312, %get3A_11, %dot_general3A_313 {dimension_numbers = #tpu.dot_dimension_numbers<[0], [0], [1], [1], [0, 1, 1, 1], [], []>, transpose_lhs_hint = false} : vector<256x128xf32>, vector<256x384xf32>, vector<128x384xf32> -> vector<128x384xf32>
    %slice3A_315 = vector.extract_strided_slice %get3A_2 {offsets = [0, 37, 0], sizes = [1, 1, 128], strides = [1, 1, 1]} : vector<1x50x128xi32> to vector<1x1x128xi32>
    %squeeze3A_316 = vector.shape_cast %slice3A_315 : vector<1x1x128xi32> to vector<1x128xi32>
    %eq3A_317 = vector.broadcast %squeeze3A_316 : vector<1x128xi32> to vector<256x128xi32>
    %eq3A_318 = arith.cmpi eq, %iota3A, %eq3A_317 : vector<256x128xi32>
    %convert_element_type3A_319 = arith.extui %eq3A_318 : vector<256x128xi1> to vector<256x128xi32>
    %convert_element_type3A_320 = arith.sitofp %convert_element_type3A_319 : vector<256x128xi32> to vector<256x128xf32>
    %dot_general3A_321 = arith.constant dense<0.000000e+00> : vector<128x384xf32>
    %dot_general3A_322 = tpu.matmul %convert_element_type3A_320, %get3A_11, %dot_general3A_321 {dimension_numbers = #tpu.dot_dimension_numbers<[0], [0], [1], [1], [0, 1, 1, 1], [], []>, transpose_lhs_hint = false} : vector<256x128xf32>, vector<256x384xf32>, vector<128x384xf32> -> vector<128x384xf32>
    %slice3A_323 = vector.extract_strided_slice %get3A_2 {offsets = [0, 38, 0], sizes = [1, 1, 128], strides = [1, 1, 1]} : vector<1x50x128xi32> to vector<1x1x128xi32>
    %squeeze3A_324 = vector.shape_cast %slice3A_323 : vector<1x1x128xi32> to vector<1x128xi32>
    %eq3A_325 = vector.broadcast %squeeze3A_324 : vector<1x128xi32> to vector<256x128xi32>
    %eq3A_326 = arith.cmpi eq, %iota3A, %eq3A_325 : vector<256x128xi32>
    %convert_element_type3A_327 = arith.extui %eq3A_326 : vector<256x128xi1> to vector<256x128xi32>
    %convert_element_type3A_328 = arith.sitofp %convert_element_type3A_327 : vector<256x128xi32> to vector<256x128xf32>
    %dot_general3A_329 = arith.constant dense<0.000000e+00> : vector<128x384xf32>
    %dot_general3A_330 = tpu.matmul %convert_element_type3A_328, %get3A_11, %dot_general3A_329 {dimension_numbers = #tpu.dot_dimension_numbers<[0], [0], [1], [1], [0, 1, 1, 1], [], []>, transpose_lhs_hint = false} : vector<256x128xf32>, vector<256x384xf32>, vector<128x384xf32> -> vector<128x384xf32>
    %slice3A_331 = vector.extract_strided_slice %get3A_2 {offsets = [0, 39, 0], sizes = [1, 1, 128], strides = [1, 1, 1]} : vector<1x50x128xi32> to vector<1x1x128xi32>
    %squeeze3A_332 = vector.shape_cast %slice3A_331 : vector<1x1x128xi32> to vector<1x128xi32>
    %eq3A_333 = vector.broadcast %squeeze3A_332 : vector<1x128xi32> to vector<256x128xi32>
    %eq3A_334 = arith.cmpi eq, %iota3A, %eq3A_333 : vector<256x128xi32>
    %convert_element_type3A_335 = arith.extui %eq3A_334 : vector<256x128xi1> to vector<256x128xi32>
    %convert_element_type3A_336 = arith.sitofp %convert_element_type3A_335 : vector<256x128xi32> to vector<256x128xf32>
    %dot_general3A_337 = arith.constant dense<0.000000e+00> : vector<128x384xf32>
    %dot_general3A_338 = tpu.matmul %convert_element_type3A_336, %get3A_11, %dot_general3A_337 {dimension_numbers = #tpu.dot_dimension_numbers<[0], [0], [1], [1], [0, 1, 1, 1], [], []>, transpose_lhs_hint = false} : vector<256x128xf32>, vector<256x384xf32>, vector<128x384xf32> -> vector<128x384xf32>
    %slice3A_339 = vector.extract_strided_slice %get3A_2 {offsets = [0, 40, 0], sizes = [1, 1, 128], strides = [1, 1, 1]} : vector<1x50x128xi32> to vector<1x1x128xi32>
    %squeeze3A_340 = vector.shape_cast %slice3A_339 : vector<1x1x128xi32> to vector<1x128xi32>
    %eq3A_341 = vector.broadcast %squeeze3A_340 : vector<1x128xi32> to vector<256x128xi32>
    %eq3A_342 = arith.cmpi eq, %iota3A, %eq3A_341 : vector<256x128xi32>
    %convert_element_type3A_343 = arith.extui %eq3A_342 : vector<256x128xi1> to vector<256x128xi32>
    %convert_element_type3A_344 = arith.sitofp %convert_element_type3A_343 : vector<256x128xi32> to vector<256x128xf32>
    %dot_general3A_345 = arith.constant dense<0.000000e+00> : vector<128x384xf32>
    %dot_general3A_346 = tpu.matmul %convert_element_type3A_344, %get3A_11, %dot_general3A_345 {dimension_numbers = #tpu.dot_dimension_numbers<[0], [0], [1], [1], [0, 1, 1, 1], [], []>, transpose_lhs_hint = false} : vector<256x128xf32>, vector<256x384xf32>, vector<128x384xf32> -> vector<128x384xf32>
    %slice3A_347 = vector.extract_strided_slice %get3A_2 {offsets = [0, 41, 0], sizes = [1, 1, 128], strides = [1, 1, 1]} : vector<1x50x128xi32> to vector<1x1x128xi32>
    %squeeze3A_348 = vector.shape_cast %slice3A_347 : vector<1x1x128xi32> to vector<1x128xi32>
    %eq3A_349 = vector.broadcast %squeeze3A_348 : vector<1x128xi32> to vector<256x128xi32>
    %eq3A_350 = arith.cmpi eq, %iota3A, %eq3A_349 : vector<256x128xi32>
    %convert_element_type3A_351 = arith.extui %eq3A_350 : vector<256x128xi1> to vector<256x128xi32>
    %convert_element_type3A_352 = arith.sitofp %convert_element_type3A_351 : vector<256x128xi32> to vector<256x128xf32>
    %dot_general3A_353 = arith.constant dense<0.000000e+00> : vector<128x384xf32>
    %dot_general3A_354 = tpu.matmul %convert_element_type3A_352, %get3A_11, %dot_general3A_353 {dimension_numbers = #tpu.dot_dimension_numbers<[0], [0], [1], [1], [0, 1, 1, 1], [], []>, transpose_lhs_hint = false} : vector<256x128xf32>, vector<256x384xf32>, vector<128x384xf32> -> vector<128x384xf32>
    %slice3A_355 = vector.extract_strided_slice %get3A_2 {offsets = [0, 42, 0], sizes = [1, 1, 128], strides = [1, 1, 1]} : vector<1x50x128xi32> to vector<1x1x128xi32>
    %squeeze3A_356 = vector.shape_cast %slice3A_355 : vector<1x1x128xi32> to vector<1x128xi32>
    %eq3A_357 = vector.broadcast %squeeze3A_356 : vector<1x128xi32> to vector<256x128xi32>
    %eq3A_358 = arith.cmpi eq, %iota3A, %eq3A_357 : vector<256x128xi32>
    %convert_element_type3A_359 = arith.extui %eq3A_358 : vector<256x128xi1> to vector<256x128xi32>
    %convert_element_type3A_360 = arith.sitofp %convert_element_type3A_359 : vector<256x128xi32> to vector<256x128xf32>
    %dot_general3A_361 = arith.constant dense<0.000000e+00> : vector<128x384xf32>
    %dot_general3A_362 = tpu.matmul %convert_element_type3A_360, %get3A_11, %dot_general3A_361 {dimension_numbers = #tpu.dot_dimension_numbers<[0], [0], [1], [1], [0, 1, 1, 1], [], []>, transpose_lhs_hint = false} : vector<256x128xf32>, vector<256x384xf32>, vector<128x384xf32> -> vector<128x384xf32>
    %slice3A_363 = vector.extract_strided_slice %get3A_2 {offsets = [0, 43, 0], sizes = [1, 1, 128], strides = [1, 1, 1]} : vector<1x50x128xi32> to vector<1x1x128xi32>
    %squeeze3A_364 = vector.shape_cast %slice3A_363 : vector<1x1x128xi32> to vector<1x128xi32>
    %eq3A_365 = vector.broadcast %squeeze3A_364 : vector<1x128xi32> to vector<256x128xi32>
    %eq3A_366 = arith.cmpi eq, %iota3A, %eq3A_365 : vector<256x128xi32>
    %convert_element_type3A_367 = arith.extui %eq3A_366 : vector<256x128xi1> to vector<256x128xi32>
    %convert_element_type3A_368 = arith.sitofp %convert_element_type3A_367 : vector<256x128xi32> to vector<256x128xf32>
    %dot_general3A_369 = arith.constant dense<0.000000e+00> : vector<128x384xf32>
    %dot_general3A_370 = tpu.matmul %convert_element_type3A_368, %get3A_11, %dot_general3A_369 {dimension_numbers = #tpu.dot_dimension_numbers<[0], [0], [1], [1], [0, 1, 1, 1], [], []>, transpose_lhs_hint = false} : vector<256x128xf32>, vector<256x384xf32>, vector<128x384xf32> -> vector<128x384xf32>
    %slice3A_371 = vector.extract_strided_slice %get3A_2 {offsets = [0, 44, 0], sizes = [1, 1, 128], strides = [1, 1, 1]} : vector<1x50x128xi32> to vector<1x1x128xi32>
    %squeeze3A_372 = vector.shape_cast %slice3A_371 : vector<1x1x128xi32> to vector<1x128xi32>
    %eq3A_373 = vector.broadcast %squeeze3A_372 : vector<1x128xi32> to vector<256x128xi32>
    %eq3A_374 = arith.cmpi eq, %iota3A, %eq3A_373 : vector<256x128xi32>
    %convert_element_type3A_375 = arith.extui %eq3A_374 : vector<256x128xi1> to vector<256x128xi32>
    %convert_element_type3A_376 = arith.sitofp %convert_element_type3A_375 : vector<256x128xi32> to vector<256x128xf32>
    %dot_general3A_377 = arith.constant dense<0.000000e+00> : vector<128x384xf32>
    %dot_general3A_378 = tpu.matmul %convert_element_type3A_376, %get3A_11, %dot_general3A_377 {dimension_numbers = #tpu.dot_dimension_numbers<[0], [0], [1], [1], [0, 1, 1, 1], [], []>, transpose_lhs_hint = false} : vector<256x128xf32>, vector<256x384xf32>, vector<128x384xf32> -> vector<128x384xf32>
    %slice3A_379 = vector.extract_strided_slice %get3A_2 {offsets = [0, 45, 0], sizes = [1, 1, 128], strides = [1, 1, 1]} : vector<1x50x128xi32> to vector<1x1x128xi32>
    %squeeze3A_380 = vector.shape_cast %slice3A_379 : vector<1x1x128xi32> to vector<1x128xi32>
    %eq3A_381 = vector.broadcast %squeeze3A_380 : vector<1x128xi32> to vector<256x128xi32>
    %eq3A_382 = arith.cmpi eq, %iota3A, %eq3A_381 : vector<256x128xi32>
    %convert_element_type3A_383 = arith.extui %eq3A_382 : vector<256x128xi1> to vector<256x128xi32>
    %convert_element_type3A_384 = arith.sitofp %convert_element_type3A_383 : vector<256x128xi32> to vector<256x128xf32>
    %dot_general3A_385 = arith.constant dense<0.000000e+00> : vector<128x384xf32>
    %dot_general3A_386 = tpu.matmul %convert_element_type3A_384, %get3A_11, %dot_general3A_385 {dimension_numbers = #tpu.dot_dimension_numbers<[0], [0], [1], [1], [0, 1, 1, 1], [], []>, transpose_lhs_hint = false} : vector<256x128xf32>, vector<256x384xf32>, vector<128x384xf32> -> vector<128x384xf32>
    %slice3A_387 = vector.extract_strided_slice %get3A_2 {offsets = [0, 46, 0], sizes = [1, 1, 128], strides = [1, 1, 1]} : vector<1x50x128xi32> to vector<1x1x128xi32>
    %squeeze3A_388 = vector.shape_cast %slice3A_387 : vector<1x1x128xi32> to vector<1x128xi32>
    %eq3A_389 = vector.broadcast %squeeze3A_388 : vector<1x128xi32> to vector<256x128xi32>
    %eq3A_390 = arith.cmpi eq, %iota3A, %eq3A_389 : vector<256x128xi32>
    %convert_element_type3A_391 = arith.extui %eq3A_390 : vector<256x128xi1> to vector<256x128xi32>
    %convert_element_type3A_392 = arith.sitofp %convert_element_type3A_391 : vector<256x128xi32> to vector<256x128xf32>
    %dot_general3A_393 = arith.constant dense<0.000000e+00> : vector<128x384xf32>
    %dot_general3A_394 = tpu.matmul %convert_element_type3A_392, %get3A_11, %dot_general3A_393 {dimension_numbers = #tpu.dot_dimension_numbers<[0], [0], [1], [1], [0, 1, 1, 1], [], []>, transpose_lhs_hint = false} : vector<256x128xf32>, vector<256x384xf32>, vector<128x384xf32> -> vector<128x384xf32>
    %slice3A_395 = vector.extract_strided_slice %get3A_2 {offsets = [0, 47, 0], sizes = [1, 1, 128], strides = [1, 1, 1]} : vector<1x50x128xi32> to vector<1x1x128xi32>
    %squeeze3A_396 = vector.shape_cast %slice3A_395 : vector<1x1x128xi32> to vector<1x128xi32>
    %eq3A_397 = vector.broadcast %squeeze3A_396 : vector<1x128xi32> to vector<256x128xi32>
    %eq3A_398 = arith.cmpi eq, %iota3A, %eq3A_397 : vector<256x128xi32>
    %convert_element_type3A_399 = arith.extui %eq3A_398 : vector<256x128xi1> to vector<256x128xi32>
    %convert_element_type3A_400 = arith.sitofp %convert_element_type3A_399 : vector<256x128xi32> to vector<256x128xf32>
    %dot_general3A_401 = arith.constant dense<0.000000e+00> : vector<128x384xf32>
    %dot_general3A_402 = tpu.matmul %convert_element_type3A_400, %get3A_11, %dot_general3A_401 {dimension_numbers = #tpu.dot_dimension_numbers<[0], [0], [1], [1], [0, 1, 1, 1], [], []>, transpose_lhs_hint = false} : vector<256x128xf32>, vector<256x384xf32>, vector<128x384xf32> -> vector<128x384xf32>
    %slice3A_403 = vector.extract_strided_slice %get3A_2 {offsets = [0, 48, 0], sizes = [1, 1, 128], strides = [1, 1, 1]} : vector<1x50x128xi32> to vector<1x1x128xi32>
    %squeeze3A_404 = vector.shape_cast %slice3A_403 : vector<1x1x128xi32> to vector<1x128xi32>
    %eq3A_405 = vector.broadcast %squeeze3A_404 : vector<1x128xi32> to vector<256x128xi32>
    %eq3A_406 = arith.cmpi eq, %iota3A, %eq3A_405 : vector<256x128xi32>
    %convert_element_type3A_407 = arith.extui %eq3A_406 : vector<256x128xi1> to vector<256x128xi32>
    %convert_element_type3A_408 = arith.sitofp %convert_element_type3A_407 : vector<256x128xi32> to vector<256x128xf32>
    %dot_general3A_409 = arith.constant dense<0.000000e+00> : vector<128x384xf32>
    %dot_general3A_410 = tpu.matmul %convert_element_type3A_408, %get3A_11, %dot_general3A_409 {dimension_numbers = #tpu.dot_dimension_numbers<[0], [0], [1], [1], [0, 1, 1, 1], [], []>, transpose_lhs_hint = false} : vector<256x128xf32>, vector<256x384xf32>, vector<128x384xf32> -> vector<128x384xf32>
    %slice3A_411 = vector.extract_strided_slice %get3A_2 {offsets = [0, 49, 0], sizes = [1, 1, 128], strides = [1, 1, 1]} : vector<1x50x128xi32> to vector<1x1x128xi32>
    %squeeze3A_412 = vector.shape_cast %slice3A_411 : vector<1x1x128xi32> to vector<1x128xi32>
    %eq3A_413 = vector.broadcast %squeeze3A_412 : vector<1x128xi32> to vector<256x128xi32>
    %eq3A_414 = arith.cmpi eq, %iota3A, %eq3A_413 : vector<256x128xi32>
    %convert_element_type3A_415 = arith.extui %eq3A_414 : vector<256x128xi1> to vector<256x128xi32>
    %convert_element_type3A_416 = arith.sitofp %convert_element_type3A_415 : vector<256x128xi32> to vector<256x128xf32>
    %dot_general3A_417 = arith.constant dense<0.000000e+00> : vector<128x384xf32>
    %dot_general3A_418 = tpu.matmul %convert_element_type3A_416, %get3A_11, %dot_general3A_417 {dimension_numbers = #tpu.dot_dimension_numbers<[0], [0], [1], [1], [0, 1, 1, 1], [], []>, transpose_lhs_hint = false} : vector<256x128xf32>, vector<256x384xf32>, vector<128x384xf32> -> vector<128x384xf32>
    %concatenate3A = tpu.concatenate %dot_general3A_26, %dot_general3A_34, %dot_general3A_42, %dot_general3A_50, %dot_general3A_58, %dot_general3A_66, %dot_general3A_74, %dot_general3A_82, %dot_general3A_90, %dot_general3A_98, %dot_general3A_106, %dot_general3A_114, %dot_general3A_122, %dot_general3A_130, %dot_general3A_138, %dot_general3A_146, %dot_general3A_154, %dot_general3A_162, %dot_general3A_170, %dot_general3A_178, %dot_general3A_186, %dot_general3A_194, %dot_general3A_202, %dot_general3A_210, %dot_general3A_218, %dot_general3A_226, %dot_general3A_234, %dot_general3A_242, %dot_general3A_250, %dot_general3A_258, %dot_general3A_266, %dot_general3A_274, %dot_general3A_282, %dot_general3A_290, %dot_general3A_298, %dot_general3A_306, %dot_general3A_314, %dot_general3A_322, %dot_general3A_330, %dot_general3A_338, %dot_general3A_346, %dot_general3A_354, %dot_general3A_362, %dot_general3A_370, %dot_general3A_378, %dot_general3A_386, %dot_general3A_394, %dot_general3A_402, %dot_general3A_410, %dot_general3A_418 in 0 : vector<128x384xf32>, vector<128x384xf32>, vector<128x384xf32>, vector<128x384xf32>, vector<128x384xf32>, vector<128x384xf32>, vector<128x384xf32>, vector<128x384xf32>, vector<128x384xf32>, vector<128x384xf32>, vector<128x384xf32>, vector<128x384xf32>, vector<128x384xf32>, vector<128x384xf32>, vector<128x384xf32>, vector<128x384xf32>, vector<128x384xf32>, vector<128x384xf32>, vector<128x384xf32>, vector<128x384xf32>, vector<128x384xf32>, vector<128x384xf32>, vector<128x384xf32>, vector<128x384xf32>, vector<128x384xf32>, vector<128x384xf32>, vector<128x384xf32>, vector<128x384xf32>, vector<128x384xf32>, vector<128x384xf32>, vector<128x384xf32>, vector<128x384xf32>, vector<128x384xf32>, vector<128x384xf32>, vector<128x384xf32>, vector<128x384xf32>, vector<128x384xf32>, vector<128x384xf32>, vector<128x384xf32>, vector<128x384xf32>, vector<128x384xf32>, vector<128x384xf32>, vector<128x384xf32>, vector<128x384xf32>, vector<128x384xf32>, vector<128x384xf32>, vector<128x384xf32>, vector<128x384xf32>, vector<128x384xf32>, vector<128x384xf32> -> vector<6400x384xf32>
    %dot_general3A_419 = arith.constant dense<0.000000e+00> : vector<6400x256xf32>
    %dot_general3A_420 = tpu.matmul %get3A_5, %get3A_14, %dot_general3A_419 {dimension_numbers = #tpu.dot_dimension_numbers<[1], [0], [0], [1], [0, 0, 1, 1], [], []>, transpose_lhs_hint = false} : vector<6400x128xf32>, vector<128x256xf32>, vector<6400x256xf32> -> vector<6400x256xf32>
    %slice3A_421 = vector.extract_strided_slice %concatenate3A {offsets = [0, 0], sizes = [6400, 128], strides = [1, 1]} : vector<6400x384xf32> to vector<6400x128xf32>
    %mul3A = arith.mulf %slice3A_421, %get3A_8 : vector<6400x128xf32>
    %slice3A_422 = vector.extract_strided_slice %dot_general3A_420 {offsets = [0, 0], sizes = [6400, 128], strides = [1, 1]} : vector<6400x256xf32> to vector<6400x128xf32>
    %add3A = arith.addf %mul3A, %slice3A_422 : vector<6400x128xf32>
    %add3A_423 = vector.broadcast %get3A_20 : vector<1x128xf32> to vector<6400x128xf32>
    %add3A_424 = arith.addf %add3A, %add3A_423 : vector<6400x128xf32>
    %logistic3A = arith.negf %add3A_424 : vector<6400x128xf32>
    %logistic3A_425 = math.exp %logistic3A : vector<6400x128xf32>
    %logistic3A_426 = arith.constant 1.000000e+00 : f32
    %logistic3A_427 = vector.broadcast %logistic3A_426 : f32 to vector<6400x128xf32>
    %logistic3A_428 = arith.addf %logistic3A_427, %logistic3A_425 : vector<6400x128xf32>
    %logistic3A_429 = arith.divf %logistic3A_427, %logistic3A_428 : vector<6400x128xf32>
    %slice3A_430 = vector.extract_strided_slice %concatenate3A {offsets = [0, 128], sizes = [6400, 128], strides = [1, 1]} : vector<6400x384xf32> to vector<6400x128xf32>
    %mul3A_431 = arith.mulf %slice3A_430, %get3A_8 : vector<6400x128xf32>
    %slice3A_432 = vector.extract_strided_slice %dot_general3A_420 {offsets = [0, 128], sizes = [6400, 128], strides = [1, 1]} : vector<6400x256xf32> to vector<6400x128xf32>
    %add3A_433 = arith.addf %mul3A_431, %slice3A_432 : vector<6400x128xf32>
    %add3A_434 = vector.broadcast %get3A_23 : vector<1x128xf32> to vector<6400x128xf32>
    %add3A_435 = arith.addf %add3A_433, %add3A_434 : vector<6400x128xf32>
    %logistic3A_436 = arith.negf %add3A_435 : vector<6400x128xf32>
    %logistic3A_437 = math.exp %logistic3A_436 : vector<6400x128xf32>
    %logistic3A_438 = arith.constant 1.000000e+00 : f32
    %logistic3A_439 = vector.broadcast %logistic3A_438 : f32 to vector<6400x128xf32>
    %logistic3A_440 = arith.addf %logistic3A_439, %logistic3A_437 : vector<6400x128xf32>
    %logistic3A_441 = arith.divf %logistic3A_439, %logistic3A_440 : vector<6400x128xf32>
    %slice3A_442 = vector.extract_strided_slice %concatenate3A {offsets = [0, 256], sizes = [6400, 128], strides = [1, 1]} : vector<6400x384xf32> to vector<6400x128xf32>
    %mul3A_443 = arith.mulf %slice3A_442, %get3A_8 : vector<6400x128xf32>
    %mul3A_444 = arith.mulf %logistic3A_441, %get3A_5 : vector<6400x128xf32>
    %dot_general3A_445 = arith.constant dense<0.000000e+00> : vector<6400x128xf32>
    %dot_general3A_446 = tpu.matmul %mul3A_444, %get3A_17, %dot_general3A_445 {dimension_numbers = #tpu.dot_dimension_numbers<[1], [0], [0], [1], [0, 0, 1, 1], [], []>, transpose_lhs_hint = false} : vector<6400x128xf32>, vector<128x128xf32>, vector<6400x128xf32> -> vector<6400x128xf32>
    %add3A_447 = arith.addf %mul3A_443, %dot_general3A_446 : vector<6400x128xf32>
    %tanh3A = math.tanh %add3A_447 : vector<6400x128xf32>
    %mul3A_448 = arith.mulf %logistic3A_429, %tanh3A : vector<6400x128xf32>
    %sub3A = arith.constant 1.000000e+00 : f32
    %sub3A_449 = vector.broadcast %sub3A : f32 to vector<6400x128xf32>
    %sub3A_450 = arith.subf %sub3A_449, %logistic3A_429 : vector<6400x128xf32>
    %mul3A_451 = arith.mulf %sub3A_450, %get3A_5 : vector<6400x128xf32>
    %add3A_452 = arith.addf %mul3A_448, %mul3A_451 : vector<6400x128xf32>
    %swap3A = arith.constant 0 : index
    %swap3A_453 = arith.constant 0 : index
    %swap3A_454 = vector.load %arg10[%swap3A, %swap3A_453] : memref<6400x128xf32, #tpu.memory_space<vmem>>, vector<6400x128xf32>
    tpu.vector_store %arg10[%swap3A, %swap3A_453], %add3A_452 {strides = array<i32>} : memref<6400x128xf32, #tpu.memory_space<vmem>>, vector<6400x128xf32>,
    return
  }
  func.func @transform_0(%arg0: i32) -> (i32, i32, i32) {
    %add3A = arith.constant 14 : i32
    %add3A_0 = arith.addi %add3A, %arg0 : i32
    %c0_i32 = arith.constant 0 : i32
    %c0_i32_1 = arith.constant 0 : i32
    %c0_i32_2 = arith.constant 0 : i32
    return %add3A_0, %c0_i32, %c0_i32_1 : i32, i32, i32
  }
  func.func @transform_1(%arg0: i32) -> (i32, i32) {
    %c0_i32 = arith.constant 0 : i32
    %c0_i32_0 = arith.constant 0 : i32
    return %arg0, %c0_i32 : i32, i32
  }
  func.func @transform_2(%arg0: i32) -> (i32, i32) {
    %add3A = arith.constant 14 : i32
    %add3A_0 = arith.addi %add3A, %arg0 : i32
    %c0_i32 = arith.constant 0 : i32
    %c0_i32_1 = arith.constant 0 : i32
    return %add3A_0, %c0_i32 : i32, i32
  }
  func.func @transform_3(%arg0: i32) -> (i32, i32) {
    %c0_i32 = arith.constant 0 : i32
    %c0_i32_0 = arith.constant 0 : i32
    %c0_i32_1 = arith.constant 0 : i32
    return %c0_i32, %c0_i32_0 : i32, i32
  }
  func.func @transform_4(%arg0: i32) -> (i32, i32) {
    %c0_i32 = arith.constant 0 : i32
    %c0_i32_0 = arith.constant 0 : i32
    %c0_i32_1 = arith.constant 0 : i32
    return %c0_i32, %c0_i32_0 : i32, i32
  }
  func.func @transform_5(%arg0: i32) -> (i32, i32) {
    %c0_i32 = arith.constant 0 : i32
    %c0_i32_0 = arith.constant 0 : i32
    %c0_i32_1 = arith.constant 0 : i32
    return %c0_i32, %c0_i32_0 : i32, i32
  }
  func.func @transform_6(%arg0: i32) -> (i32, i32) {
    %c0_i32 = arith.constant 0 : i32
    %c0_i32_0 = arith.constant 0 : i32
    %c0_i32_1 = arith.constant 0 : i32
    return %c0_i32, %c0_i32_0 : i32, i32
  }
  func.func @transform_7(%arg0: i32) -> (i32, i32) {
    %c0_i32 = arith.constant 0 : i32
    %c0_i32_0 = arith.constant 0 : i32
    %c0_i32_1 = arith.constant 0 : i32
    return %c0_i32, %c0_i32_0 : i32, i32
  }
  func.func @transform_8(%arg0: i32) -> (i32, i32) {
    %c0_i32 = arith.constant 0 : i32
    %c0_i32_0 = arith.constant 0 : i32
    %c0_i32_1 = arith.constant 0 : i32
    return %c0_i32, %c0_i32_0 : i32, i32
  }
  func.func @transform_9(%arg0: i32) -> (i32, i32) {
    %add3A = arith.constant 14 : i32
    %add3A_0 = arith.addi %add3A, %arg0 : i32
    %c0_i32 = arith.constant 0 : i32
    %c0_i32_1 = arith.constant 0 : i32
    return %add3A_0, %c0_i32 : i32, i32
  }
}

module attributes {stable_mosaic.version = 14 : i64} {
  func.func @_tc_body_alias(%arg0: i32, %arg1: memref<1x50x128xi32, #tpu.memory_space<vmem>>, %arg2: memref<6400x128xf32, #tpu.memory_space<vmem>>, %arg3: memref<6400x128xf32, #tpu.memory_space<vmem>>, %arg4: memref<256x384xf32, #tpu.memory_space<vmem>>, %arg5: memref<128x256xf32, #tpu.memory_space<vmem>>, %arg6: memref<128x128xf32, #tpu.memory_space<vmem>>, %arg7: memref<1x128xf32, #tpu.memory_space<vmem>>, %arg8: memref<1x128xf32, #tpu.memory_space<vmem>>, %arg9: memref<8x128xf32, #tpu.memory_space<vmem>>, %arg10: memref<6400x128xf32, #tpu.memory_space<vmem>>) attributes {dimension_semantics = [#tpu.dimension_semantics<arbitrary>], iteration_bounds = array<i64: 12>, scalar_prefetch = 0 : i64, scratch_operands = 0 : i64, tpu.core_type = #tpu.core_type<tc>, window_params = [{transform_indices = @transform_0, window_bounds = array<i64: 1, 50, 128>}, {transform_indices = @transform_1, window_bounds = array<i64: 6400, 128>}, {transform_indices = @transform_2, window_bounds = array<i64: 6400, 128>}, {pipeline_mode = #tpu.pipeline_mode<synchronous>, transform_indices = @transform_3, window_bounds = array<i64: 256, 384>}, {pipeline_mode = #tpu.pipeline_mode<synchronous>, transform_indices = @transform_4, window_bounds = array<i64: 128, 256>}, {pipeline_mode = #tpu.pipeline_mode<synchronous>, transform_indices = @transform_5, window_bounds = array<i64: 128, 128>}, {pipeline_mode = #tpu.pipeline_mode<synchronous>, transform_indices = @transform_6, window_bounds = array<i64: 1, 128>}, {pipeline_mode = #tpu.pipeline_mode<synchronous>, transform_indices = @transform_7, window_bounds = array<i64: 1, 128>}, {transform_indices = @transform_8, window_bounds = array<i64: 8, 128>}, {transform_indices = @transform_9, window_bounds = array<i64: 6400, 128>}]} {
    %get3A = arith.constant 0 : index
    %get3A_0 = arith.constant 0 : index
    %get3A_1 = arith.constant 0 : index
    %get3A_2 = vector.load %arg1[%get3A, %get3A_0, %get3A_1] : memref<1x50x128xi32, #tpu.memory_space<vmem>>, vector<1x50x128xi32>
    %get3A_3 = arith.constant 0 : index
    %get3A_4 = arith.constant 0 : index
    %get3A_5 = vector.load %arg2[%get3A_3, %get3A_4] : memref<6400x128xf32, #tpu.memory_space<vmem>>, vector<6400x128xf32>
    %get3A_6 = arith.constant 0 : index
    %get3A_7 = arith.constant 0 : index
    %get3A_8 = vector.load %arg3[%get3A_6, %get3A_7] : memref<6400x128xf32, #tpu.memory_space<vmem>>, vector<6400x128xf32>
    %get3A_9 = arith.constant 0 : index
    %get3A_10 = arith.constant 0 : index
    %get3A_11 = vector.load %arg4[%get3A_9, %get3A_10] : memref<256x384xf32, #tpu.memory_space<vmem>>, vector<256x384xf32>
    %get3A_12 = arith.constant 0 : index
    %get3A_13 = arith.constant 0 : index
    %get3A_14 = vector.load %arg5[%get3A_12, %get3A_13] : memref<128x256xf32, #tpu.memory_space<vmem>>, vector<128x256xf32>
    %get3A_15 = arith.constant 0 : index
    %get3A_16 = arith.constant 0 : index
    %get3A_17 = vector.load %arg6[%get3A_15, %get3A_16] : memref<128x128xf32, #tpu.memory_space<vmem>>, vector<128x128xf32>
    %get3A_18 = arith.constant 0 : index
    %get3A_19 = arith.constant 0 : index
    %get3A_20 = vector.load %arg7[%get3A_18, %get3A_19] : memref<1x128xf32, #tpu.memory_space<vmem>>, vector<1x128xf32>
    %get3A_21 = arith.constant 0 : index
    %get3A_22 = arith.constant 0 : index
    %get3A_23 = vector.load %arg8[%get3A_21, %get3A_22] : memref<1x128xf32, #tpu.memory_space<vmem>>, vector<1x128xf32>
    %iota3A = tpu.iota {dimensions = array<i32: 0>} : vector<256x128xi32>
    %slice3A = vector.extract_strided_slice %get3A_2 {offsets = [0, 0, 0], sizes = [1, 1, 128], strides = [1, 1, 1]} : vector<1x50x128xi32> to vector<1x1x128xi32>
    %squeeze3A = vector.shape_cast %slice3A : vector<1x1x128xi32> to vector<1x128xi32>
    %eq3A = vector.broadcast %squeeze3A : vector<1x128xi32> to vector<256x128xi32>
    %eq3A_24 = arith.cmpi eq, %iota3A, %eq3A : vector<256x128xi32>
    %convert_element_type3A = arith.extui %eq3A_24 : vector<256x128xi1> to vector<256x128xi32>
    %convert_element_type3A_25 = arith.sitofp %convert_element_type3A : vector<256x128xi32> to vector<256x128xf32>
    %dot_general3A = arith.constant dense<0.000000e+00> : vector<128x384xf32>
    %dot_general3A_26 = tpu.matmul %convert_element_type3A_25, %get3A_11, %dot_general3A {dimension_numbers = #tpu.dot_dimension_numbers<[0], [0], [1], [1], [0, 1, 1, 1], [], []>, transpose_lhs_hint = false} : vector<256x128xf32>, vector<256x384xf32>, vector<128x384xf32> -> vector<128x384xf32>
    %slice3A_27 = vector.extract_strided_slice %get3A_2 {offsets = [0, 1, 0], sizes = [1, 1, 128], strides = [1, 1, 1]} : vector<1x50x128xi32> to vector<1x1x128xi32>
    %squeeze3A_28 = vector.shape_cast %slice3A_27 : vector<1x1x128xi32> to vector<1x128xi32>
    %eq3A_29 = vector.broadcast %squeeze3A_28 : vector<1x128xi32> to vector<256x128xi32>
    %eq3A_30 = arith.cmpi eq, %iota3A, %eq3A_29 : vector<256x128xi32>
    %convert_element_type3A_31 = arith.extui %eq3A_30 : vector<256x128xi1> to vector<256x128xi32>
    %convert_element_type3A_32 = arith.sitofp %convert_element_type3A_31 : vector<256x128xi32> to vector<256x128xf32>
    %dot_general3A_33 = arith.constant dense<0.000000e+00> : vector<128x384xf32>
    %dot_general3A_34 = tpu.matmul %convert_element_type3A_32, %get3A_11, %dot_general3A_33 {dimension_numbers = #tpu.dot_dimension_numbers<[0], [0], [1], [1], [0, 1, 1, 1], [], []>, transpose_lhs_hint = false} : vector<256x128xf32>, vector<256x384xf32>, vector<128x384xf32> -> vector<128x384xf32>
    %slice3A_35 = vector.extract_strided_slice %get3A_2 {offsets = [0, 2, 0], sizes = [1, 1, 128], strides = [1, 1, 1]} : vector<1x50x128xi32> to vector<1x1x128xi32>
    %squeeze3A_36 = vector.shape_cast %slice3A_35 : vector<1x1x128xi32> to vector<1x128xi32>
    %eq3A_37 = vector.broadcast %squeeze3A_36 : vector<1x128xi32> to vector<256x128xi32>
    %eq3A_38 = arith.cmpi eq, %iota3A, %eq3A_37 : vector<256x128xi32>
    %convert_element_type3A_39 = arith.extui %eq3A_38 : vector<256x128xi1> to vector<256x128xi32>
    %convert_element_type3A_40 = arith.sitofp %convert_element_type3A_39 : vector<256x128xi32> to vector<256x128xf32>
    %dot_general3A_41 = arith.constant dense<0.000000e+00> : vector<128x384xf32>
    %dot_general3A_42 = tpu.matmul %convert_element_type3A_40, %get3A_11, %dot_general3A_41 {dimension_numbers = #tpu.dot_dimension_numbers<[0], [0], [1], [1], [0, 1, 1, 1], [], []>, transpose_lhs_hint = false} : vector<256x128xf32>, vector<256x384xf32>, vector<128x384xf32> -> vector<128x384xf32>
    %slice3A_43 = vector.extract_strided_slice %get3A_2 {offsets = [0, 3, 0], sizes = [1, 1, 128], strides = [1, 1, 1]} : vector<1x50x128xi32> to vector<1x1x128xi32>
    %squeeze3A_44 = vector.shape_cast %slice3A_43 : vector<1x1x128xi32> to vector<1x128xi32>
    %eq3A_45 = vector.broadcast %squeeze3A_44 : vector<1x128xi32> to vector<256x128xi32>
    %eq3A_46 = arith.cmpi eq, %iota3A, %eq3A_45 : vector<256x128xi32>
    %convert_element_type3A_47 = arith.extui %eq3A_46 : vector<256x128xi1> to vector<256x128xi32>
    %convert_element_type3A_48 = arith.sitofp %convert_element_type3A_47 : vector<256x128xi32> to vector<256x128xf32>
    %dot_general3A_49 = arith.constant dense<0.000000e+00> : vector<128x384xf32>
    %dot_general3A_50 = tpu.matmul %convert_element_type3A_48, %get3A_11, %dot_general3A_49 {dimension_numbers = #tpu.dot_dimension_numbers<[0], [0], [1], [1], [0, 1, 1, 1], [], []>, transpose_lhs_hint = false} : vector<256x128xf32>, vector<256x384xf32>, vector<128x384xf32> -> vector<128x384xf32>
    %slice3A_51 = vector.extract_strided_slice %get3A_2 {offsets = [0, 4, 0], sizes = [1, 1, 128], strides = [1, 1, 1]} : vector<1x50x128xi32> to vector<1x1x128xi32>
    %squeeze3A_52 = vector.shape_cast %slice3A_51 : vector<1x1x128xi32> to vector<1x128xi32>
    %eq3A_53 = vector.broadcast %squeeze3A_52 : vector<1x128xi32> to vector<256x128xi32>
    %eq3A_54 = arith.cmpi eq, %iota3A, %eq3A_53 : vector<256x128xi32>
    %convert_element_type3A_55 = arith.extui %eq3A_54 : vector<256x128xi1> to vector<256x128xi32>
    %convert_element_type3A_56 = arith.sitofp %convert_element_type3A_55 : vector<256x128xi32> to vector<256x128xf32>
    %dot_general3A_57 = arith.constant dense<0.000000e+00> : vector<128x384xf32>
    %dot_general3A_58 = tpu.matmul %convert_element_type3A_56, %get3A_11, %dot_general3A_57 {dimension_numbers = #tpu.dot_dimension_numbers<[0], [0], [1], [1], [0, 1, 1, 1], [], []>, transpose_lhs_hint = false} : vector<256x128xf32>, vector<256x384xf32>, vector<128x384xf32> -> vector<128x384xf32>
    %slice3A_59 = vector.extract_strided_slice %get3A_2 {offsets = [0, 5, 0], sizes = [1, 1, 128], strides = [1, 1, 1]} : vector<1x50x128xi32> to vector<1x1x128xi32>
    %squeeze3A_60 = vector.shape_cast %slice3A_59 : vector<1x1x128xi32> to vector<1x128xi32>
    %eq3A_61 = vector.broadcast %squeeze3A_60 : vector<1x128xi32> to vector<256x128xi32>
    %eq3A_62 = arith.cmpi eq, %iota3A, %eq3A_61 : vector<256x128xi32>
    %convert_element_type3A_63 = arith.extui %eq3A_62 : vector<256x128xi1> to vector<256x128xi32>
    %convert_element_type3A_64 = arith.sitofp %convert_element_type3A_63 : vector<256x128xi32> to vector<256x128xf32>
    %dot_general3A_65 = arith.constant dense<0.000000e+00> : vector<128x384xf32>
    %dot_general3A_66 = tpu.matmul %convert_element_type3A_64, %get3A_11, %dot_general3A_65 {dimension_numbers = #tpu.dot_dimension_numbers<[0], [0], [1], [1], [0, 1, 1, 1], [], []>, transpose_lhs_hint = false} : vector<256x128xf32>, vector<256x384xf32>, vector<128x384xf32> -> vector<128x384xf32>
    %slice3A_67 = vector.extract_strided_slice %get3A_2 {offsets = [0, 6, 0], sizes = [1, 1, 128], strides = [1, 1, 1]} : vector<1x50x128xi32> to vector<1x1x128xi32>
    %squeeze3A_68 = vector.shape_cast %slice3A_67 : vector<1x1x128xi32> to vector<1x128xi32>
    %eq3A_69 = vector.broadcast %squeeze3A_68 : vector<1x128xi32> to vector<256x128xi32>
    %eq3A_70 = arith.cmpi eq, %iota3A, %eq3A_69 : vector<256x128xi32>
    %convert_element_type3A_71 = arith.extui %eq3A_70 : vector<256x128xi1> to vector<256x128xi32>
    %convert_element_type3A_72 = arith.sitofp %convert_element_type3A_71 : vector<256x128xi32> to vector<256x128xf32>
    %dot_general3A_73 = arith.constant dense<0.000000e+00> : vector<128x384xf32>
    %dot_general3A_74 = tpu.matmul %convert_element_type3A_72, %get3A_11, %dot_general3A_73 {dimension_numbers = #tpu.dot_dimension_numbers<[0], [0], [1], [1], [0, 1, 1, 1], [], []>, transpose_lhs_hint = false} : vector<256x128xf32>, vector<256x384xf32>, vector<128x384xf32> -> vector<128x384xf32>
    %slice3A_75 = vector.extract_strided_slice %get3A_2 {offsets = [0, 7, 0], sizes = [1, 1, 128], strides = [1, 1, 1]} : vector<1x50x128xi32> to vector<1x1x128xi32>
    %squeeze3A_76 = vector.shape_cast %slice3A_75 : vector<1x1x128xi32> to vector<1x128xi32>
    %eq3A_77 = vector.broadcast %squeeze3A_76 : vector<1x128xi32> to vector<256x128xi32>
    %eq3A_78 = arith.cmpi eq, %iota3A, %eq3A_77 : vector<256x128xi32>
    %convert_element_type3A_79 = arith.extui %eq3A_78 : vector<256x128xi1> to vector<256x128xi32>
    %convert_element_type3A_80 = arith.sitofp %convert_element_type3A_79 : vector<256x128xi32> to vector<256x128xf32>
    %dot_general3A_81 = arith.constant dense<0.000000e+00> : vector<128x384xf32>
    %dot_general3A_82 = tpu.matmul %convert_element_type3A_80, %get3A_11, %dot_general3A_81 {dimension_numbers = #tpu.dot_dimension_numbers<[0], [0], [1], [1], [0, 1, 1, 1], [], []>, transpose_lhs_hint = false} : vector<256x128xf32>, vector<256x384xf32>, vector<128x384xf32> -> vector<128x384xf32>
    %slice3A_83 = vector.extract_strided_slice %get3A_2 {offsets = [0, 8, 0], sizes = [1, 1, 128], strides = [1, 1, 1]} : vector<1x50x128xi32> to vector<1x1x128xi32>
    %squeeze3A_84 = vector.shape_cast %slice3A_83 : vector<1x1x128xi32> to vector<1x128xi32>
    %eq3A_85 = vector.broadcast %squeeze3A_84 : vector<1x128xi32> to vector<256x128xi32>
    %eq3A_86 = arith.cmpi eq, %iota3A, %eq3A_85 : vector<256x128xi32>
    %convert_element_type3A_87 = arith.extui %eq3A_86 : vector<256x128xi1> to vector<256x128xi32>
    %convert_element_type3A_88 = arith.sitofp %convert_element_type3A_87 : vector<256x128xi32> to vector<256x128xf32>
    %dot_general3A_89 = arith.constant dense<0.000000e+00> : vector<128x384xf32>
    %dot_general3A_90 = tpu.matmul %convert_element_type3A_88, %get3A_11, %dot_general3A_89 {dimension_numbers = #tpu.dot_dimension_numbers<[0], [0], [1], [1], [0, 1, 1, 1], [], []>, transpose_lhs_hint = false} : vector<256x128xf32>, vector<256x384xf32>, vector<128x384xf32> -> vector<128x384xf32>
    %slice3A_91 = vector.extract_strided_slice %get3A_2 {offsets = [0, 9, 0], sizes = [1, 1, 128], strides = [1, 1, 1]} : vector<1x50x128xi32> to vector<1x1x128xi32>
    %squeeze3A_92 = vector.shape_cast %slice3A_91 : vector<1x1x128xi32> to vector<1x128xi32>
    %eq3A_93 = vector.broadcast %squeeze3A_92 : vector<1x128xi32> to vector<256x128xi32>
    %eq3A_94 = arith.cmpi eq, %iota3A, %eq3A_93 : vector<256x128xi32>
    %convert_element_type3A_95 = arith.extui %eq3A_94 : vector<256x128xi1> to vector<256x128xi32>
    %convert_element_type3A_96 = arith.sitofp %convert_element_type3A_95 : vector<256x128xi32> to vector<256x128xf32>
    %dot_general3A_97 = arith.constant dense<0.000000e+00> : vector<128x384xf32>
    %dot_general3A_98 = tpu.matmul %convert_element_type3A_96, %get3A_11, %dot_general3A_97 {dimension_numbers = #tpu.dot_dimension_numbers<[0], [0], [1], [1], [0, 1, 1, 1], [], []>, transpose_lhs_hint = false} : vector<256x128xf32>, vector<256x384xf32>, vector<128x384xf32> -> vector<128x384xf32>
    %slice3A_99 = vector.extract_strided_slice %get3A_2 {offsets = [0, 10, 0], sizes = [1, 1, 128], strides = [1, 1, 1]} : vector<1x50x128xi32> to vector<1x1x128xi32>
    %squeeze3A_100 = vector.shape_cast %slice3A_99 : vector<1x1x128xi32> to vector<1x128xi32>
    %eq3A_101 = vector.broadcast %squeeze3A_100 : vector<1x128xi32> to vector<256x128xi32>
    %eq3A_102 = arith.cmpi eq, %iota3A, %eq3A_101 : vector<256x128xi32>
    %convert_element_type3A_103 = arith.extui %eq3A_102 : vector<256x128xi1> to vector<256x128xi32>
    %convert_element_type3A_104 = arith.sitofp %convert_element_type3A_103 : vector<256x128xi32> to vector<256x128xf32>
    %dot_general3A_105 = arith.constant dense<0.000000e+00> : vector<128x384xf32>
    %dot_general3A_106 = tpu.matmul %convert_element_type3A_104, %get3A_11, %dot_general3A_105 {dimension_numbers = #tpu.dot_dimension_numbers<[0], [0], [1], [1], [0, 1, 1, 1], [], []>, transpose_lhs_hint = false} : vector<256x128xf32>, vector<256x384xf32>, vector<128x384xf32> -> vector<128x384xf32>
    %slice3A_107 = vector.extract_strided_slice %get3A_2 {offsets = [0, 11, 0], sizes = [1, 1, 128], strides = [1, 1, 1]} : vector<1x50x128xi32> to vector<1x1x128xi32>
    %squeeze3A_108 = vector.shape_cast %slice3A_107 : vector<1x1x128xi32> to vector<1x128xi32>
    %eq3A_109 = vector.broadcast %squeeze3A_108 : vector<1x128xi32> to vector<256x128xi32>
    %eq3A_110 = arith.cmpi eq, %iota3A, %eq3A_109 : vector<256x128xi32>
    %convert_element_type3A_111 = arith.extui %eq3A_110 : vector<256x128xi1> to vector<256x128xi32>
    %convert_element_type3A_112 = arith.sitofp %convert_element_type3A_111 : vector<256x128xi32> to vector<256x128xf32>
    %dot_general3A_113 = arith.constant dense<0.000000e+00> : vector<128x384xf32>
    %dot_general3A_114 = tpu.matmul %convert_element_type3A_112, %get3A_11, %dot_general3A_113 {dimension_numbers = #tpu.dot_dimension_numbers<[0], [0], [1], [1], [0, 1, 1, 1], [], []>, transpose_lhs_hint = false} : vector<256x128xf32>, vector<256x384xf32>, vector<128x384xf32> -> vector<128x384xf32>
    %slice3A_115 = vector.extract_strided_slice %get3A_2 {offsets = [0, 12, 0], sizes = [1, 1, 128], strides = [1, 1, 1]} : vector<1x50x128xi32> to vector<1x1x128xi32>
    %squeeze3A_116 = vector.shape_cast %slice3A_115 : vector<1x1x128xi32> to vector<1x128xi32>
    %eq3A_117 = vector.broadcast %squeeze3A_116 : vector<1x128xi32> to vector<256x128xi32>
    %eq3A_118 = arith.cmpi eq, %iota3A, %eq3A_117 : vector<256x128xi32>
    %convert_element_type3A_119 = arith.extui %eq3A_118 : vector<256x128xi1> to vector<256x128xi32>
    %convert_element_type3A_120 = arith.sitofp %convert_element_type3A_119 : vector<256x128xi32> to vector<256x128xf32>
    %dot_general3A_121 = arith.constant dense<0.000000e+00> : vector<128x384xf32>
    %dot_general3A_122 = tpu.matmul %convert_element_type3A_120, %get3A_11, %dot_general3A_121 {dimension_numbers = #tpu.dot_dimension_numbers<[0], [0], [1], [1], [0, 1, 1, 1], [], []>, transpose_lhs_hint = false} : vector<256x128xf32>, vector<256x384xf32>, vector<128x384xf32> -> vector<128x384xf32>
    %slice3A_123 = vector.extract_strided_slice %get3A_2 {offsets = [0, 13, 0], sizes = [1, 1, 128], strides = [1, 1, 1]} : vector<1x50x128xi32> to vector<1x1x128xi32>
    %squeeze3A_124 = vector.shape_cast %slice3A_123 : vector<1x1x128xi32> to vector<1x128xi32>
    %eq3A_125 = vector.broadcast %squeeze3A_124 : vector<1x128xi32> to vector<256x128xi32>
    %eq3A_126 = arith.cmpi eq, %iota3A, %eq3A_125 : vector<256x128xi32>
    %convert_element_type3A_127 = arith.extui %eq3A_126 : vector<256x128xi1> to vector<256x128xi32>
    %convert_element_type3A_128 = arith.sitofp %convert_element_type3A_127 : vector<256x128xi32> to vector<256x128xf32>
    %dot_general3A_129 = arith.constant dense<0.000000e+00> : vector<128x384xf32>
    %dot_general3A_130 = tpu.matmul %convert_element_type3A_128, %get3A_11, %dot_general3A_129 {dimension_numbers = #tpu.dot_dimension_numbers<[0], [0], [1], [1], [0, 1, 1, 1], [], []>, transpose_lhs_hint = false} : vector<256x128xf32>, vector<256x384xf32>, vector<128x384xf32> -> vector<128x384xf32>
    %slice3A_131 = vector.extract_strided_slice %get3A_2 {offsets = [0, 14, 0], sizes = [1, 1, 128], strides = [1, 1, 1]} : vector<1x50x128xi32> to vector<1x1x128xi32>
    %squeeze3A_132 = vector.shape_cast %slice3A_131 : vector<1x1x128xi32> to vector<1x128xi32>
    %eq3A_133 = vector.broadcast %squeeze3A_132 : vector<1x128xi32> to vector<256x128xi32>
    %eq3A_134 = arith.cmpi eq, %iota3A, %eq3A_133 : vector<256x128xi32>
    %convert_element_type3A_135 = arith.extui %eq3A_134 : vector<256x128xi1> to vector<256x128xi32>
    %convert_element_type3A_136 = arith.sitofp %convert_element_type3A_135 : vector<256x128xi32> to vector<256x128xf32>
    %dot_general3A_137 = arith.constant dense<0.000000e+00> : vector<128x384xf32>
    %dot_general3A_138 = tpu.matmul %convert_element_type3A_136, %get3A_11, %dot_general3A_137 {dimension_numbers = #tpu.dot_dimension_numbers<[0], [0], [1], [1], [0, 1, 1, 1], [], []>, transpose_lhs_hint = false} : vector<256x128xf32>, vector<256x384xf32>, vector<128x384xf32> -> vector<128x384xf32>
    %slice3A_139 = vector.extract_strided_slice %get3A_2 {offsets = [0, 15, 0], sizes = [1, 1, 128], strides = [1, 1, 1]} : vector<1x50x128xi32> to vector<1x1x128xi32>
    %squeeze3A_140 = vector.shape_cast %slice3A_139 : vector<1x1x128xi32> to vector<1x128xi32>
    %eq3A_141 = vector.broadcast %squeeze3A_140 : vector<1x128xi32> to vector<256x128xi32>
    %eq3A_142 = arith.cmpi eq, %iota3A, %eq3A_141 : vector<256x128xi32>
    %convert_element_type3A_143 = arith.extui %eq3A_142 : vector<256x128xi1> to vector<256x128xi32>
    %convert_element_type3A_144 = arith.sitofp %convert_element_type3A_143 : vector<256x128xi32> to vector<256x128xf32>
    %dot_general3A_145 = arith.constant dense<0.000000e+00> : vector<128x384xf32>
    %dot_general3A_146 = tpu.matmul %convert_element_type3A_144, %get3A_11, %dot_general3A_145 {dimension_numbers = #tpu.dot_dimension_numbers<[0], [0], [1], [1], [0, 1, 1, 1], [], []>, transpose_lhs_hint = false} : vector<256x128xf32>, vector<256x384xf32>, vector<128x384xf32> -> vector<128x384xf32>
    %slice3A_147 = vector.extract_strided_slice %get3A_2 {offsets = [0, 16, 0], sizes = [1, 1, 128], strides = [1, 1, 1]} : vector<1x50x128xi32> to vector<1x1x128xi32>
    %squeeze3A_148 = vector.shape_cast %slice3A_147 : vector<1x1x128xi32> to vector<1x128xi32>
    %eq3A_149 = vector.broadcast %squeeze3A_148 : vector<1x128xi32> to vector<256x128xi32>
    %eq3A_150 = arith.cmpi eq, %iota3A, %eq3A_149 : vector<256x128xi32>
    %convert_element_type3A_151 = arith.extui %eq3A_150 : vector<256x128xi1> to vector<256x128xi32>
    %convert_element_type3A_152 = arith.sitofp %convert_element_type3A_151 : vector<256x128xi32> to vector<256x128xf32>
    %dot_general3A_153 = arith.constant dense<0.000000e+00> : vector<128x384xf32>
    %dot_general3A_154 = tpu.matmul %convert_element_type3A_152, %get3A_11, %dot_general3A_153 {dimension_numbers = #tpu.dot_dimension_numbers<[0], [0], [1], [1], [0, 1, 1, 1], [], []>, transpose_lhs_hint = false} : vector<256x128xf32>, vector<256x384xf32>, vector<128x384xf32> -> vector<128x384xf32>
    %slice3A_155 = vector.extract_strided_slice %get3A_2 {offsets = [0, 17, 0], sizes = [1, 1, 128], strides = [1, 1, 1]} : vector<1x50x128xi32> to vector<1x1x128xi32>
    %squeeze3A_156 = vector.shape_cast %slice3A_155 : vector<1x1x128xi32> to vector<1x128xi32>
    %eq3A_157 = vector.broadcast %squeeze3A_156 : vector<1x128xi32> to vector<256x128xi32>
    %eq3A_158 = arith.cmpi eq, %iota3A, %eq3A_157 : vector<256x128xi32>
    %convert_element_type3A_159 = arith.extui %eq3A_158 : vector<256x128xi1> to vector<256x128xi32>
    %convert_element_type3A_160 = arith.sitofp %convert_element_type3A_159 : vector<256x128xi32> to vector<256x128xf32>
    %dot_general3A_161 = arith.constant dense<0.000000e+00> : vector<128x384xf32>
    %dot_general3A_162 = tpu.matmul %convert_element_type3A_160, %get3A_11, %dot_general3A_161 {dimension_numbers = #tpu.dot_dimension_numbers<[0], [0], [1], [1], [0, 1, 1, 1], [], []>, transpose_lhs_hint = false} : vector<256x128xf32>, vector<256x384xf32>, vector<128x384xf32> -> vector<128x384xf32>
    %slice3A_163 = vector.extract_strided_slice %get3A_2 {offsets = [0, 18, 0], sizes = [1, 1, 128], strides = [1, 1, 1]} : vector<1x50x128xi32> to vector<1x1x128xi32>
    %squeeze3A_164 = vector.shape_cast %slice3A_163 : vector<1x1x128xi32> to vector<1x128xi32>
    %eq3A_165 = vector.broadcast %squeeze3A_164 : vector<1x128xi32> to vector<256x128xi32>
    %eq3A_166 = arith.cmpi eq, %iota3A, %eq3A_165 : vector<256x128xi32>
    %convert_element_type3A_167 = arith.extui %eq3A_166 : vector<256x128xi1> to vector<256x128xi32>
    %convert_element_type3A_168 = arith.sitofp %convert_element_type3A_167 : vector<256x128xi32> to vector<256x128xf32>
    %dot_general3A_169 = arith.constant dense<0.000000e+00> : vector<128x384xf32>
    %dot_general3A_170 = tpu.matmul %convert_element_type3A_168, %get3A_11, %dot_general3A_169 {dimension_numbers = #tpu.dot_dimension_numbers<[0], [0], [1], [1], [0, 1, 1, 1], [], []>, transpose_lhs_hint = false} : vector<256x128xf32>, vector<256x384xf32>, vector<128x384xf32> -> vector<128x384xf32>
    %slice3A_171 = vector.extract_strided_slice %get3A_2 {offsets = [0, 19, 0], sizes = [1, 1, 128], strides = [1, 1, 1]} : vector<1x50x128xi32> to vector<1x1x128xi32>
    %squeeze3A_172 = vector.shape_cast %slice3A_171 : vector<1x1x128xi32> to vector<1x128xi32>
    %eq3A_173 = vector.broadcast %squeeze3A_172 : vector<1x128xi32> to vector<256x128xi32>
    %eq3A_174 = arith.cmpi eq, %iota3A, %eq3A_173 : vector<256x128xi32>
    %convert_element_type3A_175 = arith.extui %eq3A_174 : vector<256x128xi1> to vector<256x128xi32>
    %convert_element_type3A_176 = arith.sitofp %convert_element_type3A_175 : vector<256x128xi32> to vector<256x128xf32>
    %dot_general3A_177 = arith.constant dense<0.000000e+00> : vector<128x384xf32>
    %dot_general3A_178 = tpu.matmul %convert_element_type3A_176, %get3A_11, %dot_general3A_177 {dimension_numbers = #tpu.dot_dimension_numbers<[0], [0], [1], [1], [0, 1, 1, 1], [], []>, transpose_lhs_hint = false} : vector<256x128xf32>, vector<256x384xf32>, vector<128x384xf32> -> vector<128x384xf32>
    %slice3A_179 = vector.extract_strided_slice %get3A_2 {offsets = [0, 20, 0], sizes = [1, 1, 128], strides = [1, 1, 1]} : vector<1x50x128xi32> to vector<1x1x128xi32>
    %squeeze3A_180 = vector.shape_cast %slice3A_179 : vector<1x1x128xi32> to vector<1x128xi32>
    %eq3A_181 = vector.broadcast %squeeze3A_180 : vector<1x128xi32> to vector<256x128xi32>
    %eq3A_182 = arith.cmpi eq, %iota3A, %eq3A_181 : vector<256x128xi32>
    %convert_element_type3A_183 = arith.extui %eq3A_182 : vector<256x128xi1> to vector<256x128xi32>
    %convert_element_type3A_184 = arith.sitofp %convert_element_type3A_183 : vector<256x128xi32> to vector<256x128xf32>
    %dot_general3A_185 = arith.constant dense<0.000000e+00> : vector<128x384xf32>
    %dot_general3A_186 = tpu.matmul %convert_element_type3A_184, %get3A_11, %dot_general3A_185 {dimension_numbers = #tpu.dot_dimension_numbers<[0], [0], [1], [1], [0, 1, 1, 1], [], []>, transpose_lhs_hint = false} : vector<256x128xf32>, vector<256x384xf32>, vector<128x384xf32> -> vector<128x384xf32>
    %slice3A_187 = vector.extract_strided_slice %get3A_2 {offsets = [0, 21, 0], sizes = [1, 1, 128], strides = [1, 1, 1]} : vector<1x50x128xi32> to vector<1x1x128xi32>
    %squeeze3A_188 = vector.shape_cast %slice3A_187 : vector<1x1x128xi32> to vector<1x128xi32>
    %eq3A_189 = vector.broadcast %squeeze3A_188 : vector<1x128xi32> to vector<256x128xi32>
    %eq3A_190 = arith.cmpi eq, %iota3A, %eq3A_189 : vector<256x128xi32>
    %convert_element_type3A_191 = arith.extui %eq3A_190 : vector<256x128xi1> to vector<256x128xi32>
    %convert_element_type3A_192 = arith.sitofp %convert_element_type3A_191 : vector<256x128xi32> to vector<256x128xf32>
    %dot_general3A_193 = arith.constant dense<0.000000e+00> : vector<128x384xf32>
    %dot_general3A_194 = tpu.matmul %convert_element_type3A_192, %get3A_11, %dot_general3A_193 {dimension_numbers = #tpu.dot_dimension_numbers<[0], [0], [1], [1], [0, 1, 1, 1], [], []>, transpose_lhs_hint = false} : vector<256x128xf32>, vector<256x384xf32>, vector<128x384xf32> -> vector<128x384xf32>
    %slice3A_195 = vector.extract_strided_slice %get3A_2 {offsets = [0, 22, 0], sizes = [1, 1, 128], strides = [1, 1, 1]} : vector<1x50x128xi32> to vector<1x1x128xi32>
    %squeeze3A_196 = vector.shape_cast %slice3A_195 : vector<1x1x128xi32> to vector<1x128xi32>
    %eq3A_197 = vector.broadcast %squeeze3A_196 : vector<1x128xi32> to vector<256x128xi32>
    %eq3A_198 = arith.cmpi eq, %iota3A, %eq3A_197 : vector<256x128xi32>
    %convert_element_type3A_199 = arith.extui %eq3A_198 : vector<256x128xi1> to vector<256x128xi32>
    %convert_element_type3A_200 = arith.sitofp %convert_element_type3A_199 : vector<256x128xi32> to vector<256x128xf32>
    %dot_general3A_201 = arith.constant dense<0.000000e+00> : vector<128x384xf32>
    %dot_general3A_202 = tpu.matmul %convert_element_type3A_200, %get3A_11, %dot_general3A_201 {dimension_numbers = #tpu.dot_dimension_numbers<[0], [0], [1], [1], [0, 1, 1, 1], [], []>, transpose_lhs_hint = false} : vector<256x128xf32>, vector<256x384xf32>, vector<128x384xf32> -> vector<128x384xf32>
    %slice3A_203 = vector.extract_strided_slice %get3A_2 {offsets = [0, 23, 0], sizes = [1, 1, 128], strides = [1, 1, 1]} : vector<1x50x128xi32> to vector<1x1x128xi32>
    %squeeze3A_204 = vector.shape_cast %slice3A_203 : vector<1x1x128xi32> to vector<1x128xi32>
    %eq3A_205 = vector.broadcast %squeeze3A_204 : vector<1x128xi32> to vector<256x128xi32>
    %eq3A_206 = arith.cmpi eq, %iota3A, %eq3A_205 : vector<256x128xi32>
    %convert_element_type3A_207 = arith.extui %eq3A_206 : vector<256x128xi1> to vector<256x128xi32>
    %convert_element_type3A_208 = arith.sitofp %convert_element_type3A_207 : vector<256x128xi32> to vector<256x128xf32>
    %dot_general3A_209 = arith.constant dense<0.000000e+00> : vector<128x384xf32>
    %dot_general3A_210 = tpu.matmul %convert_element_type3A_208, %get3A_11, %dot_general3A_209 {dimension_numbers = #tpu.dot_dimension_numbers<[0], [0], [1], [1], [0, 1, 1, 1], [], []>, transpose_lhs_hint = false} : vector<256x128xf32>, vector<256x384xf32>, vector<128x384xf32> -> vector<128x384xf32>
    %slice3A_211 = vector.extract_strided_slice %get3A_2 {offsets = [0, 24, 0], sizes = [1, 1, 128], strides = [1, 1, 1]} : vector<1x50x128xi32> to vector<1x1x128xi32>
    %squeeze3A_212 = vector.shape_cast %slice3A_211 : vector<1x1x128xi32> to vector<1x128xi32>
    %eq3A_213 = vector.broadcast %squeeze3A_212 : vector<1x128xi32> to vector<256x128xi32>
    %eq3A_214 = arith.cmpi eq, %iota3A, %eq3A_213 : vector<256x128xi32>
    %convert_element_type3A_215 = arith.extui %eq3A_214 : vector<256x128xi1> to vector<256x128xi32>
    %convert_element_type3A_216 = arith.sitofp %convert_element_type3A_215 : vector<256x128xi32> to vector<256x128xf32>
    %dot_general3A_217 = arith.constant dense<0.000000e+00> : vector<128x384xf32>
    %dot_general3A_218 = tpu.matmul %convert_element_type3A_216, %get3A_11, %dot_general3A_217 {dimension_numbers = #tpu.dot_dimension_numbers<[0], [0], [1], [1], [0, 1, 1, 1], [], []>, transpose_lhs_hint = false} : vector<256x128xf32>, vector<256x384xf32>, vector<128x384xf32> -> vector<128x384xf32>
    %slice3A_219 = vector.extract_strided_slice %get3A_2 {offsets = [0, 25, 0], sizes = [1, 1, 128], strides = [1, 1, 1]} : vector<1x50x128xi32> to vector<1x1x128xi32>
    %squeeze3A_220 = vector.shape_cast %slice3A_219 : vector<1x1x128xi32> to vector<1x128xi32>
    %eq3A_221 = vector.broadcast %squeeze3A_220 : vector<1x128xi32> to vector<256x128xi32>
    %eq3A_222 = arith.cmpi eq, %iota3A, %eq3A_221 : vector<256x128xi32>
    %convert_element_type3A_223 = arith.extui %eq3A_222 : vector<256x128xi1> to vector<256x128xi32>
    %convert_element_type3A_224 = arith.sitofp %convert_element_type3A_223 : vector<256x128xi32> to vector<256x128xf32>
    %dot_general3A_225 = arith.constant dense<0.000000e+00> : vector<128x384xf32>
    %dot_general3A_226 = tpu.matmul %convert_element_type3A_224, %get3A_11, %dot_general3A_225 {dimension_numbers = #tpu.dot_dimension_numbers<[0], [0], [1], [1], [0, 1, 1, 1], [], []>, transpose_lhs_hint = false} : vector<256x128xf32>, vector<256x384xf32>, vector<128x384xf32> -> vector<128x384xf32>
    %slice3A_227 = vector.extract_strided_slice %get3A_2 {offsets = [0, 26, 0], sizes = [1, 1, 128], strides = [1, 1, 1]} : vector<1x50x128xi32> to vector<1x1x128xi32>
    %squeeze3A_228 = vector.shape_cast %slice3A_227 : vector<1x1x128xi32> to vector<1x128xi32>
    %eq3A_229 = vector.broadcast %squeeze3A_228 : vector<1x128xi32> to vector<256x128xi32>
    %eq3A_230 = arith.cmpi eq, %iota3A, %eq3A_229 : vector<256x128xi32>
    %convert_element_type3A_231 = arith.extui %eq3A_230 : vector<256x128xi1> to vector<256x128xi32>
    %convert_element_type3A_232 = arith.sitofp %convert_element_type3A_231 : vector<256x128xi32> to vector<256x128xf32>
    %dot_general3A_233 = arith.constant dense<0.000000e+00> : vector<128x384xf32>
    %dot_general3A_234 = tpu.matmul %convert_element_type3A_232, %get3A_11, %dot_general3A_233 {dimension_numbers = #tpu.dot_dimension_numbers<[0], [0], [1], [1], [0, 1, 1, 1], [], []>, transpose_lhs_hint = false} : vector<256x128xf32>, vector<256x384xf32>, vector<128x384xf32> -> vector<128x384xf32>
    %slice3A_235 = vector.extract_strided_slice %get3A_2 {offsets = [0, 27, 0], sizes = [1, 1, 128], strides = [1, 1, 1]} : vector<1x50x128xi32> to vector<1x1x128xi32>
    %squeeze3A_236 = vector.shape_cast %slice3A_235 : vector<1x1x128xi32> to vector<1x128xi32>
    %eq3A_237 = vector.broadcast %squeeze3A_236 : vector<1x128xi32> to vector<256x128xi32>
    %eq3A_238 = arith.cmpi eq, %iota3A, %eq3A_237 : vector<256x128xi32>
    %convert_element_type3A_239 = arith.extui %eq3A_238 : vector<256x128xi1> to vector<256x128xi32>
    %convert_element_type3A_240 = arith.sitofp %convert_element_type3A_239 : vector<256x128xi32> to vector<256x128xf32>
    %dot_general3A_241 = arith.constant dense<0.000000e+00> : vector<128x384xf32>
    %dot_general3A_242 = tpu.matmul %convert_element_type3A_240, %get3A_11, %dot_general3A_241 {dimension_numbers = #tpu.dot_dimension_numbers<[0], [0], [1], [1], [0, 1, 1, 1], [], []>, transpose_lhs_hint = false} : vector<256x128xf32>, vector<256x384xf32>, vector<128x384xf32> -> vector<128x384xf32>
    %slice3A_243 = vector.extract_strided_slice %get3A_2 {offsets = [0, 28, 0], sizes = [1, 1, 128], strides = [1, 1, 1]} : vector<1x50x128xi32> to vector<1x1x128xi32>
    %squeeze3A_244 = vector.shape_cast %slice3A_243 : vector<1x1x128xi32> to vector<1x128xi32>
    %eq3A_245 = vector.broadcast %squeeze3A_244 : vector<1x128xi32> to vector<256x128xi32>
    %eq3A_246 = arith.cmpi eq, %iota3A, %eq3A_245 : vector<256x128xi32>
    %convert_element_type3A_247 = arith.extui %eq3A_246 : vector<256x128xi1> to vector<256x128xi32>
    %convert_element_type3A_248 = arith.sitofp %convert_element_type3A_247 : vector<256x128xi32> to vector<256x128xf32>
    %dot_general3A_249 = arith.constant dense<0.000000e+00> : vector<128x384xf32>
    %dot_general3A_250 = tpu.matmul %convert_element_type3A_248, %get3A_11, %dot_general3A_249 {dimension_numbers = #tpu.dot_dimension_numbers<[0], [0], [1], [1], [0, 1, 1, 1], [], []>, transpose_lhs_hint = false} : vector<256x128xf32>, vector<256x384xf32>, vector<128x384xf32> -> vector<128x384xf32>
    %slice3A_251 = vector.extract_strided_slice %get3A_2 {offsets = [0, 29, 0], sizes = [1, 1, 128], strides = [1, 1, 1]} : vector<1x50x128xi32> to vector<1x1x128xi32>
    %squeeze3A_252 = vector.shape_cast %slice3A_251 : vector<1x1x128xi32> to vector<1x128xi32>
    %eq3A_253 = vector.broadcast %squeeze3A_252 : vector<1x128xi32> to vector<256x128xi32>
    %eq3A_254 = arith.cmpi eq, %iota3A, %eq3A_253 : vector<256x128xi32>
    %convert_element_type3A_255 = arith.extui %eq3A_254 : vector<256x128xi1> to vector<256x128xi32>
    %convert_element_type3A_256 = arith.sitofp %convert_element_type3A_255 : vector<256x128xi32> to vector<256x128xf32>
    %dot_general3A_257 = arith.constant dense<0.000000e+00> : vector<128x384xf32>
    %dot_general3A_258 = tpu.matmul %convert_element_type3A_256, %get3A_11, %dot_general3A_257 {dimension_numbers = #tpu.dot_dimension_numbers<[0], [0], [1], [1], [0, 1, 1, 1], [], []>, transpose_lhs_hint = false} : vector<256x128xf32>, vector<256x384xf32>, vector<128x384xf32> -> vector<128x384xf32>
    %slice3A_259 = vector.extract_strided_slice %get3A_2 {offsets = [0, 30, 0], sizes = [1, 1, 128], strides = [1, 1, 1]} : vector<1x50x128xi32> to vector<1x1x128xi32>
    %squeeze3A_260 = vector.shape_cast %slice3A_259 : vector<1x1x128xi32> to vector<1x128xi32>
    %eq3A_261 = vector.broadcast %squeeze3A_260 : vector<1x128xi32> to vector<256x128xi32>
    %eq3A_262 = arith.cmpi eq, %iota3A, %eq3A_261 : vector<256x128xi32>
    %convert_element_type3A_263 = arith.extui %eq3A_262 : vector<256x128xi1> to vector<256x128xi32>
    %convert_element_type3A_264 = arith.sitofp %convert_element_type3A_263 : vector<256x128xi32> to vector<256x128xf32>
    %dot_general3A_265 = arith.constant dense<0.000000e+00> : vector<128x384xf32>
    %dot_general3A_266 = tpu.matmul %convert_element_type3A_264, %get3A_11, %dot_general3A_265 {dimension_numbers = #tpu.dot_dimension_numbers<[0], [0], [1], [1], [0, 1, 1, 1], [], []>, transpose_lhs_hint = false} : vector<256x128xf32>, vector<256x384xf32>, vector<128x384xf32> -> vector<128x384xf32>
    %slice3A_267 = vector.extract_strided_slice %get3A_2 {offsets = [0, 31, 0], sizes = [1, 1, 128], strides = [1, 1, 1]} : vector<1x50x128xi32> to vector<1x1x128xi32>
    %squeeze3A_268 = vector.shape_cast %slice3A_267 : vector<1x1x128xi32> to vector<1x128xi32>
    %eq3A_269 = vector.broadcast %squeeze3A_268 : vector<1x128xi32> to vector<256x128xi32>
    %eq3A_270 = arith.cmpi eq, %iota3A, %eq3A_269 : vector<256x128xi32>
    %convert_element_type3A_271 = arith.extui %eq3A_270 : vector<256x128xi1> to vector<256x128xi32>
    %convert_element_type3A_272 = arith.sitofp %convert_element_type3A_271 : vector<256x128xi32> to vector<256x128xf32>
    %dot_general3A_273 = arith.constant dense<0.000000e+00> : vector<128x384xf32>
    %dot_general3A_274 = tpu.matmul %convert_element_type3A_272, %get3A_11, %dot_general3A_273 {dimension_numbers = #tpu.dot_dimension_numbers<[0], [0], [1], [1], [0, 1, 1, 1], [], []>, transpose_lhs_hint = false} : vector<256x128xf32>, vector<256x384xf32>, vector<128x384xf32> -> vector<128x384xf32>
    %slice3A_275 = vector.extract_strided_slice %get3A_2 {offsets = [0, 32, 0], sizes = [1, 1, 128], strides = [1, 1, 1]} : vector<1x50x128xi32> to vector<1x1x128xi32>
    %squeeze3A_276 = vector.shape_cast %slice3A_275 : vector<1x1x128xi32> to vector<1x128xi32>
    %eq3A_277 = vector.broadcast %squeeze3A_276 : vector<1x128xi32> to vector<256x128xi32>
    %eq3A_278 = arith.cmpi eq, %iota3A, %eq3A_277 : vector<256x128xi32>
    %convert_element_type3A_279 = arith.extui %eq3A_278 : vector<256x128xi1> to vector<256x128xi32>
    %convert_element_type3A_280 = arith.sitofp %convert_element_type3A_279 : vector<256x128xi32> to vector<256x128xf32>
    %dot_general3A_281 = arith.constant dense<0.000000e+00> : vector<128x384xf32>
    %dot_general3A_282 = tpu.matmul %convert_element_type3A_280, %get3A_11, %dot_general3A_281 {dimension_numbers = #tpu.dot_dimension_numbers<[0], [0], [1], [1], [0, 1, 1, 1], [], []>, transpose_lhs_hint = false} : vector<256x128xf32>, vector<256x384xf32>, vector<128x384xf32> -> vector<128x384xf32>
    %slice3A_283 = vector.extract_strided_slice %get3A_2 {offsets = [0, 33, 0], sizes = [1, 1, 128], strides = [1, 1, 1]} : vector<1x50x128xi32> to vector<1x1x128xi32>
    %squeeze3A_284 = vector.shape_cast %slice3A_283 : vector<1x1x128xi32> to vector<1x128xi32>
    %eq3A_285 = vector.broadcast %squeeze3A_284 : vector<1x128xi32> to vector<256x128xi32>
    %eq3A_286 = arith.cmpi eq, %iota3A, %eq3A_285 : vector<256x128xi32>
    %convert_element_type3A_287 = arith.extui %eq3A_286 : vector<256x128xi1> to vector<256x128xi32>
    %convert_element_type3A_288 = arith.sitofp %convert_element_type3A_287 : vector<256x128xi32> to vector<256x128xf32>
    %dot_general3A_289 = arith.constant dense<0.000000e+00> : vector<128x384xf32>
    %dot_general3A_290 = tpu.matmul %convert_element_type3A_288, %get3A_11, %dot_general3A_289 {dimension_numbers = #tpu.dot_dimension_numbers<[0], [0], [1], [1], [0, 1, 1, 1], [], []>, transpose_lhs_hint = false} : vector<256x128xf32>, vector<256x384xf32>, vector<128x384xf32> -> vector<128x384xf32>
    %slice3A_291 = vector.extract_strided_slice %get3A_2 {offsets = [0, 34, 0], sizes = [1, 1, 128], strides = [1, 1, 1]} : vector<1x50x128xi32> to vector<1x1x128xi32>
    %squeeze3A_292 = vector.shape_cast %slice3A_291 : vector<1x1x128xi32> to vector<1x128xi32>
    %eq3A_293 = vector.broadcast %squeeze3A_292 : vector<1x128xi32> to vector<256x128xi32>
    %eq3A_294 = arith.cmpi eq, %iota3A, %eq3A_293 : vector<256x128xi32>
    %convert_element_type3A_295 = arith.extui %eq3A_294 : vector<256x128xi1> to vector<256x128xi32>
    %convert_element_type3A_296 = arith.sitofp %convert_element_type3A_295 : vector<256x128xi32> to vector<256x128xf32>
    %dot_general3A_297 = arith.constant dense<0.000000e+00> : vector<128x384xf32>
    %dot_general3A_298 = tpu.matmul %convert_element_type3A_296, %get3A_11, %dot_general3A_297 {dimension_numbers = #tpu.dot_dimension_numbers<[0], [0], [1], [1], [0, 1, 1, 1], [], []>, transpose_lhs_hint = false} : vector<256x128xf32>, vector<256x384xf32>, vector<128x384xf32> -> vector<128x384xf32>
    %slice3A_299 = vector.extract_strided_slice %get3A_2 {offsets = [0, 35, 0], sizes = [1, 1, 128], strides = [1, 1, 1]} : vector<1x50x128xi32> to vector<1x1x128xi32>
    %squeeze3A_300 = vector.shape_cast %slice3A_299 : vector<1x1x128xi32> to vector<1x128xi32>
    %eq3A_301 = vector.broadcast %squeeze3A_300 : vector<1x128xi32> to vector<256x128xi32>
    %eq3A_302 = arith.cmpi eq, %iota3A, %eq3A_301 : vector<256x128xi32>
    %convert_element_type3A_303 = arith.extui %eq3A_302 : vector<256x128xi1> to vector<256x128xi32>
    %convert_element_type3A_304 = arith.sitofp %convert_element_type3A_303 : vector<256x128xi32> to vector<256x128xf32>
    %dot_general3A_305 = arith.constant dense<0.000000e+00> : vector<128x384xf32>
    %dot_general3A_306 = tpu.matmul %convert_element_type3A_304, %get3A_11, %dot_general3A_305 {dimension_numbers = #tpu.dot_dimension_numbers<[0], [0], [1], [1], [0, 1, 1, 1], [], []>, transpose_lhs_hint = false} : vector<256x128xf32>, vector<256x384xf32>, vector<128x384xf32> -> vector<128x384xf32>
    %slice3A_307 = vector.extract_strided_slice %get3A_2 {offsets = [0, 36, 0], sizes = [1, 1, 128], strides = [1, 1, 1]} : vector<1x50x128xi32> to vector<1x1x128xi32>
    %squeeze3A_308 = vector.shape_cast %slice3A_307 : vector<1x1x128xi32> to vector<1x128xi32>
    %eq3A_309 = vector.broadcast %squeeze3A_308 : vector<1x128xi32> to vector<256x128xi32>
    %eq3A_310 = arith.cmpi eq, %iota3A, %eq3A_309 : vector<256x128xi32>
    %convert_element_type3A_311 = arith.extui %eq3A_310 : vector<256x128xi1> to vector<256x128xi32>
    %convert_element_type3A_312 = arith.sitofp %convert_element_type3A_311 : vector<256x128xi32> to vector<256x128xf32>
    %dot_general3A_313 = arith.constant dense<0.000000e+00> : vector<128x384xf32>
    %dot_general3A_314 = tpu.matmul %convert_element_type3A_312, %get3A_11, %dot_general3A_313 {dimension_numbers = #tpu.dot_dimension_numbers<[0], [0], [1], [1], [0, 1, 1, 1], [], []>, transpose_lhs_hint = false} : vector<256x128xf32>, vector<256x384xf32>, vector<128x384xf32> -> vector<128x384xf32>
    %slice3A_315 = vector.extract_strided_slice %get3A_2 {offsets = [0, 37, 0], sizes = [1, 1, 128], strides = [1, 1, 1]} : vector<1x50x128xi32> to vector<1x1x128xi32>
    %squeeze3A_316 = vector.shape_cast %slice3A_315 : vector<1x1x128xi32> to vector<1x128xi32>
    %eq3A_317 = vector.broadcast %squeeze3A_316 : vector<1x128xi32> to vector<256x128xi32>
    %eq3A_318 = arith.cmpi eq, %iota3A, %eq3A_317 : vector<256x128xi32>
    %convert_element_type3A_319 = arith.extui %eq3A_318 : vector<256x128xi1> to vector<256x128xi32>
    %convert_element_type3A_320 = arith.sitofp %convert_element_type3A_319 : vector<256x128xi32> to vector<256x128xf32>
    %dot_general3A_321 = arith.constant dense<0.000000e+00> : vector<128x384xf32>
    %dot_general3A_322 = tpu.matmul %convert_element_type3A_320, %get3A_11, %dot_general3A_321 {dimension_numbers = #tpu.dot_dimension_numbers<[0], [0], [1], [1], [0, 1, 1, 1], [], []>, transpose_lhs_hint = false} : vector<256x128xf32>, vector<256x384xf32>, vector<128x384xf32> -> vector<128x384xf32>
    %slice3A_323 = vector.extract_strided_slice %get3A_2 {offsets = [0, 38, 0], sizes = [1, 1, 128], strides = [1, 1, 1]} : vector<1x50x128xi32> to vector<1x1x128xi32>
    %squeeze3A_324 = vector.shape_cast %slice3A_323 : vector<1x1x128xi32> to vector<1x128xi32>
    %eq3A_325 = vector.broadcast %squeeze3A_324 : vector<1x128xi32> to vector<256x128xi32>
    %eq3A_326 = arith.cmpi eq, %iota3A, %eq3A_325 : vector<256x128xi32>
    %convert_element_type3A_327 = arith.extui %eq3A_326 : vector<256x128xi1> to vector<256x128xi32>
    %convert_element_type3A_328 = arith.sitofp %convert_element_type3A_327 : vector<256x128xi32> to vector<256x128xf32>
    %dot_general3A_329 = arith.constant dense<0.000000e+00> : vector<128x384xf32>
    %dot_general3A_330 = tpu.matmul %convert_element_type3A_328, %get3A_11, %dot_general3A_329 {dimension_numbers = #tpu.dot_dimension_numbers<[0], [0], [1], [1], [0, 1, 1, 1], [], []>, transpose_lhs_hint = false} : vector<256x128xf32>, vector<256x384xf32>, vector<128x384xf32> -> vector<128x384xf32>
    %slice3A_331 = vector.extract_strided_slice %get3A_2 {offsets = [0, 39, 0], sizes = [1, 1, 128], strides = [1, 1, 1]} : vector<1x50x128xi32> to vector<1x1x128xi32>
    %squeeze3A_332 = vector.shape_cast %slice3A_331 : vector<1x1x128xi32> to vector<1x128xi32>
    %eq3A_333 = vector.broadcast %squeeze3A_332 : vector<1x128xi32> to vector<256x128xi32>
    %eq3A_334 = arith.cmpi eq, %iota3A, %eq3A_333 : vector<256x128xi32>
    %convert_element_type3A_335 = arith.extui %eq3A_334 : vector<256x128xi1> to vector<256x128xi32>
    %convert_element_type3A_336 = arith.sitofp %convert_element_type3A_335 : vector<256x128xi32> to vector<256x128xf32>
    %dot_general3A_337 = arith.constant dense<0.000000e+00> : vector<128x384xf32>
    %dot_general3A_338 = tpu.matmul %convert_element_type3A_336, %get3A_11, %dot_general3A_337 {dimension_numbers = #tpu.dot_dimension_numbers<[0], [0], [1], [1], [0, 1, 1, 1], [], []>, transpose_lhs_hint = false} : vector<256x128xf32>, vector<256x384xf32>, vector<128x384xf32> -> vector<128x384xf32>
    %slice3A_339 = vector.extract_strided_slice %get3A_2 {offsets = [0, 40, 0], sizes = [1, 1, 128], strides = [1, 1, 1]} : vector<1x50x128xi32> to vector<1x1x128xi32>
    %squeeze3A_340 = vector.shape_cast %slice3A_339 : vector<1x1x128xi32> to vector<1x128xi32>
    %eq3A_341 = vector.broadcast %squeeze3A_340 : vector<1x128xi32> to vector<256x128xi32>
    %eq3A_342 = arith.cmpi eq, %iota3A, %eq3A_341 : vector<256x128xi32>
    %convert_element_type3A_343 = arith.extui %eq3A_342 : vector<256x128xi1> to vector<256x128xi32>
    %convert_element_type3A_344 = arith.sitofp %convert_element_type3A_343 : vector<256x128xi32> to vector<256x128xf32>
    %dot_general3A_345 = arith.constant dense<0.000000e+00> : vector<128x384xf32>
    %dot_general3A_346 = tpu.matmul %convert_element_type3A_344, %get3A_11, %dot_general3A_345 {dimension_numbers = #tpu.dot_dimension_numbers<[0], [0], [1], [1], [0, 1, 1, 1], [], []>, transpose_lhs_hint = false} : vector<256x128xf32>, vector<256x384xf32>, vector<128x384xf32> -> vector<128x384xf32>
    %slice3A_347 = vector.extract_strided_slice %get3A_2 {offsets = [0, 41, 0], sizes = [1, 1, 128], strides = [1, 1, 1]} : vector<1x50x128xi32> to vector<1x1x128xi32>
    %squeeze3A_348 = vector.shape_cast %slice3A_347 : vector<1x1x128xi32> to vector<1x128xi32>
    %eq3A_349 = vector.broadcast %squeeze3A_348 : vector<1x128xi32> to vector<256x128xi32>
    %eq3A_350 = arith.cmpi eq, %iota3A, %eq3A_349 : vector<256x128xi32>
    %convert_element_type3A_351 = arith.extui %eq3A_350 : vector<256x128xi1> to vector<256x128xi32>
    %convert_element_type3A_352 = arith.sitofp %convert_element_type3A_351 : vector<256x128xi32> to vector<256x128xf32>
    %dot_general3A_353 = arith.constant dense<0.000000e+00> : vector<128x384xf32>
    %dot_general3A_354 = tpu.matmul %convert_element_type3A_352, %get3A_11, %dot_general3A_353 {dimension_numbers = #tpu.dot_dimension_numbers<[0], [0], [1], [1], [0, 1, 1, 1], [], []>, transpose_lhs_hint = false} : vector<256x128xf32>, vector<256x384xf32>, vector<128x384xf32> -> vector<128x384xf32>
    %slice3A_355 = vector.extract_strided_slice %get3A_2 {offsets = [0, 42, 0], sizes = [1, 1, 128], strides = [1, 1, 1]} : vector<1x50x128xi32> to vector<1x1x128xi32>
    %squeeze3A_356 = vector.shape_cast %slice3A_355 : vector<1x1x128xi32> to vector<1x128xi32>
    %eq3A_357 = vector.broadcast %squeeze3A_356 : vector<1x128xi32> to vector<256x128xi32>
    %eq3A_358 = arith.cmpi eq, %iota3A, %eq3A_357 : vector<256x128xi32>
    %convert_element_type3A_359 = arith.extui %eq3A_358 : vector<256x128xi1> to vector<256x128xi32>
    %convert_element_type3A_360 = arith.sitofp %convert_element_type3A_359 : vector<256x128xi32> to vector<256x128xf32>
    %dot_general3A_361 = arith.constant dense<0.000000e+00> : vector<128x384xf32>
    %dot_general3A_362 = tpu.matmul %convert_element_type3A_360, %get3A_11, %dot_general3A_361 {dimension_numbers = #tpu.dot_dimension_numbers<[0], [0], [1], [1], [0, 1, 1, 1], [], []>, transpose_lhs_hint = false} : vector<256x128xf32>, vector<256x384xf32>, vector<128x384xf32> -> vector<128x384xf32>
    %slice3A_363 = vector.extract_strided_slice %get3A_2 {offsets = [0, 43, 0], sizes = [1, 1, 128], strides = [1, 1, 1]} : vector<1x50x128xi32> to vector<1x1x128xi32>
    %squeeze3A_364 = vector.shape_cast %slice3A_363 : vector<1x1x128xi32> to vector<1x128xi32>
    %eq3A_365 = vector.broadcast %squeeze3A_364 : vector<1x128xi32> to vector<256x128xi32>
    %eq3A_366 = arith.cmpi eq, %iota3A, %eq3A_365 : vector<256x128xi32>
    %convert_element_type3A_367 = arith.extui %eq3A_366 : vector<256x128xi1> to vector<256x128xi32>
    %convert_element_type3A_368 = arith.sitofp %convert_element_type3A_367 : vector<256x128xi32> to vector<256x128xf32>
    %dot_general3A_369 = arith.constant dense<0.000000e+00> : vector<128x384xf32>
    %dot_general3A_370 = tpu.matmul %convert_element_type3A_368, %get3A_11, %dot_general3A_369 {dimension_numbers = #tpu.dot_dimension_numbers<[0], [0], [1], [1], [0, 1, 1, 1], [], []>, transpose_lhs_hint = false} : vector<256x128xf32>, vector<256x384xf32>, vector<128x384xf32> -> vector<128x384xf32>
    %slice3A_371 = vector.extract_strided_slice %get3A_2 {offsets = [0, 44, 0], sizes = [1, 1, 128], strides = [1, 1, 1]} : vector<1x50x128xi32> to vector<1x1x128xi32>
    %squeeze3A_372 = vector.shape_cast %slice3A_371 : vector<1x1x128xi32> to vector<1x128xi32>
    %eq3A_373 = vector.broadcast %squeeze3A_372 : vector<1x128xi32> to vector<256x128xi32>
    %eq3A_374 = arith.cmpi eq, %iota3A, %eq3A_373 : vector<256x128xi32>
    %convert_element_type3A_375 = arith.extui %eq3A_374 : vector<256x128xi1> to vector<256x128xi32>
    %convert_element_type3A_376 = arith.sitofp %convert_element_type3A_375 : vector<256x128xi32> to vector<256x128xf32>
    %dot_general3A_377 = arith.constant dense<0.000000e+00> : vector<128x384xf32>
    %dot_general3A_378 = tpu.matmul %convert_element_type3A_376, %get3A_11, %dot_general3A_377 {dimension_numbers = #tpu.dot_dimension_numbers<[0], [0], [1], [1], [0, 1, 1, 1], [], []>, transpose_lhs_hint = false} : vector<256x128xf32>, vector<256x384xf32>, vector<128x384xf32> -> vector<128x384xf32>
    %slice3A_379 = vector.extract_strided_slice %get3A_2 {offsets = [0, 45, 0], sizes = [1, 1, 128], strides = [1, 1, 1]} : vector<1x50x128xi32> to vector<1x1x128xi32>
    %squeeze3A_380 = vector.shape_cast %slice3A_379 : vector<1x1x128xi32> to vector<1x128xi32>
    %eq3A_381 = vector.broadcast %squeeze3A_380 : vector<1x128xi32> to vector<256x128xi32>
    %eq3A_382 = arith.cmpi eq, %iota3A, %eq3A_381 : vector<256x128xi32>
    %convert_element_type3A_383 = arith.extui %eq3A_382 : vector<256x128xi1> to vector<256x128xi32>
    %convert_element_type3A_384 = arith.sitofp %convert_element_type3A_383 : vector<256x128xi32> to vector<256x128xf32>
    %dot_general3A_385 = arith.constant dense<0.000000e+00> : vector<128x384xf32>
    %dot_general3A_386 = tpu.matmul %convert_element_type3A_384, %get3A_11, %dot_general3A_385 {dimension_numbers = #tpu.dot_dimension_numbers<[0], [0], [1], [1], [0, 1, 1, 1], [], []>, transpose_lhs_hint = false} : vector<256x128xf32>, vector<256x384xf32>, vector<128x384xf32> -> vector<128x384xf32>
    %slice3A_387 = vector.extract_strided_slice %get3A_2 {offsets = [0, 46, 0], sizes = [1, 1, 128], strides = [1, 1, 1]} : vector<1x50x128xi32> to vector<1x1x128xi32>
    %squeeze3A_388 = vector.shape_cast %slice3A_387 : vector<1x1x128xi32> to vector<1x128xi32>
    %eq3A_389 = vector.broadcast %squeeze3A_388 : vector<1x128xi32> to vector<256x128xi32>
    %eq3A_390 = arith.cmpi eq, %iota3A, %eq3A_389 : vector<256x128xi32>
    %convert_element_type3A_391 = arith.extui %eq3A_390 : vector<256x128xi1> to vector<256x128xi32>
    %convert_element_type3A_392 = arith.sitofp %convert_element_type3A_391 : vector<256x128xi32> to vector<256x128xf32>
    %dot_general3A_393 = arith.constant dense<0.000000e+00> : vector<128x384xf32>
    %dot_general3A_394 = tpu.matmul %convert_element_type3A_392, %get3A_11, %dot_general3A_393 {dimension_numbers = #tpu.dot_dimension_numbers<[0], [0], [1], [1], [0, 1, 1, 1], [], []>, transpose_lhs_hint = false} : vector<256x128xf32>, vector<256x384xf32>, vector<128x384xf32> -> vector<128x384xf32>
    %slice3A_395 = vector.extract_strided_slice %get3A_2 {offsets = [0, 47, 0], sizes = [1, 1, 128], strides = [1, 1, 1]} : vector<1x50x128xi32> to vector<1x1x128xi32>
    %squeeze3A_396 = vector.shape_cast %slice3A_395 : vector<1x1x128xi32> to vector<1x128xi32>
    %eq3A_397 = vector.broadcast %squeeze3A_396 : vector<1x128xi32> to vector<256x128xi32>
    %eq3A_398 = arith.cmpi eq, %iota3A, %eq3A_397 : vector<256x128xi32>
    %convert_element_type3A_399 = arith.extui %eq3A_398 : vector<256x128xi1> to vector<256x128xi32>
    %convert_element_type3A_400 = arith.sitofp %convert_element_type3A_399 : vector<256x128xi32> to vector<256x128xf32>
    %dot_general3A_401 = arith.constant dense<0.000000e+00> : vector<128x384xf32>
    %dot_general3A_402 = tpu.matmul %convert_element_type3A_400, %get3A_11, %dot_general3A_401 {dimension_numbers = #tpu.dot_dimension_numbers<[0], [0], [1], [1], [0, 1, 1, 1], [], []>, transpose_lhs_hint = false} : vector<256x128xf32>, vector<256x384xf32>, vector<128x384xf32> -> vector<128x384xf32>
    %slice3A_403 = vector.extract_strided_slice %get3A_2 {offsets = [0, 48, 0], sizes = [1, 1, 128], strides = [1, 1, 1]} : vector<1x50x128xi32> to vector<1x1x128xi32>
    %squeeze3A_404 = vector.shape_cast %slice3A_403 : vector<1x1x128xi32> to vector<1x128xi32>
    %eq3A_405 = vector.broadcast %squeeze3A_404 : vector<1x128xi32> to vector<256x128xi32>
    %eq3A_406 = arith.cmpi eq, %iota3A, %eq3A_405 : vector<256x128xi32>
    %convert_element_type3A_407 = arith.extui %eq3A_406 : vector<256x128xi1> to vector<256x128xi32>
    %convert_element_type3A_408 = arith.sitofp %convert_element_type3A_407 : vector<256x128xi32> to vector<256x128xf32>
    %dot_general3A_409 = arith.constant dense<0.000000e+00> : vector<128x384xf32>
    %dot_general3A_410 = tpu.matmul %convert_element_type3A_408, %get3A_11, %dot_general3A_409 {dimension_numbers = #tpu.dot_dimension_numbers<[0], [0], [1], [1], [0, 1, 1, 1], [], []>, transpose_lhs_hint = false} : vector<256x128xf32>, vector<256x384xf32>, vector<128x384xf32> -> vector<128x384xf32>
    %slice3A_411 = vector.extract_strided_slice %get3A_2 {offsets = [0, 49, 0], sizes = [1, 1, 128], strides = [1, 1, 1]} : vector<1x50x128xi32> to vector<1x1x128xi32>
    %squeeze3A_412 = vector.shape_cast %slice3A_411 : vector<1x1x128xi32> to vector<1x128xi32>
    %eq3A_413 = vector.broadcast %squeeze3A_412 : vector<1x128xi32> to vector<256x128xi32>
    %eq3A_414 = arith.cmpi eq, %iota3A, %eq3A_413 : vector<256x128xi32>
    %convert_element_type3A_415 = arith.extui %eq3A_414 : vector<256x128xi1> to vector<256x128xi32>
    %convert_element_type3A_416 = arith.sitofp %convert_element_type3A_415 : vector<256x128xi32> to vector<256x128xf32>
    %dot_general3A_417 = arith.constant dense<0.000000e+00> : vector<128x384xf32>
    %dot_general3A_418 = tpu.matmul %convert_element_type3A_416, %get3A_11, %dot_general3A_417 {dimension_numbers = #tpu.dot_dimension_numbers<[0], [0], [1], [1], [0, 1, 1, 1], [], []>, transpose_lhs_hint = false} : vector<256x128xf32>, vector<256x384xf32>, vector<128x384xf32> -> vector<128x384xf32>
    %concatenate3A = tpu.concatenate %dot_general3A_26, %dot_general3A_34, %dot_general3A_42, %dot_general3A_50, %dot_general3A_58, %dot_general3A_66, %dot_general3A_74, %dot_general3A_82, %dot_general3A_90, %dot_general3A_98, %dot_general3A_106, %dot_general3A_114, %dot_general3A_122, %dot_general3A_130, %dot_general3A_138, %dot_general3A_146, %dot_general3A_154, %dot_general3A_162, %dot_general3A_170, %dot_general3A_178, %dot_general3A_186, %dot_general3A_194, %dot_general3A_202, %dot_general3A_210, %dot_general3A_218, %dot_general3A_226, %dot_general3A_234, %dot_general3A_242, %dot_general3A_250, %dot_general3A_258, %dot_general3A_266, %dot_general3A_274, %dot_general3A_282, %dot_general3A_290, %dot_general3A_298, %dot_general3A_306, %dot_general3A_314, %dot_general3A_322, %dot_general3A_330, %dot_general3A_338, %dot_general3A_346, %dot_general3A_354, %dot_general3A_362, %dot_general3A_370, %dot_general3A_378, %dot_general3A_386, %dot_general3A_394, %dot_general3A_402, %dot_general3A_410, %dot_general3A_418 in 0 : vector<128x384xf32>, vector<128x384xf32>, vector<128x384xf32>, vector<128x384xf32>, vector<128x384xf32>, vector<128x384xf32>, vector<128x384xf32>, vector<128x384xf32>, vector<128x384xf32>, vector<128x384xf32>, vector<128x384xf32>, vector<128x384xf32>, vector<128x384xf32>, vector<128x384xf32>, vector<128x384xf32>, vector<128x384xf32>, vector<128x384xf32>, vector<128x384xf32>, vector<128x384xf32>, vector<128x384xf32>, vector<128x384xf32>, vector<128x384xf32>, vector<128x384xf32>, vector<128x384xf32>, vector<128x384xf32>, vector<128x384xf32>, vector<128x384xf32>, vector<128x384xf32>, vector<128x384xf32>, vector<128x384xf32>, vector<128x384xf32>, vector<128x384xf32>, vector<128x384xf32>, vector<128x384xf32>, vector<128x384xf32>, vector<128x384xf32>, vector<128x384xf32>, vector<128x384xf32>, vector<128x384xf32>, vector<128x384xf32>, vector<128x384xf32>, vector<128x384xf32>, vector<128x384xf32>, vector<128x384xf32>, vector<128x384xf32>, vector<128x384xf32>, vector<128x384xf32>, vector<128x384xf32>, vector<128x384xf32>, vector<128x384xf32> -> vector<6400x384xf32>
    %dot_general3A_419 = arith.constant dense<0.000000e+00> : vector<6400x256xf32>
    %dot_general3A_420 = tpu.matmul %get3A_5, %get3A_14, %dot_general3A_419 {dimension_numbers = #tpu.dot_dimension_numbers<[1], [0], [0], [1], [0, 0, 1, 1], [], []>, transpose_lhs_hint = false} : vector<6400x128xf32>, vector<128x256xf32>, vector<6400x256xf32> -> vector<6400x256xf32>
    %slice3A_421 = vector.extract_strided_slice %concatenate3A {offsets = [0, 0], sizes = [6400, 128], strides = [1, 1]} : vector<6400x384xf32> to vector<6400x128xf32>
    %mul3A = arith.mulf %slice3A_421, %get3A_8 : vector<6400x128xf32>
    %slice3A_422 = vector.extract_strided_slice %dot_general3A_420 {offsets = [0, 0], sizes = [6400, 128], strides = [1, 1]} : vector<6400x256xf32> to vector<6400x128xf32>
    %add3A = arith.addf %mul3A, %slice3A_422 : vector<6400x128xf32>
    %add3A_423 = vector.broadcast %get3A_20 : vector<1x128xf32> to vector<6400x128xf32>
    %add3A_424 = arith.addf %add3A, %add3A_423 : vector<6400x128xf32>
    %logistic3A = arith.negf %add3A_424 : vector<6400x128xf32>
    %logistic3A_425 = math.exp %logistic3A : vector<6400x128xf32>
    %logistic3A_426 = arith.constant 1.000000e+00 : f32
    %logistic3A_427 = vector.broadcast %logistic3A_426 : f32 to vector<6400x128xf32>
    %logistic3A_428 = arith.addf %logistic3A_427, %logistic3A_425 : vector<6400x128xf32>
    %logistic3A_429 = arith.divf %logistic3A_427, %logistic3A_428 : vector<6400x128xf32>
    %slice3A_430 = vector.extract_strided_slice %concatenate3A {offsets = [0, 128], sizes = [6400, 128], strides = [1, 1]} : vector<6400x384xf32> to vector<6400x128xf32>
    %mul3A_431 = arith.mulf %slice3A_430, %get3A_8 : vector<6400x128xf32>
    %slice3A_432 = vector.extract_strided_slice %dot_general3A_420 {offsets = [0, 128], sizes = [6400, 128], strides = [1, 1]} : vector<6400x256xf32> to vector<6400x128xf32>
    %add3A_433 = arith.addf %mul3A_431, %slice3A_432 : vector<6400x128xf32>
    %add3A_434 = vector.broadcast %get3A_23 : vector<1x128xf32> to vector<6400x128xf32>
    %add3A_435 = arith.addf %add3A_433, %add3A_434 : vector<6400x128xf32>
    %logistic3A_436 = arith.negf %add3A_435 : vector<6400x128xf32>
    %logistic3A_437 = math.exp %logistic3A_436 : vector<6400x128xf32>
    %logistic3A_438 = arith.constant 1.000000e+00 : f32
    %logistic3A_439 = vector.broadcast %logistic3A_438 : f32 to vector<6400x128xf32>
    %logistic3A_440 = arith.addf %logistic3A_439, %logistic3A_437 : vector<6400x128xf32>
    %logistic3A_441 = arith.divf %logistic3A_439, %logistic3A_440 : vector<6400x128xf32>
    %slice3A_442 = vector.extract_strided_slice %concatenate3A {offsets = [0, 256], sizes = [6400, 128], strides = [1, 1]} : vector<6400x384xf32> to vector<6400x128xf32>
    %mul3A_443 = arith.mulf %slice3A_442, %get3A_8 : vector<6400x128xf32>
    %mul3A_444 = arith.mulf %logistic3A_441, %get3A_5 : vector<6400x128xf32>
    %dot_general3A_445 = arith.constant dense<0.000000e+00> : vector<6400x128xf32>
    %dot_general3A_446 = tpu.matmul %mul3A_444, %get3A_17, %dot_general3A_445 {dimension_numbers = #tpu.dot_dimension_numbers<[1], [0], [0], [1], [0, 0, 1, 1], [], []>, transpose_lhs_hint = false} : vector<6400x128xf32>, vector<128x128xf32>, vector<6400x128xf32> -> vector<6400x128xf32>
    %add3A_447 = arith.addf %mul3A_443, %dot_general3A_446 : vector<6400x128xf32>
    %tanh3A = math.tanh %add3A_447 : vector<6400x128xf32>
    %mul3A_448 = arith.mulf %logistic3A_429, %tanh3A : vector<6400x128xf32>
    %sub3A = arith.constant 1.000000e+00 : f32
    %sub3A_449 = vector.broadcast %sub3A : f32 to vector<6400x128xf32>
    %sub3A_450 = arith.subf %sub3A_449, %logistic3A_429 : vector<6400x128xf32>
    %mul3A_451 = arith.mulf %sub3A_450, %get3A_5 : vector<6400x128xf32>
    %add3A_452 = arith.addf %mul3A_448, %mul3A_451 : vector<6400x128xf32>
    %swap3A = arith.constant 0 : index
    %swap3A_453 = arith.constant 0 : index
    %swap3A_454 = vector.load %arg10[%swap3A, %swap3A_453] : memref<6400x128xf32, #tpu.memory_space<vmem>>, vector<6400x128xf32>
    tpu.vector_store %arg10[%swap3A, %swap3A_453], %add3A_452 {strides = array<i32>} : memref<6400x128xf32, #tpu.memory_space<vmem>>, vector<6400x128xf32>,
    return
  }
  func.func @transform_0(%arg0: i32) -> (i32, i32, i32) {
    %add3A = arith.constant 26 : i32
    %add3A_0 = arith.addi %add3A, %arg0 : i32
    %c0_i32 = arith.constant 0 : i32
    %c0_i32_1 = arith.constant 0 : i32
    %c0_i32_2 = arith.constant 0 : i32
    return %add3A_0, %c0_i32, %c0_i32_1 : i32, i32, i32
  }
  func.func @transform_1(%arg0: i32) -> (i32, i32) {
    %c0_i32 = arith.constant 0 : i32
    %c0_i32_0 = arith.constant 0 : i32
    return %arg0, %c0_i32 : i32, i32
  }
  func.func @transform_2(%arg0: i32) -> (i32, i32) {
    %add3A = arith.constant 26 : i32
    %add3A_0 = arith.addi %add3A, %arg0 : i32
    %c0_i32 = arith.constant 0 : i32
    %c0_i32_1 = arith.constant 0 : i32
    return %add3A_0, %c0_i32 : i32, i32
  }
  func.func @transform_3(%arg0: i32) -> (i32, i32) {
    %c0_i32 = arith.constant 0 : i32
    %c0_i32_0 = arith.constant 0 : i32
    %c0_i32_1 = arith.constant 0 : i32
    return %c0_i32, %c0_i32_0 : i32, i32
  }
  func.func @transform_4(%arg0: i32) -> (i32, i32) {
    %c0_i32 = arith.constant 0 : i32
    %c0_i32_0 = arith.constant 0 : i32
    %c0_i32_1 = arith.constant 0 : i32
    return %c0_i32, %c0_i32_0 : i32, i32
  }
  func.func @transform_5(%arg0: i32) -> (i32, i32) {
    %c0_i32 = arith.constant 0 : i32
    %c0_i32_0 = arith.constant 0 : i32
    %c0_i32_1 = arith.constant 0 : i32
    return %c0_i32, %c0_i32_0 : i32, i32
  }
  func.func @transform_6(%arg0: i32) -> (i32, i32) {
    %c0_i32 = arith.constant 0 : i32
    %c0_i32_0 = arith.constant 0 : i32
    %c0_i32_1 = arith.constant 0 : i32
    return %c0_i32, %c0_i32_0 : i32, i32
  }
  func.func @transform_7(%arg0: i32) -> (i32, i32) {
    %c0_i32 = arith.constant 0 : i32
    %c0_i32_0 = arith.constant 0 : i32
    %c0_i32_1 = arith.constant 0 : i32
    return %c0_i32, %c0_i32_0 : i32, i32
  }
  func.func @transform_8(%arg0: i32) -> (i32, i32) {
    %c0_i32 = arith.constant 0 : i32
    %c0_i32_0 = arith.constant 0 : i32
    %c0_i32_1 = arith.constant 0 : i32
    return %c0_i32, %c0_i32_0 : i32, i32
  }
  func.func @transform_9(%arg0: i32) -> (i32, i32) {
    %add3A = arith.constant 26 : i32
    %add3A_0 = arith.addi %add3A, %arg0 : i32
    %c0_i32 = arith.constant 0 : i32
    %c0_i32_1 = arith.constant 0 : i32
    return %add3A_0, %c0_i32 : i32, i32
  }
}

module attributes {stable_mosaic.version = 14 : i64} {
  func.func @_tc_body(%arg0: i32, %arg1: memref<1x50x128xi32, #tpu.memory_space<vmem>>, %arg2: memref<6400x128xf32, #tpu.memory_space<vmem>>, %arg3: memref<6400x128xf32, #tpu.memory_space<vmem>>, %arg4: memref<256x384xf32, #tpu.memory_space<vmem>>, %arg5: memref<128x256xf32, #tpu.memory_space<vmem>>, %arg6: memref<128x128xf32, #tpu.memory_space<vmem>>, %arg7: memref<1x128xf32, #tpu.memory_space<vmem>>, %arg8: memref<1x128xf32, #tpu.memory_space<vmem>>, %arg9: memref<6400x128xf32, #tpu.memory_space<vmem>>) attributes {dimension_semantics = [#tpu.dimension_semantics<arbitrary>], iteration_bounds = array<i64: 5>, scalar_prefetch = 0 : i64, scratch_operands = 0 : i64, tpu.core_type = #tpu.core_type<tc>, window_params = [{transform_indices = @transform_0, window_bounds = array<i64: 1, 50, 128>}, {transform_indices = @transform_1, window_bounds = array<i64: 6400, 128>}, {transform_indices = @transform_2, window_bounds = array<i64: 6400, 128>}, {pipeline_mode = #tpu.pipeline_mode<synchronous>, transform_indices = @transform_3, window_bounds = array<i64: 256, 384>}, {pipeline_mode = #tpu.pipeline_mode<synchronous>, transform_indices = @transform_4, window_bounds = array<i64: 128, 256>}, {pipeline_mode = #tpu.pipeline_mode<synchronous>, transform_indices = @transform_5, window_bounds = array<i64: 128, 128>}, {pipeline_mode = #tpu.pipeline_mode<synchronous>, transform_indices = @transform_6, window_bounds = array<i64: 1, 128>}, {pipeline_mode = #tpu.pipeline_mode<synchronous>, transform_indices = @transform_7, window_bounds = array<i64: 1, 128>}, {transform_indices = @transform_8, window_bounds = array<i64: 6400, 128>}]} {
    %get3A = arith.constant 0 : index
    %get3A_0 = arith.constant 0 : index
    %get3A_1 = arith.constant 0 : index
    %get3A_2 = vector.load %arg1[%get3A, %get3A_0, %get3A_1] : memref<1x50x128xi32, #tpu.memory_space<vmem>>, vector<1x50x128xi32>
    %get3A_3 = arith.constant 0 : index
    %get3A_4 = arith.constant 0 : index
    %get3A_5 = vector.load %arg2[%get3A_3, %get3A_4] : memref<6400x128xf32, #tpu.memory_space<vmem>>, vector<6400x128xf32>
    %get3A_6 = arith.constant 0 : index
    %get3A_7 = arith.constant 0 : index
    %get3A_8 = vector.load %arg3[%get3A_6, %get3A_7] : memref<6400x128xf32, #tpu.memory_space<vmem>>, vector<6400x128xf32>
    %get3A_9 = arith.constant 0 : index
    %get3A_10 = arith.constant 0 : index
    %get3A_11 = vector.load %arg4[%get3A_9, %get3A_10] : memref<256x384xf32, #tpu.memory_space<vmem>>, vector<256x384xf32>
    %get3A_12 = arith.constant 0 : index
    %get3A_13 = arith.constant 0 : index
    %get3A_14 = vector.load %arg5[%get3A_12, %get3A_13] : memref<128x256xf32, #tpu.memory_space<vmem>>, vector<128x256xf32>
    %get3A_15 = arith.constant 0 : index
    %get3A_16 = arith.constant 0 : index
    %get3A_17 = vector.load %arg6[%get3A_15, %get3A_16] : memref<128x128xf32, #tpu.memory_space<vmem>>, vector<128x128xf32>
    %get3A_18 = arith.constant 0 : index
    %get3A_19 = arith.constant 0 : index
    %get3A_20 = vector.load %arg7[%get3A_18, %get3A_19] : memref<1x128xf32, #tpu.memory_space<vmem>>, vector<1x128xf32>
    %get3A_21 = arith.constant 0 : index
    %get3A_22 = arith.constant 0 : index
    %get3A_23 = vector.load %arg8[%get3A_21, %get3A_22] : memref<1x128xf32, #tpu.memory_space<vmem>>, vector<1x128xf32>
    %iota3A = tpu.iota {dimensions = array<i32: 0>} : vector<256x128xi32>
    %slice3A = vector.extract_strided_slice %get3A_2 {offsets = [0, 0, 0], sizes = [1, 1, 128], strides = [1, 1, 1]} : vector<1x50x128xi32> to vector<1x1x128xi32>
    %squeeze3A = vector.shape_cast %slice3A : vector<1x1x128xi32> to vector<1x128xi32>
    %eq3A = vector.broadcast %squeeze3A : vector<1x128xi32> to vector<256x128xi32>
    %eq3A_24 = arith.cmpi eq, %iota3A, %eq3A : vector<256x128xi32>
    %convert_element_type3A = arith.extui %eq3A_24 : vector<256x128xi1> to vector<256x128xi32>
    %convert_element_type3A_25 = arith.sitofp %convert_element_type3A : vector<256x128xi32> to vector<256x128xf32>
    %dot_general3A = arith.constant dense<0.000000e+00> : vector<128x384xf32>
    %dot_general3A_26 = tpu.matmul %convert_element_type3A_25, %get3A_11, %dot_general3A {dimension_numbers = #tpu.dot_dimension_numbers<[0], [0], [1], [1], [0, 1, 1, 1], [], []>, transpose_lhs_hint = false} : vector<256x128xf32>, vector<256x384xf32>, vector<128x384xf32> -> vector<128x384xf32>
    %slice3A_27 = vector.extract_strided_slice %get3A_2 {offsets = [0, 1, 0], sizes = [1, 1, 128], strides = [1, 1, 1]} : vector<1x50x128xi32> to vector<1x1x128xi32>
    %squeeze3A_28 = vector.shape_cast %slice3A_27 : vector<1x1x128xi32> to vector<1x128xi32>
    %eq3A_29 = vector.broadcast %squeeze3A_28 : vector<1x128xi32> to vector<256x128xi32>
    %eq3A_30 = arith.cmpi eq, %iota3A, %eq3A_29 : vector<256x128xi32>
    %convert_element_type3A_31 = arith.extui %eq3A_30 : vector<256x128xi1> to vector<256x128xi32>
    %convert_element_type3A_32 = arith.sitofp %convert_element_type3A_31 : vector<256x128xi32> to vector<256x128xf32>
    %dot_general3A_33 = arith.constant dense<0.000000e+00> : vector<128x384xf32>
    %dot_general3A_34 = tpu.matmul %convert_element_type3A_32, %get3A_11, %dot_general3A_33 {dimension_numbers = #tpu.dot_dimension_numbers<[0], [0], [1], [1], [0, 1, 1, 1], [], []>, transpose_lhs_hint = false} : vector<256x128xf32>, vector<256x384xf32>, vector<128x384xf32> -> vector<128x384xf32>
    %slice3A_35 = vector.extract_strided_slice %get3A_2 {offsets = [0, 2, 0], sizes = [1, 1, 128], strides = [1, 1, 1]} : vector<1x50x128xi32> to vector<1x1x128xi32>
    %squeeze3A_36 = vector.shape_cast %slice3A_35 : vector<1x1x128xi32> to vector<1x128xi32>
    %eq3A_37 = vector.broadcast %squeeze3A_36 : vector<1x128xi32> to vector<256x128xi32>
    %eq3A_38 = arith.cmpi eq, %iota3A, %eq3A_37 : vector<256x128xi32>
    %convert_element_type3A_39 = arith.extui %eq3A_38 : vector<256x128xi1> to vector<256x128xi32>
    %convert_element_type3A_40 = arith.sitofp %convert_element_type3A_39 : vector<256x128xi32> to vector<256x128xf32>
    %dot_general3A_41 = arith.constant dense<0.000000e+00> : vector<128x384xf32>
    %dot_general3A_42 = tpu.matmul %convert_element_type3A_40, %get3A_11, %dot_general3A_41 {dimension_numbers = #tpu.dot_dimension_numbers<[0], [0], [1], [1], [0, 1, 1, 1], [], []>, transpose_lhs_hint = false} : vector<256x128xf32>, vector<256x384xf32>, vector<128x384xf32> -> vector<128x384xf32>
    %slice3A_43 = vector.extract_strided_slice %get3A_2 {offsets = [0, 3, 0], sizes = [1, 1, 128], strides = [1, 1, 1]} : vector<1x50x128xi32> to vector<1x1x128xi32>
    %squeeze3A_44 = vector.shape_cast %slice3A_43 : vector<1x1x128xi32> to vector<1x128xi32>
    %eq3A_45 = vector.broadcast %squeeze3A_44 : vector<1x128xi32> to vector<256x128xi32>
    %eq3A_46 = arith.cmpi eq, %iota3A, %eq3A_45 : vector<256x128xi32>
    %convert_element_type3A_47 = arith.extui %eq3A_46 : vector<256x128xi1> to vector<256x128xi32>
    %convert_element_type3A_48 = arith.sitofp %convert_element_type3A_47 : vector<256x128xi32> to vector<256x128xf32>
    %dot_general3A_49 = arith.constant dense<0.000000e+00> : vector<128x384xf32>
    %dot_general3A_50 = tpu.matmul %convert_element_type3A_48, %get3A_11, %dot_general3A_49 {dimension_numbers = #tpu.dot_dimension_numbers<[0], [0], [1], [1], [0, 1, 1, 1], [], []>, transpose_lhs_hint = false} : vector<256x128xf32>, vector<256x384xf32>, vector<128x384xf32> -> vector<128x384xf32>
    %slice3A_51 = vector.extract_strided_slice %get3A_2 {offsets = [0, 4, 0], sizes = [1, 1, 128], strides = [1, 1, 1]} : vector<1x50x128xi32> to vector<1x1x128xi32>
    %squeeze3A_52 = vector.shape_cast %slice3A_51 : vector<1x1x128xi32> to vector<1x128xi32>
    %eq3A_53 = vector.broadcast %squeeze3A_52 : vector<1x128xi32> to vector<256x128xi32>
    %eq3A_54 = arith.cmpi eq, %iota3A, %eq3A_53 : vector<256x128xi32>
    %convert_element_type3A_55 = arith.extui %eq3A_54 : vector<256x128xi1> to vector<256x128xi32>
    %convert_element_type3A_56 = arith.sitofp %convert_element_type3A_55 : vector<256x128xi32> to vector<256x128xf32>
    %dot_general3A_57 = arith.constant dense<0.000000e+00> : vector<128x384xf32>
    %dot_general3A_58 = tpu.matmul %convert_element_type3A_56, %get3A_11, %dot_general3A_57 {dimension_numbers = #tpu.dot_dimension_numbers<[0], [0], [1], [1], [0, 1, 1, 1], [], []>, transpose_lhs_hint = false} : vector<256x128xf32>, vector<256x384xf32>, vector<128x384xf32> -> vector<128x384xf32>
    %slice3A_59 = vector.extract_strided_slice %get3A_2 {offsets = [0, 5, 0], sizes = [1, 1, 128], strides = [1, 1, 1]} : vector<1x50x128xi32> to vector<1x1x128xi32>
    %squeeze3A_60 = vector.shape_cast %slice3A_59 : vector<1x1x128xi32> to vector<1x128xi32>
    %eq3A_61 = vector.broadcast %squeeze3A_60 : vector<1x128xi32> to vector<256x128xi32>
    %eq3A_62 = arith.cmpi eq, %iota3A, %eq3A_61 : vector<256x128xi32>
    %convert_element_type3A_63 = arith.extui %eq3A_62 : vector<256x128xi1> to vector<256x128xi32>
    %convert_element_type3A_64 = arith.sitofp %convert_element_type3A_63 : vector<256x128xi32> to vector<256x128xf32>
    %dot_general3A_65 = arith.constant dense<0.000000e+00> : vector<128x384xf32>
    %dot_general3A_66 = tpu.matmul %convert_element_type3A_64, %get3A_11, %dot_general3A_65 {dimension_numbers = #tpu.dot_dimension_numbers<[0], [0], [1], [1], [0, 1, 1, 1], [], []>, transpose_lhs_hint = false} : vector<256x128xf32>, vector<256x384xf32>, vector<128x384xf32> -> vector<128x384xf32>
    %slice3A_67 = vector.extract_strided_slice %get3A_2 {offsets = [0, 6, 0], sizes = [1, 1, 128], strides = [1, 1, 1]} : vector<1x50x128xi32> to vector<1x1x128xi32>
    %squeeze3A_68 = vector.shape_cast %slice3A_67 : vector<1x1x128xi32> to vector<1x128xi32>
    %eq3A_69 = vector.broadcast %squeeze3A_68 : vector<1x128xi32> to vector<256x128xi32>
    %eq3A_70 = arith.cmpi eq, %iota3A, %eq3A_69 : vector<256x128xi32>
    %convert_element_type3A_71 = arith.extui %eq3A_70 : vector<256x128xi1> to vector<256x128xi32>
    %convert_element_type3A_72 = arith.sitofp %convert_element_type3A_71 : vector<256x128xi32> to vector<256x128xf32>
    %dot_general3A_73 = arith.constant dense<0.000000e+00> : vector<128x384xf32>
    %dot_general3A_74 = tpu.matmul %convert_element_type3A_72, %get3A_11, %dot_general3A_73 {dimension_numbers = #tpu.dot_dimension_numbers<[0], [0], [1], [1], [0, 1, 1, 1], [], []>, transpose_lhs_hint = false} : vector<256x128xf32>, vector<256x384xf32>, vector<128x384xf32> -> vector<128x384xf32>
    %slice3A_75 = vector.extract_strided_slice %get3A_2 {offsets = [0, 7, 0], sizes = [1, 1, 128], strides = [1, 1, 1]} : vector<1x50x128xi32> to vector<1x1x128xi32>
    %squeeze3A_76 = vector.shape_cast %slice3A_75 : vector<1x1x128xi32> to vector<1x128xi32>
    %eq3A_77 = vector.broadcast %squeeze3A_76 : vector<1x128xi32> to vector<256x128xi32>
    %eq3A_78 = arith.cmpi eq, %iota3A, %eq3A_77 : vector<256x128xi32>
    %convert_element_type3A_79 = arith.extui %eq3A_78 : vector<256x128xi1> to vector<256x128xi32>
    %convert_element_type3A_80 = arith.sitofp %convert_element_type3A_79 : vector<256x128xi32> to vector<256x128xf32>
    %dot_general3A_81 = arith.constant dense<0.000000e+00> : vector<128x384xf32>
    %dot_general3A_82 = tpu.matmul %convert_element_type3A_80, %get3A_11, %dot_general3A_81 {dimension_numbers = #tpu.dot_dimension_numbers<[0], [0], [1], [1], [0, 1, 1, 1], [], []>, transpose_lhs_hint = false} : vector<256x128xf32>, vector<256x384xf32>, vector<128x384xf32> -> vector<128x384xf32>
    %slice3A_83 = vector.extract_strided_slice %get3A_2 {offsets = [0, 8, 0], sizes = [1, 1, 128], strides = [1, 1, 1]} : vector<1x50x128xi32> to vector<1x1x128xi32>
    %squeeze3A_84 = vector.shape_cast %slice3A_83 : vector<1x1x128xi32> to vector<1x128xi32>
    %eq3A_85 = vector.broadcast %squeeze3A_84 : vector<1x128xi32> to vector<256x128xi32>
    %eq3A_86 = arith.cmpi eq, %iota3A, %eq3A_85 : vector<256x128xi32>
    %convert_element_type3A_87 = arith.extui %eq3A_86 : vector<256x128xi1> to vector<256x128xi32>
    %convert_element_type3A_88 = arith.sitofp %convert_element_type3A_87 : vector<256x128xi32> to vector<256x128xf32>
    %dot_general3A_89 = arith.constant dense<0.000000e+00> : vector<128x384xf32>
    %dot_general3A_90 = tpu.matmul %convert_element_type3A_88, %get3A_11, %dot_general3A_89 {dimension_numbers = #tpu.dot_dimension_numbers<[0], [0], [1], [1], [0, 1, 1, 1], [], []>, transpose_lhs_hint = false} : vector<256x128xf32>, vector<256x384xf32>, vector<128x384xf32> -> vector<128x384xf32>
    %slice3A_91 = vector.extract_strided_slice %get3A_2 {offsets = [0, 9, 0], sizes = [1, 1, 128], strides = [1, 1, 1]} : vector<1x50x128xi32> to vector<1x1x128xi32>
    %squeeze3A_92 = vector.shape_cast %slice3A_91 : vector<1x1x128xi32> to vector<1x128xi32>
    %eq3A_93 = vector.broadcast %squeeze3A_92 : vector<1x128xi32> to vector<256x128xi32>
    %eq3A_94 = arith.cmpi eq, %iota3A, %eq3A_93 : vector<256x128xi32>
    %convert_element_type3A_95 = arith.extui %eq3A_94 : vector<256x128xi1> to vector<256x128xi32>
    %convert_element_type3A_96 = arith.sitofp %convert_element_type3A_95 : vector<256x128xi32> to vector<256x128xf32>
    %dot_general3A_97 = arith.constant dense<0.000000e+00> : vector<128x384xf32>
    %dot_general3A_98 = tpu.matmul %convert_element_type3A_96, %get3A_11, %dot_general3A_97 {dimension_numbers = #tpu.dot_dimension_numbers<[0], [0], [1], [1], [0, 1, 1, 1], [], []>, transpose_lhs_hint = false} : vector<256x128xf32>, vector<256x384xf32>, vector<128x384xf32> -> vector<128x384xf32>
    %slice3A_99 = vector.extract_strided_slice %get3A_2 {offsets = [0, 10, 0], sizes = [1, 1, 128], strides = [1, 1, 1]} : vector<1x50x128xi32> to vector<1x1x128xi32>
    %squeeze3A_100 = vector.shape_cast %slice3A_99 : vector<1x1x128xi32> to vector<1x128xi32>
    %eq3A_101 = vector.broadcast %squeeze3A_100 : vector<1x128xi32> to vector<256x128xi32>
    %eq3A_102 = arith.cmpi eq, %iota3A, %eq3A_101 : vector<256x128xi32>
    %convert_element_type3A_103 = arith.extui %eq3A_102 : vector<256x128xi1> to vector<256x128xi32>
    %convert_element_type3A_104 = arith.sitofp %convert_element_type3A_103 : vector<256x128xi32> to vector<256x128xf32>
    %dot_general3A_105 = arith.constant dense<0.000000e+00> : vector<128x384xf32>
    %dot_general3A_106 = tpu.matmul %convert_element_type3A_104, %get3A_11, %dot_general3A_105 {dimension_numbers = #tpu.dot_dimension_numbers<[0], [0], [1], [1], [0, 1, 1, 1], [], []>, transpose_lhs_hint = false} : vector<256x128xf32>, vector<256x384xf32>, vector<128x384xf32> -> vector<128x384xf32>
    %slice3A_107 = vector.extract_strided_slice %get3A_2 {offsets = [0, 11, 0], sizes = [1, 1, 128], strides = [1, 1, 1]} : vector<1x50x128xi32> to vector<1x1x128xi32>
    %squeeze3A_108 = vector.shape_cast %slice3A_107 : vector<1x1x128xi32> to vector<1x128xi32>
    %eq3A_109 = vector.broadcast %squeeze3A_108 : vector<1x128xi32> to vector<256x128xi32>
    %eq3A_110 = arith.cmpi eq, %iota3A, %eq3A_109 : vector<256x128xi32>
    %convert_element_type3A_111 = arith.extui %eq3A_110 : vector<256x128xi1> to vector<256x128xi32>
    %convert_element_type3A_112 = arith.sitofp %convert_element_type3A_111 : vector<256x128xi32> to vector<256x128xf32>
    %dot_general3A_113 = arith.constant dense<0.000000e+00> : vector<128x384xf32>
    %dot_general3A_114 = tpu.matmul %convert_element_type3A_112, %get3A_11, %dot_general3A_113 {dimension_numbers = #tpu.dot_dimension_numbers<[0], [0], [1], [1], [0, 1, 1, 1], [], []>, transpose_lhs_hint = false} : vector<256x128xf32>, vector<256x384xf32>, vector<128x384xf32> -> vector<128x384xf32>
    %slice3A_115 = vector.extract_strided_slice %get3A_2 {offsets = [0, 12, 0], sizes = [1, 1, 128], strides = [1, 1, 1]} : vector<1x50x128xi32> to vector<1x1x128xi32>
    %squeeze3A_116 = vector.shape_cast %slice3A_115 : vector<1x1x128xi32> to vector<1x128xi32>
    %eq3A_117 = vector.broadcast %squeeze3A_116 : vector<1x128xi32> to vector<256x128xi32>
    %eq3A_118 = arith.cmpi eq, %iota3A, %eq3A_117 : vector<256x128xi32>
    %convert_element_type3A_119 = arith.extui %eq3A_118 : vector<256x128xi1> to vector<256x128xi32>
    %convert_element_type3A_120 = arith.sitofp %convert_element_type3A_119 : vector<256x128xi32> to vector<256x128xf32>
    %dot_general3A_121 = arith.constant dense<0.000000e+00> : vector<128x384xf32>
    %dot_general3A_122 = tpu.matmul %convert_element_type3A_120, %get3A_11, %dot_general3A_121 {dimension_numbers = #tpu.dot_dimension_numbers<[0], [0], [1], [1], [0, 1, 1, 1], [], []>, transpose_lhs_hint = false} : vector<256x128xf32>, vector<256x384xf32>, vector<128x384xf32> -> vector<128x384xf32>
    %slice3A_123 = vector.extract_strided_slice %get3A_2 {offsets = [0, 13, 0], sizes = [1, 1, 128], strides = [1, 1, 1]} : vector<1x50x128xi32> to vector<1x1x128xi32>
    %squeeze3A_124 = vector.shape_cast %slice3A_123 : vector<1x1x128xi32> to vector<1x128xi32>
    %eq3A_125 = vector.broadcast %squeeze3A_124 : vector<1x128xi32> to vector<256x128xi32>
    %eq3A_126 = arith.cmpi eq, %iota3A, %eq3A_125 : vector<256x128xi32>
    %convert_element_type3A_127 = arith.extui %eq3A_126 : vector<256x128xi1> to vector<256x128xi32>
    %convert_element_type3A_128 = arith.sitofp %convert_element_type3A_127 : vector<256x128xi32> to vector<256x128xf32>
    %dot_general3A_129 = arith.constant dense<0.000000e+00> : vector<128x384xf32>
    %dot_general3A_130 = tpu.matmul %convert_element_type3A_128, %get3A_11, %dot_general3A_129 {dimension_numbers = #tpu.dot_dimension_numbers<[0], [0], [1], [1], [0, 1, 1, 1], [], []>, transpose_lhs_hint = false} : vector<256x128xf32>, vector<256x384xf32>, vector<128x384xf32> -> vector<128x384xf32>
    %slice3A_131 = vector.extract_strided_slice %get3A_2 {offsets = [0, 14, 0], sizes = [1, 1, 128], strides = [1, 1, 1]} : vector<1x50x128xi32> to vector<1x1x128xi32>
    %squeeze3A_132 = vector.shape_cast %slice3A_131 : vector<1x1x128xi32> to vector<1x128xi32>
    %eq3A_133 = vector.broadcast %squeeze3A_132 : vector<1x128xi32> to vector<256x128xi32>
    %eq3A_134 = arith.cmpi eq, %iota3A, %eq3A_133 : vector<256x128xi32>
    %convert_element_type3A_135 = arith.extui %eq3A_134 : vector<256x128xi1> to vector<256x128xi32>
    %convert_element_type3A_136 = arith.sitofp %convert_element_type3A_135 : vector<256x128xi32> to vector<256x128xf32>
    %dot_general3A_137 = arith.constant dense<0.000000e+00> : vector<128x384xf32>
    %dot_general3A_138 = tpu.matmul %convert_element_type3A_136, %get3A_11, %dot_general3A_137 {dimension_numbers = #tpu.dot_dimension_numbers<[0], [0], [1], [1], [0, 1, 1, 1], [], []>, transpose_lhs_hint = false} : vector<256x128xf32>, vector<256x384xf32>, vector<128x384xf32> -> vector<128x384xf32>
    %slice3A_139 = vector.extract_strided_slice %get3A_2 {offsets = [0, 15, 0], sizes = [1, 1, 128], strides = [1, 1, 1]} : vector<1x50x128xi32> to vector<1x1x128xi32>
    %squeeze3A_140 = vector.shape_cast %slice3A_139 : vector<1x1x128xi32> to vector<1x128xi32>
    %eq3A_141 = vector.broadcast %squeeze3A_140 : vector<1x128xi32> to vector<256x128xi32>
    %eq3A_142 = arith.cmpi eq, %iota3A, %eq3A_141 : vector<256x128xi32>
    %convert_element_type3A_143 = arith.extui %eq3A_142 : vector<256x128xi1> to vector<256x128xi32>
    %convert_element_type3A_144 = arith.sitofp %convert_element_type3A_143 : vector<256x128xi32> to vector<256x128xf32>
    %dot_general3A_145 = arith.constant dense<0.000000e+00> : vector<128x384xf32>
    %dot_general3A_146 = tpu.matmul %convert_element_type3A_144, %get3A_11, %dot_general3A_145 {dimension_numbers = #tpu.dot_dimension_numbers<[0], [0], [1], [1], [0, 1, 1, 1], [], []>, transpose_lhs_hint = false} : vector<256x128xf32>, vector<256x384xf32>, vector<128x384xf32> -> vector<128x384xf32>
    %slice3A_147 = vector.extract_strided_slice %get3A_2 {offsets = [0, 16, 0], sizes = [1, 1, 128], strides = [1, 1, 1]} : vector<1x50x128xi32> to vector<1x1x128xi32>
    %squeeze3A_148 = vector.shape_cast %slice3A_147 : vector<1x1x128xi32> to vector<1x128xi32>
    %eq3A_149 = vector.broadcast %squeeze3A_148 : vector<1x128xi32> to vector<256x128xi32>
    %eq3A_150 = arith.cmpi eq, %iota3A, %eq3A_149 : vector<256x128xi32>
    %convert_element_type3A_151 = arith.extui %eq3A_150 : vector<256x128xi1> to vector<256x128xi32>
    %convert_element_type3A_152 = arith.sitofp %convert_element_type3A_151 : vector<256x128xi32> to vector<256x128xf32>
    %dot_general3A_153 = arith.constant dense<0.000000e+00> : vector<128x384xf32>
    %dot_general3A_154 = tpu.matmul %convert_element_type3A_152, %get3A_11, %dot_general3A_153 {dimension_numbers = #tpu.dot_dimension_numbers<[0], [0], [1], [1], [0, 1, 1, 1], [], []>, transpose_lhs_hint = false} : vector<256x128xf32>, vector<256x384xf32>, vector<128x384xf32> -> vector<128x384xf32>
    %slice3A_155 = vector.extract_strided_slice %get3A_2 {offsets = [0, 17, 0], sizes = [1, 1, 128], strides = [1, 1, 1]} : vector<1x50x128xi32> to vector<1x1x128xi32>
    %squeeze3A_156 = vector.shape_cast %slice3A_155 : vector<1x1x128xi32> to vector<1x128xi32>
    %eq3A_157 = vector.broadcast %squeeze3A_156 : vector<1x128xi32> to vector<256x128xi32>
    %eq3A_158 = arith.cmpi eq, %iota3A, %eq3A_157 : vector<256x128xi32>
    %convert_element_type3A_159 = arith.extui %eq3A_158 : vector<256x128xi1> to vector<256x128xi32>
    %convert_element_type3A_160 = arith.sitofp %convert_element_type3A_159 : vector<256x128xi32> to vector<256x128xf32>
    %dot_general3A_161 = arith.constant dense<0.000000e+00> : vector<128x384xf32>
    %dot_general3A_162 = tpu.matmul %convert_element_type3A_160, %get3A_11, %dot_general3A_161 {dimension_numbers = #tpu.dot_dimension_numbers<[0], [0], [1], [1], [0, 1, 1, 1], [], []>, transpose_lhs_hint = false} : vector<256x128xf32>, vector<256x384xf32>, vector<128x384xf32> -> vector<128x384xf32>
    %slice3A_163 = vector.extract_strided_slice %get3A_2 {offsets = [0, 18, 0], sizes = [1, 1, 128], strides = [1, 1, 1]} : vector<1x50x128xi32> to vector<1x1x128xi32>
    %squeeze3A_164 = vector.shape_cast %slice3A_163 : vector<1x1x128xi32> to vector<1x128xi32>
    %eq3A_165 = vector.broadcast %squeeze3A_164 : vector<1x128xi32> to vector<256x128xi32>
    %eq3A_166 = arith.cmpi eq, %iota3A, %eq3A_165 : vector<256x128xi32>
    %convert_element_type3A_167 = arith.extui %eq3A_166 : vector<256x128xi1> to vector<256x128xi32>
    %convert_element_type3A_168 = arith.sitofp %convert_element_type3A_167 : vector<256x128xi32> to vector<256x128xf32>
    %dot_general3A_169 = arith.constant dense<0.000000e+00> : vector<128x384xf32>
    %dot_general3A_170 = tpu.matmul %convert_element_type3A_168, %get3A_11, %dot_general3A_169 {dimension_numbers = #tpu.dot_dimension_numbers<[0], [0], [1], [1], [0, 1, 1, 1], [], []>, transpose_lhs_hint = false} : vector<256x128xf32>, vector<256x384xf32>, vector<128x384xf32> -> vector<128x384xf32>
    %slice3A_171 = vector.extract_strided_slice %get3A_2 {offsets = [0, 19, 0], sizes = [1, 1, 128], strides = [1, 1, 1]} : vector<1x50x128xi32> to vector<1x1x128xi32>
    %squeeze3A_172 = vector.shape_cast %slice3A_171 : vector<1x1x128xi32> to vector<1x128xi32>
    %eq3A_173 = vector.broadcast %squeeze3A_172 : vector<1x128xi32> to vector<256x128xi32>
    %eq3A_174 = arith.cmpi eq, %iota3A, %eq3A_173 : vector<256x128xi32>
    %convert_element_type3A_175 = arith.extui %eq3A_174 : vector<256x128xi1> to vector<256x128xi32>
    %convert_element_type3A_176 = arith.sitofp %convert_element_type3A_175 : vector<256x128xi32> to vector<256x128xf32>
    %dot_general3A_177 = arith.constant dense<0.000000e+00> : vector<128x384xf32>
    %dot_general3A_178 = tpu.matmul %convert_element_type3A_176, %get3A_11, %dot_general3A_177 {dimension_numbers = #tpu.dot_dimension_numbers<[0], [0], [1], [1], [0, 1, 1, 1], [], []>, transpose_lhs_hint = false} : vector<256x128xf32>, vector<256x384xf32>, vector<128x384xf32> -> vector<128x384xf32>
    %slice3A_179 = vector.extract_strided_slice %get3A_2 {offsets = [0, 20, 0], sizes = [1, 1, 128], strides = [1, 1, 1]} : vector<1x50x128xi32> to vector<1x1x128xi32>
    %squeeze3A_180 = vector.shape_cast %slice3A_179 : vector<1x1x128xi32> to vector<1x128xi32>
    %eq3A_181 = vector.broadcast %squeeze3A_180 : vector<1x128xi32> to vector<256x128xi32>
    %eq3A_182 = arith.cmpi eq, %iota3A, %eq3A_181 : vector<256x128xi32>
    %convert_element_type3A_183 = arith.extui %eq3A_182 : vector<256x128xi1> to vector<256x128xi32>
    %convert_element_type3A_184 = arith.sitofp %convert_element_type3A_183 : vector<256x128xi32> to vector<256x128xf32>
    %dot_general3A_185 = arith.constant dense<0.000000e+00> : vector<128x384xf32>
    %dot_general3A_186 = tpu.matmul %convert_element_type3A_184, %get3A_11, %dot_general3A_185 {dimension_numbers = #tpu.dot_dimension_numbers<[0], [0], [1], [1], [0, 1, 1, 1], [], []>, transpose_lhs_hint = false} : vector<256x128xf32>, vector<256x384xf32>, vector<128x384xf32> -> vector<128x384xf32>
    %slice3A_187 = vector.extract_strided_slice %get3A_2 {offsets = [0, 21, 0], sizes = [1, 1, 128], strides = [1, 1, 1]} : vector<1x50x128xi32> to vector<1x1x128xi32>
    %squeeze3A_188 = vector.shape_cast %slice3A_187 : vector<1x1x128xi32> to vector<1x128xi32>
    %eq3A_189 = vector.broadcast %squeeze3A_188 : vector<1x128xi32> to vector<256x128xi32>
    %eq3A_190 = arith.cmpi eq, %iota3A, %eq3A_189 : vector<256x128xi32>
    %convert_element_type3A_191 = arith.extui %eq3A_190 : vector<256x128xi1> to vector<256x128xi32>
    %convert_element_type3A_192 = arith.sitofp %convert_element_type3A_191 : vector<256x128xi32> to vector<256x128xf32>
    %dot_general3A_193 = arith.constant dense<0.000000e+00> : vector<128x384xf32>
    %dot_general3A_194 = tpu.matmul %convert_element_type3A_192, %get3A_11, %dot_general3A_193 {dimension_numbers = #tpu.dot_dimension_numbers<[0], [0], [1], [1], [0, 1, 1, 1], [], []>, transpose_lhs_hint = false} : vector<256x128xf32>, vector<256x384xf32>, vector<128x384xf32> -> vector<128x384xf32>
    %slice3A_195 = vector.extract_strided_slice %get3A_2 {offsets = [0, 22, 0], sizes = [1, 1, 128], strides = [1, 1, 1]} : vector<1x50x128xi32> to vector<1x1x128xi32>
    %squeeze3A_196 = vector.shape_cast %slice3A_195 : vector<1x1x128xi32> to vector<1x128xi32>
    %eq3A_197 = vector.broadcast %squeeze3A_196 : vector<1x128xi32> to vector<256x128xi32>
    %eq3A_198 = arith.cmpi eq, %iota3A, %eq3A_197 : vector<256x128xi32>
    %convert_element_type3A_199 = arith.extui %eq3A_198 : vector<256x128xi1> to vector<256x128xi32>
    %convert_element_type3A_200 = arith.sitofp %convert_element_type3A_199 : vector<256x128xi32> to vector<256x128xf32>
    %dot_general3A_201 = arith.constant dense<0.000000e+00> : vector<128x384xf32>
    %dot_general3A_202 = tpu.matmul %convert_element_type3A_200, %get3A_11, %dot_general3A_201 {dimension_numbers = #tpu.dot_dimension_numbers<[0], [0], [1], [1], [0, 1, 1, 1], [], []>, transpose_lhs_hint = false} : vector<256x128xf32>, vector<256x384xf32>, vector<128x384xf32> -> vector<128x384xf32>
    %slice3A_203 = vector.extract_strided_slice %get3A_2 {offsets = [0, 23, 0], sizes = [1, 1, 128], strides = [1, 1, 1]} : vector<1x50x128xi32> to vector<1x1x128xi32>
    %squeeze3A_204 = vector.shape_cast %slice3A_203 : vector<1x1x128xi32> to vector<1x128xi32>
    %eq3A_205 = vector.broadcast %squeeze3A_204 : vector<1x128xi32> to vector<256x128xi32>
    %eq3A_206 = arith.cmpi eq, %iota3A, %eq3A_205 : vector<256x128xi32>
    %convert_element_type3A_207 = arith.extui %eq3A_206 : vector<256x128xi1> to vector<256x128xi32>
    %convert_element_type3A_208 = arith.sitofp %convert_element_type3A_207 : vector<256x128xi32> to vector<256x128xf32>
    %dot_general3A_209 = arith.constant dense<0.000000e+00> : vector<128x384xf32>
    %dot_general3A_210 = tpu.matmul %convert_element_type3A_208, %get3A_11, %dot_general3A_209 {dimension_numbers = #tpu.dot_dimension_numbers<[0], [0], [1], [1], [0, 1, 1, 1], [], []>, transpose_lhs_hint = false} : vector<256x128xf32>, vector<256x384xf32>, vector<128x384xf32> -> vector<128x384xf32>
    %slice3A_211 = vector.extract_strided_slice %get3A_2 {offsets = [0, 24, 0], sizes = [1, 1, 128], strides = [1, 1, 1]} : vector<1x50x128xi32> to vector<1x1x128xi32>
    %squeeze3A_212 = vector.shape_cast %slice3A_211 : vector<1x1x128xi32> to vector<1x128xi32>
    %eq3A_213 = vector.broadcast %squeeze3A_212 : vector<1x128xi32> to vector<256x128xi32>
    %eq3A_214 = arith.cmpi eq, %iota3A, %eq3A_213 : vector<256x128xi32>
    %convert_element_type3A_215 = arith.extui %eq3A_214 : vector<256x128xi1> to vector<256x128xi32>
    %convert_element_type3A_216 = arith.sitofp %convert_element_type3A_215 : vector<256x128xi32> to vector<256x128xf32>
    %dot_general3A_217 = arith.constant dense<0.000000e+00> : vector<128x384xf32>
    %dot_general3A_218 = tpu.matmul %convert_element_type3A_216, %get3A_11, %dot_general3A_217 {dimension_numbers = #tpu.dot_dimension_numbers<[0], [0], [1], [1], [0, 1, 1, 1], [], []>, transpose_lhs_hint = false} : vector<256x128xf32>, vector<256x384xf32>, vector<128x384xf32> -> vector<128x384xf32>
    %slice3A_219 = vector.extract_strided_slice %get3A_2 {offsets = [0, 25, 0], sizes = [1, 1, 128], strides = [1, 1, 1]} : vector<1x50x128xi32> to vector<1x1x128xi32>
    %squeeze3A_220 = vector.shape_cast %slice3A_219 : vector<1x1x128xi32> to vector<1x128xi32>
    %eq3A_221 = vector.broadcast %squeeze3A_220 : vector<1x128xi32> to vector<256x128xi32>
    %eq3A_222 = arith.cmpi eq, %iota3A, %eq3A_221 : vector<256x128xi32>
    %convert_element_type3A_223 = arith.extui %eq3A_222 : vector<256x128xi1> to vector<256x128xi32>
    %convert_element_type3A_224 = arith.sitofp %convert_element_type3A_223 : vector<256x128xi32> to vector<256x128xf32>
    %dot_general3A_225 = arith.constant dense<0.000000e+00> : vector<128x384xf32>
    %dot_general3A_226 = tpu.matmul %convert_element_type3A_224, %get3A_11, %dot_general3A_225 {dimension_numbers = #tpu.dot_dimension_numbers<[0], [0], [1], [1], [0, 1, 1, 1], [], []>, transpose_lhs_hint = false} : vector<256x128xf32>, vector<256x384xf32>, vector<128x384xf32> -> vector<128x384xf32>
    %slice3A_227 = vector.extract_strided_slice %get3A_2 {offsets = [0, 26, 0], sizes = [1, 1, 128], strides = [1, 1, 1]} : vector<1x50x128xi32> to vector<1x1x128xi32>
    %squeeze3A_228 = vector.shape_cast %slice3A_227 : vector<1x1x128xi32> to vector<1x128xi32>
    %eq3A_229 = vector.broadcast %squeeze3A_228 : vector<1x128xi32> to vector<256x128xi32>
    %eq3A_230 = arith.cmpi eq, %iota3A, %eq3A_229 : vector<256x128xi32>
    %convert_element_type3A_231 = arith.extui %eq3A_230 : vector<256x128xi1> to vector<256x128xi32>
    %convert_element_type3A_232 = arith.sitofp %convert_element_type3A_231 : vector<256x128xi32> to vector<256x128xf32>
    %dot_general3A_233 = arith.constant dense<0.000000e+00> : vector<128x384xf32>
    %dot_general3A_234 = tpu.matmul %convert_element_type3A_232, %get3A_11, %dot_general3A_233 {dimension_numbers = #tpu.dot_dimension_numbers<[0], [0], [1], [1], [0, 1, 1, 1], [], []>, transpose_lhs_hint = false} : vector<256x128xf32>, vector<256x384xf32>, vector<128x384xf32> -> vector<128x384xf32>
    %slice3A_235 = vector.extract_strided_slice %get3A_2 {offsets = [0, 27, 0], sizes = [1, 1, 128], strides = [1, 1, 1]} : vector<1x50x128xi32> to vector<1x1x128xi32>
    %squeeze3A_236 = vector.shape_cast %slice3A_235 : vector<1x1x128xi32> to vector<1x128xi32>
    %eq3A_237 = vector.broadcast %squeeze3A_236 : vector<1x128xi32> to vector<256x128xi32>
    %eq3A_238 = arith.cmpi eq, %iota3A, %eq3A_237 : vector<256x128xi32>
    %convert_element_type3A_239 = arith.extui %eq3A_238 : vector<256x128xi1> to vector<256x128xi32>
    %convert_element_type3A_240 = arith.sitofp %convert_element_type3A_239 : vector<256x128xi32> to vector<256x128xf32>
    %dot_general3A_241 = arith.constant dense<0.000000e+00> : vector<128x384xf32>
    %dot_general3A_242 = tpu.matmul %convert_element_type3A_240, %get3A_11, %dot_general3A_241 {dimension_numbers = #tpu.dot_dimension_numbers<[0], [0], [1], [1], [0, 1, 1, 1], [], []>, transpose_lhs_hint = false} : vector<256x128xf32>, vector<256x384xf32>, vector<128x384xf32> -> vector<128x384xf32>
    %slice3A_243 = vector.extract_strided_slice %get3A_2 {offsets = [0, 28, 0], sizes = [1, 1, 128], strides = [1, 1, 1]} : vector<1x50x128xi32> to vector<1x1x128xi32>
    %squeeze3A_244 = vector.shape_cast %slice3A_243 : vector<1x1x128xi32> to vector<1x128xi32>
    %eq3A_245 = vector.broadcast %squeeze3A_244 : vector<1x128xi32> to vector<256x128xi32>
    %eq3A_246 = arith.cmpi eq, %iota3A, %eq3A_245 : vector<256x128xi32>
    %convert_element_type3A_247 = arith.extui %eq3A_246 : vector<256x128xi1> to vector<256x128xi32>
    %convert_element_type3A_248 = arith.sitofp %convert_element_type3A_247 : vector<256x128xi32> to vector<256x128xf32>
    %dot_general3A_249 = arith.constant dense<0.000000e+00> : vector<128x384xf32>
    %dot_general3A_250 = tpu.matmul %convert_element_type3A_248, %get3A_11, %dot_general3A_249 {dimension_numbers = #tpu.dot_dimension_numbers<[0], [0], [1], [1], [0, 1, 1, 1], [], []>, transpose_lhs_hint = false} : vector<256x128xf32>, vector<256x384xf32>, vector<128x384xf32> -> vector<128x384xf32>
    %slice3A_251 = vector.extract_strided_slice %get3A_2 {offsets = [0, 29, 0], sizes = [1, 1, 128], strides = [1, 1, 1]} : vector<1x50x128xi32> to vector<1x1x128xi32>
    %squeeze3A_252 = vector.shape_cast %slice3A_251 : vector<1x1x128xi32> to vector<1x128xi32>
    %eq3A_253 = vector.broadcast %squeeze3A_252 : vector<1x128xi32> to vector<256x128xi32>
    %eq3A_254 = arith.cmpi eq, %iota3A, %eq3A_253 : vector<256x128xi32>
    %convert_element_type3A_255 = arith.extui %eq3A_254 : vector<256x128xi1> to vector<256x128xi32>
    %convert_element_type3A_256 = arith.sitofp %convert_element_type3A_255 : vector<256x128xi32> to vector<256x128xf32>
    %dot_general3A_257 = arith.constant dense<0.000000e+00> : vector<128x384xf32>
    %dot_general3A_258 = tpu.matmul %convert_element_type3A_256, %get3A_11, %dot_general3A_257 {dimension_numbers = #tpu.dot_dimension_numbers<[0], [0], [1], [1], [0, 1, 1, 1], [], []>, transpose_lhs_hint = false} : vector<256x128xf32>, vector<256x384xf32>, vector<128x384xf32> -> vector<128x384xf32>
    %slice3A_259 = vector.extract_strided_slice %get3A_2 {offsets = [0, 30, 0], sizes = [1, 1, 128], strides = [1, 1, 1]} : vector<1x50x128xi32> to vector<1x1x128xi32>
    %squeeze3A_260 = vector.shape_cast %slice3A_259 : vector<1x1x128xi32> to vector<1x128xi32>
    %eq3A_261 = vector.broadcast %squeeze3A_260 : vector<1x128xi32> to vector<256x128xi32>
    %eq3A_262 = arith.cmpi eq, %iota3A, %eq3A_261 : vector<256x128xi32>
    %convert_element_type3A_263 = arith.extui %eq3A_262 : vector<256x128xi1> to vector<256x128xi32>
    %convert_element_type3A_264 = arith.sitofp %convert_element_type3A_263 : vector<256x128xi32> to vector<256x128xf32>
    %dot_general3A_265 = arith.constant dense<0.000000e+00> : vector<128x384xf32>
    %dot_general3A_266 = tpu.matmul %convert_element_type3A_264, %get3A_11, %dot_general3A_265 {dimension_numbers = #tpu.dot_dimension_numbers<[0], [0], [1], [1], [0, 1, 1, 1], [], []>, transpose_lhs_hint = false} : vector<256x128xf32>, vector<256x384xf32>, vector<128x384xf32> -> vector<128x384xf32>
    %slice3A_267 = vector.extract_strided_slice %get3A_2 {offsets = [0, 31, 0], sizes = [1, 1, 128], strides = [1, 1, 1]} : vector<1x50x128xi32> to vector<1x1x128xi32>
    %squeeze3A_268 = vector.shape_cast %slice3A_267 : vector<1x1x128xi32> to vector<1x128xi32>
    %eq3A_269 = vector.broadcast %squeeze3A_268 : vector<1x128xi32> to vector<256x128xi32>
    %eq3A_270 = arith.cmpi eq, %iota3A, %eq3A_269 : vector<256x128xi32>
    %convert_element_type3A_271 = arith.extui %eq3A_270 : vector<256x128xi1> to vector<256x128xi32>
    %convert_element_type3A_272 = arith.sitofp %convert_element_type3A_271 : vector<256x128xi32> to vector<256x128xf32>
    %dot_general3A_273 = arith.constant dense<0.000000e+00> : vector<128x384xf32>
    %dot_general3A_274 = tpu.matmul %convert_element_type3A_272, %get3A_11, %dot_general3A_273 {dimension_numbers = #tpu.dot_dimension_numbers<[0], [0], [1], [1], [0, 1, 1, 1], [], []>, transpose_lhs_hint = false} : vector<256x128xf32>, vector<256x384xf32>, vector<128x384xf32> -> vector<128x384xf32>
    %slice3A_275 = vector.extract_strided_slice %get3A_2 {offsets = [0, 32, 0], sizes = [1, 1, 128], strides = [1, 1, 1]} : vector<1x50x128xi32> to vector<1x1x128xi32>
    %squeeze3A_276 = vector.shape_cast %slice3A_275 : vector<1x1x128xi32> to vector<1x128xi32>
    %eq3A_277 = vector.broadcast %squeeze3A_276 : vector<1x128xi32> to vector<256x128xi32>
    %eq3A_278 = arith.cmpi eq, %iota3A, %eq3A_277 : vector<256x128xi32>
    %convert_element_type3A_279 = arith.extui %eq3A_278 : vector<256x128xi1> to vector<256x128xi32>
    %convert_element_type3A_280 = arith.sitofp %convert_element_type3A_279 : vector<256x128xi32> to vector<256x128xf32>
    %dot_general3A_281 = arith.constant dense<0.000000e+00> : vector<128x384xf32>
    %dot_general3A_282 = tpu.matmul %convert_element_type3A_280, %get3A_11, %dot_general3A_281 {dimension_numbers = #tpu.dot_dimension_numbers<[0], [0], [1], [1], [0, 1, 1, 1], [], []>, transpose_lhs_hint = false} : vector<256x128xf32>, vector<256x384xf32>, vector<128x384xf32> -> vector<128x384xf32>
    %slice3A_283 = vector.extract_strided_slice %get3A_2 {offsets = [0, 33, 0], sizes = [1, 1, 128], strides = [1, 1, 1]} : vector<1x50x128xi32> to vector<1x1x128xi32>
    %squeeze3A_284 = vector.shape_cast %slice3A_283 : vector<1x1x128xi32> to vector<1x128xi32>
    %eq3A_285 = vector.broadcast %squeeze3A_284 : vector<1x128xi32> to vector<256x128xi32>
    %eq3A_286 = arith.cmpi eq, %iota3A, %eq3A_285 : vector<256x128xi32>
    %convert_element_type3A_287 = arith.extui %eq3A_286 : vector<256x128xi1> to vector<256x128xi32>
    %convert_element_type3A_288 = arith.sitofp %convert_element_type3A_287 : vector<256x128xi32> to vector<256x128xf32>
    %dot_general3A_289 = arith.constant dense<0.000000e+00> : vector<128x384xf32>
    %dot_general3A_290 = tpu.matmul %convert_element_type3A_288, %get3A_11, %dot_general3A_289 {dimension_numbers = #tpu.dot_dimension_numbers<[0], [0], [1], [1], [0, 1, 1, 1], [], []>, transpose_lhs_hint = false} : vector<256x128xf32>, vector<256x384xf32>, vector<128x384xf32> -> vector<128x384xf32>
    %slice3A_291 = vector.extract_strided_slice %get3A_2 {offsets = [0, 34, 0], sizes = [1, 1, 128], strides = [1, 1, 1]} : vector<1x50x128xi32> to vector<1x1x128xi32>
    %squeeze3A_292 = vector.shape_cast %slice3A_291 : vector<1x1x128xi32> to vector<1x128xi32>
    %eq3A_293 = vector.broadcast %squeeze3A_292 : vector<1x128xi32> to vector<256x128xi32>
    %eq3A_294 = arith.cmpi eq, %iota3A, %eq3A_293 : vector<256x128xi32>
    %convert_element_type3A_295 = arith.extui %eq3A_294 : vector<256x128xi1> to vector<256x128xi32>
    %convert_element_type3A_296 = arith.sitofp %convert_element_type3A_295 : vector<256x128xi32> to vector<256x128xf32>
    %dot_general3A_297 = arith.constant dense<0.000000e+00> : vector<128x384xf32>
    %dot_general3A_298 = tpu.matmul %convert_element_type3A_296, %get3A_11, %dot_general3A_297 {dimension_numbers = #tpu.dot_dimension_numbers<[0], [0], [1], [1], [0, 1, 1, 1], [], []>, transpose_lhs_hint = false} : vector<256x128xf32>, vector<256x384xf32>, vector<128x384xf32> -> vector<128x384xf32>
    %slice3A_299 = vector.extract_strided_slice %get3A_2 {offsets = [0, 35, 0], sizes = [1, 1, 128], strides = [1, 1, 1]} : vector<1x50x128xi32> to vector<1x1x128xi32>
    %squeeze3A_300 = vector.shape_cast %slice3A_299 : vector<1x1x128xi32> to vector<1x128xi32>
    %eq3A_301 = vector.broadcast %squeeze3A_300 : vector<1x128xi32> to vector<256x128xi32>
    %eq3A_302 = arith.cmpi eq, %iota3A, %eq3A_301 : vector<256x128xi32>
    %convert_element_type3A_303 = arith.extui %eq3A_302 : vector<256x128xi1> to vector<256x128xi32>
    %convert_element_type3A_304 = arith.sitofp %convert_element_type3A_303 : vector<256x128xi32> to vector<256x128xf32>
    %dot_general3A_305 = arith.constant dense<0.000000e+00> : vector<128x384xf32>
    %dot_general3A_306 = tpu.matmul %convert_element_type3A_304, %get3A_11, %dot_general3A_305 {dimension_numbers = #tpu.dot_dimension_numbers<[0], [0], [1], [1], [0, 1, 1, 1], [], []>, transpose_lhs_hint = false} : vector<256x128xf32>, vector<256x384xf32>, vector<128x384xf32> -> vector<128x384xf32>
    %slice3A_307 = vector.extract_strided_slice %get3A_2 {offsets = [0, 36, 0], sizes = [1, 1, 128], strides = [1, 1, 1]} : vector<1x50x128xi32> to vector<1x1x128xi32>
    %squeeze3A_308 = vector.shape_cast %slice3A_307 : vector<1x1x128xi32> to vector<1x128xi32>
    %eq3A_309 = vector.broadcast %squeeze3A_308 : vector<1x128xi32> to vector<256x128xi32>
    %eq3A_310 = arith.cmpi eq, %iota3A, %eq3A_309 : vector<256x128xi32>
    %convert_element_type3A_311 = arith.extui %eq3A_310 : vector<256x128xi1> to vector<256x128xi32>
    %convert_element_type3A_312 = arith.sitofp %convert_element_type3A_311 : vector<256x128xi32> to vector<256x128xf32>
    %dot_general3A_313 = arith.constant dense<0.000000e+00> : vector<128x384xf32>
    %dot_general3A_314 = tpu.matmul %convert_element_type3A_312, %get3A_11, %dot_general3A_313 {dimension_numbers = #tpu.dot_dimension_numbers<[0], [0], [1], [1], [0, 1, 1, 1], [], []>, transpose_lhs_hint = false} : vector<256x128xf32>, vector<256x384xf32>, vector<128x384xf32> -> vector<128x384xf32>
    %slice3A_315 = vector.extract_strided_slice %get3A_2 {offsets = [0, 37, 0], sizes = [1, 1, 128], strides = [1, 1, 1]} : vector<1x50x128xi32> to vector<1x1x128xi32>
    %squeeze3A_316 = vector.shape_cast %slice3A_315 : vector<1x1x128xi32> to vector<1x128xi32>
    %eq3A_317 = vector.broadcast %squeeze3A_316 : vector<1x128xi32> to vector<256x128xi32>
    %eq3A_318 = arith.cmpi eq, %iota3A, %eq3A_317 : vector<256x128xi32>
    %convert_element_type3A_319 = arith.extui %eq3A_318 : vector<256x128xi1> to vector<256x128xi32>
    %convert_element_type3A_320 = arith.sitofp %convert_element_type3A_319 : vector<256x128xi32> to vector<256x128xf32>
    %dot_general3A_321 = arith.constant dense<0.000000e+00> : vector<128x384xf32>
    %dot_general3A_322 = tpu.matmul %convert_element_type3A_320, %get3A_11, %dot_general3A_321 {dimension_numbers = #tpu.dot_dimension_numbers<[0], [0], [1], [1], [0, 1, 1, 1], [], []>, transpose_lhs_hint = false} : vector<256x128xf32>, vector<256x384xf32>, vector<128x384xf32> -> vector<128x384xf32>
    %slice3A_323 = vector.extract_strided_slice %get3A_2 {offsets = [0, 38, 0], sizes = [1, 1, 128], strides = [1, 1, 1]} : vector<1x50x128xi32> to vector<1x1x128xi32>
    %squeeze3A_324 = vector.shape_cast %slice3A_323 : vector<1x1x128xi32> to vector<1x128xi32>
    %eq3A_325 = vector.broadcast %squeeze3A_324 : vector<1x128xi32> to vector<256x128xi32>
    %eq3A_326 = arith.cmpi eq, %iota3A, %eq3A_325 : vector<256x128xi32>
    %convert_element_type3A_327 = arith.extui %eq3A_326 : vector<256x128xi1> to vector<256x128xi32>
    %convert_element_type3A_328 = arith.sitofp %convert_element_type3A_327 : vector<256x128xi32> to vector<256x128xf32>
    %dot_general3A_329 = arith.constant dense<0.000000e+00> : vector<128x384xf32>
    %dot_general3A_330 = tpu.matmul %convert_element_type3A_328, %get3A_11, %dot_general3A_329 {dimension_numbers = #tpu.dot_dimension_numbers<[0], [0], [1], [1], [0, 1, 1, 1], [], []>, transpose_lhs_hint = false} : vector<256x128xf32>, vector<256x384xf32>, vector<128x384xf32> -> vector<128x384xf32>
    %slice3A_331 = vector.extract_strided_slice %get3A_2 {offsets = [0, 39, 0], sizes = [1, 1, 128], strides = [1, 1, 1]} : vector<1x50x128xi32> to vector<1x1x128xi32>
    %squeeze3A_332 = vector.shape_cast %slice3A_331 : vector<1x1x128xi32> to vector<1x128xi32>
    %eq3A_333 = vector.broadcast %squeeze3A_332 : vector<1x128xi32> to vector<256x128xi32>
    %eq3A_334 = arith.cmpi eq, %iota3A, %eq3A_333 : vector<256x128xi32>
    %convert_element_type3A_335 = arith.extui %eq3A_334 : vector<256x128xi1> to vector<256x128xi32>
    %convert_element_type3A_336 = arith.sitofp %convert_element_type3A_335 : vector<256x128xi32> to vector<256x128xf32>
    %dot_general3A_337 = arith.constant dense<0.000000e+00> : vector<128x384xf32>
    %dot_general3A_338 = tpu.matmul %convert_element_type3A_336, %get3A_11, %dot_general3A_337 {dimension_numbers = #tpu.dot_dimension_numbers<[0], [0], [1], [1], [0, 1, 1, 1], [], []>, transpose_lhs_hint = false} : vector<256x128xf32>, vector<256x384xf32>, vector<128x384xf32> -> vector<128x384xf32>
    %slice3A_339 = vector.extract_strided_slice %get3A_2 {offsets = [0, 40, 0], sizes = [1, 1, 128], strides = [1, 1, 1]} : vector<1x50x128xi32> to vector<1x1x128xi32>
    %squeeze3A_340 = vector.shape_cast %slice3A_339 : vector<1x1x128xi32> to vector<1x128xi32>
    %eq3A_341 = vector.broadcast %squeeze3A_340 : vector<1x128xi32> to vector<256x128xi32>
    %eq3A_342 = arith.cmpi eq, %iota3A, %eq3A_341 : vector<256x128xi32>
    %convert_element_type3A_343 = arith.extui %eq3A_342 : vector<256x128xi1> to vector<256x128xi32>
    %convert_element_type3A_344 = arith.sitofp %convert_element_type3A_343 : vector<256x128xi32> to vector<256x128xf32>
    %dot_general3A_345 = arith.constant dense<0.000000e+00> : vector<128x384xf32>
    %dot_general3A_346 = tpu.matmul %convert_element_type3A_344, %get3A_11, %dot_general3A_345 {dimension_numbers = #tpu.dot_dimension_numbers<[0], [0], [1], [1], [0, 1, 1, 1], [], []>, transpose_lhs_hint = false} : vector<256x128xf32>, vector<256x384xf32>, vector<128x384xf32> -> vector<128x384xf32>
    %slice3A_347 = vector.extract_strided_slice %get3A_2 {offsets = [0, 41, 0], sizes = [1, 1, 128], strides = [1, 1, 1]} : vector<1x50x128xi32> to vector<1x1x128xi32>
    %squeeze3A_348 = vector.shape_cast %slice3A_347 : vector<1x1x128xi32> to vector<1x128xi32>
    %eq3A_349 = vector.broadcast %squeeze3A_348 : vector<1x128xi32> to vector<256x128xi32>
    %eq3A_350 = arith.cmpi eq, %iota3A, %eq3A_349 : vector<256x128xi32>
    %convert_element_type3A_351 = arith.extui %eq3A_350 : vector<256x128xi1> to vector<256x128xi32>
    %convert_element_type3A_352 = arith.sitofp %convert_element_type3A_351 : vector<256x128xi32> to vector<256x128xf32>
    %dot_general3A_353 = arith.constant dense<0.000000e+00> : vector<128x384xf32>
    %dot_general3A_354 = tpu.matmul %convert_element_type3A_352, %get3A_11, %dot_general3A_353 {dimension_numbers = #tpu.dot_dimension_numbers<[0], [0], [1], [1], [0, 1, 1, 1], [], []>, transpose_lhs_hint = false} : vector<256x128xf32>, vector<256x384xf32>, vector<128x384xf32> -> vector<128x384xf32>
    %slice3A_355 = vector.extract_strided_slice %get3A_2 {offsets = [0, 42, 0], sizes = [1, 1, 128], strides = [1, 1, 1]} : vector<1x50x128xi32> to vector<1x1x128xi32>
    %squeeze3A_356 = vector.shape_cast %slice3A_355 : vector<1x1x128xi32> to vector<1x128xi32>
    %eq3A_357 = vector.broadcast %squeeze3A_356 : vector<1x128xi32> to vector<256x128xi32>
    %eq3A_358 = arith.cmpi eq, %iota3A, %eq3A_357 : vector<256x128xi32>
    %convert_element_type3A_359 = arith.extui %eq3A_358 : vector<256x128xi1> to vector<256x128xi32>
    %convert_element_type3A_360 = arith.sitofp %convert_element_type3A_359 : vector<256x128xi32> to vector<256x128xf32>
    %dot_general3A_361 = arith.constant dense<0.000000e+00> : vector<128x384xf32>
    %dot_general3A_362 = tpu.matmul %convert_element_type3A_360, %get3A_11, %dot_general3A_361 {dimension_numbers = #tpu.dot_dimension_numbers<[0], [0], [1], [1], [0, 1, 1, 1], [], []>, transpose_lhs_hint = false} : vector<256x128xf32>, vector<256x384xf32>, vector<128x384xf32> -> vector<128x384xf32>
    %slice3A_363 = vector.extract_strided_slice %get3A_2 {offsets = [0, 43, 0], sizes = [1, 1, 128], strides = [1, 1, 1]} : vector<1x50x128xi32> to vector<1x1x128xi32>
    %squeeze3A_364 = vector.shape_cast %slice3A_363 : vector<1x1x128xi32> to vector<1x128xi32>
    %eq3A_365 = vector.broadcast %squeeze3A_364 : vector<1x128xi32> to vector<256x128xi32>
    %eq3A_366 = arith.cmpi eq, %iota3A, %eq3A_365 : vector<256x128xi32>
    %convert_element_type3A_367 = arith.extui %eq3A_366 : vector<256x128xi1> to vector<256x128xi32>
    %convert_element_type3A_368 = arith.sitofp %convert_element_type3A_367 : vector<256x128xi32> to vector<256x128xf32>
    %dot_general3A_369 = arith.constant dense<0.000000e+00> : vector<128x384xf32>
    %dot_general3A_370 = tpu.matmul %convert_element_type3A_368, %get3A_11, %dot_general3A_369 {dimension_numbers = #tpu.dot_dimension_numbers<[0], [0], [1], [1], [0, 1, 1, 1], [], []>, transpose_lhs_hint = false} : vector<256x128xf32>, vector<256x384xf32>, vector<128x384xf32> -> vector<128x384xf32>
    %slice3A_371 = vector.extract_strided_slice %get3A_2 {offsets = [0, 44, 0], sizes = [1, 1, 128], strides = [1, 1, 1]} : vector<1x50x128xi32> to vector<1x1x128xi32>
    %squeeze3A_372 = vector.shape_cast %slice3A_371 : vector<1x1x128xi32> to vector<1x128xi32>
    %eq3A_373 = vector.broadcast %squeeze3A_372 : vector<1x128xi32> to vector<256x128xi32>
    %eq3A_374 = arith.cmpi eq, %iota3A, %eq3A_373 : vector<256x128xi32>
    %convert_element_type3A_375 = arith.extui %eq3A_374 : vector<256x128xi1> to vector<256x128xi32>
    %convert_element_type3A_376 = arith.sitofp %convert_element_type3A_375 : vector<256x128xi32> to vector<256x128xf32>
    %dot_general3A_377 = arith.constant dense<0.000000e+00> : vector<128x384xf32>
    %dot_general3A_378 = tpu.matmul %convert_element_type3A_376, %get3A_11, %dot_general3A_377 {dimension_numbers = #tpu.dot_dimension_numbers<[0], [0], [1], [1], [0, 1, 1, 1], [], []>, transpose_lhs_hint = false} : vector<256x128xf32>, vector<256x384xf32>, vector<128x384xf32> -> vector<128x384xf32>
    %slice3A_379 = vector.extract_strided_slice %get3A_2 {offsets = [0, 45, 0], sizes = [1, 1, 128], strides = [1, 1, 1]} : vector<1x50x128xi32> to vector<1x1x128xi32>
    %squeeze3A_380 = vector.shape_cast %slice3A_379 : vector<1x1x128xi32> to vector<1x128xi32>
    %eq3A_381 = vector.broadcast %squeeze3A_380 : vector<1x128xi32> to vector<256x128xi32>
    %eq3A_382 = arith.cmpi eq, %iota3A, %eq3A_381 : vector<256x128xi32>
    %convert_element_type3A_383 = arith.extui %eq3A_382 : vector<256x128xi1> to vector<256x128xi32>
    %convert_element_type3A_384 = arith.sitofp %convert_element_type3A_383 : vector<256x128xi32> to vector<256x128xf32>
    %dot_general3A_385 = arith.constant dense<0.000000e+00> : vector<128x384xf32>
    %dot_general3A_386 = tpu.matmul %convert_element_type3A_384, %get3A_11, %dot_general3A_385 {dimension_numbers = #tpu.dot_dimension_numbers<[0], [0], [1], [1], [0, 1, 1, 1], [], []>, transpose_lhs_hint = false} : vector<256x128xf32>, vector<256x384xf32>, vector<128x384xf32> -> vector<128x384xf32>
    %slice3A_387 = vector.extract_strided_slice %get3A_2 {offsets = [0, 46, 0], sizes = [1, 1, 128], strides = [1, 1, 1]} : vector<1x50x128xi32> to vector<1x1x128xi32>
    %squeeze3A_388 = vector.shape_cast %slice3A_387 : vector<1x1x128xi32> to vector<1x128xi32>
    %eq3A_389 = vector.broadcast %squeeze3A_388 : vector<1x128xi32> to vector<256x128xi32>
    %eq3A_390 = arith.cmpi eq, %iota3A, %eq3A_389 : vector<256x128xi32>
    %convert_element_type3A_391 = arith.extui %eq3A_390 : vector<256x128xi1> to vector<256x128xi32>
    %convert_element_type3A_392 = arith.sitofp %convert_element_type3A_391 : vector<256x128xi32> to vector<256x128xf32>
    %dot_general3A_393 = arith.constant dense<0.000000e+00> : vector<128x384xf32>
    %dot_general3A_394 = tpu.matmul %convert_element_type3A_392, %get3A_11, %dot_general3A_393 {dimension_numbers = #tpu.dot_dimension_numbers<[0], [0], [1], [1], [0, 1, 1, 1], [], []>, transpose_lhs_hint = false} : vector<256x128xf32>, vector<256x384xf32>, vector<128x384xf32> -> vector<128x384xf32>
    %slice3A_395 = vector.extract_strided_slice %get3A_2 {offsets = [0, 47, 0], sizes = [1, 1, 128], strides = [1, 1, 1]} : vector<1x50x128xi32> to vector<1x1x128xi32>
    %squeeze3A_396 = vector.shape_cast %slice3A_395 : vector<1x1x128xi32> to vector<1x128xi32>
    %eq3A_397 = vector.broadcast %squeeze3A_396 : vector<1x128xi32> to vector<256x128xi32>
    %eq3A_398 = arith.cmpi eq, %iota3A, %eq3A_397 : vector<256x128xi32>
    %convert_element_type3A_399 = arith.extui %eq3A_398 : vector<256x128xi1> to vector<256x128xi32>
    %convert_element_type3A_400 = arith.sitofp %convert_element_type3A_399 : vector<256x128xi32> to vector<256x128xf32>
    %dot_general3A_401 = arith.constant dense<0.000000e+00> : vector<128x384xf32>
    %dot_general3A_402 = tpu.matmul %convert_element_type3A_400, %get3A_11, %dot_general3A_401 {dimension_numbers = #tpu.dot_dimension_numbers<[0], [0], [1], [1], [0, 1, 1, 1], [], []>, transpose_lhs_hint = false} : vector<256x128xf32>, vector<256x384xf32>, vector<128x384xf32> -> vector<128x384xf32>
    %slice3A_403 = vector.extract_strided_slice %get3A_2 {offsets = [0, 48, 0], sizes = [1, 1, 128], strides = [1, 1, 1]} : vector<1x50x128xi32> to vector<1x1x128xi32>
    %squeeze3A_404 = vector.shape_cast %slice3A_403 : vector<1x1x128xi32> to vector<1x128xi32>
    %eq3A_405 = vector.broadcast %squeeze3A_404 : vector<1x128xi32> to vector<256x128xi32>
    %eq3A_406 = arith.cmpi eq, %iota3A, %eq3A_405 : vector<256x128xi32>
    %convert_element_type3A_407 = arith.extui %eq3A_406 : vector<256x128xi1> to vector<256x128xi32>
    %convert_element_type3A_408 = arith.sitofp %convert_element_type3A_407 : vector<256x128xi32> to vector<256x128xf32>
    %dot_general3A_409 = arith.constant dense<0.000000e+00> : vector<128x384xf32>
    %dot_general3A_410 = tpu.matmul %convert_element_type3A_408, %get3A_11, %dot_general3A_409 {dimension_numbers = #tpu.dot_dimension_numbers<[0], [0], [1], [1], [0, 1, 1, 1], [], []>, transpose_lhs_hint = false} : vector<256x128xf32>, vector<256x384xf32>, vector<128x384xf32> -> vector<128x384xf32>
    %slice3A_411 = vector.extract_strided_slice %get3A_2 {offsets = [0, 49, 0], sizes = [1, 1, 128], strides = [1, 1, 1]} : vector<1x50x128xi32> to vector<1x1x128xi32>
    %squeeze3A_412 = vector.shape_cast %slice3A_411 : vector<1x1x128xi32> to vector<1x128xi32>
    %eq3A_413 = vector.broadcast %squeeze3A_412 : vector<1x128xi32> to vector<256x128xi32>
    %eq3A_414 = arith.cmpi eq, %iota3A, %eq3A_413 : vector<256x128xi32>
    %convert_element_type3A_415 = arith.extui %eq3A_414 : vector<256x128xi1> to vector<256x128xi32>
    %convert_element_type3A_416 = arith.sitofp %convert_element_type3A_415 : vector<256x128xi32> to vector<256x128xf32>
    %dot_general3A_417 = arith.constant dense<0.000000e+00> : vector<128x384xf32>
    %dot_general3A_418 = tpu.matmul %convert_element_type3A_416, %get3A_11, %dot_general3A_417 {dimension_numbers = #tpu.dot_dimension_numbers<[0], [0], [1], [1], [0, 1, 1, 1], [], []>, transpose_lhs_hint = false} : vector<256x128xf32>, vector<256x384xf32>, vector<128x384xf32> -> vector<128x384xf32>
    %concatenate3A = tpu.concatenate %dot_general3A_26, %dot_general3A_34, %dot_general3A_42, %dot_general3A_50, %dot_general3A_58, %dot_general3A_66, %dot_general3A_74, %dot_general3A_82, %dot_general3A_90, %dot_general3A_98, %dot_general3A_106, %dot_general3A_114, %dot_general3A_122, %dot_general3A_130, %dot_general3A_138, %dot_general3A_146, %dot_general3A_154, %dot_general3A_162, %dot_general3A_170, %dot_general3A_178, %dot_general3A_186, %dot_general3A_194, %dot_general3A_202, %dot_general3A_210, %dot_general3A_218, %dot_general3A_226, %dot_general3A_234, %dot_general3A_242, %dot_general3A_250, %dot_general3A_258, %dot_general3A_266, %dot_general3A_274, %dot_general3A_282, %dot_general3A_290, %dot_general3A_298, %dot_general3A_306, %dot_general3A_314, %dot_general3A_322, %dot_general3A_330, %dot_general3A_338, %dot_general3A_346, %dot_general3A_354, %dot_general3A_362, %dot_general3A_370, %dot_general3A_378, %dot_general3A_386, %dot_general3A_394, %dot_general3A_402, %dot_general3A_410, %dot_general3A_418 in 0 : vector<128x384xf32>, vector<128x384xf32>, vector<128x384xf32>, vector<128x384xf32>, vector<128x384xf32>, vector<128x384xf32>, vector<128x384xf32>, vector<128x384xf32>, vector<128x384xf32>, vector<128x384xf32>, vector<128x384xf32>, vector<128x384xf32>, vector<128x384xf32>, vector<128x384xf32>, vector<128x384xf32>, vector<128x384xf32>, vector<128x384xf32>, vector<128x384xf32>, vector<128x384xf32>, vector<128x384xf32>, vector<128x384xf32>, vector<128x384xf32>, vector<128x384xf32>, vector<128x384xf32>, vector<128x384xf32>, vector<128x384xf32>, vector<128x384xf32>, vector<128x384xf32>, vector<128x384xf32>, vector<128x384xf32>, vector<128x384xf32>, vector<128x384xf32>, vector<128x384xf32>, vector<128x384xf32>, vector<128x384xf32>, vector<128x384xf32>, vector<128x384xf32>, vector<128x384xf32>, vector<128x384xf32>, vector<128x384xf32>, vector<128x384xf32>, vector<128x384xf32>, vector<128x384xf32>, vector<128x384xf32>, vector<128x384xf32>, vector<128x384xf32>, vector<128x384xf32>, vector<128x384xf32>, vector<128x384xf32>, vector<128x384xf32> -> vector<6400x384xf32>
    %dot_general3A_419 = arith.constant dense<0.000000e+00> : vector<6400x256xf32>
    %dot_general3A_420 = tpu.matmul %get3A_5, %get3A_14, %dot_general3A_419 {dimension_numbers = #tpu.dot_dimension_numbers<[1], [0], [0], [1], [0, 0, 1, 1], [], []>, transpose_lhs_hint = false} : vector<6400x128xf32>, vector<128x256xf32>, vector<6400x256xf32> -> vector<6400x256xf32>
    %slice3A_421 = vector.extract_strided_slice %concatenate3A {offsets = [0, 0], sizes = [6400, 128], strides = [1, 1]} : vector<6400x384xf32> to vector<6400x128xf32>
    %mul3A = arith.mulf %slice3A_421, %get3A_8 : vector<6400x128xf32>
    %slice3A_422 = vector.extract_strided_slice %dot_general3A_420 {offsets = [0, 0], sizes = [6400, 128], strides = [1, 1]} : vector<6400x256xf32> to vector<6400x128xf32>
    %add3A = arith.addf %mul3A, %slice3A_422 : vector<6400x128xf32>
    %add3A_423 = vector.broadcast %get3A_20 : vector<1x128xf32> to vector<6400x128xf32>
    %add3A_424 = arith.addf %add3A, %add3A_423 : vector<6400x128xf32>
    %logistic3A = arith.negf %add3A_424 : vector<6400x128xf32>
    %logistic3A_425 = math.exp %logistic3A : vector<6400x128xf32>
    %logistic3A_426 = arith.constant 1.000000e+00 : f32
    %logistic3A_427 = vector.broadcast %logistic3A_426 : f32 to vector<6400x128xf32>
    %logistic3A_428 = arith.addf %logistic3A_427, %logistic3A_425 : vector<6400x128xf32>
    %logistic3A_429 = arith.divf %logistic3A_427, %logistic3A_428 : vector<6400x128xf32>
    %slice3A_430 = vector.extract_strided_slice %concatenate3A {offsets = [0, 128], sizes = [6400, 128], strides = [1, 1]} : vector<6400x384xf32> to vector<6400x128xf32>
    %mul3A_431 = arith.mulf %slice3A_430, %get3A_8 : vector<6400x128xf32>
    %slice3A_432 = vector.extract_strided_slice %dot_general3A_420 {offsets = [0, 128], sizes = [6400, 128], strides = [1, 1]} : vector<6400x256xf32> to vector<6400x128xf32>
    %add3A_433 = arith.addf %mul3A_431, %slice3A_432 : vector<6400x128xf32>
    %add3A_434 = vector.broadcast %get3A_23 : vector<1x128xf32> to vector<6400x128xf32>
    %add3A_435 = arith.addf %add3A_433, %add3A_434 : vector<6400x128xf32>
    %logistic3A_436 = arith.negf %add3A_435 : vector<6400x128xf32>
    %logistic3A_437 = math.exp %logistic3A_436 : vector<6400x128xf32>
    %logistic3A_438 = arith.constant 1.000000e+00 : f32
    %logistic3A_439 = vector.broadcast %logistic3A_438 : f32 to vector<6400x128xf32>
    %logistic3A_440 = arith.addf %logistic3A_439, %logistic3A_437 : vector<6400x128xf32>
    %logistic3A_441 = arith.divf %logistic3A_439, %logistic3A_440 : vector<6400x128xf32>
    %slice3A_442 = vector.extract_strided_slice %concatenate3A {offsets = [0, 256], sizes = [6400, 128], strides = [1, 1]} : vector<6400x384xf32> to vector<6400x128xf32>
    %mul3A_443 = arith.mulf %slice3A_442, %get3A_8 : vector<6400x128xf32>
    %mul3A_444 = arith.mulf %logistic3A_441, %get3A_5 : vector<6400x128xf32>
    %dot_general3A_445 = arith.constant dense<0.000000e+00> : vector<6400x128xf32>
    %dot_general3A_446 = tpu.matmul %mul3A_444, %get3A_17, %dot_general3A_445 {dimension_numbers = #tpu.dot_dimension_numbers<[1], [0], [0], [1], [0, 0, 1, 1], [], []>, transpose_lhs_hint = false} : vector<6400x128xf32>, vector<128x128xf32>, vector<6400x128xf32> -> vector<6400x128xf32>
    %add3A_447 = arith.addf %mul3A_443, %dot_general3A_446 : vector<6400x128xf32>
    %tanh3A = math.tanh %add3A_447 : vector<6400x128xf32>
    %mul3A_448 = arith.mulf %logistic3A_429, %tanh3A : vector<6400x128xf32>
    %sub3A = arith.constant 1.000000e+00 : f32
    %sub3A_449 = vector.broadcast %sub3A : f32 to vector<6400x128xf32>
    %sub3A_450 = arith.subf %sub3A_449, %logistic3A_429 : vector<6400x128xf32>
    %mul3A_451 = arith.mulf %sub3A_450, %get3A_5 : vector<6400x128xf32>
    %add3A_452 = arith.addf %mul3A_448, %mul3A_451 : vector<6400x128xf32>
    %swap3A = arith.constant 0 : index
    %swap3A_453 = arith.constant 0 : index
    %swap3A_454 = vector.load %arg9[%swap3A, %swap3A_453] : memref<6400x128xf32, #tpu.memory_space<vmem>>, vector<6400x128xf32>
    tpu.vector_store %arg9[%swap3A, %swap3A_453], %add3A_452 {strides = array<i32>} : memref<6400x128xf32, #tpu.memory_space<vmem>>, vector<6400x128xf32>,
    return
  }
  func.func @transform_0(%arg0: i32) -> (i32, i32, i32) {
    %add3A = arith.constant 0 : i32
    %add3A_0 = arith.addi %add3A, %arg0 : i32
    %c0_i32 = arith.constant 0 : i32
    %c0_i32_1 = arith.constant 0 : i32
    %c0_i32_2 = arith.constant 0 : i32
    return %add3A_0, %c0_i32, %c0_i32_1 : i32, i32, i32
  }
  func.func @transform_1(%arg0: i32) -> (i32, i32) {
    %c0_i32 = arith.constant 0 : i32
    %c0_i32_0 = arith.constant 0 : i32
    return %arg0, %c0_i32 : i32, i32
  }
  func.func @transform_2(%arg0: i32) -> (i32, i32) {
    %add3A = arith.constant 0 : i32
    %add3A_0 = arith.addi %add3A, %arg0 : i32
    %c0_i32 = arith.constant 0 : i32
    %c0_i32_1 = arith.constant 0 : i32
    return %add3A_0, %c0_i32 : i32, i32
  }
  func.func @transform_3(%arg0: i32) -> (i32, i32) {
    %c0_i32 = arith.constant 0 : i32
    %c0_i32_0 = arith.constant 0 : i32
    %c0_i32_1 = arith.constant 0 : i32
    return %c0_i32, %c0_i32_0 : i32, i32
  }
  func.func @transform_4(%arg0: i32) -> (i32, i32) {
    %c0_i32 = arith.constant 0 : i32
    %c0_i32_0 = arith.constant 0 : i32
    %c0_i32_1 = arith.constant 0 : i32
    return %c0_i32, %c0_i32_0 : i32, i32
  }
  func.func @transform_5(%arg0: i32) -> (i32, i32) {
    %c0_i32 = arith.constant 0 : i32
    %c0_i32_0 = arith.constant 0 : i32
    %c0_i32_1 = arith.constant 0 : i32
    return %c0_i32, %c0_i32_0 : i32, i32
  }
  func.func @transform_6(%arg0: i32) -> (i32, i32) {
    %c0_i32 = arith.constant 0 : i32
    %c0_i32_0 = arith.constant 0 : i32
    %c0_i32_1 = arith.constant 0 : i32
    return %c0_i32, %c0_i32_0 : i32, i32
  }
  func.func @transform_7(%arg0: i32) -> (i32, i32) {
    %c0_i32 = arith.constant 0 : i32
    %c0_i32_0 = arith.constant 0 : i32
    %c0_i32_1 = arith.constant 0 : i32
    return %c0_i32, %c0_i32_0 : i32, i32
  }
  func.func @transform_8(%arg0: i32) -> (i32, i32) {
    %add3A = arith.constant 0 : i32
    %add3A_0 = arith.addi %add3A, %arg0 : i32
    %c0_i32 = arith.constant 0 : i32
    %c0_i32_1 = arith.constant 0 : i32
    return %add3A_0, %c0_i32 : i32, i32
  }
}

module attributes {stable_mosaic.version = 14 : i64} {
  func.func @_tc_body_alias(%arg0: i32, %arg1: memref<1x50x128xi32, #tpu.memory_space<vmem>>, %arg2: memref<6400x128xf32, #tpu.memory_space<vmem>>, %arg3: memref<6400x128xf32, #tpu.memory_space<vmem>>, %arg4: memref<256x384xf32, #tpu.memory_space<vmem>>, %arg5: memref<128x256xf32, #tpu.memory_space<vmem>>, %arg6: memref<128x128xf32, #tpu.memory_space<vmem>>, %arg7: memref<1x128xf32, #tpu.memory_space<vmem>>, %arg8: memref<1x128xf32, #tpu.memory_space<vmem>>, %arg9: memref<8x128xf32, #tpu.memory_space<vmem>>, %arg10: memref<6400x128xf32, #tpu.memory_space<vmem>>) attributes {dimension_semantics = [#tpu.dimension_semantics<arbitrary>], iteration_bounds = array<i64: 12>, scalar_prefetch = 0 : i64, scratch_operands = 0 : i64, tpu.core_type = #tpu.core_type<tc>, window_params = [{transform_indices = @transform_0, window_bounds = array<i64: 1, 50, 128>}, {transform_indices = @transform_1, window_bounds = array<i64: 6400, 128>}, {transform_indices = @transform_2, window_bounds = array<i64: 6400, 128>}, {pipeline_mode = #tpu.pipeline_mode<synchronous>, transform_indices = @transform_3, window_bounds = array<i64: 256, 384>}, {pipeline_mode = #tpu.pipeline_mode<synchronous>, transform_indices = @transform_4, window_bounds = array<i64: 128, 256>}, {pipeline_mode = #tpu.pipeline_mode<synchronous>, transform_indices = @transform_5, window_bounds = array<i64: 128, 128>}, {pipeline_mode = #tpu.pipeline_mode<synchronous>, transform_indices = @transform_6, window_bounds = array<i64: 1, 128>}, {pipeline_mode = #tpu.pipeline_mode<synchronous>, transform_indices = @transform_7, window_bounds = array<i64: 1, 128>}, {transform_indices = @transform_8, window_bounds = array<i64: 8, 128>}, {transform_indices = @transform_9, window_bounds = array<i64: 6400, 128>}]} {
    %get3A = arith.constant 0 : index
    %get3A_0 = arith.constant 0 : index
    %get3A_1 = arith.constant 0 : index
    %get3A_2 = vector.load %arg1[%get3A, %get3A_0, %get3A_1] : memref<1x50x128xi32, #tpu.memory_space<vmem>>, vector<1x50x128xi32>
    %get3A_3 = arith.constant 0 : index
    %get3A_4 = arith.constant 0 : index
    %get3A_5 = vector.load %arg2[%get3A_3, %get3A_4] : memref<6400x128xf32, #tpu.memory_space<vmem>>, vector<6400x128xf32>
    %get3A_6 = arith.constant 0 : index
    %get3A_7 = arith.constant 0 : index
    %get3A_8 = vector.load %arg3[%get3A_6, %get3A_7] : memref<6400x128xf32, #tpu.memory_space<vmem>>, vector<6400x128xf32>
    %get3A_9 = arith.constant 0 : index
    %get3A_10 = arith.constant 0 : index
    %get3A_11 = vector.load %arg4[%get3A_9, %get3A_10] : memref<256x384xf32, #tpu.memory_space<vmem>>, vector<256x384xf32>
    %get3A_12 = arith.constant 0 : index
    %get3A_13 = arith.constant 0 : index
    %get3A_14 = vector.load %arg5[%get3A_12, %get3A_13] : memref<128x256xf32, #tpu.memory_space<vmem>>, vector<128x256xf32>
    %get3A_15 = arith.constant 0 : index
    %get3A_16 = arith.constant 0 : index
    %get3A_17 = vector.load %arg6[%get3A_15, %get3A_16] : memref<128x128xf32, #tpu.memory_space<vmem>>, vector<128x128xf32>
    %get3A_18 = arith.constant 0 : index
    %get3A_19 = arith.constant 0 : index
    %get3A_20 = vector.load %arg7[%get3A_18, %get3A_19] : memref<1x128xf32, #tpu.memory_space<vmem>>, vector<1x128xf32>
    %get3A_21 = arith.constant 0 : index
    %get3A_22 = arith.constant 0 : index
    %get3A_23 = vector.load %arg8[%get3A_21, %get3A_22] : memref<1x128xf32, #tpu.memory_space<vmem>>, vector<1x128xf32>
    %iota3A = tpu.iota {dimensions = array<i32: 0>} : vector<256x128xi32>
    %slice3A = vector.extract_strided_slice %get3A_2 {offsets = [0, 0, 0], sizes = [1, 1, 128], strides = [1, 1, 1]} : vector<1x50x128xi32> to vector<1x1x128xi32>
    %squeeze3A = vector.shape_cast %slice3A : vector<1x1x128xi32> to vector<1x128xi32>
    %eq3A = vector.broadcast %squeeze3A : vector<1x128xi32> to vector<256x128xi32>
    %eq3A_24 = arith.cmpi eq, %iota3A, %eq3A : vector<256x128xi32>
    %convert_element_type3A = arith.extui %eq3A_24 : vector<256x128xi1> to vector<256x128xi32>
    %convert_element_type3A_25 = arith.sitofp %convert_element_type3A : vector<256x128xi32> to vector<256x128xf32>
    %dot_general3A = arith.constant dense<0.000000e+00> : vector<128x384xf32>
    %dot_general3A_26 = tpu.matmul %convert_element_type3A_25, %get3A_11, %dot_general3A {dimension_numbers = #tpu.dot_dimension_numbers<[0], [0], [1], [1], [0, 1, 1, 1], [], []>, transpose_lhs_hint = false} : vector<256x128xf32>, vector<256x384xf32>, vector<128x384xf32> -> vector<128x384xf32>
    %slice3A_27 = vector.extract_strided_slice %get3A_2 {offsets = [0, 1, 0], sizes = [1, 1, 128], strides = [1, 1, 1]} : vector<1x50x128xi32> to vector<1x1x128xi32>
    %squeeze3A_28 = vector.shape_cast %slice3A_27 : vector<1x1x128xi32> to vector<1x128xi32>
    %eq3A_29 = vector.broadcast %squeeze3A_28 : vector<1x128xi32> to vector<256x128xi32>
    %eq3A_30 = arith.cmpi eq, %iota3A, %eq3A_29 : vector<256x128xi32>
    %convert_element_type3A_31 = arith.extui %eq3A_30 : vector<256x128xi1> to vector<256x128xi32>
    %convert_element_type3A_32 = arith.sitofp %convert_element_type3A_31 : vector<256x128xi32> to vector<256x128xf32>
    %dot_general3A_33 = arith.constant dense<0.000000e+00> : vector<128x384xf32>
    %dot_general3A_34 = tpu.matmul %convert_element_type3A_32, %get3A_11, %dot_general3A_33 {dimension_numbers = #tpu.dot_dimension_numbers<[0], [0], [1], [1], [0, 1, 1, 1], [], []>, transpose_lhs_hint = false} : vector<256x128xf32>, vector<256x384xf32>, vector<128x384xf32> -> vector<128x384xf32>
    %slice3A_35 = vector.extract_strided_slice %get3A_2 {offsets = [0, 2, 0], sizes = [1, 1, 128], strides = [1, 1, 1]} : vector<1x50x128xi32> to vector<1x1x128xi32>
    %squeeze3A_36 = vector.shape_cast %slice3A_35 : vector<1x1x128xi32> to vector<1x128xi32>
    %eq3A_37 = vector.broadcast %squeeze3A_36 : vector<1x128xi32> to vector<256x128xi32>
    %eq3A_38 = arith.cmpi eq, %iota3A, %eq3A_37 : vector<256x128xi32>
    %convert_element_type3A_39 = arith.extui %eq3A_38 : vector<256x128xi1> to vector<256x128xi32>
    %convert_element_type3A_40 = arith.sitofp %convert_element_type3A_39 : vector<256x128xi32> to vector<256x128xf32>
    %dot_general3A_41 = arith.constant dense<0.000000e+00> : vector<128x384xf32>
    %dot_general3A_42 = tpu.matmul %convert_element_type3A_40, %get3A_11, %dot_general3A_41 {dimension_numbers = #tpu.dot_dimension_numbers<[0], [0], [1], [1], [0, 1, 1, 1], [], []>, transpose_lhs_hint = false} : vector<256x128xf32>, vector<256x384xf32>, vector<128x384xf32> -> vector<128x384xf32>
    %slice3A_43 = vector.extract_strided_slice %get3A_2 {offsets = [0, 3, 0], sizes = [1, 1, 128], strides = [1, 1, 1]} : vector<1x50x128xi32> to vector<1x1x128xi32>
    %squeeze3A_44 = vector.shape_cast %slice3A_43 : vector<1x1x128xi32> to vector<1x128xi32>
    %eq3A_45 = vector.broadcast %squeeze3A_44 : vector<1x128xi32> to vector<256x128xi32>
    %eq3A_46 = arith.cmpi eq, %iota3A, %eq3A_45 : vector<256x128xi32>
    %convert_element_type3A_47 = arith.extui %eq3A_46 : vector<256x128xi1> to vector<256x128xi32>
    %convert_element_type3A_48 = arith.sitofp %convert_element_type3A_47 : vector<256x128xi32> to vector<256x128xf32>
    %dot_general3A_49 = arith.constant dense<0.000000e+00> : vector<128x384xf32>
    %dot_general3A_50 = tpu.matmul %convert_element_type3A_48, %get3A_11, %dot_general3A_49 {dimension_numbers = #tpu.dot_dimension_numbers<[0], [0], [1], [1], [0, 1, 1, 1], [], []>, transpose_lhs_hint = false} : vector<256x128xf32>, vector<256x384xf32>, vector<128x384xf32> -> vector<128x384xf32>
    %slice3A_51 = vector.extract_strided_slice %get3A_2 {offsets = [0, 4, 0], sizes = [1, 1, 128], strides = [1, 1, 1]} : vector<1x50x128xi32> to vector<1x1x128xi32>
    %squeeze3A_52 = vector.shape_cast %slice3A_51 : vector<1x1x128xi32> to vector<1x128xi32>
    %eq3A_53 = vector.broadcast %squeeze3A_52 : vector<1x128xi32> to vector<256x128xi32>
    %eq3A_54 = arith.cmpi eq, %iota3A, %eq3A_53 : vector<256x128xi32>
    %convert_element_type3A_55 = arith.extui %eq3A_54 : vector<256x128xi1> to vector<256x128xi32>
    %convert_element_type3A_56 = arith.sitofp %convert_element_type3A_55 : vector<256x128xi32> to vector<256x128xf32>
    %dot_general3A_57 = arith.constant dense<0.000000e+00> : vector<128x384xf32>
    %dot_general3A_58 = tpu.matmul %convert_element_type3A_56, %get3A_11, %dot_general3A_57 {dimension_numbers = #tpu.dot_dimension_numbers<[0], [0], [1], [1], [0, 1, 1, 1], [], []>, transpose_lhs_hint = false} : vector<256x128xf32>, vector<256x384xf32>, vector<128x384xf32> -> vector<128x384xf32>
    %slice3A_59 = vector.extract_strided_slice %get3A_2 {offsets = [0, 5, 0], sizes = [1, 1, 128], strides = [1, 1, 1]} : vector<1x50x128xi32> to vector<1x1x128xi32>
    %squeeze3A_60 = vector.shape_cast %slice3A_59 : vector<1x1x128xi32> to vector<1x128xi32>
    %eq3A_61 = vector.broadcast %squeeze3A_60 : vector<1x128xi32> to vector<256x128xi32>
    %eq3A_62 = arith.cmpi eq, %iota3A, %eq3A_61 : vector<256x128xi32>
    %convert_element_type3A_63 = arith.extui %eq3A_62 : vector<256x128xi1> to vector<256x128xi32>
    %convert_element_type3A_64 = arith.sitofp %convert_element_type3A_63 : vector<256x128xi32> to vector<256x128xf32>
    %dot_general3A_65 = arith.constant dense<0.000000e+00> : vector<128x384xf32>
    %dot_general3A_66 = tpu.matmul %convert_element_type3A_64, %get3A_11, %dot_general3A_65 {dimension_numbers = #tpu.dot_dimension_numbers<[0], [0], [1], [1], [0, 1, 1, 1], [], []>, transpose_lhs_hint = false} : vector<256x128xf32>, vector<256x384xf32>, vector<128x384xf32> -> vector<128x384xf32>
    %slice3A_67 = vector.extract_strided_slice %get3A_2 {offsets = [0, 6, 0], sizes = [1, 1, 128], strides = [1, 1, 1]} : vector<1x50x128xi32> to vector<1x1x128xi32>
    %squeeze3A_68 = vector.shape_cast %slice3A_67 : vector<1x1x128xi32> to vector<1x128xi32>
    %eq3A_69 = vector.broadcast %squeeze3A_68 : vector<1x128xi32> to vector<256x128xi32>
    %eq3A_70 = arith.cmpi eq, %iota3A, %eq3A_69 : vector<256x128xi32>
    %convert_element_type3A_71 = arith.extui %eq3A_70 : vector<256x128xi1> to vector<256x128xi32>
    %convert_element_type3A_72 = arith.sitofp %convert_element_type3A_71 : vector<256x128xi32> to vector<256x128xf32>
    %dot_general3A_73 = arith.constant dense<0.000000e+00> : vector<128x384xf32>
    %dot_general3A_74 = tpu.matmul %convert_element_type3A_72, %get3A_11, %dot_general3A_73 {dimension_numbers = #tpu.dot_dimension_numbers<[0], [0], [1], [1], [0, 1, 1, 1], [], []>, transpose_lhs_hint = false} : vector<256x128xf32>, vector<256x384xf32>, vector<128x384xf32> -> vector<128x384xf32>
    %slice3A_75 = vector.extract_strided_slice %get3A_2 {offsets = [0, 7, 0], sizes = [1, 1, 128], strides = [1, 1, 1]} : vector<1x50x128xi32> to vector<1x1x128xi32>
    %squeeze3A_76 = vector.shape_cast %slice3A_75 : vector<1x1x128xi32> to vector<1x128xi32>
    %eq3A_77 = vector.broadcast %squeeze3A_76 : vector<1x128xi32> to vector<256x128xi32>
    %eq3A_78 = arith.cmpi eq, %iota3A, %eq3A_77 : vector<256x128xi32>
    %convert_element_type3A_79 = arith.extui %eq3A_78 : vector<256x128xi1> to vector<256x128xi32>
    %convert_element_type3A_80 = arith.sitofp %convert_element_type3A_79 : vector<256x128xi32> to vector<256x128xf32>
    %dot_general3A_81 = arith.constant dense<0.000000e+00> : vector<128x384xf32>
    %dot_general3A_82 = tpu.matmul %convert_element_type3A_80, %get3A_11, %dot_general3A_81 {dimension_numbers = #tpu.dot_dimension_numbers<[0], [0], [1], [1], [0, 1, 1, 1], [], []>, transpose_lhs_hint = false} : vector<256x128xf32>, vector<256x384xf32>, vector<128x384xf32> -> vector<128x384xf32>
    %slice3A_83 = vector.extract_strided_slice %get3A_2 {offsets = [0, 8, 0], sizes = [1, 1, 128], strides = [1, 1, 1]} : vector<1x50x128xi32> to vector<1x1x128xi32>
    %squeeze3A_84 = vector.shape_cast %slice3A_83 : vector<1x1x128xi32> to vector<1x128xi32>
    %eq3A_85 = vector.broadcast %squeeze3A_84 : vector<1x128xi32> to vector<256x128xi32>
    %eq3A_86 = arith.cmpi eq, %iota3A, %eq3A_85 : vector<256x128xi32>
    %convert_element_type3A_87 = arith.extui %eq3A_86 : vector<256x128xi1> to vector<256x128xi32>
    %convert_element_type3A_88 = arith.sitofp %convert_element_type3A_87 : vector<256x128xi32> to vector<256x128xf32>
    %dot_general3A_89 = arith.constant dense<0.000000e+00> : vector<128x384xf32>
    %dot_general3A_90 = tpu.matmul %convert_element_type3A_88, %get3A_11, %dot_general3A_89 {dimension_numbers = #tpu.dot_dimension_numbers<[0], [0], [1], [1], [0, 1, 1, 1], [], []>, transpose_lhs_hint = false} : vector<256x128xf32>, vector<256x384xf32>, vector<128x384xf32> -> vector<128x384xf32>
    %slice3A_91 = vector.extract_strided_slice %get3A_2 {offsets = [0, 9, 0], sizes = [1, 1, 128], strides = [1, 1, 1]} : vector<1x50x128xi32> to vector<1x1x128xi32>
    %squeeze3A_92 = vector.shape_cast %slice3A_91 : vector<1x1x128xi32> to vector<1x128xi32>
    %eq3A_93 = vector.broadcast %squeeze3A_92 : vector<1x128xi32> to vector<256x128xi32>
    %eq3A_94 = arith.cmpi eq, %iota3A, %eq3A_93 : vector<256x128xi32>
    %convert_element_type3A_95 = arith.extui %eq3A_94 : vector<256x128xi1> to vector<256x128xi32>
    %convert_element_type3A_96 = arith.sitofp %convert_element_type3A_95 : vector<256x128xi32> to vector<256x128xf32>
    %dot_general3A_97 = arith.constant dense<0.000000e+00> : vector<128x384xf32>
    %dot_general3A_98 = tpu.matmul %convert_element_type3A_96, %get3A_11, %dot_general3A_97 {dimension_numbers = #tpu.dot_dimension_numbers<[0], [0], [1], [1], [0, 1, 1, 1], [], []>, transpose_lhs_hint = false} : vector<256x128xf32>, vector<256x384xf32>, vector<128x384xf32> -> vector<128x384xf32>
    %slice3A_99 = vector.extract_strided_slice %get3A_2 {offsets = [0, 10, 0], sizes = [1, 1, 128], strides = [1, 1, 1]} : vector<1x50x128xi32> to vector<1x1x128xi32>
    %squeeze3A_100 = vector.shape_cast %slice3A_99 : vector<1x1x128xi32> to vector<1x128xi32>
    %eq3A_101 = vector.broadcast %squeeze3A_100 : vector<1x128xi32> to vector<256x128xi32>
    %eq3A_102 = arith.cmpi eq, %iota3A, %eq3A_101 : vector<256x128xi32>
    %convert_element_type3A_103 = arith.extui %eq3A_102 : vector<256x128xi1> to vector<256x128xi32>
    %convert_element_type3A_104 = arith.sitofp %convert_element_type3A_103 : vector<256x128xi32> to vector<256x128xf32>
    %dot_general3A_105 = arith.constant dense<0.000000e+00> : vector<128x384xf32>
    %dot_general3A_106 = tpu.matmul %convert_element_type3A_104, %get3A_11, %dot_general3A_105 {dimension_numbers = #tpu.dot_dimension_numbers<[0], [0], [1], [1], [0, 1, 1, 1], [], []>, transpose_lhs_hint = false} : vector<256x128xf32>, vector<256x384xf32>, vector<128x384xf32> -> vector<128x384xf32>
    %slice3A_107 = vector.extract_strided_slice %get3A_2 {offsets = [0, 11, 0], sizes = [1, 1, 128], strides = [1, 1, 1]} : vector<1x50x128xi32> to vector<1x1x128xi32>
    %squeeze3A_108 = vector.shape_cast %slice3A_107 : vector<1x1x128xi32> to vector<1x128xi32>
    %eq3A_109 = vector.broadcast %squeeze3A_108 : vector<1x128xi32> to vector<256x128xi32>
    %eq3A_110 = arith.cmpi eq, %iota3A, %eq3A_109 : vector<256x128xi32>
    %convert_element_type3A_111 = arith.extui %eq3A_110 : vector<256x128xi1> to vector<256x128xi32>
    %convert_element_type3A_112 = arith.sitofp %convert_element_type3A_111 : vector<256x128xi32> to vector<256x128xf32>
    %dot_general3A_113 = arith.constant dense<0.000000e+00> : vector<128x384xf32>
    %dot_general3A_114 = tpu.matmul %convert_element_type3A_112, %get3A_11, %dot_general3A_113 {dimension_numbers = #tpu.dot_dimension_numbers<[0], [0], [1], [1], [0, 1, 1, 1], [], []>, transpose_lhs_hint = false} : vector<256x128xf32>, vector<256x384xf32>, vector<128x384xf32> -> vector<128x384xf32>
    %slice3A_115 = vector.extract_strided_slice %get3A_2 {offsets = [0, 12, 0], sizes = [1, 1, 128], strides = [1, 1, 1]} : vector<1x50x128xi32> to vector<1x1x128xi32>
    %squeeze3A_116 = vector.shape_cast %slice3A_115 : vector<1x1x128xi32> to vector<1x128xi32>
    %eq3A_117 = vector.broadcast %squeeze3A_116 : vector<1x128xi32> to vector<256x128xi32>
    %eq3A_118 = arith.cmpi eq, %iota3A, %eq3A_117 : vector<256x128xi32>
    %convert_element_type3A_119 = arith.extui %eq3A_118 : vector<256x128xi1> to vector<256x128xi32>
    %convert_element_type3A_120 = arith.sitofp %convert_element_type3A_119 : vector<256x128xi32> to vector<256x128xf32>
    %dot_general3A_121 = arith.constant dense<0.000000e+00> : vector<128x384xf32>
    %dot_general3A_122 = tpu.matmul %convert_element_type3A_120, %get3A_11, %dot_general3A_121 {dimension_numbers = #tpu.dot_dimension_numbers<[0], [0], [1], [1], [0, 1, 1, 1], [], []>, transpose_lhs_hint = false} : vector<256x128xf32>, vector<256x384xf32>, vector<128x384xf32> -> vector<128x384xf32>
    %slice3A_123 = vector.extract_strided_slice %get3A_2 {offsets = [0, 13, 0], sizes = [1, 1, 128], strides = [1, 1, 1]} : vector<1x50x128xi32> to vector<1x1x128xi32>
    %squeeze3A_124 = vector.shape_cast %slice3A_123 : vector<1x1x128xi32> to vector<1x128xi32>
    %eq3A_125 = vector.broadcast %squeeze3A_124 : vector<1x128xi32> to vector<256x128xi32>
    %eq3A_126 = arith.cmpi eq, %iota3A, %eq3A_125 : vector<256x128xi32>
    %convert_element_type3A_127 = arith.extui %eq3A_126 : vector<256x128xi1> to vector<256x128xi32>
    %convert_element_type3A_128 = arith.sitofp %convert_element_type3A_127 : vector<256x128xi32> to vector<256x128xf32>
    %dot_general3A_129 = arith.constant dense<0.000000e+00> : vector<128x384xf32>
    %dot_general3A_130 = tpu.matmul %convert_element_type3A_128, %get3A_11, %dot_general3A_129 {dimension_numbers = #tpu.dot_dimension_numbers<[0], [0], [1], [1], [0, 1, 1, 1], [], []>, transpose_lhs_hint = false} : vector<256x128xf32>, vector<256x384xf32>, vector<128x384xf32> -> vector<128x384xf32>
    %slice3A_131 = vector.extract_strided_slice %get3A_2 {offsets = [0, 14, 0], sizes = [1, 1, 128], strides = [1, 1, 1]} : vector<1x50x128xi32> to vector<1x1x128xi32>
    %squeeze3A_132 = vector.shape_cast %slice3A_131 : vector<1x1x128xi32> to vector<1x128xi32>
    %eq3A_133 = vector.broadcast %squeeze3A_132 : vector<1x128xi32> to vector<256x128xi32>
    %eq3A_134 = arith.cmpi eq, %iota3A, %eq3A_133 : vector<256x128xi32>
    %convert_element_type3A_135 = arith.extui %eq3A_134 : vector<256x128xi1> to vector<256x128xi32>
    %convert_element_type3A_136 = arith.sitofp %convert_element_type3A_135 : vector<256x128xi32> to vector<256x128xf32>
    %dot_general3A_137 = arith.constant dense<0.000000e+00> : vector<128x384xf32>
    %dot_general3A_138 = tpu.matmul %convert_element_type3A_136, %get3A_11, %dot_general3A_137 {dimension_numbers = #tpu.dot_dimension_numbers<[0], [0], [1], [1], [0, 1, 1, 1], [], []>, transpose_lhs_hint = false} : vector<256x128xf32>, vector<256x384xf32>, vector<128x384xf32> -> vector<128x384xf32>
    %slice3A_139 = vector.extract_strided_slice %get3A_2 {offsets = [0, 15, 0], sizes = [1, 1, 128], strides = [1, 1, 1]} : vector<1x50x128xi32> to vector<1x1x128xi32>
    %squeeze3A_140 = vector.shape_cast %slice3A_139 : vector<1x1x128xi32> to vector<1x128xi32>
    %eq3A_141 = vector.broadcast %squeeze3A_140 : vector<1x128xi32> to vector<256x128xi32>
    %eq3A_142 = arith.cmpi eq, %iota3A, %eq3A_141 : vector<256x128xi32>
    %convert_element_type3A_143 = arith.extui %eq3A_142 : vector<256x128xi1> to vector<256x128xi32>
    %convert_element_type3A_144 = arith.sitofp %convert_element_type3A_143 : vector<256x128xi32> to vector<256x128xf32>
    %dot_general3A_145 = arith.constant dense<0.000000e+00> : vector<128x384xf32>
    %dot_general3A_146 = tpu.matmul %convert_element_type3A_144, %get3A_11, %dot_general3A_145 {dimension_numbers = #tpu.dot_dimension_numbers<[0], [0], [1], [1], [0, 1, 1, 1], [], []>, transpose_lhs_hint = false} : vector<256x128xf32>, vector<256x384xf32>, vector<128x384xf32> -> vector<128x384xf32>
    %slice3A_147 = vector.extract_strided_slice %get3A_2 {offsets = [0, 16, 0], sizes = [1, 1, 128], strides = [1, 1, 1]} : vector<1x50x128xi32> to vector<1x1x128xi32>
    %squeeze3A_148 = vector.shape_cast %slice3A_147 : vector<1x1x128xi32> to vector<1x128xi32>
    %eq3A_149 = vector.broadcast %squeeze3A_148 : vector<1x128xi32> to vector<256x128xi32>
    %eq3A_150 = arith.cmpi eq, %iota3A, %eq3A_149 : vector<256x128xi32>
    %convert_element_type3A_151 = arith.extui %eq3A_150 : vector<256x128xi1> to vector<256x128xi32>
    %convert_element_type3A_152 = arith.sitofp %convert_element_type3A_151 : vector<256x128xi32> to vector<256x128xf32>
    %dot_general3A_153 = arith.constant dense<0.000000e+00> : vector<128x384xf32>
    %dot_general3A_154 = tpu.matmul %convert_element_type3A_152, %get3A_11, %dot_general3A_153 {dimension_numbers = #tpu.dot_dimension_numbers<[0], [0], [1], [1], [0, 1, 1, 1], [], []>, transpose_lhs_hint = false} : vector<256x128xf32>, vector<256x384xf32>, vector<128x384xf32> -> vector<128x384xf32>
    %slice3A_155 = vector.extract_strided_slice %get3A_2 {offsets = [0, 17, 0], sizes = [1, 1, 128], strides = [1, 1, 1]} : vector<1x50x128xi32> to vector<1x1x128xi32>
    %squeeze3A_156 = vector.shape_cast %slice3A_155 : vector<1x1x128xi32> to vector<1x128xi32>
    %eq3A_157 = vector.broadcast %squeeze3A_156 : vector<1x128xi32> to vector<256x128xi32>
    %eq3A_158 = arith.cmpi eq, %iota3A, %eq3A_157 : vector<256x128xi32>
    %convert_element_type3A_159 = arith.extui %eq3A_158 : vector<256x128xi1> to vector<256x128xi32>
    %convert_element_type3A_160 = arith.sitofp %convert_element_type3A_159 : vector<256x128xi32> to vector<256x128xf32>
    %dot_general3A_161 = arith.constant dense<0.000000e+00> : vector<128x384xf32>
    %dot_general3A_162 = tpu.matmul %convert_element_type3A_160, %get3A_11, %dot_general3A_161 {dimension_numbers = #tpu.dot_dimension_numbers<[0], [0], [1], [1], [0, 1, 1, 1], [], []>, transpose_lhs_hint = false} : vector<256x128xf32>, vector<256x384xf32>, vector<128x384xf32> -> vector<128x384xf32>
    %slice3A_163 = vector.extract_strided_slice %get3A_2 {offsets = [0, 18, 0], sizes = [1, 1, 128], strides = [1, 1, 1]} : vector<1x50x128xi32> to vector<1x1x128xi32>
    %squeeze3A_164 = vector.shape_cast %slice3A_163 : vector<1x1x128xi32> to vector<1x128xi32>
    %eq3A_165 = vector.broadcast %squeeze3A_164 : vector<1x128xi32> to vector<256x128xi32>
    %eq3A_166 = arith.cmpi eq, %iota3A, %eq3A_165 : vector<256x128xi32>
    %convert_element_type3A_167 = arith.extui %eq3A_166 : vector<256x128xi1> to vector<256x128xi32>
    %convert_element_type3A_168 = arith.sitofp %convert_element_type3A_167 : vector<256x128xi32> to vector<256x128xf32>
    %dot_general3A_169 = arith.constant dense<0.000000e+00> : vector<128x384xf32>
    %dot_general3A_170 = tpu.matmul %convert_element_type3A_168, %get3A_11, %dot_general3A_169 {dimension_numbers = #tpu.dot_dimension_numbers<[0], [0], [1], [1], [0, 1, 1, 1], [], []>, transpose_lhs_hint = false} : vector<256x128xf32>, vector<256x384xf32>, vector<128x384xf32> -> vector<128x384xf32>
    %slice3A_171 = vector.extract_strided_slice %get3A_2 {offsets = [0, 19, 0], sizes = [1, 1, 128], strides = [1, 1, 1]} : vector<1x50x128xi32> to vector<1x1x128xi32>
    %squeeze3A_172 = vector.shape_cast %slice3A_171 : vector<1x1x128xi32> to vector<1x128xi32>
    %eq3A_173 = vector.broadcast %squeeze3A_172 : vector<1x128xi32> to vector<256x128xi32>
    %eq3A_174 = arith.cmpi eq, %iota3A, %eq3A_173 : vector<256x128xi32>
    %convert_element_type3A_175 = arith.extui %eq3A_174 : vector<256x128xi1> to vector<256x128xi32>
    %convert_element_type3A_176 = arith.sitofp %convert_element_type3A_175 : vector<256x128xi32> to vector<256x128xf32>
    %dot_general3A_177 = arith.constant dense<0.000000e+00> : vector<128x384xf32>
    %dot_general3A_178 = tpu.matmul %convert_element_type3A_176, %get3A_11, %dot_general3A_177 {dimension_numbers = #tpu.dot_dimension_numbers<[0], [0], [1], [1], [0, 1, 1, 1], [], []>, transpose_lhs_hint = false} : vector<256x128xf32>, vector<256x384xf32>, vector<128x384xf32> -> vector<128x384xf32>
    %slice3A_179 = vector.extract_strided_slice %get3A_2 {offsets = [0, 20, 0], sizes = [1, 1, 128], strides = [1, 1, 1]} : vector<1x50x128xi32> to vector<1x1x128xi32>
    %squeeze3A_180 = vector.shape_cast %slice3A_179 : vector<1x1x128xi32> to vector<1x128xi32>
    %eq3A_181 = vector.broadcast %squeeze3A_180 : vector<1x128xi32> to vector<256x128xi32>
    %eq3A_182 = arith.cmpi eq, %iota3A, %eq3A_181 : vector<256x128xi32>
    %convert_element_type3A_183 = arith.extui %eq3A_182 : vector<256x128xi1> to vector<256x128xi32>
    %convert_element_type3A_184 = arith.sitofp %convert_element_type3A_183 : vector<256x128xi32> to vector<256x128xf32>
    %dot_general3A_185 = arith.constant dense<0.000000e+00> : vector<128x384xf32>
    %dot_general3A_186 = tpu.matmul %convert_element_type3A_184, %get3A_11, %dot_general3A_185 {dimension_numbers = #tpu.dot_dimension_numbers<[0], [0], [1], [1], [0, 1, 1, 1], [], []>, transpose_lhs_hint = false} : vector<256x128xf32>, vector<256x384xf32>, vector<128x384xf32> -> vector<128x384xf32>
    %slice3A_187 = vector.extract_strided_slice %get3A_2 {offsets = [0, 21, 0], sizes = [1, 1, 128], strides = [1, 1, 1]} : vector<1x50x128xi32> to vector<1x1x128xi32>
    %squeeze3A_188 = vector.shape_cast %slice3A_187 : vector<1x1x128xi32> to vector<1x128xi32>
    %eq3A_189 = vector.broadcast %squeeze3A_188 : vector<1x128xi32> to vector<256x128xi32>
    %eq3A_190 = arith.cmpi eq, %iota3A, %eq3A_189 : vector<256x128xi32>
    %convert_element_type3A_191 = arith.extui %eq3A_190 : vector<256x128xi1> to vector<256x128xi32>
    %convert_element_type3A_192 = arith.sitofp %convert_element_type3A_191 : vector<256x128xi32> to vector<256x128xf32>
    %dot_general3A_193 = arith.constant dense<0.000000e+00> : vector<128x384xf32>
    %dot_general3A_194 = tpu.matmul %convert_element_type3A_192, %get3A_11, %dot_general3A_193 {dimension_numbers = #tpu.dot_dimension_numbers<[0], [0], [1], [1], [0, 1, 1, 1], [], []>, transpose_lhs_hint = false} : vector<256x128xf32>, vector<256x384xf32>, vector<128x384xf32> -> vector<128x384xf32>
    %slice3A_195 = vector.extract_strided_slice %get3A_2 {offsets = [0, 22, 0], sizes = [1, 1, 128], strides = [1, 1, 1]} : vector<1x50x128xi32> to vector<1x1x128xi32>
    %squeeze3A_196 = vector.shape_cast %slice3A_195 : vector<1x1x128xi32> to vector<1x128xi32>
    %eq3A_197 = vector.broadcast %squeeze3A_196 : vector<1x128xi32> to vector<256x128xi32>
    %eq3A_198 = arith.cmpi eq, %iota3A, %eq3A_197 : vector<256x128xi32>
    %convert_element_type3A_199 = arith.extui %eq3A_198 : vector<256x128xi1> to vector<256x128xi32>
    %convert_element_type3A_200 = arith.sitofp %convert_element_type3A_199 : vector<256x128xi32> to vector<256x128xf32>
    %dot_general3A_201 = arith.constant dense<0.000000e+00> : vector<128x384xf32>
    %dot_general3A_202 = tpu.matmul %convert_element_type3A_200, %get3A_11, %dot_general3A_201 {dimension_numbers = #tpu.dot_dimension_numbers<[0], [0], [1], [1], [0, 1, 1, 1], [], []>, transpose_lhs_hint = false} : vector<256x128xf32>, vector<256x384xf32>, vector<128x384xf32> -> vector<128x384xf32>
    %slice3A_203 = vector.extract_strided_slice %get3A_2 {offsets = [0, 23, 0], sizes = [1, 1, 128], strides = [1, 1, 1]} : vector<1x50x128xi32> to vector<1x1x128xi32>
    %squeeze3A_204 = vector.shape_cast %slice3A_203 : vector<1x1x128xi32> to vector<1x128xi32>
    %eq3A_205 = vector.broadcast %squeeze3A_204 : vector<1x128xi32> to vector<256x128xi32>
    %eq3A_206 = arith.cmpi eq, %iota3A, %eq3A_205 : vector<256x128xi32>
    %convert_element_type3A_207 = arith.extui %eq3A_206 : vector<256x128xi1> to vector<256x128xi32>
    %convert_element_type3A_208 = arith.sitofp %convert_element_type3A_207 : vector<256x128xi32> to vector<256x128xf32>
    %dot_general3A_209 = arith.constant dense<0.000000e+00> : vector<128x384xf32>
    %dot_general3A_210 = tpu.matmul %convert_element_type3A_208, %get3A_11, %dot_general3A_209 {dimension_numbers = #tpu.dot_dimension_numbers<[0], [0], [1], [1], [0, 1, 1, 1], [], []>, transpose_lhs_hint = false} : vector<256x128xf32>, vector<256x384xf32>, vector<128x384xf32> -> vector<128x384xf32>
    %slice3A_211 = vector.extract_strided_slice %get3A_2 {offsets = [0, 24, 0], sizes = [1, 1, 128], strides = [1, 1, 1]} : vector<1x50x128xi32> to vector<1x1x128xi32>
    %squeeze3A_212 = vector.shape_cast %slice3A_211 : vector<1x1x128xi32> to vector<1x128xi32>
    %eq3A_213 = vector.broadcast %squeeze3A_212 : vector<1x128xi32> to vector<256x128xi32>
    %eq3A_214 = arith.cmpi eq, %iota3A, %eq3A_213 : vector<256x128xi32>
    %convert_element_type3A_215 = arith.extui %eq3A_214 : vector<256x128xi1> to vector<256x128xi32>
    %convert_element_type3A_216 = arith.sitofp %convert_element_type3A_215 : vector<256x128xi32> to vector<256x128xf32>
    %dot_general3A_217 = arith.constant dense<0.000000e+00> : vector<128x384xf32>
    %dot_general3A_218 = tpu.matmul %convert_element_type3A_216, %get3A_11, %dot_general3A_217 {dimension_numbers = #tpu.dot_dimension_numbers<[0], [0], [1], [1], [0, 1, 1, 1], [], []>, transpose_lhs_hint = false} : vector<256x128xf32>, vector<256x384xf32>, vector<128x384xf32> -> vector<128x384xf32>
    %slice3A_219 = vector.extract_strided_slice %get3A_2 {offsets = [0, 25, 0], sizes = [1, 1, 128], strides = [1, 1, 1]} : vector<1x50x128xi32> to vector<1x1x128xi32>
    %squeeze3A_220 = vector.shape_cast %slice3A_219 : vector<1x1x128xi32> to vector<1x128xi32>
    %eq3A_221 = vector.broadcast %squeeze3A_220 : vector<1x128xi32> to vector<256x128xi32>
    %eq3A_222 = arith.cmpi eq, %iota3A, %eq3A_221 : vector<256x128xi32>
    %convert_element_type3A_223 = arith.extui %eq3A_222 : vector<256x128xi1> to vector<256x128xi32>
    %convert_element_type3A_224 = arith.sitofp %convert_element_type3A_223 : vector<256x128xi32> to vector<256x128xf32>
    %dot_general3A_225 = arith.constant dense<0.000000e+00> : vector<128x384xf32>
    %dot_general3A_226 = tpu.matmul %convert_element_type3A_224, %get3A_11, %dot_general3A_225 {dimension_numbers = #tpu.dot_dimension_numbers<[0], [0], [1], [1], [0, 1, 1, 1], [], []>, transpose_lhs_hint = false} : vector<256x128xf32>, vector<256x384xf32>, vector<128x384xf32> -> vector<128x384xf32>
    %slice3A_227 = vector.extract_strided_slice %get3A_2 {offsets = [0, 26, 0], sizes = [1, 1, 128], strides = [1, 1, 1]} : vector<1x50x128xi32> to vector<1x1x128xi32>
    %squeeze3A_228 = vector.shape_cast %slice3A_227 : vector<1x1x128xi32> to vector<1x128xi32>
    %eq3A_229 = vector.broadcast %squeeze3A_228 : vector<1x128xi32> to vector<256x128xi32>
    %eq3A_230 = arith.cmpi eq, %iota3A, %eq3A_229 : vector<256x128xi32>
    %convert_element_type3A_231 = arith.extui %eq3A_230 : vector<256x128xi1> to vector<256x128xi32>
    %convert_element_type3A_232 = arith.sitofp %convert_element_type3A_231 : vector<256x128xi32> to vector<256x128xf32>
    %dot_general3A_233 = arith.constant dense<0.000000e+00> : vector<128x384xf32>
    %dot_general3A_234 = tpu.matmul %convert_element_type3A_232, %get3A_11, %dot_general3A_233 {dimension_numbers = #tpu.dot_dimension_numbers<[0], [0], [1], [1], [0, 1, 1, 1], [], []>, transpose_lhs_hint = false} : vector<256x128xf32>, vector<256x384xf32>, vector<128x384xf32> -> vector<128x384xf32>
    %slice3A_235 = vector.extract_strided_slice %get3A_2 {offsets = [0, 27, 0], sizes = [1, 1, 128], strides = [1, 1, 1]} : vector<1x50x128xi32> to vector<1x1x128xi32>
    %squeeze3A_236 = vector.shape_cast %slice3A_235 : vector<1x1x128xi32> to vector<1x128xi32>
    %eq3A_237 = vector.broadcast %squeeze3A_236 : vector<1x128xi32> to vector<256x128xi32>
    %eq3A_238 = arith.cmpi eq, %iota3A, %eq3A_237 : vector<256x128xi32>
    %convert_element_type3A_239 = arith.extui %eq3A_238 : vector<256x128xi1> to vector<256x128xi32>
    %convert_element_type3A_240 = arith.sitofp %convert_element_type3A_239 : vector<256x128xi32> to vector<256x128xf32>
    %dot_general3A_241 = arith.constant dense<0.000000e+00> : vector<128x384xf32>
    %dot_general3A_242 = tpu.matmul %convert_element_type3A_240, %get3A_11, %dot_general3A_241 {dimension_numbers = #tpu.dot_dimension_numbers<[0], [0], [1], [1], [0, 1, 1, 1], [], []>, transpose_lhs_hint = false} : vector<256x128xf32>, vector<256x384xf32>, vector<128x384xf32> -> vector<128x384xf32>
    %slice3A_243 = vector.extract_strided_slice %get3A_2 {offsets = [0, 28, 0], sizes = [1, 1, 128], strides = [1, 1, 1]} : vector<1x50x128xi32> to vector<1x1x128xi32>
    %squeeze3A_244 = vector.shape_cast %slice3A_243 : vector<1x1x128xi32> to vector<1x128xi32>
    %eq3A_245 = vector.broadcast %squeeze3A_244 : vector<1x128xi32> to vector<256x128xi32>
    %eq3A_246 = arith.cmpi eq, %iota3A, %eq3A_245 : vector<256x128xi32>
    %convert_element_type3A_247 = arith.extui %eq3A_246 : vector<256x128xi1> to vector<256x128xi32>
    %convert_element_type3A_248 = arith.sitofp %convert_element_type3A_247 : vector<256x128xi32> to vector<256x128xf32>
    %dot_general3A_249 = arith.constant dense<0.000000e+00> : vector<128x384xf32>
    %dot_general3A_250 = tpu.matmul %convert_element_type3A_248, %get3A_11, %dot_general3A_249 {dimension_numbers = #tpu.dot_dimension_numbers<[0], [0], [1], [1], [0, 1, 1, 1], [], []>, transpose_lhs_hint = false} : vector<256x128xf32>, vector<256x384xf32>, vector<128x384xf32> -> vector<128x384xf32>
    %slice3A_251 = vector.extract_strided_slice %get3A_2 {offsets = [0, 29, 0], sizes = [1, 1, 128], strides = [1, 1, 1]} : vector<1x50x128xi32> to vector<1x1x128xi32>
    %squeeze3A_252 = vector.shape_cast %slice3A_251 : vector<1x1x128xi32> to vector<1x128xi32>
    %eq3A_253 = vector.broadcast %squeeze3A_252 : vector<1x128xi32> to vector<256x128xi32>
    %eq3A_254 = arith.cmpi eq, %iota3A, %eq3A_253 : vector<256x128xi32>
    %convert_element_type3A_255 = arith.extui %eq3A_254 : vector<256x128xi1> to vector<256x128xi32>
    %convert_element_type3A_256 = arith.sitofp %convert_element_type3A_255 : vector<256x128xi32> to vector<256x128xf32>
    %dot_general3A_257 = arith.constant dense<0.000000e+00> : vector<128x384xf32>
    %dot_general3A_258 = tpu.matmul %convert_element_type3A_256, %get3A_11, %dot_general3A_257 {dimension_numbers = #tpu.dot_dimension_numbers<[0], [0], [1], [1], [0, 1, 1, 1], [], []>, transpose_lhs_hint = false} : vector<256x128xf32>, vector<256x384xf32>, vector<128x384xf32> -> vector<128x384xf32>
    %slice3A_259 = vector.extract_strided_slice %get3A_2 {offsets = [0, 30, 0], sizes = [1, 1, 128], strides = [1, 1, 1]} : vector<1x50x128xi32> to vector<1x1x128xi32>
    %squeeze3A_260 = vector.shape_cast %slice3A_259 : vector<1x1x128xi32> to vector<1x128xi32>
    %eq3A_261 = vector.broadcast %squeeze3A_260 : vector<1x128xi32> to vector<256x128xi32>
    %eq3A_262 = arith.cmpi eq, %iota3A, %eq3A_261 : vector<256x128xi32>
    %convert_element_type3A_263 = arith.extui %eq3A_262 : vector<256x128xi1> to vector<256x128xi32>
    %convert_element_type3A_264 = arith.sitofp %convert_element_type3A_263 : vector<256x128xi32> to vector<256x128xf32>
    %dot_general3A_265 = arith.constant dense<0.000000e+00> : vector<128x384xf32>
    %dot_general3A_266 = tpu.matmul %convert_element_type3A_264, %get3A_11, %dot_general3A_265 {dimension_numbers = #tpu.dot_dimension_numbers<[0], [0], [1], [1], [0, 1, 1, 1], [], []>, transpose_lhs_hint = false} : vector<256x128xf32>, vector<256x384xf32>, vector<128x384xf32> -> vector<128x384xf32>
    %slice3A_267 = vector.extract_strided_slice %get3A_2 {offsets = [0, 31, 0], sizes = [1, 1, 128], strides = [1, 1, 1]} : vector<1x50x128xi32> to vector<1x1x128xi32>
    %squeeze3A_268 = vector.shape_cast %slice3A_267 : vector<1x1x128xi32> to vector<1x128xi32>
    %eq3A_269 = vector.broadcast %squeeze3A_268 : vector<1x128xi32> to vector<256x128xi32>
    %eq3A_270 = arith.cmpi eq, %iota3A, %eq3A_269 : vector<256x128xi32>
    %convert_element_type3A_271 = arith.extui %eq3A_270 : vector<256x128xi1> to vector<256x128xi32>
    %convert_element_type3A_272 = arith.sitofp %convert_element_type3A_271 : vector<256x128xi32> to vector<256x128xf32>
    %dot_general3A_273 = arith.constant dense<0.000000e+00> : vector<128x384xf32>
    %dot_general3A_274 = tpu.matmul %convert_element_type3A_272, %get3A_11, %dot_general3A_273 {dimension_numbers = #tpu.dot_dimension_numbers<[0], [0], [1], [1], [0, 1, 1, 1], [], []>, transpose_lhs_hint = false} : vector<256x128xf32>, vector<256x384xf32>, vector<128x384xf32> -> vector<128x384xf32>
    %slice3A_275 = vector.extract_strided_slice %get3A_2 {offsets = [0, 32, 0], sizes = [1, 1, 128], strides = [1, 1, 1]} : vector<1x50x128xi32> to vector<1x1x128xi32>
    %squeeze3A_276 = vector.shape_cast %slice3A_275 : vector<1x1x128xi32> to vector<1x128xi32>
    %eq3A_277 = vector.broadcast %squeeze3A_276 : vector<1x128xi32> to vector<256x128xi32>
    %eq3A_278 = arith.cmpi eq, %iota3A, %eq3A_277 : vector<256x128xi32>
    %convert_element_type3A_279 = arith.extui %eq3A_278 : vector<256x128xi1> to vector<256x128xi32>
    %convert_element_type3A_280 = arith.sitofp %convert_element_type3A_279 : vector<256x128xi32> to vector<256x128xf32>
    %dot_general3A_281 = arith.constant dense<0.000000e+00> : vector<128x384xf32>
    %dot_general3A_282 = tpu.matmul %convert_element_type3A_280, %get3A_11, %dot_general3A_281 {dimension_numbers = #tpu.dot_dimension_numbers<[0], [0], [1], [1], [0, 1, 1, 1], [], []>, transpose_lhs_hint = false} : vector<256x128xf32>, vector<256x384xf32>, vector<128x384xf32> -> vector<128x384xf32>
    %slice3A_283 = vector.extract_strided_slice %get3A_2 {offsets = [0, 33, 0], sizes = [1, 1, 128], strides = [1, 1, 1]} : vector<1x50x128xi32> to vector<1x1x128xi32>
    %squeeze3A_284 = vector.shape_cast %slice3A_283 : vector<1x1x128xi32> to vector<1x128xi32>
    %eq3A_285 = vector.broadcast %squeeze3A_284 : vector<1x128xi32> to vector<256x128xi32>
    %eq3A_286 = arith.cmpi eq, %iota3A, %eq3A_285 : vector<256x128xi32>
    %convert_element_type3A_287 = arith.extui %eq3A_286 : vector<256x128xi1> to vector<256x128xi32>
    %convert_element_type3A_288 = arith.sitofp %convert_element_type3A_287 : vector<256x128xi32> to vector<256x128xf32>
    %dot_general3A_289 = arith.constant dense<0.000000e+00> : vector<128x384xf32>
    %dot_general3A_290 = tpu.matmul %convert_element_type3A_288, %get3A_11, %dot_general3A_289 {dimension_numbers = #tpu.dot_dimension_numbers<[0], [0], [1], [1], [0, 1, 1, 1], [], []>, transpose_lhs_hint = false} : vector<256x128xf32>, vector<256x384xf32>, vector<128x384xf32> -> vector<128x384xf32>
    %slice3A_291 = vector.extract_strided_slice %get3A_2 {offsets = [0, 34, 0], sizes = [1, 1, 128], strides = [1, 1, 1]} : vector<1x50x128xi32> to vector<1x1x128xi32>
    %squeeze3A_292 = vector.shape_cast %slice3A_291 : vector<1x1x128xi32> to vector<1x128xi32>
    %eq3A_293 = vector.broadcast %squeeze3A_292 : vector<1x128xi32> to vector<256x128xi32>
    %eq3A_294 = arith.cmpi eq, %iota3A, %eq3A_293 : vector<256x128xi32>
    %convert_element_type3A_295 = arith.extui %eq3A_294 : vector<256x128xi1> to vector<256x128xi32>
    %convert_element_type3A_296 = arith.sitofp %convert_element_type3A_295 : vector<256x128xi32> to vector<256x128xf32>
    %dot_general3A_297 = arith.constant dense<0.000000e+00> : vector<128x384xf32>
    %dot_general3A_298 = tpu.matmul %convert_element_type3A_296, %get3A_11, %dot_general3A_297 {dimension_numbers = #tpu.dot_dimension_numbers<[0], [0], [1], [1], [0, 1, 1, 1], [], []>, transpose_lhs_hint = false} : vector<256x128xf32>, vector<256x384xf32>, vector<128x384xf32> -> vector<128x384xf32>
    %slice3A_299 = vector.extract_strided_slice %get3A_2 {offsets = [0, 35, 0], sizes = [1, 1, 128], strides = [1, 1, 1]} : vector<1x50x128xi32> to vector<1x1x128xi32>
    %squeeze3A_300 = vector.shape_cast %slice3A_299 : vector<1x1x128xi32> to vector<1x128xi32>
    %eq3A_301 = vector.broadcast %squeeze3A_300 : vector<1x128xi32> to vector<256x128xi32>
    %eq3A_302 = arith.cmpi eq, %iota3A, %eq3A_301 : vector<256x128xi32>
    %convert_element_type3A_303 = arith.extui %eq3A_302 : vector<256x128xi1> to vector<256x128xi32>
    %convert_element_type3A_304 = arith.sitofp %convert_element_type3A_303 : vector<256x128xi32> to vector<256x128xf32>
    %dot_general3A_305 = arith.constant dense<0.000000e+00> : vector<128x384xf32>
    %dot_general3A_306 = tpu.matmul %convert_element_type3A_304, %get3A_11, %dot_general3A_305 {dimension_numbers = #tpu.dot_dimension_numbers<[0], [0], [1], [1], [0, 1, 1, 1], [], []>, transpose_lhs_hint = false} : vector<256x128xf32>, vector<256x384xf32>, vector<128x384xf32> -> vector<128x384xf32>
    %slice3A_307 = vector.extract_strided_slice %get3A_2 {offsets = [0, 36, 0], sizes = [1, 1, 128], strides = [1, 1, 1]} : vector<1x50x128xi32> to vector<1x1x128xi32>
    %squeeze3A_308 = vector.shape_cast %slice3A_307 : vector<1x1x128xi32> to vector<1x128xi32>
    %eq3A_309 = vector.broadcast %squeeze3A_308 : vector<1x128xi32> to vector<256x128xi32>
    %eq3A_310 = arith.cmpi eq, %iota3A, %eq3A_309 : vector<256x128xi32>
    %convert_element_type3A_311 = arith.extui %eq3A_310 : vector<256x128xi1> to vector<256x128xi32>
    %convert_element_type3A_312 = arith.sitofp %convert_element_type3A_311 : vector<256x128xi32> to vector<256x128xf32>
    %dot_general3A_313 = arith.constant dense<0.000000e+00> : vector<128x384xf32>
    %dot_general3A_314 = tpu.matmul %convert_element_type3A_312, %get3A_11, %dot_general3A_313 {dimension_numbers = #tpu.dot_dimension_numbers<[0], [0], [1], [1], [0, 1, 1, 1], [], []>, transpose_lhs_hint = false} : vector<256x128xf32>, vector<256x384xf32>, vector<128x384xf32> -> vector<128x384xf32>
    %slice3A_315 = vector.extract_strided_slice %get3A_2 {offsets = [0, 37, 0], sizes = [1, 1, 128], strides = [1, 1, 1]} : vector<1x50x128xi32> to vector<1x1x128xi32>
    %squeeze3A_316 = vector.shape_cast %slice3A_315 : vector<1x1x128xi32> to vector<1x128xi32>
    %eq3A_317 = vector.broadcast %squeeze3A_316 : vector<1x128xi32> to vector<256x128xi32>
    %eq3A_318 = arith.cmpi eq, %iota3A, %eq3A_317 : vector<256x128xi32>
    %convert_element_type3A_319 = arith.extui %eq3A_318 : vector<256x128xi1> to vector<256x128xi32>
    %convert_element_type3A_320 = arith.sitofp %convert_element_type3A_319 : vector<256x128xi32> to vector<256x128xf32>
    %dot_general3A_321 = arith.constant dense<0.000000e+00> : vector<128x384xf32>
    %dot_general3A_322 = tpu.matmul %convert_element_type3A_320, %get3A_11, %dot_general3A_321 {dimension_numbers = #tpu.dot_dimension_numbers<[0], [0], [1], [1], [0, 1, 1, 1], [], []>, transpose_lhs_hint = false} : vector<256x128xf32>, vector<256x384xf32>, vector<128x384xf32> -> vector<128x384xf32>
    %slice3A_323 = vector.extract_strided_slice %get3A_2 {offsets = [0, 38, 0], sizes = [1, 1, 128], strides = [1, 1, 1]} : vector<1x50x128xi32> to vector<1x1x128xi32>
    %squeeze3A_324 = vector.shape_cast %slice3A_323 : vector<1x1x128xi32> to vector<1x128xi32>
    %eq3A_325 = vector.broadcast %squeeze3A_324 : vector<1x128xi32> to vector<256x128xi32>
    %eq3A_326 = arith.cmpi eq, %iota3A, %eq3A_325 : vector<256x128xi32>
    %convert_element_type3A_327 = arith.extui %eq3A_326 : vector<256x128xi1> to vector<256x128xi32>
    %convert_element_type3A_328 = arith.sitofp %convert_element_type3A_327 : vector<256x128xi32> to vector<256x128xf32>
    %dot_general3A_329 = arith.constant dense<0.000000e+00> : vector<128x384xf32>
    %dot_general3A_330 = tpu.matmul %convert_element_type3A_328, %get3A_11, %dot_general3A_329 {dimension_numbers = #tpu.dot_dimension_numbers<[0], [0], [1], [1], [0, 1, 1, 1], [], []>, transpose_lhs_hint = false} : vector<256x128xf32>, vector<256x384xf32>, vector<128x384xf32> -> vector<128x384xf32>
    %slice3A_331 = vector.extract_strided_slice %get3A_2 {offsets = [0, 39, 0], sizes = [1, 1, 128], strides = [1, 1, 1]} : vector<1x50x128xi32> to vector<1x1x128xi32>
    %squeeze3A_332 = vector.shape_cast %slice3A_331 : vector<1x1x128xi32> to vector<1x128xi32>
    %eq3A_333 = vector.broadcast %squeeze3A_332 : vector<1x128xi32> to vector<256x128xi32>
    %eq3A_334 = arith.cmpi eq, %iota3A, %eq3A_333 : vector<256x128xi32>
    %convert_element_type3A_335 = arith.extui %eq3A_334 : vector<256x128xi1> to vector<256x128xi32>
    %convert_element_type3A_336 = arith.sitofp %convert_element_type3A_335 : vector<256x128xi32> to vector<256x128xf32>
    %dot_general3A_337 = arith.constant dense<0.000000e+00> : vector<128x384xf32>
    %dot_general3A_338 = tpu.matmul %convert_element_type3A_336, %get3A_11, %dot_general3A_337 {dimension_numbers = #tpu.dot_dimension_numbers<[0], [0], [1], [1], [0, 1, 1, 1], [], []>, transpose_lhs_hint = false} : vector<256x128xf32>, vector<256x384xf32>, vector<128x384xf32> -> vector<128x384xf32>
    %slice3A_339 = vector.extract_strided_slice %get3A_2 {offsets = [0, 40, 0], sizes = [1, 1, 128], strides = [1, 1, 1]} : vector<1x50x128xi32> to vector<1x1x128xi32>
    %squeeze3A_340 = vector.shape_cast %slice3A_339 : vector<1x1x128xi32> to vector<1x128xi32>
    %eq3A_341 = vector.broadcast %squeeze3A_340 : vector<1x128xi32> to vector<256x128xi32>
    %eq3A_342 = arith.cmpi eq, %iota3A, %eq3A_341 : vector<256x128xi32>
    %convert_element_type3A_343 = arith.extui %eq3A_342 : vector<256x128xi1> to vector<256x128xi32>
    %convert_element_type3A_344 = arith.sitofp %convert_element_type3A_343 : vector<256x128xi32> to vector<256x128xf32>
    %dot_general3A_345 = arith.constant dense<0.000000e+00> : vector<128x384xf32>
    %dot_general3A_346 = tpu.matmul %convert_element_type3A_344, %get3A_11, %dot_general3A_345 {dimension_numbers = #tpu.dot_dimension_numbers<[0], [0], [1], [1], [0, 1, 1, 1], [], []>, transpose_lhs_hint = false} : vector<256x128xf32>, vector<256x384xf32>, vector<128x384xf32> -> vector<128x384xf32>
    %slice3A_347 = vector.extract_strided_slice %get3A_2 {offsets = [0, 41, 0], sizes = [1, 1, 128], strides = [1, 1, 1]} : vector<1x50x128xi32> to vector<1x1x128xi32>
    %squeeze3A_348 = vector.shape_cast %slice3A_347 : vector<1x1x128xi32> to vector<1x128xi32>
    %eq3A_349 = vector.broadcast %squeeze3A_348 : vector<1x128xi32> to vector<256x128xi32>
    %eq3A_350 = arith.cmpi eq, %iota3A, %eq3A_349 : vector<256x128xi32>
    %convert_element_type3A_351 = arith.extui %eq3A_350 : vector<256x128xi1> to vector<256x128xi32>
    %convert_element_type3A_352 = arith.sitofp %convert_element_type3A_351 : vector<256x128xi32> to vector<256x128xf32>
    %dot_general3A_353 = arith.constant dense<0.000000e+00> : vector<128x384xf32>
    %dot_general3A_354 = tpu.matmul %convert_element_type3A_352, %get3A_11, %dot_general3A_353 {dimension_numbers = #tpu.dot_dimension_numbers<[0], [0], [1], [1], [0, 1, 1, 1], [], []>, transpose_lhs_hint = false} : vector<256x128xf32>, vector<256x384xf32>, vector<128x384xf32> -> vector<128x384xf32>
    %slice3A_355 = vector.extract_strided_slice %get3A_2 {offsets = [0, 42, 0], sizes = [1, 1, 128], strides = [1, 1, 1]} : vector<1x50x128xi32> to vector<1x1x128xi32>
    %squeeze3A_356 = vector.shape_cast %slice3A_355 : vector<1x1x128xi32> to vector<1x128xi32>
    %eq3A_357 = vector.broadcast %squeeze3A_356 : vector<1x128xi32> to vector<256x128xi32>
    %eq3A_358 = arith.cmpi eq, %iota3A, %eq3A_357 : vector<256x128xi32>
    %convert_element_type3A_359 = arith.extui %eq3A_358 : vector<256x128xi1> to vector<256x128xi32>
    %convert_element_type3A_360 = arith.sitofp %convert_element_type3A_359 : vector<256x128xi32> to vector<256x128xf32>
    %dot_general3A_361 = arith.constant dense<0.000000e+00> : vector<128x384xf32>
    %dot_general3A_362 = tpu.matmul %convert_element_type3A_360, %get3A_11, %dot_general3A_361 {dimension_numbers = #tpu.dot_dimension_numbers<[0], [0], [1], [1], [0, 1, 1, 1], [], []>, transpose_lhs_hint = false} : vector<256x128xf32>, vector<256x384xf32>, vector<128x384xf32> -> vector<128x384xf32>
    %slice3A_363 = vector.extract_strided_slice %get3A_2 {offsets = [0, 43, 0], sizes = [1, 1, 128], strides = [1, 1, 1]} : vector<1x50x128xi32> to vector<1x1x128xi32>
    %squeeze3A_364 = vector.shape_cast %slice3A_363 : vector<1x1x128xi32> to vector<1x128xi32>
    %eq3A_365 = vector.broadcast %squeeze3A_364 : vector<1x128xi32> to vector<256x128xi32>
    %eq3A_366 = arith.cmpi eq, %iota3A, %eq3A_365 : vector<256x128xi32>
    %convert_element_type3A_367 = arith.extui %eq3A_366 : vector<256x128xi1> to vector<256x128xi32>
    %convert_element_type3A_368 = arith.sitofp %convert_element_type3A_367 : vector<256x128xi32> to vector<256x128xf32>
    %dot_general3A_369 = arith.constant dense<0.000000e+00> : vector<128x384xf32>
    %dot_general3A_370 = tpu.matmul %convert_element_type3A_368, %get3A_11, %dot_general3A_369 {dimension_numbers = #tpu.dot_dimension_numbers<[0], [0], [1], [1], [0, 1, 1, 1], [], []>, transpose_lhs_hint = false} : vector<256x128xf32>, vector<256x384xf32>, vector<128x384xf32> -> vector<128x384xf32>
    %slice3A_371 = vector.extract_strided_slice %get3A_2 {offsets = [0, 44, 0], sizes = [1, 1, 128], strides = [1, 1, 1]} : vector<1x50x128xi32> to vector<1x1x128xi32>
    %squeeze3A_372 = vector.shape_cast %slice3A_371 : vector<1x1x128xi32> to vector<1x128xi32>
    %eq3A_373 = vector.broadcast %squeeze3A_372 : vector<1x128xi32> to vector<256x128xi32>
    %eq3A_374 = arith.cmpi eq, %iota3A, %eq3A_373 : vector<256x128xi32>
    %convert_element_type3A_375 = arith.extui %eq3A_374 : vector<256x128xi1> to vector<256x128xi32>
    %convert_element_type3A_376 = arith.sitofp %convert_element_type3A_375 : vector<256x128xi32> to vector<256x128xf32>
    %dot_general3A_377 = arith.constant dense<0.000000e+00> : vector<128x384xf32>
    %dot_general3A_378 = tpu.matmul %convert_element_type3A_376, %get3A_11, %dot_general3A_377 {dimension_numbers = #tpu.dot_dimension_numbers<[0], [0], [1], [1], [0, 1, 1, 1], [], []>, transpose_lhs_hint = false} : vector<256x128xf32>, vector<256x384xf32>, vector<128x384xf32> -> vector<128x384xf32>
    %slice3A_379 = vector.extract_strided_slice %get3A_2 {offsets = [0, 45, 0], sizes = [1, 1, 128], strides = [1, 1, 1]} : vector<1x50x128xi32> to vector<1x1x128xi32>
    %squeeze3A_380 = vector.shape_cast %slice3A_379 : vector<1x1x128xi32> to vector<1x128xi32>
    %eq3A_381 = vector.broadcast %squeeze3A_380 : vector<1x128xi32> to vector<256x128xi32>
    %eq3A_382 = arith.cmpi eq, %iota3A, %eq3A_381 : vector<256x128xi32>
    %convert_element_type3A_383 = arith.extui %eq3A_382 : vector<256x128xi1> to vector<256x128xi32>
    %convert_element_type3A_384 = arith.sitofp %convert_element_type3A_383 : vector<256x128xi32> to vector<256x128xf32>
    %dot_general3A_385 = arith.constant dense<0.000000e+00> : vector<128x384xf32>
    %dot_general3A_386 = tpu.matmul %convert_element_type3A_384, %get3A_11, %dot_general3A_385 {dimension_numbers = #tpu.dot_dimension_numbers<[0], [0], [1], [1], [0, 1, 1, 1], [], []>, transpose_lhs_hint = false} : vector<256x128xf32>, vector<256x384xf32>, vector<128x384xf32> -> vector<128x384xf32>
    %slice3A_387 = vector.extract_strided_slice %get3A_2 {offsets = [0, 46, 0], sizes = [1, 1, 128], strides = [1, 1, 1]} : vector<1x50x128xi32> to vector<1x1x128xi32>
    %squeeze3A_388 = vector.shape_cast %slice3A_387 : vector<1x1x128xi32> to vector<1x128xi32>
    %eq3A_389 = vector.broadcast %squeeze3A_388 : vector<1x128xi32> to vector<256x128xi32>
    %eq3A_390 = arith.cmpi eq, %iota3A, %eq3A_389 : vector<256x128xi32>
    %convert_element_type3A_391 = arith.extui %eq3A_390 : vector<256x128xi1> to vector<256x128xi32>
    %convert_element_type3A_392 = arith.sitofp %convert_element_type3A_391 : vector<256x128xi32> to vector<256x128xf32>
    %dot_general3A_393 = arith.constant dense<0.000000e+00> : vector<128x384xf32>
    %dot_general3A_394 = tpu.matmul %convert_element_type3A_392, %get3A_11, %dot_general3A_393 {dimension_numbers = #tpu.dot_dimension_numbers<[0], [0], [1], [1], [0, 1, 1, 1], [], []>, transpose_lhs_hint = false} : vector<256x128xf32>, vector<256x384xf32>, vector<128x384xf32> -> vector<128x384xf32>
    %slice3A_395 = vector.extract_strided_slice %get3A_2 {offsets = [0, 47, 0], sizes = [1, 1, 128], strides = [1, 1, 1]} : vector<1x50x128xi32> to vector<1x1x128xi32>
    %squeeze3A_396 = vector.shape_cast %slice3A_395 : vector<1x1x128xi32> to vector<1x128xi32>
    %eq3A_397 = vector.broadcast %squeeze3A_396 : vector<1x128xi32> to vector<256x128xi32>
    %eq3A_398 = arith.cmpi eq, %iota3A, %eq3A_397 : vector<256x128xi32>
    %convert_element_type3A_399 = arith.extui %eq3A_398 : vector<256x128xi1> to vector<256x128xi32>
    %convert_element_type3A_400 = arith.sitofp %convert_element_type3A_399 : vector<256x128xi32> to vector<256x128xf32>
    %dot_general3A_401 = arith.constant dense<0.000000e+00> : vector<128x384xf32>
    %dot_general3A_402 = tpu.matmul %convert_element_type3A_400, %get3A_11, %dot_general3A_401 {dimension_numbers = #tpu.dot_dimension_numbers<[0], [0], [1], [1], [0, 1, 1, 1], [], []>, transpose_lhs_hint = false} : vector<256x128xf32>, vector<256x384xf32>, vector<128x384xf32> -> vector<128x384xf32>
    %slice3A_403 = vector.extract_strided_slice %get3A_2 {offsets = [0, 48, 0], sizes = [1, 1, 128], strides = [1, 1, 1]} : vector<1x50x128xi32> to vector<1x1x128xi32>
    %squeeze3A_404 = vector.shape_cast %slice3A_403 : vector<1x1x128xi32> to vector<1x128xi32>
    %eq3A_405 = vector.broadcast %squeeze3A_404 : vector<1x128xi32> to vector<256x128xi32>
    %eq3A_406 = arith.cmpi eq, %iota3A, %eq3A_405 : vector<256x128xi32>
    %convert_element_type3A_407 = arith.extui %eq3A_406 : vector<256x128xi1> to vector<256x128xi32>
    %convert_element_type3A_408 = arith.sitofp %convert_element_type3A_407 : vector<256x128xi32> to vector<256x128xf32>
    %dot_general3A_409 = arith.constant dense<0.000000e+00> : vector<128x384xf32>
    %dot_general3A_410 = tpu.matmul %convert_element_type3A_408, %get3A_11, %dot_general3A_409 {dimension_numbers = #tpu.dot_dimension_numbers<[0], [0], [1], [1], [0, 1, 1, 1], [], []>, transpose_lhs_hint = false} : vector<256x128xf32>, vector<256x384xf32>, vector<128x384xf32> -> vector<128x384xf32>
    %slice3A_411 = vector.extract_strided_slice %get3A_2 {offsets = [0, 49, 0], sizes = [1, 1, 128], strides = [1, 1, 1]} : vector<1x50x128xi32> to vector<1x1x128xi32>
    %squeeze3A_412 = vector.shape_cast %slice3A_411 : vector<1x1x128xi32> to vector<1x128xi32>
    %eq3A_413 = vector.broadcast %squeeze3A_412 : vector<1x128xi32> to vector<256x128xi32>
    %eq3A_414 = arith.cmpi eq, %iota3A, %eq3A_413 : vector<256x128xi32>
    %convert_element_type3A_415 = arith.extui %eq3A_414 : vector<256x128xi1> to vector<256x128xi32>
    %convert_element_type3A_416 = arith.sitofp %convert_element_type3A_415 : vector<256x128xi32> to vector<256x128xf32>
    %dot_general3A_417 = arith.constant dense<0.000000e+00> : vector<128x384xf32>
    %dot_general3A_418 = tpu.matmul %convert_element_type3A_416, %get3A_11, %dot_general3A_417 {dimension_numbers = #tpu.dot_dimension_numbers<[0], [0], [1], [1], [0, 1, 1, 1], [], []>, transpose_lhs_hint = false} : vector<256x128xf32>, vector<256x384xf32>, vector<128x384xf32> -> vector<128x384xf32>
    %concatenate3A = tpu.concatenate %dot_general3A_26, %dot_general3A_34, %dot_general3A_42, %dot_general3A_50, %dot_general3A_58, %dot_general3A_66, %dot_general3A_74, %dot_general3A_82, %dot_general3A_90, %dot_general3A_98, %dot_general3A_106, %dot_general3A_114, %dot_general3A_122, %dot_general3A_130, %dot_general3A_138, %dot_general3A_146, %dot_general3A_154, %dot_general3A_162, %dot_general3A_170, %dot_general3A_178, %dot_general3A_186, %dot_general3A_194, %dot_general3A_202, %dot_general3A_210, %dot_general3A_218, %dot_general3A_226, %dot_general3A_234, %dot_general3A_242, %dot_general3A_250, %dot_general3A_258, %dot_general3A_266, %dot_general3A_274, %dot_general3A_282, %dot_general3A_290, %dot_general3A_298, %dot_general3A_306, %dot_general3A_314, %dot_general3A_322, %dot_general3A_330, %dot_general3A_338, %dot_general3A_346, %dot_general3A_354, %dot_general3A_362, %dot_general3A_370, %dot_general3A_378, %dot_general3A_386, %dot_general3A_394, %dot_general3A_402, %dot_general3A_410, %dot_general3A_418 in 0 : vector<128x384xf32>, vector<128x384xf32>, vector<128x384xf32>, vector<128x384xf32>, vector<128x384xf32>, vector<128x384xf32>, vector<128x384xf32>, vector<128x384xf32>, vector<128x384xf32>, vector<128x384xf32>, vector<128x384xf32>, vector<128x384xf32>, vector<128x384xf32>, vector<128x384xf32>, vector<128x384xf32>, vector<128x384xf32>, vector<128x384xf32>, vector<128x384xf32>, vector<128x384xf32>, vector<128x384xf32>, vector<128x384xf32>, vector<128x384xf32>, vector<128x384xf32>, vector<128x384xf32>, vector<128x384xf32>, vector<128x384xf32>, vector<128x384xf32>, vector<128x384xf32>, vector<128x384xf32>, vector<128x384xf32>, vector<128x384xf32>, vector<128x384xf32>, vector<128x384xf32>, vector<128x384xf32>, vector<128x384xf32>, vector<128x384xf32>, vector<128x384xf32>, vector<128x384xf32>, vector<128x384xf32>, vector<128x384xf32>, vector<128x384xf32>, vector<128x384xf32>, vector<128x384xf32>, vector<128x384xf32>, vector<128x384xf32>, vector<128x384xf32>, vector<128x384xf32>, vector<128x384xf32>, vector<128x384xf32>, vector<128x384xf32> -> vector<6400x384xf32>
    %dot_general3A_419 = arith.constant dense<0.000000e+00> : vector<6400x256xf32>
    %dot_general3A_420 = tpu.matmul %get3A_5, %get3A_14, %dot_general3A_419 {dimension_numbers = #tpu.dot_dimension_numbers<[1], [0], [0], [1], [0, 0, 1, 1], [], []>, transpose_lhs_hint = false} : vector<6400x128xf32>, vector<128x256xf32>, vector<6400x256xf32> -> vector<6400x256xf32>
    %slice3A_421 = vector.extract_strided_slice %concatenate3A {offsets = [0, 0], sizes = [6400, 128], strides = [1, 1]} : vector<6400x384xf32> to vector<6400x128xf32>
    %mul3A = arith.mulf %slice3A_421, %get3A_8 : vector<6400x128xf32>
    %slice3A_422 = vector.extract_strided_slice %dot_general3A_420 {offsets = [0, 0], sizes = [6400, 128], strides = [1, 1]} : vector<6400x256xf32> to vector<6400x128xf32>
    %add3A = arith.addf %mul3A, %slice3A_422 : vector<6400x128xf32>
    %add3A_423 = vector.broadcast %get3A_20 : vector<1x128xf32> to vector<6400x128xf32>
    %add3A_424 = arith.addf %add3A, %add3A_423 : vector<6400x128xf32>
    %logistic3A = arith.negf %add3A_424 : vector<6400x128xf32>
    %logistic3A_425 = math.exp %logistic3A : vector<6400x128xf32>
    %logistic3A_426 = arith.constant 1.000000e+00 : f32
    %logistic3A_427 = vector.broadcast %logistic3A_426 : f32 to vector<6400x128xf32>
    %logistic3A_428 = arith.addf %logistic3A_427, %logistic3A_425 : vector<6400x128xf32>
    %logistic3A_429 = arith.divf %logistic3A_427, %logistic3A_428 : vector<6400x128xf32>
    %slice3A_430 = vector.extract_strided_slice %concatenate3A {offsets = [0, 128], sizes = [6400, 128], strides = [1, 1]} : vector<6400x384xf32> to vector<6400x128xf32>
    %mul3A_431 = arith.mulf %slice3A_430, %get3A_8 : vector<6400x128xf32>
    %slice3A_432 = vector.extract_strided_slice %dot_general3A_420 {offsets = [0, 128], sizes = [6400, 128], strides = [1, 1]} : vector<6400x256xf32> to vector<6400x128xf32>
    %add3A_433 = arith.addf %mul3A_431, %slice3A_432 : vector<6400x128xf32>
    %add3A_434 = vector.broadcast %get3A_23 : vector<1x128xf32> to vector<6400x128xf32>
    %add3A_435 = arith.addf %add3A_433, %add3A_434 : vector<6400x128xf32>
    %logistic3A_436 = arith.negf %add3A_435 : vector<6400x128xf32>
    %logistic3A_437 = math.exp %logistic3A_436 : vector<6400x128xf32>
    %logistic3A_438 = arith.constant 1.000000e+00 : f32
    %logistic3A_439 = vector.broadcast %logistic3A_438 : f32 to vector<6400x128xf32>
    %logistic3A_440 = arith.addf %logistic3A_439, %logistic3A_437 : vector<6400x128xf32>
    %logistic3A_441 = arith.divf %logistic3A_439, %logistic3A_440 : vector<6400x128xf32>
    %slice3A_442 = vector.extract_strided_slice %concatenate3A {offsets = [0, 256], sizes = [6400, 128], strides = [1, 1]} : vector<6400x384xf32> to vector<6400x128xf32>
    %mul3A_443 = arith.mulf %slice3A_442, %get3A_8 : vector<6400x128xf32>
    %mul3A_444 = arith.mulf %logistic3A_441, %get3A_5 : vector<6400x128xf32>
    %dot_general3A_445 = arith.constant dense<0.000000e+00> : vector<6400x128xf32>
    %dot_general3A_446 = tpu.matmul %mul3A_444, %get3A_17, %dot_general3A_445 {dimension_numbers = #tpu.dot_dimension_numbers<[1], [0], [0], [1], [0, 0, 1, 1], [], []>, transpose_lhs_hint = false} : vector<6400x128xf32>, vector<128x128xf32>, vector<6400x128xf32> -> vector<6400x128xf32>
    %add3A_447 = arith.addf %mul3A_443, %dot_general3A_446 : vector<6400x128xf32>
    %tanh3A = math.tanh %add3A_447 : vector<6400x128xf32>
    %mul3A_448 = arith.mulf %logistic3A_429, %tanh3A : vector<6400x128xf32>
    %sub3A = arith.constant 1.000000e+00 : f32
    %sub3A_449 = vector.broadcast %sub3A : f32 to vector<6400x128xf32>
    %sub3A_450 = arith.subf %sub3A_449, %logistic3A_429 : vector<6400x128xf32>
    %mul3A_451 = arith.mulf %sub3A_450, %get3A_5 : vector<6400x128xf32>
    %add3A_452 = arith.addf %mul3A_448, %mul3A_451 : vector<6400x128xf32>
    %swap3A = arith.constant 0 : index
    %swap3A_453 = arith.constant 0 : index
    %swap3A_454 = vector.load %arg10[%swap3A, %swap3A_453] : memref<6400x128xf32, #tpu.memory_space<vmem>>, vector<6400x128xf32>
    tpu.vector_store %arg10[%swap3A, %swap3A_453], %add3A_452 {strides = array<i32>} : memref<6400x128xf32, #tpu.memory_space<vmem>>, vector<6400x128xf32>,
    return
  }
  func.func @transform_0(%arg0: i32) -> (i32, i32, i32) {
    %add3A = arith.constant 38 : i32
    %add3A_0 = arith.addi %add3A, %arg0 : i32
    %c0_i32 = arith.constant 0 : i32
    %c0_i32_1 = arith.constant 0 : i32
    %c0_i32_2 = arith.constant 0 : i32
    return %add3A_0, %c0_i32, %c0_i32_1 : i32, i32, i32
  }
  func.func @transform_1(%arg0: i32) -> (i32, i32) {
    %c0_i32 = arith.constant 0 : i32
    %c0_i32_0 = arith.constant 0 : i32
    return %arg0, %c0_i32 : i32, i32
  }
  func.func @transform_2(%arg0: i32) -> (i32, i32) {
    %add3A = arith.constant 38 : i32
    %add3A_0 = arith.addi %add3A, %arg0 : i32
    %c0_i32 = arith.constant 0 : i32
    %c0_i32_1 = arith.constant 0 : i32
    return %add3A_0, %c0_i32 : i32, i32
  }
  func.func @transform_3(%arg0: i32) -> (i32, i32) {
    %c0_i32 = arith.constant 0 : i32
    %c0_i32_0 = arith.constant 0 : i32
    %c0_i32_1 = arith.constant 0 : i32
    return %c0_i32, %c0_i32_0 : i32, i32
  }
  func.func @transform_4(%arg0: i32) -> (i32, i32) {
    %c0_i32 = arith.constant 0 : i32
    %c0_i32_0 = arith.constant 0 : i32
    %c0_i32_1 = arith.constant 0 : i32
    return %c0_i32, %c0_i32_0 : i32, i32
  }
  func.func @transform_5(%arg0: i32) -> (i32, i32) {
    %c0_i32 = arith.constant 0 : i32
    %c0_i32_0 = arith.constant 0 : i32
    %c0_i32_1 = arith.constant 0 : i32
    return %c0_i32, %c0_i32_0 : i32, i32
  }
  func.func @transform_6(%arg0: i32) -> (i32, i32) {
    %c0_i32 = arith.constant 0 : i32
    %c0_i32_0 = arith.constant 0 : i32
    %c0_i32_1 = arith.constant 0 : i32
    return %c0_i32, %c0_i32_0 : i32, i32
  }
  func.func @transform_7(%arg0: i32) -> (i32, i32) {
    %c0_i32 = arith.constant 0 : i32
    %c0_i32_0 = arith.constant 0 : i32
    %c0_i32_1 = arith.constant 0 : i32
    return %c0_i32, %c0_i32_0 : i32, i32
  }
  func.func @transform_8(%arg0: i32) -> (i32, i32) {
    %c0_i32 = arith.constant 0 : i32
    %c0_i32_0 = arith.constant 0 : i32
    %c0_i32_1 = arith.constant 0 : i32
    return %c0_i32, %c0_i32_0 : i32, i32
  }
  func.func @transform_9(%arg0: i32) -> (i32, i32) {
    %add3A = arith.constant 38 : i32
    %add3A_0 = arith.addi %add3A, %arg0 : i32
    %c0_i32 = arith.constant 0 : i32
    %c0_i32_1 = arith.constant 0 : i32
    return %add3A_0, %c0_i32 : i32, i32
  }
}

</mosaic_0001>

<sc_bundles>
// kernel: kernel.12.cloned.1.call-start
scs
__scs_entry_jumppad:
0x0: {  	(pc) =	sbr.rel $0x88, $3  }
0x1: {  	(tag) =	ssettag $0x0;
	lr =	simm.s32 $0x1  }
0x2: {  	[smem:$0x3F95] =	sst lr;
	_ =	strace $0xD0000000  }
0x3: {  	_ = 	snop  }
0x4: {  	_ = 	snop  }
0x5: {  	_ = 	snop  }
0x6: {  	_ = 	snop  }
0x7: {  	_ = 	snop  }
__scs_overlays_trampoline_lowered:
0x8: {  	[smem:$0x3FA4] =	sst s0  }
0x9: {  	[smem:$0x3FA5] =	sst s1  }
0xa: {  	[smem:$0x3FA6] =	sst s2  }
0xb: {  	[smem:$0x3FA7] =	sst s3  }
0xc: {  	[smem:$0x3FA8] =	sst s4  }
0xd: {  	[smem:$0x3FA9] =	sst s5  }
0xe: {  	[smem:$0x3FAA] =	sst s6  }
0xf: {  	[smem:$0x3FAB] =	sst s7  }
0x10: {  	[smem:$0x3FAC] =	sst s8  }
0x11: {  	[smem:$0x3FAD] =	sst s9;
	s0 =	simm.s32 @!p0 $0x0  }
0x12: {  	s1 =	sld [smem:$0x3F93];
	s0 =	simm.s32 @p0 $0x1  }
0x13: {  	[smem:$0x3FAE] =	sst s0;
	s0 =	simm.s32 @!p1 $0x0  }
0x14: {  	s2 =	sld [smem:$0x3F92];
	s0 =	simm.s32 @p1 $0x1  }
0x15: {  	[smem:$0x3FAF] =	sst s0;
	s0 =	simm.s32 @!p2 $0x0  }
0x16: {  	s3 =	sld [smem:$0x3FDB];
	s0 =	simm.s32 @p2 $0x1  }
0x17: {  	s4 =	simm.s32 $0x1BF5;
	[smem:$0x3FB1] =	sst s0  }
0x18: {  	s0 =	sld [smem:$0x3F94];
	_ =	swait.ge [sflag:s4], $0x0  }
0x19: {  	s7 =	sld [smem:$0x3F95]  }
0x1a: {  	s8 =	sadd.s32 $0xFFFFE003, lr  }
0x1b: {  	s9 =	sadd.s32 $0xFFFFFEF7, lr;
	s5 =	simm.s32 $0xFFFFFFFF;
	p2 =	slt.u32 s8, $0xFFFFF086  }
0x1c: {  	p1 =	slt.u32 s9, $0xF7A;
	s5 =	simm.s32 @!p2 $0x0  }
0x1d: {  	s5 =	simm.s32 @p1 $0x1;
	p0 =	seq.s32 s7, s2  }
0x1e: {  	s7 =	smul.u32 @!p0 $0xF7A, s2;
	p2 =	seq.s32 @!p0 s5, $0x0  }
0x1f: {  	s9 =	smul.u32 $0xF7A, s1;
	s8 =	simm.s32 @!p0 $0x1BF5;
	p2 =	por !p2, p0  }
0x20: {  	[sflag:s8] =	ssyncset.s32 @!p0 $0xFFFFF086;
	s6 =	sadd.s32 @!p0 s3, s7;
	s7 =	simm.s32 @!p0 $0x108  }
0x21: {  	s3 =	sadd.s32 s3, s9;
	s6 =	sadd.s32 @!p0 $0x88, s6;
	s7 =	simm.s32 @p2 $0x1082  }
0x22: {  	[simem:s7], [sflag:s8] =	dma.local @!p0 [hbm:s6], $0xF7A  }
0x23: {  	s9 =	sor.u32 $0xD0000000, s2;
	s6 =	simm.s32 $0x108;
	_ =	swait.ge @!p0 [sflag:s8], $0x0  }
0x24: {  	s3 =	sadd.s32 $0x88, s3;
	s6 =	simm.s32 @!p1 $0x1082;
	[sflag:s4] =	ssyncset.s32 $0xFFFFF086  }
0x25: {  	[simem:s6], [sflag:s4] =	dma.local [hbm:s3], $0xF7A  }
0x26: {  	[smem:$0x3F95] =	sst s1;
	(tag) =	ssettag s2;
	_ =	strace s9  }
0x27: {  	s1 =	sld [smem:$0x3FA5]  }
0x28: {  	s2 =	sld [smem:$0x3FA6]  }
0x29: {  	s4 =	sld [smem:$0x3FA8]  }
0x2a: {  	p0 =	seq.s32 s5, $0x0;
	s5 =	sld [smem:$0x3FA9]  }
0x2b: {  	s6 =	sld [smem:$0x3FAA]  }
0x2c: {  	s7 =	sld [smem:$0x3FAB]  }
0x2d: {  	s3 =	simm.s32 $0x108;
	s8 =	sld [smem:$0x3FAC]  }
0x2e: {  	s3 =	simm.s32 @!p0 $0x1082;
	s9 =	sld [smem:$0x3FAD]  }
0x2f: {  	lr =	sadd.s32 s0, s3;
	s0 =	sld [smem:$0x3FA4]  }
0x30: {  	s3 =	sld [smem:$0x3FA7]  }
0x31: {  	[smem:$0x3FB0] =	sst s10  }
0x32: {  	s10 =	sld [smem:$0x3FAE];
	_ =	sdelay $0x3  }
0x33: {  	p0 =	seq.s32 s10, $0x1;
	s10 =	sld [smem:$0x3FB0];
	_ =	sdelay $0x3  }
0x34: {  	[smem:$0x3FB0] =	sst s10  }
0x35: {  	s10 =	sld [smem:$0x3FAF];
	_ =	sdelay $0x3  }
0x36: {  	p1 =	seq.s32 s10, $0x1;
	s10 =	sld [smem:$0x3FB0];
	_ =	sdelay $0x3  }
0x37: {  	[smem:$0x3FB0] =	sst s10  }
0x38: {  	s10 =	sld [smem:$0x3FB1]  }
0x39: {  	_ = 	snop;
	(pc) =	sbr.ind lr, $3  }
0x3a: {  	_ = 	snop  }
0x3b: {  	_ = 	snop  }
0x3c: {  	p2 =	seq.s32 s10, $0x1;
	s10 =	sld [smem:$0x3FB0]  }
0x3d: {  	_ =	shalt  }
0x3e: {  	_ =	shalt  }
0x3f: {  	_ =	shalt  }
0x40: {  	_ =	shalt  }
0x41: {  	_ =	shalt  }
0x42: {  	_ =	shalt  }
0x43: {  	_ =	shalt  }
0x44: {  	_ =	shalt  }
0x45: {  	_ =	shalt  }
0x46: {  	_ =	shalt  }
0x47: {  	_ =	shalt  }
0x48: {  	_ =	shalt  }
0x49: {  	_ =	shalt  }
0x4a: {  	_ =	shalt  }
0x4b: {  	_ =	shalt  }
0x4c: {  	_ =	shalt  }
0x4d: {  	_ =	shalt  }
0x4e: {  	_ =	shalt  }
0x4f: {  	_ =	shalt  }
0x50: {  	_ =	shalt  }
0x51: {  	_ =	shalt  }
0x52: {  	_ =	shalt  }
0x53: {  	_ =	shalt  }
0x54: {  	_ =	shalt  }
0x55: {  	_ =	shalt  }
0x56: {  	_ =	shalt  }
0x57: {  	_ =	shalt  }
0x58: {  	_ =	shalt  }
0x59: {  	_ =	shalt  }
0x5a: {  	_ =	shalt  }
0x5b: {  	_ =	shalt  }
0x5c: {  	_ =	shalt  }
0x5d: {  	_ =	shalt  }
0x5e: {  	_ =	shalt  }
0x5f: {  	_ =	shalt  }
0x60: {  	_ =	shalt  }
0x61: {  	_ =	shalt  }
0x62: {  	_ =	shalt  }
0x63: {  	_ =	shalt  }
0x64: {  	_ =	shalt  }
0x65: {  	_ =	shalt  }
0x66: {  	_ =	shalt  }
0x67: {  	_ =	shalt  }
0x68: {  	_ =	shalt  }
0x69: {  	_ =	shalt  }
0x6a: {  	_ =	shalt  }
0x6b: {  	_ =	shalt  }
0x6c: {  	_ =	shalt  }
0x6d: {  	_ =	shalt  }
0x6e: {  	_ =	shalt  }
0x6f: {  	_ =	shalt  }
0x70: {  	_ =	shalt  }
0x71: {  	_ =	shalt  }
0x72: {  	_ =	shalt  }
0x73: {  	_ =	shalt  }
0x74: {  	_ =	shalt  }
0x75: {  	_ =	shalt  }
0x76: {  	_ =	shalt  }
0x77: {  	_ =	shalt  }
0x78: {  	_ =	shalt  }
0x79: {  	_ =	shalt  }
0x7a: {  	_ =	shalt  }
0x7b: {  	_ =	shalt  }
0x7c: {  	_ =	shalt  }
0x7d: {  	_ =	shalt  }
0x7e: {  	_ =	shalt  }
0x7f: {  	_ =	shalt  }
0x80: {  	_ =	shalt  }
0x81: {  	_ =	shalt  }
0x82: {  	_ =	shalt  }
0x83: {  	_ =	shalt  }
0x84: {  	_ =	shalt  }
0x85: {  	_ =	shalt  }
0x86: {  	_ =	shalt  }
0x87: {  	_ =	shalt  }
.Lfunc_end0:
.L_simem_size_0:
called_computation_lowered:
.L_overlay_start_0:
0x88: {  	s2 =	sld [smem:$0x3FD9]  }
0x89: {  	s3 =	sld [smem:$0x3FFE];
	_ =	sdelay $0x1  }
0x8a: {  	s1 =	srdreg.scid  }
0x8b: {  	s0 =	sand.u32 $0x1, s1  }
0x8c: {  	s17 =	sshll.u32 s0, $0xA;
	s2 =	sadd.s32 s3, s2  }
0x8d: {  	s2 =	sadd.s32 s2, s17  }
0x8e: {  	[smem:$0x3FBC] =	sst s2  }
0x8f: {  	_ = 	snop  }
0x90: {  	s2 =	sld [smem:$0x3FC9]  }
0x91: {  	s18 =	sld [smem:$0x3FD0];
	(tm) =	ssettm $0x1  }
0x92: {  	s4 =	sld [smem:$0x3FFB];
	_ =	sdelay $0x3  }
0x93: {  	_ =	strace s4  }
0x94: {  	s4 =	sld [smem:$0x3FFC];
	_ =	sdelay $0x3  }
0x95: {  	_ =	strace s4  }
0x96: {  	s4 =	sld [smem:$0x3FFD];
	_ =	sdelay $0x3  }
0x97: {  	_ =	strace s4  }
0x98: {  	_ =	strace $0x8FFFFFFF  }
0x99: {  	s19 =	sld [smem:$0x3FDB];
	_ =	sdelay $0x1  }
0x9a: {  	s5 =	simm.s32 $_scs_section_size  }
0x9b: {  	s6 =	simm.s32 $_size__tile_overlayer_lowered;
	s7 =	simm.s32 $_tile_overlayer_lowered  }
0x9c: {  	s22 =	simm.s32 $0x1BFF;
	s21 =	sshll.u32 s7, $0x1;
	s4 =	sadd.s32 s5, s19  }
0x9d: {  	s8 =	simm.s32 $0x0;
	s20 =	sshll.u32 s6, $0x1;
	s6 =	sadd.s32 s21, s4  }
0x9e: {  	[timem:s8], [sflag:s22] =	dma.local [hbm:s6], s20  }
0x9f: {  	_ =	swait.ge [sflag:s22], s20  }
0xa0: {  	s5 =	ssub.s32 $0x0, s20;
	[sflag:s22] =	ssyncset.done $0x0  }
0xa1: {  	[sflag:s22] =	ssyncadd.s32 s5;
	_ =	sdelay $0x1  }
0xa2: {  	s23 =	simm.s32 $0x1B8B  }
0xa3: {  	_ =	swait.ge [sflag:s23], $0x1  }
0xa4: {  	[sflag:s23] =	ssyncset.done $0x0  }
0xa5: {  	s25 =	simm.s32 $0x1B8E;
	s24 =	sld [smem:$0x3FFE];
	[sflag:s23] =	ssyncadd.s32 $0xFFFFFFFF  }
0xa6: {  	s26 =	simm.s32 $execute0_lowered;
	[smem:$0x3FD2] =	sst s25  }
0xa7: {  	s6 =	sshll.u32 s26, $0x1;
	_ =	strace $0x80000046;
	[dreg:$0x1] =	wrdreg $0xFFFFFFFF  }
0xa8: {  	s28 =	simm.s32 $_size_execute0_lowered;
	s4 =	sadd.s32 s4, s6;
	[dreg:$0x0] =	wrdreg $0x0  }
0xa9: {  	s6 =	sshll.u32 s28, $0x1;
	[dreg:$0x2] =	wrdreg s4  }
0xaa: {  	[dreg:$0x3] =	wrdreg s6  }
0xab: {  	[dreg:$0x4] =	wrdreg $0xC0  }
0xac: {  	_ =	task [dreg:s8], $0x5FFFF  }
0xad: {  	[dreg:$0x1] =	wrdreg $0xFFFFFFFF  }
0xae: {  	[dreg:$0x0] =	wrdreg $0x60  }
0xaf: {  	[dreg:$0x2] =	wrdreg s2  }
0xb0: {  	[dreg:$0x3] =	wrdreg s24  }
0xb1: {  	[dreg:$0x4] =	wrdreg s18  }
0xb2: {  	[dreg:$0x5] =	wrdreg $0x0  }
0xb3: {  	[dreg:$0x6] =	wrdreg $0x9  }
0xb4: {  	_ =	task.clear_ibuf [dreg:s8], $0x7FFFF;
	_ =	strace $0x90000046  }
0xb5: {  	s29 =	simm.s32 $0x9;
	_ =	strace $0x80000048  }
0xb6: {  	_ =	swait.ge [sflag:s29], $0x1  }
0xb7: {  	[sflag:s29] =	ssyncadd.s32 $0xFFFFFFFF  }
0xb8: {  	_ =	strace $0x90000048  }
0xb9: {  	_ =	sfence  }
0xba: {  	s30 =	sld [smem:$0x0];
	_ =	sdelay $0x2  }
0xbb: {  	s31 =	sshll.u32 s1, $0xD;
	s1 =	sshrl.u32 s1, $0x2  }
0xbc: {  	s3 =	sand.u32 $0x4000, s31;
	s1 =	sadd.s32 s1, s30  }
0xbd: {  	s0 =	sor.u32 s3, s0;
	s1 =	sshll.u32 s1, $0x11  }
0xbe: {  	s0 =	sor.u32 s1, s0  }
0xbf: {  	s0 =	sadd.s32 $0x8F2B, s0  }
0xc0: {  	[sflag:s0] =	ssyncadd.remote.s32 $0x1  }
0xc1: {  	_ =	sfence.sel $0xFFFF  }
0xc2: {  	[dreg:$0x0] =	wrdreg $0xFFFFFFFF;
	(pc) =	sbr.abs _section_cstart, $3  }
0xc3: {  	[dreg:$0x1] =	wrdreg $0xFFFFFFFF  }
0xc4: {  	_ =	task.clear_ibuf [dreg:s8], $0x2FFFF;
	_ =	strace $0x9FFFFFFF  }
0xc5: {  	(tm) =	ssettm $0x7FFFFFFF  }
tec
execute0_lowered:
.L_overlay_start_1:
0x0: {  	(tag) =	ssettag $0x1  }
0x1: {  	s4 =	rddreg [dreg:$0x0]  }
0x2: {  	s1 =	srdreg.scid;
	s5 =	rddreg [dreg:$0x1]  }
0x3: {  	s0 =	stileid.u32;
	s20 =	rddreg [dreg:$0x2];
	s3 =	simm.s32 $0x0  }
0x4: {  	s1 =	sand.u32 $0x1, s1;
	s2 =	sshll.u32 s0, $0x1;
	s7 =	smul.u32 $0x2780, s0  }
0x5: {  	[smem:$0x7FF] =	sst s3;
	s25 =	smul.u32 $0x4F000, s0;
	s18 =	sor.u32 s1, s2  }
0x6: {  	p0 =	seq.s32 s0, $0xF;
	s2 =	rddreg [dreg:$0x3];
	s6 =	smul.u32 $0x7D, s18  }
0x7: {  	_ =	strace $0x80000047;
	s8 =	smul.u32 $0x1F400, s18;
	s22 =	sadd.s32 s4, s7  }
0x8: {  	s4 =	sadd.s32 $0x25080, s4;
	s7 =	simm.s32 @p0 $0x3;
	[dreg:$0x5] =	wrdreg s22  }
0x9: {  	[dreg:$0x6] =	wrdreg s4;
	s5 =	sadd.s32 s6, s5;
	s23 =	sshrl.u32 s8, $0x3  }
0xa: {  	s9 =	rddreg [dreg:$0x6];
	s5 =	sadd.s32 $0x2C00, s5;
	s4 =	sadd.s32 s20, s23  }
0xb: {  	s6 =	sadd.s32 $0x128400, s2;
	[dreg:$0x7] =	wrdreg s5;
	s24 =	sadd.s32 $0x3000, s4  }
0xc: {  	s8 =	sshrl.u32 s25, $0x2;
	s26 =	sadd.s32 $0x3800, s4;
	[dreg:$0x8] =	wrdreg s24  }
0xd: {  	s5 =	sshrl.u32 @p0 s6, $0x3;
	s6 =	simm.s32 @p0 $0x1FC3;
	[dreg:$0x9] =	wrdreg s26  }
0xe: {  	[spmem:s5], [sflag:s6] =	dma.local @p0 [hbm:s9], $0x2080  }
0xf: {  	s10 =	sadd.s32 s8, s2;
	s9 =	sshll.u32 @!p0 s0, $0x6;
	_ =	swait.ge @p0 [sflag:s7], $0x2080  }
0x10: {  	s8 =	sor.u32 @!p0 $0x1C03, s9;
	s9 =	sshrl.u32 @!p0 s10, $0x3;
	[sflag:s7] =	ssyncset.done @p0 $0x0  }
0x11: {  	s10 =	simm.s32 @!p0 $0x3;
	s11 =	rddreg [dreg:$0x5];
	[sflag:s7] =	ssyncadd.s32 @p0 $0xFFFFDF80  }
0x12: {  	[spmem:s9], [sflag:s8] =	dma.local @!p0 [hbm:s11], $0x2780  }
0x13: {  	_ =	swait.ge @!p0 [sflag:s10], $0x2780  }
0x14: {  	s12 =	simm.s32 $0x13880;
	[sflag:s10] =	ssyncset.done @!p0 $0x0  }
0x15: {  	s11 =	simm.s32 $0x3;
	s13 =	rddreg [dreg:$0x7];
	[sflag:s10] =	ssyncadd.s32 @!p0 $0xFFFFD880  }
0x16: {  	[tilespmem:s12], [sflag:$0x3] =	stream.linear.gather [hbm4b:s13+s3], $0x3E8, $0x38;
	[tilespmem:$0x1BC80] =	vst v63  }
0x17: {  	_ =	swait.ge [sflag:s11], $0x3E8  }
0x18: {  	[sflag:s11] =	ssyncset.done $0x0  }
0x19: {  	[sflag:s11] =	ssyncadd.s32 $0xFFFFFC18  }
0x1a: {  	s14 =	simm.s32 $0x13C80;
	s13 =	simm.s32 $0x80;
	[bflag:$0x0] =	sbarrier.arrive $0xFFFF  }
0x1b: {  	[tilespmem:s14], [sflag:$0x1] =	stream.indirect.gather [spmem:s2], $0x80, s12, s13, $0xb8;
	[tilespmem:$0x1BC80] =	vst v63  }
0x1c: {  	s15 =	simm.s32 $0x13900;
	s16 =	simm.s32 $0x17C80;
	s17 =	simm.s32 $0x1  }
0x1d: {  	[tilespmem:s16], [sflag:$0x2] =	stream.indirect.gather [spmem:s2], $0x80, s15, s13, $0xb8;
	[tilespmem:$0x1BC80] =	vst v63  }
0x1e: {  	_ =	swait.ge [sflag:s17], $0x4000  }
0x1f: {  	[sflag:s17] =	ssyncset.done $0x0  }
0x20: {  	[sflag:s17] =	ssyncadd.s32 $0xFFFFC000  }
0x21: {  	[hbm4b:s4+s3] =	stream.linear.scatter [tilespmem:s14], [sflag:$0x3], $0x4000, $0x38;
	[tilespmem:$0x1BC80] =	vst v63  }
0x22: {  	_ =	swait.ge [sflag:s11], $0x4000  }
0x23: {  	s19 =	simm.s32 $0x2;
	[sflag:s11] =	ssyncset.done $0x0  }
0x24: {  	s21 =	smul.u32 $0x3E80, s18;
	s18 =	simm.s32 $0x13980;
	[sflag:s11] =	ssyncadd.s32 $0xFFFFC000  }
0x25: {  	[tilespmem:s14], [sflag:$0x1] =	stream.indirect.gather [spmem:s2], $0x80, s18, s13, $0xb8;
	[tilespmem:$0x1BC80] =	vst v63  }
0x26: {  	_ =	swait.ge [sflag:s19], $0x4000  }
0x27: {  	s28 =	sadd.s32 s20, s21;
	[sflag:s19] =	ssyncset.done $0x0  }
0x28: {  	s20 =	sadd.s32 $0x800, s28;
	[sflag:s19] =	ssyncadd.s32 $0xFFFFC000  }
0x29: {  	[hbm4b:s20+s3] =	stream.linear.scatter [tilespmem:s16], [sflag:$0x3], $0x4000, $0x38;
	[tilespmem:$0x1BC80] =	vst v63  }
0x2a: {  	_ =	swait.ge [sflag:s11], $0x4000  }
0x2b: {  	[sflag:s11] =	ssyncset.done $0x0  }
0x2c: {  	s21 =	simm.s32 $0x13A00;
	[sflag:s11] =	ssyncadd.s32 $0xFFFFC000  }
0x2d: {  	[tilespmem:s16], [sflag:$0x2] =	stream.indirect.gather [spmem:s2], $0x80, s21, s13, $0xb8;
	[tilespmem:$0x1BC80] =	vst v63  }
0x2e: {  	_ =	swait.ge [sflag:s17], $0x4000  }
0x2f: {  	[sflag:s17] =	ssyncset.done $0x0  }
0x30: {  	s22 =	sadd.s32 $0x1000, s4;
	[sflag:s17] =	ssyncadd.s32 $0xFFFFC000  }
0x31: {  	[hbm4b:s22+s3] =	stream.linear.scatter [tilespmem:s14], [sflag:$0x3], $0x4000, $0x38;
	[tilespmem:$0x1BC80] =	vst v63  }
0x32: {  	_ =	swait.ge [sflag:s11], $0x4000  }
0x33: {  	[sflag:s11] =	ssyncset.done $0x0  }
0x34: {  	s23 =	simm.s32 $0x13A80;
	[sflag:s11] =	ssyncadd.s32 $0xFFFFC000  }
0x35: {  	[tilespmem:s14], [sflag:$0x1] =	stream.indirect.gather [spmem:s2], $0x80, s23, s13, $0xb8;
	[tilespmem:$0x1BC80] =	vst v63  }
0x36: {  	_ =	swait.ge [sflag:s19], $0x4000  }
0x37: {  	[sflag:s19] =	ssyncset.done $0x0  }
0x38: {  	s24 =	sadd.s32 $0x1800, s28;
	[sflag:s19] =	ssyncadd.s32 $0xFFFFC000  }
0x39: {  	[hbm4b:s24+s3] =	stream.linear.scatter [tilespmem:s16], [sflag:$0x3], $0x4000, $0x38;
	[tilespmem:$0x1BC80] =	vst v63  }
0x3a: {  	_ =	swait.ge [sflag:s11], $0x4000  }
0x3b: {  	[sflag:s11] =	ssyncset.done $0x0  }
0x3c: {  	s25 =	simm.s32 $0x13B00;
	[sflag:s11] =	ssyncadd.s32 $0xFFFFC000  }
0x3d: {  	[tilespmem:s16], [sflag:$0x2] =	stream.indirect.gather [spmem:s2], $0x80, s25, s13, $0xb8;
	[tilespmem:$0x1BC80] =	vst v63  }
0x3e: {  	_ =	swait.ge [sflag:s17], $0x4000  }
0x3f: {  	[sflag:s17] =	ssyncset.done $0x0  }
0x40: {  	s26 =	sadd.s32 $0x2000, s4;
	[sflag:s17] =	ssyncadd.s32 $0xFFFFC000  }
0x41: {  	[hbm4b:s26+s3] =	stream.linear.scatter [tilespmem:s14], [sflag:$0x3], $0x4000, $0x38;
	[tilespmem:$0x1BC80] =	vst v63  }
0x42: {  	_ =	swait.ge [sflag:s11], $0x4000  }
0x43: {  	[sflag:s11] =	ssyncset.done $0x0  }
0x44: {  	[sflag:s11] =	ssyncadd.s32 $0xFFFFC000  }
0x45: {  	_ =	swait.ge [sflag:s19], $0x4000  }
0x46: {  	[sflag:s19] =	ssyncset.done $0x0  }
0x47: {  	s28 =	sadd.s32 $0x2800, s28;
	[sflag:s19] =	ssyncadd.s32 $0xFFFFC000  }
0x48: {  	[hbm4b:s28+s3] =	stream.linear.scatter [tilespmem:s16], [sflag:$0x3], $0x4000, $0x38;
	[tilespmem:$0x1BC80] =	vst v63  }
0x49: {  	_ =	swait.ge [sflag:s11], $0x4000  }
0x4a: {  	[sflag:s11] =	ssyncset.done $0x0  }
0x4b: {  	s29 =	simm.s32 $0x13B80;
	[sflag:s11] =	ssyncadd.s32 $0xFFFFC000  }
0x4c: {  	[tilespmem:s14], [sflag:$0x1] =	stream.indirect.gather [spmem:s2], $0x80, s29, s13, $0xb8;
	[tilespmem:$0x1BC80] =	vst v63  }
0x4d: {  	_ =	swait.ge [sflag:s17], $0x4000  }
0x4e: {  	[sflag:s17] =	ssyncset.done $0x0  }
0x4f: {  	s30 =	rddreg [dreg:$0x8];
	[sflag:s17] =	ssyncadd.s32 $0xFFFFC000  }
0x50: {  	[hbm4b:s30+s3] =	stream.linear.scatter [tilespmem:s14], [sflag:$0x3], $0x4000, $0x38;
	[tilespmem:$0x1BC80] =	vst v63  }
0x51: {  	_ =	swait.ge [sflag:s11], $0x4000  }
0x52: {  	[sflag:s11] =	ssyncset.done $0x0  }
0x53: {  	s31 =	simm.s32 $0x13C00;
	s30 =	simm.s32 $0x68;
	[sflag:s11] =	ssyncadd.s32 $0xFFFFC000  }
0x54: {  	[tilespmem:s16], [sflag:$0x2] =	stream.indirect.gather [spmem:s2], $0x80, s31, s30, $0xb8;
	[tilespmem:$0x1BC80] =	vst v63  }
0x55: {  	_ =	swait.ge [sflag:s19], $0x3400  }
0x56: {  	s1 =	ssub.s32 $0x2, s1;
	s0 =	rddreg [dreg:$0x9]  }
0x57: {  	[sflag:s19] =	ssyncset.done $0x0;
	[dreg:$0xa] =	wrdreg s0;
	s0 =	sshrl.u32 s1, $0x1  }
0x58: {  	[sflag:s19] =	ssyncadd.s32 $0xFFFFCC00;
	s0 =	ssub.s32 s1, s0;
	s1 =	rddreg [dreg:$0xa]  }
0x59: {  	[hbm4b:s1+s3] =	stream.linear.scatter [tilespmem:s16], [sflag:$0x3], $0x3400, $0x38;
	[tilespmem:$0x1BC80] =	vst v63  }
0x5a: {  	s0 =	smax.u32 s0, $0x1  }
0x5b: {  	s1 =	sadd.s32 $0xFFFFFFFF, s0  }
0x5c: {  	p1 =	sne.s32 s1, $0x0  }
.Ltmp0:
0x5d: {  	_ = 	snop;
	(pc) =	sbr.rel @!p1 .LBB2_2-.Ltmp0, $2  }
0x5e: {  	_ =	sdelay $0x2  }
0x5f: {  	_ =	swait.ge [sflag:s11], $0x3400  }
.LBB2_1:
0x60: {  	[sflag:s11] =	ssyncset.done $0x0  }
0x61: {  	s0 =	rddreg [dreg:$0x6];
	[sflag:s11] =	ssyncadd.s32 $0xFFFFCC00  }
0x62: {  	[spmem:s5], [sflag:s6] =	dma.local @p0 [hbm:s0], $0x2080  }
0x63: {  	_ =	swait.ge @p0 [sflag:s7], $0x2080  }
0x64: {  	[sflag:s7] =	ssyncset.done @p0 $0x0  }
0x65: {  	s0 =	rddreg [dreg:$0x5];
	[sflag:s7] =	ssyncadd.s32 @p0 $0xFFFFDF80  }
0x66: {  	[spmem:s9], [sflag:s8] =	dma.local @!p0 [hbm:s0], $0x2780  }
0x67: {  	_ =	swait.ge @!p0 [sflag:s10], $0x2780  }
0x68: {  	[sflag:s10] =	ssyncset.done @!p0 $0x0  }
0x69: {  	s0 =	rddreg [dreg:$0x7];
	[sflag:s10] =	ssyncadd.s32 @!p0 $0xFFFFD880  }
0x6a: {  	[tilespmem:s12], [sflag:$0x3] =	stream.linear.gather [hbm4b:s0+s3], $0x3E8, $0x38;
	[tilespmem:$0x1BC80] =	vst v63  }
0x6b: {  	_ =	swait.ge [sflag:s11], $0x3E8  }
0x6c: {  	[sflag:s11] =	ssyncset.done $0x0  }
0x6d: {  	[sflag:s11] =	ssyncadd.s32 $0xFFFFFC18  }
0x6e: {  	[bflag:$0x0] =	sbarrier.arrive $0xFFFF  }
0x6f: {  	[tilespmem:s14], [sflag:$0x1] =	stream.indirect.gather [spmem:s2], $0x80, s12, s13, $0xb8;
	[tilespmem:$0x1BC80] =	vst v63  }
0x70: {  	_ = 	snop  }
0x71: {  	[tilespmem:s16], [sflag:$0x2] =	stream.indirect.gather [spmem:s2], $0x80, s15, s13, $0xb8;
	[tilespmem:$0x1BC80] =	vst v63  }
0x72: {  	_ =	swait.ge [sflag:s17], $0x4000  }
0x73: {  	[sflag:s17] =	ssyncset.done $0x0  }
0x74: {  	[sflag:s17] =	ssyncadd.s32 $0xFFFFC000  }
0x75: {  	[hbm4b:s4+s3] =	stream.linear.scatter [tilespmem:s14], [sflag:$0x3], $0x4000, $0x38;
	[tilespmem:$0x1BC80] =	vst v63  }
0x76: {  	_ =	swait.ge [sflag:s11], $0x4000  }
0x77: {  	[sflag:s11] =	ssyncset.done $0x0  }
0x78: {  	[sflag:s11] =	ssyncadd.s32 $0xFFFFC000  }
0x79: {  	[tilespmem:s14], [sflag:$0x1] =	stream.indirect.gather [spmem:s2], $0x80, s18, s13, $0xb8;
	[tilespmem:$0x1BC80] =	vst v63  }
0x7a: {  	_ =	swait.ge [sflag:s19], $0x4000  }
0x7b: {  	[sflag:s19] =	ssyncset.done $0x0  }
0x7c: {  	[sflag:s19] =	ssyncadd.s32 $0xFFFFC000  }
0x7d: {  	[hbm4b:s20+s3] =	stream.linear.scatter [tilespmem:s16], [sflag:$0x3], $0x4000, $0x38;
	[tilespmem:$0x1BC80] =	vst v63  }
0x7e: {  	_ =	swait.ge [sflag:s11], $0x4000  }
0x7f: {  	[sflag:s11] =	ssyncset.done $0x0  }
0x80: {  	[sflag:s11] =	ssyncadd.s32 $0xFFFFC000  }
0x81: {  	[tilespmem:s16], [sflag:$0x2] =	stream.indirect.gather [spmem:s2], $0x80, s21, s13, $0xb8;
	[tilespmem:$0x1BC80] =	vst v63  }
0x82: {  	_ =	swait.ge [sflag:s17], $0x4000  }
0x83: {  	[sflag:s17] =	ssyncset.done $0x0  }
0x84: {  	[sflag:s17] =	ssyncadd.s32 $0xFFFFC000  }
0x85: {  	[hbm4b:s22+s3] =	stream.linear.scatter [tilespmem:s14], [sflag:$0x3], $0x4000, $0x38;
	[tilespmem:$0x1BC80] =	vst v63  }
0x86: {  	_ =	swait.ge [sflag:s11], $0x4000  }
0x87: {  	[sflag:s11] =	ssyncset.done $0x0  }
0x88: {  	[sflag:s11] =	ssyncadd.s32 $0xFFFFC000  }
0x89: {  	[tilespmem:s14], [sflag:$0x1] =	stream.indirect.gather [spmem:s2], $0x80, s23, s13, $0xb8;
	[tilespmem:$0x1BC80] =	vst v63  }
0x8a: {  	_ =	swait.ge [sflag:s19], $0x4000  }
0x8b: {  	[sflag:s19] =	ssyncset.done $0x0  }
0x8c: {  	[sflag:s19] =	ssyncadd.s32 $0xFFFFC000  }
0x8d: {  	[hbm4b:s24+s3] =	stream.linear.scatter [tilespmem:s16], [sflag:$0x3], $0x4000, $0x38;
	[tilespmem:$0x1BC80] =	vst v63  }
0x8e: {  	_ =	swait.ge [sflag:s11], $0x4000  }
0x8f: {  	[sflag:s11] =	ssyncset.done $0x0  }
0x90: {  	[sflag:s11] =	ssyncadd.s32 $0xFFFFC000  }
0x91: {  	[tilespmem:s16], [sflag:$0x2] =	stream.indirect.gather [spmem:s2], $0x80, s25, s13, $0xb8;
	[tilespmem:$0x1BC80] =	vst v63  }
0x92: {  	_ =	swait.ge [sflag:s17], $0x4000  }
0x93: {  	[sflag:s17] =	ssyncset.done $0x0  }
0x94: {  	[sflag:s17] =	ssyncadd.s32 $0xFFFFC000  }
0x95: {  	[hbm4b:s26+s3] =	stream.linear.scatter [tilespmem:s14], [sflag:$0x3], $0x4000, $0x38;
	[tilespmem:$0x1BC80] =	vst v63  }
0x96: {  	_ =	swait.ge [sflag:s11], $0x4000  }
0x97: {  	[sflag:s11] =	ssyncset.done $0x0  }
0x98: {  	[sflag:s11] =	ssyncadd.s32 $0xFFFFC000  }
0x99: {  	_ =	swait.ge [sflag:s19], $0x4000  }
0x9a: {  	[sflag:s19] =	ssyncset.done $0x0  }
0x9b: {  	[sflag:s19] =	ssyncadd.s32 $0xFFFFC000  }
0x9c: {  	[hbm4b:s28+s3] =	stream.linear.scatter [tilespmem:s16], [sflag:$0x3], $0x4000, $0x38;
	[tilespmem:$0x1BC80] =	vst v63  }
0x9d: {  	_ =	swait.ge [sflag:s11], $0x4000  }
0x9e: {  	[sflag:s11] =	ssyncset.done $0x0  }
0x9f: {  	[sflag:s11] =	ssyncadd.s32 $0xFFFFC000  }
0xa0: {  	[tilespmem:s14], [sflag:$0x1] =	stream.indirect.gather [spmem:s2], $0x80, s29, s13, $0xb8;
	[tilespmem:$0x1BC80] =	vst v63  }
0xa1: {  	_ =	swait.ge [sflag:s17], $0x4000  }
0xa2: {  	[sflag:s17] =	ssyncset.done $0x0  }
0xa3: {  	s0 =	rddreg [dreg:$0x8];
	[sflag:s17] =	ssyncadd.s32 $0xFFFFC000  }
0xa4: {  	[hbm4b:s0+s3] =	stream.linear.scatter [tilespmem:s14], [sflag:$0x3], $0x4000, $0x38;
	[tilespmem:$0x1BC80] =	vst v63  }
0xa5: {  	_ =	swait.ge [sflag:s11], $0x4000  }
0xa6: {  	s1 =	sadd.s32 $0xFFFFFFFF, s1;
	[sflag:s11] =	ssyncset.done $0x0  }
0xa7: {  	p1 =	sne.s32 s1, $0x0;
	[sflag:s11] =	ssyncadd.s32 $0xFFFFC000  }
0xa8: {  	[tilespmem:s16], [sflag:$0x2] =	stream.indirect.gather [spmem:s2], $0x80, s31, s30, $0xb8;
	[tilespmem:$0x1BC80] =	vst v63  }
.Ltmp1:
0xa9: {  	_ =	swait.ge [sflag:s19], $0x3400;
	(pc) =	sbr.rel @p1 .LBB2_1-.Ltmp1, $4  }
0xaa: {  	[sflag:s19] =	ssyncset.done $0x0  }
0xab: {  	s0 =	rddreg [dreg:$0x9];
	[sflag:s19] =	ssyncadd.s32 $0xFFFFCC00  }
0xac: {  	[hbm4b:s0+s3] =	stream.linear.scatter [tilespmem:s16], [sflag:$0x3], $0x3400, $0x38;
	[tilespmem:$0x1BC80] =	vst v63  }
0xad: {  	_ =	swait.ge [sflag:s11], $0x3400  }
.LBB2_2:
0xae: {  	[sflag:s11] =	ssyncset.done $0x0  }
0xaf: {  	[sflag:s11] =	ssyncadd.s32 $0xFFFFCC00  }
0xb0: {  	_ =	sfence.sel $0x180000  }
0xb1: {  	[bflag:$0x0] =	sbarrier.arrive $0xFFFF  }
0xb2: {  	_ =	strace $0x90000047  }
0xb3: {  	s0 =	stileid.u32;
	[bflag:$0x2] =	sbarrier.arrive $0xFFFF  }
0xb4: {  	p0 =	sne.s32 s0, $0x0;
	s0 =	rddreg [dreg:$0x4]  }
0xb5: {  	s0 =	sadd.s32 @!p0 $0x100000, s0  }
0xb6: {  	[sflag:s0] =	ssyncadd.tile.s32 @!p0 $0x1;
	_ =	shalt  }
.Lfunc_end2:
_tile_overlayer_lowered:
.L_overlay_start_2:
0xb7: {  	(tag) =	ssettag $0x2  }
0xb8: {  	s0 =	rddreg [dreg:$0x0];
	s2 =	stileid.u32  }
0xb9: {  	s1 =	rddreg [dreg:$0x1];
	p0 =	sne.s32 s2, $0x0  }
0xba: {  	s3 =	rddreg [dreg:$0x2];
	[bflag:$0x3] =	sbarrier.arrive $0xFFFF;
	s2 =	simm.s32 @!p0 $0x1C03  }
0xbb: {  	[timem:s3], [sflag:s2] =	dma.local @!p0 [hbm:s0], s1  }
0xbc: {  	s0 =	simm.s32 @!p0 $0x3  }
0xbd: {  	_ =	swait.ge @!p0 [sflag:s0], s1  }
0xbe: {  	s1 =	ssub.s32 @!p0 $0x0, s1;
	[sflag:s0] =	ssyncset.done @!p0 $0x0  }
0xbf: {  	[sflag:s0] =	ssyncadd.s32 @!p0 s1  }
0xc0: {  	[bflag:$0x3] =	sbarrier.arrive $0xFFFF  }
0xc1: {  	_ =	shalt  }

// kernel: kernel.15.cloned.1.call-start
scs
__scs_entry_jumppad:
0x0: {  	(pc) =	sbr.rel $0x88, $3  }
0x1: {  	(tag) =	ssettag $0x0;
	lr =	simm.s32 $0x1  }
0x2: {  	[smem:$0x3F95] =	sst lr;
	_ =	strace $0xD0000000  }
0x3: {  	_ = 	snop  }
0x4: {  	_ = 	snop  }
0x5: {  	_ = 	snop  }
0x6: {  	_ = 	snop  }
0x7: {  	_ = 	snop  }
__scs_overlays_trampoline_lowered:
0x8: {  	[smem:$0x3FA4] =	sst s0  }
0x9: {  	[smem:$0x3FA5] =	sst s1  }
0xa: {  	[smem:$0x3FA6] =	sst s2  }
0xb: {  	[smem:$0x3FA7] =	sst s3  }
0xc: {  	[smem:$0x3FA8] =	sst s4  }
0xd: {  	[smem:$0x3FA9] =	sst s5  }
0xe: {  	[smem:$0x3FAA] =	sst s6  }
0xf: {  	[smem:$0x3FAB] =	sst s7  }
0x10: {  	[smem:$0x3FAC] =	sst s8  }
0x11: {  	[smem:$0x3FAD] =	sst s9;
	s0 =	simm.s32 @!p0 $0x0  }
0x12: {  	s1 =	sld [smem:$0x3F93];
	s0 =	simm.s32 @p0 $0x1  }
0x13: {  	[smem:$0x3FAE] =	sst s0;
	s0 =	simm.s32 @!p1 $0x0  }
0x14: {  	s2 =	sld [smem:$0x3F92];
	s0 =	simm.s32 @p1 $0x1  }
0x15: {  	[smem:$0x3FAF] =	sst s0;
	s0 =	simm.s32 @!p2 $0x0  }
0x16: {  	s3 =	sld [smem:$0x3FDB];
	s0 =	simm.s32 @p2 $0x1  }
0x17: {  	s4 =	simm.s32 $0x1BF5;
	[smem:$0x3FB1] =	sst s0  }
0x18: {  	s0 =	sld [smem:$0x3F94];
	_ =	swait.ge [sflag:s4], $0x0  }
0x19: {  	s7 =	sld [smem:$0x3F95]  }
0x1a: {  	s8 =	sadd.s32 $0xFFFFE003, lr  }
0x1b: {  	s9 =	sadd.s32 $0xFFFFFEF7, lr;
	s5 =	simm.s32 $0xFFFFFFFF;
	p2 =	slt.u32 s8, $0xFFFFF086  }
0x1c: {  	p1 =	slt.u32 s9, $0xF7A;
	s5 =	simm.s32 @!p2 $0x0  }
0x1d: {  	s5 =	simm.s32 @p1 $0x1;
	p0 =	seq.s32 s7, s2  }
0x1e: {  	s7 =	smul.u32 @!p0 $0xF7A, s2;
	p2 =	seq.s32 @!p0 s5, $0x0  }
0x1f: {  	s9 =	smul.u32 $0xF7A, s1;
	s8 =	simm.s32 @!p0 $0x1BF5;
	p2 =	por !p2, p0  }
0x20: {  	[sflag:s8] =	ssyncset.s32 @!p0 $0xFFFFF086;
	s6 =	sadd.s32 @!p0 s3, s7;
	s7 =	simm.s32 @!p0 $0x108  }
0x21: {  	s3 =	sadd.s32 s3, s9;
	s6 =	sadd.s32 @!p0 $0x88, s6;
	s7 =	simm.s32 @p2 $0x1082  }
0x22: {  	[simem:s7], [sflag:s8] =	dma.local @!p0 [hbm:s6], $0xF7A  }
0x23: {  	s9 =	sor.u32 $0xD0000000, s2;
	s6 =	simm.s32 $0x108;
	_ =	swait.ge @!p0 [sflag:s8], $0x0  }
0x24: {  	s3 =	sadd.s32 $0x88, s3;
	s6 =	simm.s32 @!p1 $0x1082;
	[sflag:s4] =	ssyncset.s32 $0xFFFFF086  }
0x25: {  	[simem:s6], [sflag:s4] =	dma.local [hbm:s3], $0xF7A  }
0x26: {  	[smem:$0x3F95] =	sst s1;
	(tag) =	ssettag s2;
	_ =	strace s9  }
0x27: {  	s1 =	sld [smem:$0x3FA5]  }
0x28: {  	s2 =	sld [smem:$0x3FA6]  }
0x29: {  	s4 =	sld [smem:$0x3FA8]  }
0x2a: {  	p0 =	seq.s32 s5, $0x0;
	s5 =	sld [smem:$0x3FA9]  }
0x2b: {  	s6 =	sld [smem:$0x3FAA]  }
0x2c: {  	s7 =	sld [smem:$0x3FAB]  }
0x2d: {  	s3 =	simm.s32 $0x108;
	s8 =	sld [smem:$0x3FAC]  }
0x2e: {  	s3 =	simm.s32 @!p0 $0x1082;
	s9 =	sld [smem:$0x3FAD]  }
0x2f: {  	lr =	sadd.s32 s0, s3;
	s0 =	sld [smem:$0x3FA4]  }
0x30: {  	s3 =	sld [smem:$0x3FA7]  }
0x31: {  	[smem:$0x3FB0] =	sst s10  }
0x32: {  	s10 =	sld [smem:$0x3FAE];
	_ =	sdelay $0x3  }
0x33: {  	p0 =	seq.s32 s10, $0x1;
	s10 =	sld [smem:$0x3FB0];
	_ =	sdelay $0x3  }
0x34: {  	[smem:$0x3FB0] =	sst s10  }
0x35: {  	s10 =	sld [smem:$0x3FAF];
	_ =	sdelay $0x3  }
0x36: {  	p1 =	seq.s32 s10, $0x1;
	s10 =	sld [smem:$0x3FB0];
	_ =	sdelay $0x3  }
0x37: {  	[smem:$0x3FB0] =	sst s10  }
0x38: {  	s10 =	sld [smem:$0x3FB1]  }
0x39: {  	_ = 	snop;
	(pc) =	sbr.ind lr, $3  }
0x3a: {  	_ = 	snop  }
0x3b: {  	_ = 	snop  }
0x3c: {  	p2 =	seq.s32 s10, $0x1;
	s10 =	sld [smem:$0x3FB0]  }
0x3d: {  	_ =	shalt  }
0x3e: {  	_ =	shalt  }
0x3f: {  	_ =	shalt  }
0x40: {  	_ =	shalt  }
0x41: {  	_ =	shalt  }
0x42: {  	_ =	shalt  }
0x43: {  	_ =	shalt  }
0x44: {  	_ =	shalt  }
0x45: {  	_ =	shalt  }
0x46: {  	_ =	shalt  }
0x47: {  	_ =	shalt  }
0x48: {  	_ =	shalt  }
0x49: {  	_ =	shalt  }
0x4a: {  	_ =	shalt  }
0x4b: {  	_ =	shalt  }
0x4c: {  	_ =	shalt  }
0x4d: {  	_ =	shalt  }
0x4e: {  	_ =	shalt  }
0x4f: {  	_ =	shalt  }
0x50: {  	_ =	shalt  }
0x51: {  	_ =	shalt  }
0x52: {  	_ =	shalt  }
0x53: {  	_ =	shalt  }
0x54: {  	_ =	shalt  }
0x55: {  	_ =	shalt  }
0x56: {  	_ =	shalt  }
0x57: {  	_ =	shalt  }
0x58: {  	_ =	shalt  }
0x59: {  	_ =	shalt  }
0x5a: {  	_ =	shalt  }
0x5b: {  	_ =	shalt  }
0x5c: {  	_ =	shalt  }
0x5d: {  	_ =	shalt  }
0x5e: {  	_ =	shalt  }
0x5f: {  	_ =	shalt  }
0x60: {  	_ =	shalt  }
0x61: {  	_ =	shalt  }
0x62: {  	_ =	shalt  }
0x63: {  	_ =	shalt  }
0x64: {  	_ =	shalt  }
0x65: {  	_ =	shalt  }
0x66: {  	_ =	shalt  }
0x67: {  	_ =	shalt  }
0x68: {  	_ =	shalt  }
0x69: {  	_ =	shalt  }
0x6a: {  	_ =	shalt  }
0x6b: {  	_ =	shalt  }
0x6c: {  	_ =	shalt  }
0x6d: {  	_ =	shalt  }
0x6e: {  	_ =	shalt  }
0x6f: {  	_ =	shalt  }
0x70: {  	_ =	shalt  }
0x71: {  	_ =	shalt  }
0x72: {  	_ =	shalt  }
0x73: {  	_ =	shalt  }
0x74: {  	_ =	shalt  }
0x75: {  	_ =	shalt  }
0x76: {  	_ =	shalt  }
0x77: {  	_ =	shalt  }
0x78: {  	_ =	shalt  }
0x79: {  	_ =	shalt  }
0x7a: {  	_ =	shalt  }
0x7b: {  	_ =	shalt  }
0x7c: {  	_ =	shalt  }
0x7d: {  	_ =	shalt  }
0x7e: {  	_ =	shalt  }
0x7f: {  	_ =	shalt  }
0x80: {  	_ =	shalt  }
0x81: {  	_ =	shalt  }
0x82: {  	_ =	shalt  }
0x83: {  	_ =	shalt  }
0x84: {  	_ =	shalt  }
0x85: {  	_ =	shalt  }
0x86: {  	_ =	shalt  }
0x87: {  	_ =	shalt  }
.Lfunc_end0:
.L_simem_size_0:
called_computation.1_lowered:
.L_overlay_start_0:
0x88: {  	s2 =	sld [smem:$0x3FD9]  }
0x89: {  	s3 =	sld [smem:$0x3FFE];
	_ =	sdelay $0x1  }
0x8a: {  	s1 =	srdreg.scid  }
0x8b: {  	s0 =	sand.u32 $0x1, s1  }
0x8c: {  	s17 =	sshll.u32 s0, $0xA;
	s2 =	sadd.s32 s3, s2  }
0x8d: {  	s2 =	sadd.s32 s2, s17  }
0x8e: {  	[smem:$0x3FBC] =	sst s2  }
0x8f: {  	_ = 	snop  }
0x90: {  	s18 =	sld [smem:$0x3FC9];
	(tm) =	ssettm $0x1  }
0x91: {  	s19 =	sld [smem:$0x3FFB];
	_ =	sdelay $0x3  }
0x92: {  	_ =	strace s19  }
0x93: {  	s2 =	sld [smem:$0x3FFC];
	_ =	sdelay $0x3  }
0x94: {  	_ =	strace s2  }
0x95: {  	s2 =	sld [smem:$0x3FFD];
	_ =	sdelay $0x3  }
0x96: {  	_ =	strace s2  }
0x97: {  	_ =	strace $0x8FFFFFFF  }
0x98: {  	s20 =	sld [smem:$0x3FDB];
	_ =	sdelay $0x1  }
0x99: {  	s4 =	simm.s32 $_scs_section_size  }
0x9a: {  	s5 =	simm.s32 $_size__tile_overlayer_lowered;
	s6 =	simm.s32 $_tile_overlayer_lowered  }
0x9b: {  	s7 =	simm.s32 $0x1BFF;
	s21 =	sshll.u32 s6, $0x1;
	s4 =	sadd.s32 s4, s20  }
0x9c: {  	s22 =	simm.s32 $0x0;
	s5 =	sshll.u32 s5, $0x1;
	s6 =	sadd.s32 s21, s4  }
0x9d: {  	[timem:s22], [sflag:s7] =	dma.local [hbm:s6], s5  }
0x9e: {  	_ =	swait.ge [sflag:s7], s5  }
0x9f: {  	s5 =	ssub.s32 $0x0, s5;
	[sflag:s7] =	ssyncset.done $0x0  }
0xa0: {  	[sflag:s7] =	ssyncadd.s32 s5;
	_ =	sdelay $0x1  }
0xa1: {  	s23 =	simm.s32 $0x1B8B  }
0xa2: {  	_ =	swait.ge [sflag:s23], $0x1  }
0xa3: {  	[sflag:s23] =	ssyncset.done $0x0  }
0xa4: {  	[sflag:s23] =	ssyncadd.s32 $0xFFFFFFFF  }
0xa5: {  	s5 =	sld [smem:$0x0]  }
0xa6: {  	s6 =	sand.u32 $0xFFFFFFFE, s1  }
0xa7: {  	p0 =	sne.s32 s1, s6  }
0xa8: {  	s6 =	sshll.u32 @p0 s6, $0xE  }
0xa9: {  	s6 =	sadd.s32 @p0 $0x11B8D, s6;
	s7 =	sshll.u32 @p0 s5, $0x11  }
0xaa: {  	s6 =	sor.u32 @p0 s7, s6  }
0xab: {  	[sflag:s6] =	ssyncadd.remote.s32 @p0 $0x1;
	_ =	sdelay $0x1  }
0xac: {  	s6 =	simm.s32 @p0 $0x1B8D  }
0xad: {  	_ =	swait.eq @p0 [sflag:s6], $0x1  }
0xae: {  	[sflag:s6] =	ssyncadd.s32 @p0 $0xFFFFFFFF  }
0xaf: {  	s7 =	sshll.u32 @!p0 s1, $0xE  }
0xb0: {  	s7 =	sor.u32 @!p0 $0x4000, s7;
	s6 =	simm.s32 @!p0 $0x1B8D  }
0xb1: {  	s5 =	sshll.u32 @!p0 s5, $0x11;
	s7 =	sadd.s32 @!p0 $0x11B8D, s7;
	_ =	swait.eq @!p0 [sflag:s6], $0x1  }
0xb2: {  	s5 =	sor.u32 @!p0 s5, s7;
	[sflag:s6] =	ssyncadd.s32 @!p0 $0xFFFFFFFF  }
0xb3: {  	s25 =	simm.s32 $0x1B8E;
	s24 =	sld [smem:$0x3FFE];
	[sflag:s5] =	ssyncadd.remote.s32 @!p0 $0x1  }
0xb4: {  	s26 =	simm.s32 $execute0_lowered;
	[smem:$0x3FD2] =	sst s25  }
0xb5: {  	s6 =	sshll.u32 s26, $0x1;
	_ =	strace $0x80000049;
	[dreg:$0x1] =	wrdreg $0xFFFFFFFF  }
0xb6: {  	s28 =	simm.s32 $_size_execute0_lowered;
	s4 =	sadd.s32 s4, s6;
	[dreg:$0x0] =	wrdreg $0x0  }
0xb7: {  	s6 =	sshll.u32 s28, $0x1;
	[dreg:$0x2] =	wrdreg s4  }
0xb8: {  	[dreg:$0x3] =	wrdreg s6  }
0xb9: {  	[dreg:$0x4] =	wrdreg $0xC0  }
0xba: {  	_ =	task [dreg:s22], $0x5FFFF  }
0xbb: {  	[dreg:$0x1] =	wrdreg $0xFFFFFFFF  }
0xbc: {  	[dreg:$0x0] =	wrdreg $0x60  }
0xbd: {  	[dreg:$0x2] =	wrdreg s18  }
0xbe: {  	[dreg:$0x3] =	wrdreg s24  }
0xbf: {  	[dreg:$0x4] =	wrdreg $0x0  }
0xc0: {  	[dreg:$0x5] =	wrdreg $0xA  }
0xc1: {  	_ =	task.clear_ibuf [dreg:s22], $0x6FFFF;
	_ =	strace $0x90000049  }
0xc2: {  	s29 =	simm.s32 $0xA;
	_ =	strace $0x8000004B  }
0xc3: {  	_ =	swait.ge [sflag:s29], $0x1  }
0xc4: {  	[sflag:s29] =	ssyncadd.s32 $0xFFFFFFFF  }
0xc5: {  	_ =	strace $0x9000004B  }
0xc6: {  	_ =	sfence  }
0xc7: {  	s30 =	sld [smem:$0x0];
	_ =	sdelay $0x2  }
0xc8: {  	s31 =	sshll.u32 s1, $0xD;
	s1 =	sshrl.u32 s1, $0x2  }
0xc9: {  	s4 =	sand.u32 $0x4000, s31;
	s1 =	sadd.s32 s1, s30  }
0xca: {  	s0 =	sor.u32 s4, s0;
	s1 =	sshll.u32 s1, $0x11  }
0xcb: {  	s0 =	sor.u32 s1, s0  }
0xcc: {  	s0 =	sadd.s32 $0x8F2B, s0  }
0xcd: {  	[sflag:s0] =	ssyncadd.remote.s32 $0x1  }
0xce: {  	_ =	sfence.sel $0xFFFF  }
0xcf: {  	[dreg:$0x0] =	wrdreg $0xFFFFFFFF;
	(pc) =	sbr.abs _section_cstart, $3  }
0xd0: {  	[dreg:$0x1] =	wrdreg $0xFFFFFFFF  }
0xd1: {  	_ =	task.clear_ibuf [dreg:s22], $0x2FFFF;
	_ =	strace $0x9FFFFFFF  }
0xd2: {  	(tm) =	ssettm $0x7FFFFFFF  }
0xd3: {  	_ =	shalt  }
tec
execute0_lowered:
.L_overlay_start_1:
0x0: {  	(tag) =	ssettag $0x1  }
0x1: {  	s4 =	rddreg [dreg:$0x0]  }
0x2: {  	s5 =	rddreg [dreg:$0x1]  }
0x3: {  	s2 =	rddreg [dreg:$0x2]  }
0x4: {  	s3 =	srdreg.scid;
	s0 =	stileid.u32  }
0x5: {  	s31 =	sand.u32 $0x1, s3;
	s6 =	sshll.u32 s0, $0x1;
	s3 =	simm.s32 $0x0  }
0x6: {  	s7 =	smul.u32 $0x2780, s0;
	s6 =	sor.u32 s31, s6;
	[smem:$0x7FF] =	sst s3  }
0x7: {  	s26 =	simm.s32 $0x13900;
	s8 =	smul.u32 $0xE1, s6;
	_ =	strace $0x8000004A  }
0x8: {  	s7 =	sadd.s32 s4, s7;
	s9 =	smul.u32 $0x38400, s6;
	[dreg:$0x17] =	wrdreg s26  }
0x9: {  	s4 =	sadd.s32 $0x25080, s4;
	s6 =	smul.u32 $0x7080, s6;
	[dreg:$0x4] =	wrdreg s7  }
0xa: {  	s8 =	sadd.s32 s8, s5;
	s5 =	sadd.s32 $0x5A00, s5;
	s12 =	sshrl.u32 s9, $0x3  }
0xb: {  	[dreg:$0x5] =	wrdreg s4;
	s8 =	sadd.s32 $0x3C00, s8;
	s4 =	sadd.s32 s5, s12  }
0xc: {  	s5 =	sadd.s32 s5, s6;
	[dreg:$0x6] =	wrdreg s8;
	s7 =	sadd.s32 $0x7000, s4  }
0xd: {  	s6 =	sadd.s32 $0x800, s5;
	[dreg:$0x7] =	wrdreg s7  }
0xe: {  	s13 =	sadd.s32 $0x1000, s4;
	[dreg:$0x8] =	wrdreg s6  }
0xf: {  	s14 =	sadd.s32 $0x1800, s5;
	[dreg:$0x9] =	wrdreg s13  }
0x10: {  	s15 =	sadd.s32 $0x2000, s4;
	[dreg:$0xa] =	wrdreg s14  }
0x11: {  	s16 =	sadd.s32 $0x2800, s5;
	[dreg:$0xb] =	wrdreg s15  }
0x12: {  	s17 =	sadd.s32 $0x3000, s4;
	[dreg:$0xc] =	wrdreg s16  }
0x13: {  	s18 =	sadd.s32 $0x3800, s5;
	[dreg:$0xd] =	wrdreg s17  }
0x14: {  	s19 =	sadd.s32 $0x4000, s4;
	[dreg:$0xe] =	wrdreg s18  }
0x15: {  	s20 =	sadd.s32 $0x4800, s5;
	[dreg:$0xf] =	wrdreg s19  }
0x16: {  	s21 =	sadd.s32 $0x5000, s4;
	[dreg:$0x10] =	wrdreg s20  }
0x17: {  	s23 =	sadd.s32 $0x5800, s5;
	[dreg:$0x11] =	wrdreg s21  }
0x18: {  	s24 =	sadd.s32 $0x6000, s4;
	[dreg:$0x12] =	wrdreg s23  }
0x19: {  	s22 =	smul.u32 $0x4F000, s0;
	s5 =	sadd.s32 $0x6800, s5;
	[dreg:$0x13] =	wrdreg s24  }
0x1a: {  	p0 =	seq.s32 s0, $0xF;
	s8 =	sadd.s32 $0x128400, s2;
	[dreg:$0x14] =	wrdreg s5  }
0x1b: {  	s25 =	sshrl.u32 s22, $0x2;
	s5 =	sshrl.u32 @p0 s8, $0x3;
	s8 =	rddreg [dreg:$0x5]  }
0x1c: {  	[dreg:$0x16] =	wrdreg s5;
	s5 =	sadd.s32 s25, s2  }
0x1d: {  	s7 =	rddreg [dreg:$0x16];
	s5 =	sshrl.u32 @!p0 s5, $0x3  }
0x1e: {  	s6 =	simm.s32 @p0 $0x3;
	[dreg:$0x15] =	wrdreg s5;
	s5 =	simm.s32 @p0 $0x1FC3  }
0x1f: {  	[spmem:s7], [sflag:s5] =	dma.local @p0 [hbm:s8], $0x2080  }
0x20: {  	s7 =	sshll.u32 @!p0 s0, $0x6;
	_ =	swait.ge @p0 [sflag:s6], $0x2080  }
0x21: {  	s8 =	simm.s32 @!p0 $0x3;
	s9 =	rddreg [dreg:$0x4];
	[sflag:s6] =	ssyncset.done @p0 $0x0  }
0x22: {  	s7 =	sor.u32 @!p0 $0x1C03, s7;
	s10 =	rddreg [dreg:$0x15];
	[sflag:s6] =	ssyncadd.s32 @p0 $0xFFFFDF80  }
0x23: {  	[spmem:s10], [sflag:s7] =	dma.local @!p0 [hbm:s9], $0x2780  }
0x24: {  	_ =	swait.ge @!p0 [sflag:s8], $0x2780  }
0x25: {  	s10 =	simm.s32 $0x13880;
	[sflag:s8] =	ssyncset.done @!p0 $0x0  }
0x26: {  	s9 =	simm.s32 $0x3;
	s11 =	rddreg [dreg:$0x6];
	[sflag:s8] =	ssyncadd.s32 @!p0 $0xFFFFD880  }
0x27: {  	[tilespmem:s10], [sflag:$0x3] =	stream.linear.gather [hbm4b:s11+s3], $0x708, $0x38;
	[tilespmem:$0x1C000] =	vst v63  }
0x28: {  	_ =	swait.ge [sflag:s9], $0x708  }
0x29: {  	[sflag:s9] =	ssyncset.done $0x0  }
0x2a: {  	[sflag:s9] =	ssyncadd.s32 $0xFFFFF8F8  }
0x2b: {  	s12 =	simm.s32 $0x14000;
	s11 =	simm.s32 $0x80;
	[bflag:$0x0] =	sbarrier.arrive $0xFFFF  }
0x2c: {  	[tilespmem:s12], [sflag:$0x1] =	stream.indirect.gather [spmem:s2], $0x80, s10, s11, $0xb8;
	[tilespmem:$0x1C000] =	vst v63  }
0x2d: {  	s13 =	simm.s32 $0x18000;
	s14 =	simm.s32 $0x1;
	s15 =	rddreg [dreg:$0x17]  }
0x2e: {  	[tilespmem:s13], [sflag:$0x2] =	stream.indirect.gather [spmem:s2], $0x80, s15, s11, $0xb8;
	[tilespmem:$0x1C000] =	vst v63  }
0x2f: {  	_ =	swait.ge [sflag:s14], $0x4000  }
0x30: {  	[sflag:s14] =	ssyncset.done $0x0  }
0x31: {  	[sflag:s14] =	ssyncadd.s32 $0xFFFFC000  }
0x32: {  	[hbm4b:s4+s3] =	stream.linear.scatter [tilespmem:s12], [sflag:$0x3], $0x4000, $0x38;
	[tilespmem:$0x1C000] =	vst v63  }
0x33: {  	_ =	swait.ge [sflag:s9], $0x4000  }
0x34: {  	[sflag:s9] =	ssyncset.done $0x0  }
0x35: {  	s16 =	simm.s32 $0x2;
	s15 =	simm.s32 $0x13980;
	[sflag:s9] =	ssyncadd.s32 $0xFFFFC000  }
0x36: {  	[tilespmem:s12], [sflag:$0x1] =	stream.indirect.gather [spmem:s2], $0x80, s15, s11, $0xb8;
	[tilespmem:$0x1C000] =	vst v63  }
0x37: {  	_ =	swait.ge [sflag:s16], $0x4000  }
0x38: {  	[sflag:s16] =	ssyncset.done $0x0  }
0x39: {  	s17 =	rddreg [dreg:$0x8];
	[sflag:s16] =	ssyncadd.s32 $0xFFFFC000  }
0x3a: {  	[hbm4b:s17+s3] =	stream.linear.scatter [tilespmem:s13], [sflag:$0x3], $0x4000, $0x38;
	[tilespmem:$0x1C000] =	vst v63  }
0x3b: {  	_ =	swait.ge [sflag:s9], $0x4000  }
0x3c: {  	[sflag:s9] =	ssyncset.done $0x0  }
0x3d: {  	s17 =	simm.s32 $0x13A00;
	[sflag:s9] =	ssyncadd.s32 $0xFFFFC000  }
0x3e: {  	[tilespmem:s13], [sflag:$0x2] =	stream.indirect.gather [spmem:s2], $0x80, s17, s11, $0xb8;
	[tilespmem:$0x1C000] =	vst v63  }
0x3f: {  	_ =	swait.ge [sflag:s14], $0x4000  }
0x40: {  	[sflag:s14] =	ssyncset.done $0x0  }
0x41: {  	s18 =	rddreg [dreg:$0x9];
	[sflag:s14] =	ssyncadd.s32 $0xFFFFC000  }
0x42: {  	[hbm4b:s18+s3] =	stream.linear.scatter [tilespmem:s12], [sflag:$0x3], $0x4000, $0x38;
	[tilespmem:$0x1C000] =	vst v63  }
0x43: {  	_ =	swait.ge [sflag:s9], $0x4000  }
0x44: {  	[sflag:s9] =	ssyncset.done $0x0  }
0x45: {  	s18 =	simm.s32 $0x13A80;
	[sflag:s9] =	ssyncadd.s32 $0xFFFFC000  }
0x46: {  	[tilespmem:s12], [sflag:$0x1] =	stream.indirect.gather [spmem:s2], $0x80, s18, s11, $0xb8;
	[tilespmem:$0x1C000] =	vst v63  }
0x47: {  	_ =	swait.ge [sflag:s16], $0x4000  }
0x48: {  	[sflag:s16] =	ssyncset.done $0x0  }
0x49: {  	s19 =	rddreg [dreg:$0xa];
	[sflag:s16] =	ssyncadd.s32 $0xFFFFC000  }
0x4a: {  	[hbm4b:s19+s3] =	stream.linear.scatter [tilespmem:s13], [sflag:$0x3], $0x4000, $0x38;
	[tilespmem:$0x1C000] =	vst v63  }
0x4b: {  	_ =	swait.ge [sflag:s9], $0x4000  }
0x4c: {  	[sflag:s9] =	ssyncset.done $0x0  }
0x4d: {  	s19 =	simm.s32 $0x13B00;
	[sflag:s9] =	ssyncadd.s32 $0xFFFFC000  }
0x4e: {  	[tilespmem:s13], [sflag:$0x2] =	stream.indirect.gather [spmem:s2], $0x80, s19, s11, $0xb8;
	[tilespmem:$0x1C000] =	vst v63  }
0x4f: {  	_ =	swait.ge [sflag:s14], $0x4000  }
0x50: {  	[sflag:s14] =	ssyncset.done $0x0  }
0x51: {  	s20 =	rddreg [dreg:$0xb];
	[sflag:s14] =	ssyncadd.s32 $0xFFFFC000  }
0x52: {  	[hbm4b:s20+s3] =	stream.linear.scatter [tilespmem:s12], [sflag:$0x3], $0x4000, $0x38;
	[tilespmem:$0x1C000] =	vst v63  }
0x53: {  	_ =	swait.ge [sflag:s9], $0x4000  }
0x54: {  	[sflag:s9] =	ssyncset.done $0x0  }
0x55: {  	s20 =	simm.s32 $0x13B80;
	[sflag:s9] =	ssyncadd.s32 $0xFFFFC000  }
0x56: {  	[tilespmem:s12], [sflag:$0x1] =	stream.indirect.gather [spmem:s2], $0x80, s20, s11, $0xb8;
	[tilespmem:$0x1C000] =	vst v63  }
0x57: {  	_ =	swait.ge [sflag:s16], $0x4000  }
0x58: {  	[sflag:s16] =	ssyncset.done $0x0  }
0x59: {  	s21 =	rddreg [dreg:$0xc];
	[sflag:s16] =	ssyncadd.s32 $0xFFFFC000  }
0x5a: {  	[hbm4b:s21+s3] =	stream.linear.scatter [tilespmem:s13], [sflag:$0x3], $0x4000, $0x38;
	[tilespmem:$0x1C000] =	vst v63  }
0x5b: {  	_ =	swait.ge [sflag:s9], $0x4000  }
0x5c: {  	[sflag:s9] =	ssyncset.done $0x0  }
0x5d: {  	s21 =	simm.s32 $0x13C00;
	[sflag:s9] =	ssyncadd.s32 $0xFFFFC000  }
0x5e: {  	[tilespmem:s13], [sflag:$0x2] =	stream.indirect.gather [spmem:s2], $0x80, s21, s11, $0xb8;
	[tilespmem:$0x1C000] =	vst v63  }
0x5f: {  	_ =	swait.ge [sflag:s14], $0x4000  }
0x60: {  	[sflag:s14] =	ssyncset.done $0x0  }
0x61: {  	s22 =	rddreg [dreg:$0xd];
	[sflag:s14] =	ssyncadd.s32 $0xFFFFC000  }
0x62: {  	[hbm4b:s22+s3] =	stream.linear.scatter [tilespmem:s12], [sflag:$0x3], $0x4000, $0x38;
	[tilespmem:$0x1C000] =	vst v63  }
0x63: {  	_ =	swait.ge [sflag:s9], $0x4000  }
0x64: {  	[sflag:s9] =	ssyncset.done $0x0  }
0x65: {  	s22 =	simm.s32 $0x13C80;
	[sflag:s9] =	ssyncadd.s32 $0xFFFFC000  }
0x66: {  	[tilespmem:s12], [sflag:$0x1] =	stream.indirect.gather [spmem:s2], $0x80, s22, s11, $0xb8;
	[tilespmem:$0x1C000] =	vst v63  }
0x67: {  	_ =	swait.ge [sflag:s16], $0x4000  }
0x68: {  	[sflag:s16] =	ssyncset.done $0x0  }
0x69: {  	s23 =	rddreg [dreg:$0xe];
	[sflag:s16] =	ssyncadd.s32 $0xFFFFC000  }
0x6a: {  	[hbm4b:s23+s3] =	stream.linear.scatter [tilespmem:s13], [sflag:$0x3], $0x4000, $0x38;
	[tilespmem:$0x1C000] =	vst v63  }
0x6b: {  	_ =	swait.ge [sflag:s9], $0x4000  }
0x6c: {  	[sflag:s9] =	ssyncset.done $0x0  }
0x6d: {  	s23 =	simm.s32 $0x13D00;
	[sflag:s9] =	ssyncadd.s32 $0xFFFFC000  }
0x6e: {  	[tilespmem:s13], [sflag:$0x2] =	stream.indirect.gather [spmem:s2], $0x80, s23, s11, $0xb8;
	[tilespmem:$0x1C000] =	vst v63  }
0x6f: {  	_ =	swait.ge [sflag:s14], $0x4000  }
0x70: {  	[sflag:s14] =	ssyncset.done $0x0  }
0x71: {  	s24 =	rddreg [dreg:$0xf];
	[sflag:s14] =	ssyncadd.s32 $0xFFFFC000  }
0x72: {  	[hbm4b:s24+s3] =	stream.linear.scatter [tilespmem:s12], [sflag:$0x3], $0x4000, $0x38;
	[tilespmem:$0x1C000] =	vst v63  }
0x73: {  	_ =	swait.ge [sflag:s9], $0x4000  }
0x74: {  	[sflag:s9] =	ssyncset.done $0x0  }
0x75: {  	s24 =	simm.s32 $0x13D80;
	[sflag:s9] =	ssyncadd.s32 $0xFFFFC000  }
0x76: {  	[tilespmem:s12], [sflag:$0x1] =	stream.indirect.gather [spmem:s2], $0x80, s24, s11, $0xb8;
	[tilespmem:$0x1C000] =	vst v63  }
0x77: {  	_ =	swait.ge [sflag:s16], $0x4000  }
0x78: {  	[sflag:s16] =	ssyncset.done $0x0  }
0x79: {  	s25 =	rddreg [dreg:$0x10];
	[sflag:s16] =	ssyncadd.s32 $0xFFFFC000  }
0x7a: {  	[hbm4b:s25+s3] =	stream.linear.scatter [tilespmem:s13], [sflag:$0x3], $0x4000, $0x38;
	[tilespmem:$0x1C000] =	vst v63  }
0x7b: {  	_ =	swait.ge [sflag:s9], $0x4000  }
0x7c: {  	[sflag:s9] =	ssyncset.done $0x0  }
0x7d: {  	s25 =	simm.s32 $0x13E00;
	[sflag:s9] =	ssyncadd.s32 $0xFFFFC000  }
0x7e: {  	[tilespmem:s13], [sflag:$0x2] =	stream.indirect.gather [spmem:s2], $0x80, s25, s11, $0xb8;
	[tilespmem:$0x1C000] =	vst v63  }
0x7f: {  	_ =	swait.ge [sflag:s14], $0x4000  }
0x80: {  	[sflag:s14] =	ssyncset.done $0x0  }
0x81: {  	s26 =	rddreg [dreg:$0x11];
	[sflag:s14] =	ssyncadd.s32 $0xFFFFC000  }
0x82: {  	[hbm4b:s26+s3] =	stream.linear.scatter [tilespmem:s12], [sflag:$0x3], $0x4000, $0x38;
	[tilespmem:$0x1C000] =	vst v63  }
0x83: {  	_ =	swait.ge [sflag:s9], $0x4000  }
0x84: {  	[sflag:s9] =	ssyncset.done $0x0  }
0x85: {  	s26 =	simm.s32 $0x13E80;
	[sflag:s9] =	ssyncadd.s32 $0xFFFFC000  }
0x86: {  	[tilespmem:s12], [sflag:$0x1] =	stream.indirect.gather [spmem:s2], $0x80, s26, s11, $0xb8;
	[tilespmem:$0x1C000] =	vst v63  }
0x87: {  	_ =	swait.ge [sflag:s16], $0x4000  }
0x88: {  	[sflag:s16] =	ssyncset.done $0x0  }
0x89: {  	s28 =	rddreg [dreg:$0x12];
	[sflag:s16] =	ssyncadd.s32 $0xFFFFC000  }
0x8a: {  	[hbm4b:s28+s3] =	stream.linear.scatter [tilespmem:s13], [sflag:$0x3], $0x4000, $0x38;
	[tilespmem:$0x1C000] =	vst v63  }
0x8b: {  	_ =	swait.ge [sflag:s9], $0x4000  }
0x8c: {  	[sflag:s9] =	ssyncset.done $0x0  }
0x8d: {  	s28 =	simm.s32 $0x13F00;
	[sflag:s9] =	ssyncadd.s32 $0xFFFFC000  }
0x8e: {  	[tilespmem:s13], [sflag:$0x2] =	stream.indirect.gather [spmem:s2], $0x80, s28, s11, $0xb8;
	[tilespmem:$0x1C000] =	vst v63  }
0x8f: {  	_ =	swait.ge [sflag:s14], $0x4000  }
0x90: {  	[sflag:s14] =	ssyncset.done $0x0  }
0x91: {  	s29 =	rddreg [dreg:$0x13];
	[sflag:s14] =	ssyncadd.s32 $0xFFFFC000  }
0x92: {  	[hbm4b:s29+s3] =	stream.linear.scatter [tilespmem:s12], [sflag:$0x3], $0x4000, $0x38;
	[tilespmem:$0x1C000] =	vst v63  }
0x93: {  	_ =	swait.ge [sflag:s9], $0x4000  }
0x94: {  	[sflag:s9] =	ssyncset.done $0x0  }
0x95: {  	[sflag:s9] =	ssyncadd.s32 $0xFFFFC000  }
0x96: {  	s31 =	ssub.s32 $0x2, s31;
	_ =	swait.ge [sflag:s16], $0x4000  }
0x97: {  	s1 =	sshrl.u32 s31, $0x1;
	[sflag:s16] =	ssyncset.done $0x0  }
0x98: {  	s1 =	ssub.s32 s31, s1;
	s29 =	rddreg [dreg:$0x14];
	[sflag:s16] =	ssyncadd.s32 $0xFFFFC000  }
0x99: {  	[hbm4b:s29+s3] =	stream.linear.scatter [tilespmem:s13], [sflag:$0x3], $0x4000, $0x38;
	[tilespmem:$0x1C000] =	vst v63  }
0x9a: {  	s1 =	smax.u32 s1, $0x1;
	_ =	swait.ge [sflag:s9], $0x4000  }
0x9b: {  	s30 =	simm.s32 $0x13F80;
	s31 =	sadd.s32 $0xFFFFFFFF, s1;
	[sflag:s9] =	ssyncset.done $0x0  }
0x9c: {  	p1 =	sne.s32 s31, $0x0;
	s29 =	simm.s32 $0x8;
	[sflag:s9] =	ssyncadd.s32 $0xFFFFC000  }
0x9d: {  	[tilespmem:s13], [sflag:$0x2] =	stream.indirect.gather [spmem:s2], $0x80, s30, s29, $0xb8;
	[tilespmem:$0x1C000] =	vst v63  }
.Ltmp0:
0x9e: {  	_ =	swait.ge [sflag:s16], $0x400;
	(pc) =	sbr.rel @!p1 .LBB2_2-.Ltmp0, $4  }
0x9f: {  	[sflag:s16] =	ssyncset.done $0x0  }
0xa0: {  	s0 =	rddreg [dreg:$0x7];
	[sflag:s16] =	ssyncadd.s32 $0xFFFFFC00  }
0xa1: {  	[hbm4b:s0+s3] =	stream.linear.scatter [tilespmem:s13], [sflag:$0x3], $0x400, $0x38;
	[tilespmem:$0x1C000] =	vst v63  }
0xa2: {  	_ =	swait.ge [sflag:s9], $0x400  }
.LBB2_1:
0xa3: {  	s0 =	rddreg [dreg:$0x16];
	[sflag:s9] =	ssyncset.done $0x0  }
0xa4: {  	s1 =	rddreg [dreg:$0x5];
	[sflag:s9] =	ssyncadd.s32 $0xFFFFFC00  }
0xa5: {  	[spmem:s0], [sflag:s5] =	dma.local @p0 [hbm:s1], $0x2080  }
0xa6: {  	_ =	swait.ge @p0 [sflag:s6], $0x2080  }
0xa7: {  	[sflag:s6] =	ssyncset.done @p0 $0x0;
	s0 =	rddreg [dreg:$0x4]  }
0xa8: {  	s1 =	rddreg [dreg:$0x15];
	[sflag:s6] =	ssyncadd.s32 @p0 $0xFFFFDF80  }
0xa9: {  	[spmem:s1], [sflag:s7] =	dma.local @!p0 [hbm:s0], $0x2780  }
0xaa: {  	_ =	swait.ge @!p0 [sflag:s8], $0x2780  }
0xab: {  	[sflag:s8] =	ssyncset.done @!p0 $0x0  }
0xac: {  	s1 =	rddreg [dreg:$0x6];
	[sflag:s8] =	ssyncadd.s32 @!p0 $0xFFFFD880  }
0xad: {  	[tilespmem:s10], [sflag:$0x3] =	stream.linear.gather [hbm4b:s1+s3], $0x708, $0x38;
	[tilespmem:$0x1C000] =	vst v63  }
0xae: {  	_ =	swait.ge [sflag:s9], $0x708  }
0xaf: {  	[sflag:s9] =	ssyncset.done $0x0  }
0xb0: {  	[sflag:s9] =	ssyncadd.s32 $0xFFFFF8F8  }
0xb1: {  	[bflag:$0x0] =	sbarrier.arrive $0xFFFF  }
0xb2: {  	[tilespmem:s12], [sflag:$0x1] =	stream.indirect.gather [spmem:s2], $0x80, s10, s11, $0xb8;
	[tilespmem:$0x1C000] =	vst v63  }
0xb3: {  	s1 =	rddreg [dreg:$0x17]  }
0xb4: {  	[tilespmem:s13], [sflag:$0x2] =	stream.indirect.gather [spmem:s2], $0x80, s1, s11, $0xb8;
	[tilespmem:$0x1C000] =	vst v63  }
0xb5: {  	_ =	swait.ge [sflag:s14], $0x4000  }
0xb6: {  	[sflag:s14] =	ssyncset.done $0x0  }
0xb7: {  	[sflag:s14] =	ssyncadd.s32 $0xFFFFC000  }
0xb8: {  	[hbm4b:s4+s3] =	stream.linear.scatter [tilespmem:s12], [sflag:$0x3], $0x4000, $0x38;
	[tilespmem:$0x1C000] =	vst v63  }
0xb9: {  	_ =	swait.ge [sflag:s9], $0x4000  }
0xba: {  	[sflag:s9] =	ssyncset.done $0x0  }
0xbb: {  	[sflag:s9] =	ssyncadd.s32 $0xFFFFC000  }
0xbc: {  	[tilespmem:s12], [sflag:$0x1] =	stream.indirect.gather [spmem:s2], $0x80, s15, s11, $0xb8;
	[tilespmem:$0x1C000] =	vst v63  }
0xbd: {  	_ =	swait.ge [sflag:s16], $0x4000  }
0xbe: {  	[sflag:s16] =	ssyncset.done $0x0  }
0xbf: {  	s1 =	rddreg [dreg:$0x8];
	[sflag:s16] =	ssyncadd.s32 $0xFFFFC000  }
0xc0: {  	[hbm4b:s1+s3] =	stream.linear.scatter [tilespmem:s13], [sflag:$0x3], $0x4000, $0x38;
	[tilespmem:$0x1C000] =	vst v63  }
0xc1: {  	_ =	swait.ge [sflag:s9], $0x4000  }
0xc2: {  	[sflag:s9] =	ssyncset.done $0x0  }
0xc3: {  	[sflag:s9] =	ssyncadd.s32 $0xFFFFC000  }
0xc4: {  	[tilespmem:s13], [sflag:$0x2] =	stream.indirect.gather [spmem:s2], $0x80, s17, s11, $0xb8;
	[tilespmem:$0x1C000] =	vst v63  }
0xc5: {  	_ =	swait.ge [sflag:s14], $0x4000  }
0xc6: {  	[sflag:s14] =	ssyncset.done $0x0  }
0xc7: {  	s1 =	rddreg [dreg:$0x9];
	[sflag:s14] =	ssyncadd.s32 $0xFFFFC000  }
0xc8: {  	[hbm4b:s1+s3] =	stream.linear.scatter [tilespmem:s12], [sflag:$0x3], $0x4000, $0x38;
	[tilespmem:$0x1C000] =	vst v63  }
0xc9: {  	_ =	swait.ge [sflag:s9], $0x4000  }
0xca: {  	[sflag:s9] =	ssyncset.done $0x0  }
0xcb: {  	[sflag:s9] =	ssyncadd.s32 $0xFFFFC000  }
0xcc: {  	[tilespmem:s12], [sflag:$0x1] =	stream.indirect.gather [spmem:s2], $0x80, s18, s11, $0xb8;
	[tilespmem:$0x1C000] =	vst v63  }
0xcd: {  	_ =	swait.ge [sflag:s16], $0x4000  }
0xce: {  	[sflag:s16] =	ssyncset.done $0x0  }
0xcf: {  	s1 =	rddreg [dreg:$0xa];
	[sflag:s16] =	ssyncadd.s32 $0xFFFFC000  }
0xd0: {  	[hbm4b:s1+s3] =	stream.linear.scatter [tilespmem:s13], [sflag:$0x3], $0x4000, $0x38;
	[tilespmem:$0x1C000] =	vst v63  }
0xd1: {  	_ =	swait.ge [sflag:s9], $0x4000  }
0xd2: {  	[sflag:s9] =	ssyncset.done $0x0  }
0xd3: {  	[sflag:s9] =	ssyncadd.s32 $0xFFFFC000  }
0xd4: {  	[tilespmem:s13], [sflag:$0x2] =	stream.indirect.gather [spmem:s2], $0x80, s19, s11, $0xb8;
	[tilespmem:$0x1C000] =	vst v63  }
0xd5: {  	_ =	swait.ge [sflag:s14], $0x4000  }
0xd6: {  	[sflag:s14] =	ssyncset.done $0x0  }
0xd7: {  	s1 =	rddreg [dreg:$0xb];
	[sflag:s14] =	ssyncadd.s32 $0xFFFFC000  }
0xd8: {  	[hbm4b:s1+s3] =	stream.linear.scatter [tilespmem:s12], [sflag:$0x3], $0x4000, $0x38;
	[tilespmem:$0x1C000] =	vst v63  }
0xd9: {  	_ =	swait.ge [sflag:s9], $0x4000  }
0xda: {  	[sflag:s9] =	ssyncset.done $0x0  }
0xdb: {  	[sflag:s9] =	ssyncadd.s32 $0xFFFFC000  }
0xdc: {  	[tilespmem:s12], [sflag:$0x1] =	stream.indirect.gather [spmem:s2], $0x80, s20, s11, $0xb8;
	[tilespmem:$0x1C000] =	vst v63  }
0xdd: {  	_ =	swait.ge [sflag:s16], $0x4000  }
0xde: {  	[sflag:s16] =	ssyncset.done $0x0  }
0xdf: {  	s1 =	rddreg [dreg:$0xc];
	[sflag:s16] =	ssyncadd.s32 $0xFFFFC000  }
0xe0: {  	[hbm4b:s1+s3] =	stream.linear.scatter [tilespmem:s13], [sflag:$0x3], $0x4000, $0x38;
	[tilespmem:$0x1C000] =	vst v63  }
0xe1: {  	_ =	swait.ge [sflag:s9], $0x4000  }
0xe2: {  	[sflag:s9] =	ssyncset.done $0x0  }
0xe3: {  	[sflag:s9] =	ssyncadd.s32 $0xFFFFC000  }
0xe4: {  	[tilespmem:s13], [sflag:$0x2] =	stream.indirect.gather [spmem:s2], $0x80, s21, s11, $0xb8;
	[tilespmem:$0x1C000] =	vst v63  }
0xe5: {  	_ =	swait.ge [sflag:s14], $0x4000  }
0xe6: {  	[sflag:s14] =	ssyncset.done $0x0  }
0xe7: {  	s1 =	rddreg [dreg:$0xd];
	[sflag:s14] =	ssyncadd.s32 $0xFFFFC000  }
0xe8: {  	[hbm4b:s1+s3] =	stream.linear.scatter [tilespmem:s12], [sflag:$0x3], $0x4000, $0x38;
	[tilespmem:$0x1C000] =	vst v63  }
0xe9: {  	_ =	swait.ge [sflag:s9], $0x4000  }
0xea: {  	[sflag:s9] =	ssyncset.done $0x0  }
0xeb: {  	[sflag:s9] =	ssyncadd.s32 $0xFFFFC000  }
0xec: {  	[tilespmem:s12], [sflag:$0x1] =	stream.indirect.gather [spmem:s2], $0x80, s22, s11, $0xb8;
	[tilespmem:$0x1C000] =	vst v63  }
0xed: {  	_ =	swait.ge [sflag:s16], $0x4000  }
0xee: {  	[sflag:s16] =	ssyncset.done $0x0  }
0xef: {  	s1 =	rddreg [dreg:$0xe];
	[sflag:s16] =	ssyncadd.s32 $0xFFFFC000  }
0xf0: {  	[hbm4b:s1+s3] =	stream.linear.scatter [tilespmem:s13], [sflag:$0x3], $0x4000, $0x38;
	[tilespmem:$0x1C000] =	vst v63  }
0xf1: {  	_ =	swait.ge [sflag:s9], $0x4000  }
0xf2: {  	[sflag:s9] =	ssyncset.done $0x0  }
0xf3: {  	[sflag:s9] =	ssyncadd.s32 $0xFFFFC000  }
0xf4: {  	[tilespmem:s13], [sflag:$0x2] =	stream.indirect.gather [spmem:s2], $0x80, s23, s11, $0xb8;
	[tilespmem:$0x1C000] =	vst v63  }
0xf5: {  	_ =	swait.ge [sflag:s14], $0x4000  }
0xf6: {  	[sflag:s14] =	ssyncset.done $0x0  }
0xf7: {  	s1 =	rddreg [dreg:$0xf];
	[sflag:s14] =	ssyncadd.s32 $0xFFFFC000  }
0xf8: {  	[hbm4b:s1+s3] =	stream.linear.scatter [tilespmem:s12], [sflag:$0x3], $0x4000, $0x38;
	[tilespmem:$0x1C000] =	vst v63  }
0xf9: {  	_ =	swait.ge [sflag:s9], $0x4000  }
0xfa: {  	[sflag:s9] =	ssyncset.done $0x0  }
0xfb: {  	[sflag:s9] =	ssyncadd.s32 $0xFFFFC000  }
0xfc: {  	[tilespmem:s12], [sflag:$0x1] =	stream.indirect.gather [spmem:s2], $0x80, s24, s11, $0xb8;
	[tilespmem:$0x1C000] =	vst v63  }
0xfd: {  	_ =	swait.ge [sflag:s16], $0x4000  }
0xfe: {  	[sflag:s16] =	ssyncset.done $0x0  }
0xff: {  	s1 =	rddreg [dreg:$0x10];
	[sflag:s16] =	ssyncadd.s32 $0xFFFFC000  }
0x100: {  	[hbm4b:s1+s3] =	stream.linear.scatter [tilespmem:s13], [sflag:$0x3], $0x4000, $0x38;
	[tilespmem:$0x1C000] =	vst v63  }
0x101: {  	_ =	swait.ge [sflag:s9], $0x4000  }
0x102: {  	[sflag:s9] =	ssyncset.done $0x0  }
0x103: {  	[sflag:s9] =	ssyncadd.s32 $0xFFFFC000  }
0x104: {  	[tilespmem:s13], [sflag:$0x2] =	stream.indirect.gather [spmem:s2], $0x80, s25, s11, $0xb8;
	[tilespmem:$0x1C000] =	vst v63  }
0x105: {  	_ =	swait.ge [sflag:s14], $0x4000  }
0x106: {  	[sflag:s14] =	ssyncset.done $0x0  }
0x107: {  	s1 =	rddreg [dreg:$0x11];
	[sflag:s14] =	ssyncadd.s32 $0xFFFFC000  }
0x108: {  	[hbm4b:s1+s3] =	stream.linear.scatter [tilespmem:s12], [sflag:$0x3], $0x4000, $0x38;
	[tilespmem:$0x1C000] =	vst v63  }
0x109: {  	_ =	swait.ge [sflag:s9], $0x4000  }
0x10a: {  	[sflag:s9] =	ssyncset.done $0x0  }
0x10b: {  	[sflag:s9] =	ssyncadd.s32 $0xFFFFC000  }
0x10c: {  	[tilespmem:s12], [sflag:$0x1] =	stream.indirect.gather [spmem:s2], $0x80, s26, s11, $0xb8;
	[tilespmem:$0x1C000] =	vst v63  }
0x10d: {  	_ =	swait.ge [sflag:s16], $0x4000  }
0x10e: {  	[sflag:s16] =	ssyncset.done $0x0  }
0x10f: {  	s1 =	rddreg [dreg:$0x12];
	[sflag:s16] =	ssyncadd.s32 $0xFFFFC000  }
0x110: {  	[hbm4b:s1+s3] =	stream.linear.scatter [tilespmem:s13], [sflag:$0x3], $0x4000, $0x38;
	[tilespmem:$0x1C000] =	vst v63  }
0x111: {  	_ =	swait.ge [sflag:s9], $0x4000  }
0x112: {  	[sflag:s9] =	ssyncset.done $0x0  }
0x113: {  	[sflag:s9] =	ssyncadd.s32 $0xFFFFC000  }
0x114: {  	[tilespmem:s13], [sflag:$0x2] =	stream.indirect.gather [spmem:s2], $0x80, s28, s11, $0xb8;
	[tilespmem:$0x1C000] =	vst v63  }
0x115: {  	_ =	swait.ge [sflag:s14], $0x4000  }
0x116: {  	[sflag:s14] =	ssyncset.done $0x0  }
0x117: {  	s1 =	rddreg [dreg:$0x13];
	[sflag:s14] =	ssyncadd.s32 $0xFFFFC000  }
0x118: {  	[hbm4b:s1+s3] =	stream.linear.scatter [tilespmem:s12], [sflag:$0x3], $0x4000, $0x38;
	[tilespmem:$0x1C000] =	vst v63  }
0x119: {  	_ =	swait.ge [sflag:s9], $0x4000  }
0x11a: {  	[sflag:s9] =	ssyncset.done $0x0  }
0x11b: {  	[sflag:s9] =	ssyncadd.s32 $0xFFFFC000  }
0x11c: {  	_ =	swait.ge [sflag:s16], $0x4000  }
0x11d: {  	[sflag:s16] =	ssyncset.done $0x0  }
0x11e: {  	s1 =	rddreg [dreg:$0x14];
	[sflag:s16] =	ssyncadd.s32 $0xFFFFC000  }
0x11f: {  	[hbm4b:s1+s3] =	stream.linear.scatter [tilespmem:s13], [sflag:$0x3], $0x4000, $0x38;
	[tilespmem:$0x1C000] =	vst v63  }
0x120: {  	_ =	swait.ge [sflag:s9], $0x4000  }
0x121: {  	s31 =	sadd.s32 $0xFFFFFFFF, s31;
	[sflag:s9] =	ssyncset.done $0x0  }
0x122: {  	p1 =	sne.s32 s31, $0x0;
	[sflag:s9] =	ssyncadd.s32 $0xFFFFC000  }
0x123: {  	[tilespmem:s13], [sflag:$0x2] =	stream.indirect.gather [spmem:s2], $0x80, s30, s29, $0xb8;
	[tilespmem:$0x1C000] =	vst v63  }
.Ltmp1:
0x124: {  	_ =	swait.ge [sflag:s16], $0x400;
	(pc) =	sbr.rel @p1 .LBB2_1-.Ltmp1, $4  }
0x125: {  	[sflag:s16] =	ssyncset.done $0x0  }
0x126: {  	s1 =	rddreg [dreg:$0x7];
	[sflag:s16] =	ssyncadd.s32 $0xFFFFFC00  }
0x127: {  	[hbm4b:s1+s3] =	stream.linear.scatter [tilespmem:s13], [sflag:$0x3], $0x400, $0x38;
	[tilespmem:$0x1C000] =	vst v63  }
0x128: {  	_ =	swait.ge [sflag:s9], $0x400  }
.LBB2_2:
0x129: {  	[sflag:s9] =	ssyncset.done $0x0  }
0x12a: {  	[sflag:s9] =	ssyncadd.s32 $0xFFFFFC00  }
0x12b: {  	_ =	sfence.sel $0x180000  }
0x12c: {  	[bflag:$0x0] =	sbarrier.arrive $0xFFFF  }
0x12d: {  	_ =	strace $0x9000004A  }
0x12e: {  	s0 =	stileid.u32;
	[bflag:$0x2] =	sbarrier.arrive $0xFFFF  }
0x12f: {  	p0 =	sne.s32 s0, $0x0;
	s0 =	rddreg [dreg:$0x3]  }
0x130: {  	s0 =	sadd.s32 @!p0 $0x100000, s0  }
0x131: {  	[sflag:s0] =	ssyncadd.tile.s32 @!p0 $0x1;
	_ =	shalt  }
.Lfunc_end2:
_tile_overlayer_lowered:
.L_overlay_start_2:
0x132: {  	(tag) =	ssettag $0x2  }
0x133: {  	s0 =	rddreg [dreg:$0x0];
	s2 =	stileid.u32  }
0x134: {  	s1 =	rddreg [dreg:$0x1];
	p0 =	sne.s32 s2, $0x0  }
0x135: {  	s3 =	rddreg [dreg:$0x2];
	[bflag:$0x3] =	sbarrier.arrive $0xFFFF;
	s2 =	simm.s32 @!p0 $0x1C03  }
0x136: {  	[timem:s3], [sflag:s2] =	dma.local @!p0 [hbm:s0], s1  }
0x137: {  	s0 =	simm.s32 @!p0 $0x3  }
0x138: {  	_ =	swait.ge @!p0 [sflag:s0], s1  }
0x139: {  	s1 =	ssub.s32 @!p0 $0x0, s1;
	[sflag:s0] =	ssyncset.done @!p0 $0x0  }
0x13a: {  	[sflag:s0] =	ssyncadd.s32 @!p0 s1  }
0x13b: {  	[bflag:$0x3] =	sbarrier.arrive $0xFFFF  }
0x13c: {  	_ =	shalt  }

// kernel: kernel.18.cloned.1.call-start
scs
__scs_entry_jumppad:
0x0: {  	(pc) =	sbr.rel $0x88, $3  }
0x1: {  	(tag) =	ssettag $0x0;
	lr =	simm.s32 $0x1  }
0x2: {  	[smem:$0x3F95] =	sst lr;
	_ =	strace $0xD0000000  }
0x3: {  	_ = 	snop  }
0x4: {  	_ = 	snop  }
0x5: {  	_ = 	snop  }
0x6: {  	_ = 	snop  }
0x7: {  	_ = 	snop  }
__scs_overlays_trampoline_lowered:
0x8: {  	[smem:$0x3FA4] =	sst s0  }
0x9: {  	[smem:$0x3FA5] =	sst s1  }
0xa: {  	[smem:$0x3FA6] =	sst s2  }
0xb: {  	[smem:$0x3FA7] =	sst s3  }
0xc: {  	[smem:$0x3FA8] =	sst s4  }
0xd: {  	[smem:$0x3FA9] =	sst s5  }
0xe: {  	[smem:$0x3FAA] =	sst s6  }
0xf: {  	[smem:$0x3FAB] =	sst s7  }
0x10: {  	[smem:$0x3FAC] =	sst s8  }
0x11: {  	[smem:$0x3FAD] =	sst s9;
	s0 =	simm.s32 @!p0 $0x0  }
0x12: {  	s1 =	sld [smem:$0x3F93];
	s0 =	simm.s32 @p0 $0x1  }
0x13: {  	[smem:$0x3FAE] =	sst s0;
	s0 =	simm.s32 @!p1 $0x0  }
0x14: {  	s2 =	sld [smem:$0x3F92];
	s0 =	simm.s32 @p1 $0x1  }
0x15: {  	[smem:$0x3FAF] =	sst s0;
	s0 =	simm.s32 @!p2 $0x0  }
0x16: {  	s3 =	sld [smem:$0x3FDB];
	s0 =	simm.s32 @p2 $0x1  }
0x17: {  	s4 =	simm.s32 $0x1BF5;
	[smem:$0x3FB1] =	sst s0  }
0x18: {  	s0 =	sld [smem:$0x3F94];
	_ =	swait.ge [sflag:s4], $0x0  }
0x19: {  	s7 =	sld [smem:$0x3F95]  }
0x1a: {  	s8 =	sadd.s32 $0xFFFFE003, lr  }
0x1b: {  	s9 =	sadd.s32 $0xFFFFFEF7, lr;
	s5 =	simm.s32 $0xFFFFFFFF;
	p2 =	slt.u32 s8, $0xFFFFF086  }
0x1c: {  	p1 =	slt.u32 s9, $0xF7A;
	s5 =	simm.s32 @!p2 $0x0  }
0x1d: {  	s5 =	simm.s32 @p1 $0x1;
	p0 =	seq.s32 s7, s2  }
0x1e: {  	s7 =	smul.u32 @!p0 $0xF7A, s2;
	p2 =	seq.s32 @!p0 s5, $0x0  }
0x1f: {  	s9 =	smul.u32 $0xF7A, s1;
	s8 =	simm.s32 @!p0 $0x1BF5;
	p2 =	por !p2, p0  }
0x20: {  	[sflag:s8] =	ssyncset.s32 @!p0 $0xFFFFF086;
	s6 =	sadd.s32 @!p0 s3, s7;
	s7 =	simm.s32 @!p0 $0x108  }
0x21: {  	s3 =	sadd.s32 s3, s9;
	s6 =	sadd.s32 @!p0 $0x88, s6;
	s7 =	simm.s32 @p2 $0x1082  }
0x22: {  	[simem:s7], [sflag:s8] =	dma.local @!p0 [hbm:s6], $0xF7A  }
0x23: {  	s9 =	sor.u32 $0xD0000000, s2;
	s6 =	simm.s32 $0x108;
	_ =	swait.ge @!p0 [sflag:s8], $0x0  }
0x24: {  	s3 =	sadd.s32 $0x88, s3;
	s6 =	simm.s32 @!p1 $0x1082;
	[sflag:s4] =	ssyncset.s32 $0xFFFFF086  }
0x25: {  	[simem:s6], [sflag:s4] =	dma.local [hbm:s3], $0xF7A  }
0x26: {  	[smem:$0x3F95] =	sst s1;
	(tag) =	ssettag s2;
	_ =	strace s9  }
0x27: {  	s1 =	sld [smem:$0x3FA5]  }
0x28: {  	s2 =	sld [smem:$0x3FA6]  }
0x29: {  	s4 =	sld [smem:$0x3FA8]  }
0x2a: {  	p0 =	seq.s32 s5, $0x0;
	s5 =	sld [smem:$0x3FA9]  }
0x2b: {  	s6 =	sld [smem:$0x3FAA]  }
0x2c: {  	s7 =	sld [smem:$0x3FAB]  }
0x2d: {  	s3 =	simm.s32 $0x108;
	s8 =	sld [smem:$0x3FAC]  }
0x2e: {  	s3 =	simm.s32 @!p0 $0x1082;
	s9 =	sld [smem:$0x3FAD]  }
0x2f: {  	lr =	sadd.s32 s0, s3;
	s0 =	sld [smem:$0x3FA4]  }
0x30: {  	s3 =	sld [smem:$0x3FA7]  }
0x31: {  	[smem:$0x3FB0] =	sst s10  }
0x32: {  	s10 =	sld [smem:$0x3FAE];
	_ =	sdelay $0x3  }
0x33: {  	p0 =	seq.s32 s10, $0x1;
	s10 =	sld [smem:$0x3FB0];
	_ =	sdelay $0x3  }
0x34: {  	[smem:$0x3FB0] =	sst s10  }
0x35: {  	s10 =	sld [smem:$0x3FAF];
	_ =	sdelay $0x3  }
0x36: {  	p1 =	seq.s32 s10, $0x1;
	s10 =	sld [smem:$0x3FB0];
	_ =	sdelay $0x3  }
0x37: {  	[smem:$0x3FB0] =	sst s10  }
0x38: {  	s10 =	sld [smem:$0x3FB1]  }
0x39: {  	_ = 	snop;
	(pc) =	sbr.ind lr, $3  }
0x3a: {  	_ = 	snop  }
0x3b: {  	_ = 	snop  }
0x3c: {  	p2 =	seq.s32 s10, $0x1;
	s10 =	sld [smem:$0x3FB0]  }
0x3d: {  	_ =	shalt  }
0x3e: {  	_ =	shalt  }
0x3f: {  	_ =	shalt  }
0x40: {  	_ =	shalt  }
0x41: {  	_ =	shalt  }
0x42: {  	_ =	shalt  }
0x43: {  	_ =	shalt  }
0x44: {  	_ =	shalt  }
0x45: {  	_ =	shalt  }
0x46: {  	_ =	shalt  }
0x47: {  	_ =	shalt  }
0x48: {  	_ =	shalt  }
0x49: {  	_ =	shalt  }
0x4a: {  	_ =	shalt  }
0x4b: {  	_ =	shalt  }
0x4c: {  	_ =	shalt  }
0x4d: {  	_ =	shalt  }
0x4e: {  	_ =	shalt  }
0x4f: {  	_ =	shalt  }
0x50: {  	_ =	shalt  }
0x51: {  	_ =	shalt  }
0x52: {  	_ =	shalt  }
0x53: {  	_ =	shalt  }
0x54: {  	_ =	shalt  }
0x55: {  	_ =	shalt  }
0x56: {  	_ =	shalt  }
0x57: {  	_ =	shalt  }
0x58: {  	_ =	shalt  }
0x59: {  	_ =	shalt  }
0x5a: {  	_ =	shalt  }
0x5b: {  	_ =	shalt  }
0x5c: {  	_ =	shalt  }
0x5d: {  	_ =	shalt  }
0x5e: {  	_ =	shalt  }
0x5f: {  	_ =	shalt  }
0x60: {  	_ =	shalt  }
0x61: {  	_ =	shalt  }
0x62: {  	_ =	shalt  }
0x63: {  	_ =	shalt  }
0x64: {  	_ =	shalt  }
0x65: {  	_ =	shalt  }
0x66: {  	_ =	shalt  }
0x67: {  	_ =	shalt  }
0x68: {  	_ =	shalt  }
0x69: {  	_ =	shalt  }
0x6a: {  	_ =	shalt  }
0x6b: {  	_ =	shalt  }
0x6c: {  	_ =	shalt  }
0x6d: {  	_ =	shalt  }
0x6e: {  	_ =	shalt  }
0x6f: {  	_ =	shalt  }
0x70: {  	_ =	shalt  }
0x71: {  	_ =	shalt  }
0x72: {  	_ =	shalt  }
0x73: {  	_ =	shalt  }
0x74: {  	_ =	shalt  }
0x75: {  	_ =	shalt  }
0x76: {  	_ =	shalt  }
0x77: {  	_ =	shalt  }
0x78: {  	_ =	shalt  }
0x79: {  	_ =	shalt  }
0x7a: {  	_ =	shalt  }
0x7b: {  	_ =	shalt  }
0x7c: {  	_ =	shalt  }
0x7d: {  	_ =	shalt  }
0x7e: {  	_ =	shalt  }
0x7f: {  	_ =	shalt  }
0x80: {  	_ =	shalt  }
0x81: {  	_ =	shalt  }
0x82: {  	_ =	shalt  }
0x83: {  	_ =	shalt  }
0x84: {  	_ =	shalt  }
0x85: {  	_ =	shalt  }
0x86: {  	_ =	shalt  }
0x87: {  	_ =	shalt  }
.Lfunc_end0:
.L_simem_size_0:
called_computation.2_lowered:
.L_overlay_start_0:
0x88: {  	s2 =	sld [smem:$0x3FD9]  }
0x89: {  	s3 =	sld [smem:$0x3FFE];
	_ =	sdelay $0x1  }
0x8a: {  	s1 =	srdreg.scid  }
0x8b: {  	s0 =	sand.u32 $0x1, s1  }
0x8c: {  	s17 =	sshll.u32 s0, $0xA;
	s2 =	sadd.s32 s3, s2  }
0x8d: {  	s2 =	sadd.s32 s2, s17  }
0x8e: {  	[smem:$0x3FBC] =	sst s2  }
0x8f: {  	_ = 	snop  }
0x90: {  	s18 =	sld [smem:$0x3FC9];
	(tm) =	ssettm $0x1  }
0x91: {  	s19 =	sld [smem:$0x3FFB];
	_ =	sdelay $0x3  }
0x92: {  	_ =	strace s19  }
0x93: {  	s2 =	sld [smem:$0x3FFC];
	_ =	sdelay $0x3  }
0x94: {  	_ =	strace s2  }
0x95: {  	s2 =	sld [smem:$0x3FFD];
	_ =	sdelay $0x3  }
0x96: {  	_ =	strace s2  }
0x97: {  	_ =	strace $0x8FFFFFFF  }
0x98: {  	s20 =	sld [smem:$0x3FDB];
	_ =	sdelay $0x1  }
0x99: {  	s4 =	simm.s32 $_scs_section_size  }
0x9a: {  	s5 =	simm.s32 $_size__tile_overlayer_lowered;
	s6 =	simm.s32 $_tile_overlayer_lowered  }
0x9b: {  	s7 =	simm.s32 $0x1BFF;
	s21 =	sshll.u32 s6, $0x1;
	s4 =	sadd.s32 s4, s20  }
0x9c: {  	s22 =	simm.s32 $0x0;
	s5 =	sshll.u32 s5, $0x1;
	s6 =	sadd.s32 s21, s4  }
0x9d: {  	[timem:s22], [sflag:s7] =	dma.local [hbm:s6], s5  }
0x9e: {  	_ =	swait.ge [sflag:s7], s5  }
0x9f: {  	s5 =	ssub.s32 $0x0, s5;
	[sflag:s7] =	ssyncset.done $0x0  }
0xa0: {  	[sflag:s7] =	ssyncadd.s32 s5;
	_ =	sdelay $0x1  }
0xa1: {  	s23 =	simm.s32 $0x1B8B  }
0xa2: {  	_ =	swait.ge [sflag:s23], $0x1  }
0xa3: {  	[sflag:s23] =	ssyncset.done $0x0  }
0xa4: {  	[sflag:s23] =	ssyncadd.s32 $0xFFFFFFFF  }
0xa5: {  	s5 =	sld [smem:$0x0]  }
0xa6: {  	s6 =	sand.u32 $0xFFFFFFFE, s1  }
0xa7: {  	p0 =	sne.s32 s1, s6  }
0xa8: {  	s6 =	sshll.u32 @p0 s6, $0xE  }
0xa9: {  	s6 =	sadd.s32 @p0 $0x11B8D, s6;
	s7 =	sshll.u32 @p0 s5, $0x11  }
0xaa: {  	s6 =	sor.u32 @p0 s7, s6  }
0xab: {  	[sflag:s6] =	ssyncadd.remote.s32 @p0 $0x1;
	_ =	sdelay $0x1  }
0xac: {  	s6 =	simm.s32 @p0 $0x1B8D  }
0xad: {  	_ =	swait.eq @p0 [sflag:s6], $0x1  }
0xae: {  	[sflag:s6] =	ssyncadd.s32 @p0 $0xFFFFFFFF  }
0xaf: {  	s7 =	sshll.u32 @!p0 s1, $0xE  }
0xb0: {  	s7 =	sor.u32 @!p0 $0x4000, s7;
	s6 =	simm.s32 @!p0 $0x1B8D  }
0xb1: {  	s5 =	sshll.u32 @!p0 s5, $0x11;
	s7 =	sadd.s32 @!p0 $0x11B8D, s7;
	_ =	swait.eq @!p0 [sflag:s6], $0x1  }
0xb2: {  	s5 =	sor.u32 @!p0 s5, s7;
	[sflag:s6] =	ssyncadd.s32 @!p0 $0xFFFFFFFF  }
0xb3: {  	s25 =	simm.s32 $0x1B8E;
	s24 =	sld [smem:$0x3FFE];
	[sflag:s5] =	ssyncadd.remote.s32 @!p0 $0x1  }
0xb4: {  	s26 =	simm.s32 $execute0_lowered;
	[smem:$0x3FD2] =	sst s25  }
0xb5: {  	s6 =	sshll.u32 s26, $0x1;
	_ =	strace $0x8000004C;
	[dreg:$0x1] =	wrdreg $0xFFFFFFFF  }
0xb6: {  	s28 =	simm.s32 $_size_execute0_lowered;
	s4 =	sadd.s32 s4, s6;
	[dreg:$0x0] =	wrdreg $0x0  }
0xb7: {  	s6 =	sshll.u32 s28, $0x1;
	[dreg:$0x2] =	wrdreg s4  }
0xb8: {  	[dreg:$0x3] =	wrdreg s6  }
0xb9: {  	[dreg:$0x4] =	wrdreg $0xC0  }
0xba: {  	_ =	task [dreg:s22], $0x5FFFF  }
0xbb: {  	[dreg:$0x1] =	wrdreg $0xFFFFFFFF  }
0xbc: {  	[dreg:$0x0] =	wrdreg $0x60  }
0xbd: {  	[dreg:$0x2] =	wrdreg s18  }
0xbe: {  	[dreg:$0x3] =	wrdreg s24  }
0xbf: {  	[dreg:$0x4] =	wrdreg $0x0  }
0xc0: {  	[dreg:$0x5] =	wrdreg $0xB  }
0xc1: {  	_ =	task.clear_ibuf [dreg:s22], $0x6FFFF;
	_ =	strace $0x9000004C  }
0xc2: {  	s29 =	simm.s32 $0xB;
	_ =	strace $0x8000004E  }
0xc3: {  	_ =	swait.ge [sflag:s29], $0x1  }
0xc4: {  	[sflag:s29] =	ssyncadd.s32 $0xFFFFFFFF  }
0xc5: {  	_ =	strace $0x9000004E  }
0xc6: {  	_ =	sfence  }
0xc7: {  	s30 =	sld [smem:$0x0];
	_ =	sdelay $0x2  }
0xc8: {  	s31 =	sshll.u32 s1, $0xD;
	s1 =	sshrl.u32 s1, $0x2  }
0xc9: {  	s4 =	sand.u32 $0x4000, s31;
	s1 =	sadd.s32 s1, s30  }
0xca: {  	s0 =	sor.u32 s4, s0;
	s1 =	sshll.u32 s1, $0x11  }
0xcb: {  	s0 =	sor.u32 s1, s0  }
0xcc: {  	s0 =	sadd.s32 $0x8F2B, s0  }
0xcd: {  	[sflag:s0] =	ssyncadd.remote.s32 $0x1  }
0xce: {  	_ =	sfence.sel $0xFFFF  }
0xcf: {  	[dreg:$0x0] =	wrdreg $0xFFFFFFFF;
	(pc) =	sbr.abs _section_cstart, $3  }
0xd0: {  	[dreg:$0x1] =	wrdreg $0xFFFFFFFF  }
0xd1: {  	_ =	task.clear_ibuf [dreg:s22], $0x2FFFF;
	_ =	strace $0x9FFFFFFF  }
0xd2: {  	(tm) =	ssettm $0x7FFFFFFF  }
0xd3: {  	_ =	shalt  }
tec
execute0_lowered:
.L_overlay_start_1:
0x0: {  	(tag) =	ssettag $0x1  }
0x1: {  	s5 =	rddreg [dreg:$0x0];
	s1 =	srdreg.scid  }
0x2: {  	s0 =	stileid.u32;
	s4 =	rddreg [dreg:$0x1]  }
0x3: {  	s2 =	rddreg [dreg:$0x2];
	s3 =	simm.s32 $0x0;
	s18 =	simm.s32 $0x80  }
0x4: {  	s19 =	simm.s32 $0x14200;
	s20 =	simm.s32 $0x18200;
	s9 =	smul.u32 $0x4F000, s0  }
0x5: {  	s21 =	simm.s32 $0x1;
	s11 =	sand.u32 $0x1, s1;
	s10 =	smul.u32 $0x2780, s0  }
0x6: {  	s22 =	sshll.u32 s0, $0x1;
	[smem:$0x7FF] =	sst s3;
	s14 =	smul.u32 $0x96000, s0  }
0x7: {  	s12 =	sadd.s32 $0xEDC00, s4;
	s13 =	sadd.s32 $0x128400, s2;
	s17 =	smul.u32 $0x12C00, s0  }
0x8: {  	p0 =	seq.s32 s0, $0xF;
	s6 =	sor.u32 s11, s22;
	s16 =	smul.u32 $0x4B000, s11  }
0x9: {  	_ =	strace $0x8000004D;
	s8 =	ssub.s32 $0x2, s11;
	s28 =	smul.u32 $0x9600, s11  }
0xa: {  	s13 =	sshrl.u32 @p0 s13, $0x3;
	s22 =	simm.s32 $0x2;
	s7 =	smul.u32 $0x960, s6  }
0xb: {  	s23 =	sshrl.u32 s8, $0x1;
	s24 =	sshrl.u32 s9, $0x2;
	s25 =	smul.u32 $0x4B000, s6  }
0xc: {  	s26 =	smul.u32 $0x9600, s6;
	s30 =	sadd.s32 s17, s12;
	s17 =	simm.s32 $0x3  }
0xd: {  	s8 =	ssub.s32 s8, s23;
	s15 =	sadd.s32 s24, s2;
	s14 =	sadd.s32 s16, s14  }
0xe: {  	s31 =	sadd.s32 s28, s30;
	s16 =	simm.s32 $0x13880;
	s23 =	simm.s32 $0x14100  }
0xf: {  	s24 =	simm.s32 $0x60;
	s7 =	sshrl.u32 s7, $0x3;
	s9 =	sshrl.u32 s25, $0x3  }
0x10: {  	s8 =	smax.u32 s8, $0x1;
	s29 =	sshrl.u32 s14, $0x3;
	s14 =	sshll.u32 @!p0 s0, $0x6  }
0x11: {  	s15 =	sshrl.u32 @!p0 s15, $0x3;
	s25 =	simm.s32 $0x14180;
	s7 =	sadd.s32 s7, s4  }
0x12: {  	s4 =	sadd.s32 s5, s10;
	s5 =	sadd.s32 $0x25080, s5;
	s9 =	sadd.s32 s12, s9  }
0x13: {  	s10 =	sadd.s32 s12, s26;
	s11 =	sadd.s32 s29, s12;
	s12 =	sadd.s32 $0x800, s31  }
0x14: {  	s14 =	sor.u32 @!p0 $0x1C03, s14;
	s26 =	simm.s32 $0x0;
	s6 =	sadd.s32 $0xE6A00, s7  }
0x15: {  	s7 =	sadd.s32 $0x9000, s9;
	s9 =	sadd.s32 $0x8000, s9;
	s10 =	sadd.s32 $0x8800, s10  }
.LBB2_1:
0x16: {  	s28 =	simm.s32 @p0 $0x1FC3  }
0x17: {  	[spmem:s13], [sflag:s28] =	dma.local @p0 [hbm:s5], $0x2080  }
0x18: {  	s28 =	simm.s32 @p0 $0x3  }
0x19: {  	_ =	swait.ge @p0 [sflag:s28], $0x2080  }
0x1a: {  	[sflag:s28] =	ssyncset.done @p0 $0x0  }
0x1b: {  	[sflag:s28] =	ssyncadd.s32 @p0 $0xFFFFDF80;
	s28 =	simm.s32 @!p0 $0x3  }
0x1c: {  	[spmem:s15], [sflag:s14] =	dma.local @!p0 [hbm:s4], $0x2780  }
0x1d: {  	_ =	swait.ge @!p0 [sflag:s28], $0x2780  }
0x1e: {  	[sflag:s28] =	ssyncset.done @!p0 $0x0  }
0x1f: {  	[sflag:s28] =	ssyncadd.s32 @!p0 $0xFFFFD880  }
0x20: {  	[tilespmem:s16], [sflag:$0x3] =	stream.linear.gather [hbm4b:s6+s3], $0x960, $0x38;
	[tilespmem:$0x1C200] =	vst v63  }
0x21: {  	_ =	swait.ge [sflag:s17], $0x960  }
0x22: {  	[sflag:s17] =	ssyncset.done $0x0  }
0x23: {  	[sflag:s17] =	ssyncadd.s32 $0xFFFFF6A0  }
0x24: {  	[bflag:$0x0] =	sbarrier.arrive $0xFFFF  }
0x25: {  	[tilespmem:s19], [sflag:$0x1] =	stream.indirect.gather [spmem:s2], $0x80, s16, s18, $0xb8;
	[tilespmem:$0x1C200] =	vst v63  }
0x26: {  	s28 =	simm.s32 $0x13900  }
0x27: {  	[tilespmem:s20], [sflag:$0x2] =	stream.indirect.gather [spmem:s2], $0x80, s28, s18, $0xb8;
	[tilespmem:$0x1C200] =	vst v63  }
0x28: {  	_ =	swait.ge [sflag:s21], $0x4000  }
0x29: {  	[sflag:s21] =	ssyncset.done $0x0  }
0x2a: {  	s28 =	sadd.s32 $0x0, s11;
	[sflag:s21] =	ssyncadd.s32 $0xFFFFC000  }
0x2b: {  	[hbm4b:s28+s3] =	stream.linear.scatter [tilespmem:s19], [sflag:$0x3], $0x4000, $0x38;
	[tilespmem:$0x1C200] =	vst v63  }
0x2c: {  	_ =	swait.ge [sflag:s17], $0x4000  }
0x2d: {  	[sflag:s17] =	ssyncset.done $0x0  }
0x2e: {  	s28 =	simm.s32 $0x13980;
	[sflag:s17] =	ssyncadd.s32 $0xFFFFC000  }
0x2f: {  	[tilespmem:s19], [sflag:$0x1] =	stream.indirect.gather [spmem:s2], $0x80, s28, s18, $0xb8;
	[tilespmem:$0x1C200] =	vst v63  }
0x30: {  	_ =	swait.ge [sflag:s22], $0x4000  }
0x31: {  	[sflag:s22] =	ssyncset.done $0x0  }
0x32: {  	s28 =	sadd.s32 $0x0, s12;
	[sflag:s22] =	ssyncadd.s32 $0xFFFFC000  }
0x33: {  	[hbm4b:s28+s3] =	stream.linear.scatter [tilespmem:s20], [sflag:$0x3], $0x4000, $0x38;
	[tilespmem:$0x1C200] =	vst v63  }
0x34: {  	s30 =	simm.s32 $0x2000;
	_ =	swait.ge [sflag:s17], $0x4000  }
0x35: {  	s29 =	simm.s32 $0x13A80;
	s28 =	simm.s32 $0x1000;
	[sflag:s17] =	ssyncset.done $0x0  }
.LBB2_2:
0x36: {  	p1 =	sne.s32 s30, $0x7000;
	s31 =	sadd.s32 $0xFFFFFF80, s29;
	[sflag:s17] =	ssyncadd.s32 $0xFFFFC000  }
0x37: {  	[tilespmem:s20], [sflag:$0x2] =	stream.indirect.gather [spmem:s2], $0x80, s31, s18, $0xb8;
	[tilespmem:$0x1C200] =	vst v63  }
0x38: {  	s31 =	smov.u32 s30;
	s30 =	sadd.s32 $0x1000, s30;
	_ =	swait.ge [sflag:s21], $0x4000  }
0x39: {  	[sflag:s21] =	ssyncset.done $0x0  }
0x3a: {  	s1 =	sadd.s32 s28, s11;
	[sflag:s21] =	ssyncadd.s32 $0xFFFFC000  }
0x3b: {  	[hbm4b:s1+s3] =	stream.linear.scatter [tilespmem:s19], [sflag:$0x3], $0x4000, $0x38;
	[tilespmem:$0x1C200] =	vst v63  }
0x3c: {  	_ =	swait.ge [sflag:s17], $0x4000  }
0x3d: {  	[sflag:s17] =	ssyncset.done $0x0  }
0x3e: {  	[sflag:s17] =	ssyncadd.s32 $0xFFFFC000  }
0x3f: {  	[tilespmem:s19], [sflag:$0x1] =	stream.indirect.gather [spmem:s2], $0x80, s29, s18, $0xb8;
	[tilespmem:$0x1C200] =	vst v63  }
0x40: {  	_ =	swait.ge [sflag:s22], $0x4000  }
.Ltmp0:
0x41: {  	[sflag:s22] =	ssyncset.done $0x0;
	(pc) =	sbr.rel @p1 .LBB2_2-.Ltmp0, $4  }
0x42: {  	s1 =	sadd.s32 s28, s12;
	s28 =	smov.u32 s31;
	[sflag:s22] =	ssyncadd.s32 $0xFFFFC000  }
0x43: {  	[hbm4b:s1+s3] =	stream.linear.scatter [tilespmem:s20], [sflag:$0x3], $0x4000, $0x38;
	[tilespmem:$0x1C200] =	vst v63  }
0x44: {  	_ =	swait.ge [sflag:s17], $0x4000  }
0x45: {  	s29 =	sadd.s32 $0x100, s29;
	[sflag:s17] =	ssyncset.done $0x0  }
0x46: {  	s1 =	sadd.s32 $0xFFFFFF80, s29;
	[sflag:s17] =	ssyncadd.s32 $0xFFFFC000  }
0x47: {  	[tilespmem:s20], [sflag:$0x2] =	stream.indirect.gather [spmem:s2], $0x80, s1, s18, $0xb8;
	[tilespmem:$0x1C200] =	vst v63  }
0x48: {  	_ =	swait.ge [sflag:s21], $0x4000  }
0x49: {  	[sflag:s21] =	ssyncset.done $0x0  }
0x4a: {  	s30 =	sadd.s32 s28, s11;
	[sflag:s21] =	ssyncadd.s32 $0xFFFFC000  }
0x4b: {  	[hbm4b:s30+s3] =	stream.linear.scatter [tilespmem:s19], [sflag:$0x3], $0x4000, $0x38;
	[tilespmem:$0x1C200] =	vst v63  }
0x4c: {  	_ =	swait.ge [sflag:s17], $0x4000  }
0x4d: {  	[sflag:s17] =	ssyncset.done $0x0  }
0x4e: {  	[sflag:s17] =	ssyncadd.s32 $0xFFFFC000  }
0x4f: {  	[tilespmem:s19], [sflag:$0x1] =	stream.indirect.gather [spmem:s2], $0x80, s29, s18, $0xb8;
	[tilespmem:$0x1C200] =	vst v63  }
0x50: {  	_ =	swait.ge [sflag:s22], $0x4000  }
0x51: {  	[sflag:s22] =	ssyncset.done $0x0  }
0x52: {  	s31 =	sadd.s32 s28, s12;
	[sflag:s22] =	ssyncadd.s32 $0xFFFFC000  }
0x53: {  	[hbm4b:s31+s3] =	stream.linear.scatter [tilespmem:s20], [sflag:$0x3], $0x4000, $0x38;
	[tilespmem:$0x1C200] =	vst v63  }
0x54: {  	_ =	swait.ge [sflag:s17], $0x4000  }
0x55: {  	[sflag:s17] =	ssyncset.done $0x0  }
0x56: {  	[sflag:s17] =	ssyncadd.s32 $0xFFFFC000  }
0x57: {  	[tilespmem:s20], [sflag:$0x2] =	stream.indirect.gather [spmem:s2], $0x80, s23, s18, $0xb8;
	[tilespmem:$0x1C200] =	vst v63  }
0x58: {  	_ =	swait.ge [sflag:s21], $0x4000  }
0x59: {  	[sflag:s21] =	ssyncset.done $0x0  }
0x5a: {  	[sflag:s21] =	ssyncadd.s32 $0xFFFFC000  }
0x5b: {  	[hbm4b:s9+s3] =	stream.linear.scatter [tilespmem:s19], [sflag:$0x3], $0x4000, $0x38;
	[tilespmem:$0x1C200] =	vst v63  }
0x5c: {  	_ =	swait.ge [sflag:s17], $0x4000  }
0x5d: {  	[sflag:s17] =	ssyncset.done $0x0  }
0x5e: {  	[sflag:s17] =	ssyncadd.s32 $0xFFFFC000  }
0x5f: {  	_ =	swait.ge [sflag:s22], $0x4000  }
0x60: {  	[sflag:s22] =	ssyncset.done $0x0  }
0x61: {  	[sflag:s22] =	ssyncadd.s32 $0xFFFFC000  }
0x62: {  	[hbm4b:s10+s3] =	stream.linear.scatter [tilespmem:s20], [sflag:$0x3], $0x4000, $0x38;
	[tilespmem:$0x1C200] =	vst v63  }
0x63: {  	_ =	swait.ge [sflag:s17], $0x4000  }
0x64: {  	[sflag:s17] =	ssyncset.done $0x0  }
0x65: {  	[sflag:s17] =	ssyncadd.s32 $0xFFFFC000  }
0x66: {  	[tilespmem:s20], [sflag:$0x2] =	stream.indirect.gather [spmem:s2], $0x80, s25, s24, $0xb8;
	[tilespmem:$0x1C200] =	vst v63  }
0x67: {  	s26 =	sadd.s32 $0x1, s26;
	_ =	swait.ge [sflag:s22], $0x3000  }
0x68: {  	p1 =	sne.s32 s26, s8;
	[sflag:s22] =	ssyncset.done $0x0  }
.Ltmp1:
0x69: {  	[sflag:s22] =	ssyncadd.s32 $0xFFFFD000;
	(pc) =	sbr.rel @p1 .LBB2_1-.Ltmp1, $4  }
0x6a: {  	[hbm4b:s7+s3] =	stream.linear.scatter [tilespmem:s20], [sflag:$0x3], $0x3000, $0x38;
	[tilespmem:$0x1C200] =	vst v63  }
0x6b: {  	_ =	swait.ge [sflag:s17], $0x3000  }
0x6c: {  	[sflag:s17] =	ssyncset.done $0x0  }
0x6d: {  	[sflag:s17] =	ssyncadd.s32 $0xFFFFD000  }
0x6e: {  	_ =	sfence.sel $0x180000  }
0x6f: {  	[bflag:$0x0] =	sbarrier.arrive $0xFFFF  }
0x70: {  	_ =	strace $0x9000004D  }
0x71: {  	[bflag:$0x2] =	sbarrier.arrive $0xFFFF  }
0x72: {  	p0 =	sne.s32 s0, $0x0;
	s0 =	rddreg [dreg:$0x3]  }
0x73: {  	s0 =	sadd.s32 @!p0 $0x100000, s0  }
0x74: {  	[sflag:s0] =	ssyncadd.tile.s32 @!p0 $0x1;
	_ =	shalt  }
.Lfunc_end2:
_tile_overlayer_lowered:
.L_overlay_start_2:
0x75: {  	(tag) =	ssettag $0x2  }
0x76: {  	s0 =	rddreg [dreg:$0x0];
	s2 =	stileid.u32  }
0x77: {  	s1 =	rddreg [dreg:$0x1];
	p0 =	sne.s32 s2, $0x0  }
0x78: {  	s3 =	rddreg [dreg:$0x2];
	[bflag:$0x3] =	sbarrier.arrive $0xFFFF;
	s2 =	simm.s32 @!p0 $0x1C03  }
0x79: {  	[timem:s3], [sflag:s2] =	dma.local @!p0 [hbm:s0], s1  }
0x7a: {  	s0 =	simm.s32 @!p0 $0x3  }
0x7b: {  	_ =	swait.ge @!p0 [sflag:s0], s1  }
0x7c: {  	s1 =	ssub.s32 @!p0 $0x0, s1;
	[sflag:s0] =	ssyncset.done @!p0 $0x0  }
0x7d: {  	[sflag:s0] =	ssyncadd.s32 @!p0 s1  }
0x7e: {  	[bflag:$0x3] =	sbarrier.arrive $0xFFFF  }
0x7f: {  	_ =	shalt  }

// kernel: kernel.21.cloned.1.call-start
scs
__scs_entry_jumppad:
0x0: {  	(pc) =	sbr.rel $0x88, $3  }
0x1: {  	(tag) =	ssettag $0x0;
	lr =	simm.s32 $0x1  }
0x2: {  	[smem:$0x3F95] =	sst lr;
	_ =	strace $0xD0000000  }
0x3: {  	_ = 	snop  }
0x4: {  	_ = 	snop  }
0x5: {  	_ = 	snop  }
0x6: {  	_ = 	snop  }
0x7: {  	_ = 	snop  }
__scs_overlays_trampoline_lowered:
0x8: {  	[smem:$0x3FA4] =	sst s0  }
0x9: {  	[smem:$0x3FA5] =	sst s1  }
0xa: {  	[smem:$0x3FA6] =	sst s2  }
0xb: {  	[smem:$0x3FA7] =	sst s3  }
0xc: {  	[smem:$0x3FA8] =	sst s4  }
0xd: {  	[smem:$0x3FA9] =	sst s5  }
0xe: {  	[smem:$0x3FAA] =	sst s6  }
0xf: {  	[smem:$0x3FAB] =	sst s7  }
0x10: {  	[smem:$0x3FAC] =	sst s8  }
0x11: {  	[smem:$0x3FAD] =	sst s9;
	s0 =	simm.s32 @!p0 $0x0  }
0x12: {  	s1 =	sld [smem:$0x3F93];
	s0 =	simm.s32 @p0 $0x1  }
0x13: {  	[smem:$0x3FAE] =	sst s0;
	s0 =	simm.s32 @!p1 $0x0  }
0x14: {  	s2 =	sld [smem:$0x3F92];
	s0 =	simm.s32 @p1 $0x1  }
0x15: {  	[smem:$0x3FAF] =	sst s0;
	s0 =	simm.s32 @!p2 $0x0  }
0x16: {  	s3 =	sld [smem:$0x3FDB];
	s0 =	simm.s32 @p2 $0x1  }
0x17: {  	s4 =	simm.s32 $0x1BF5;
	[smem:$0x3FB1] =	sst s0  }
0x18: {  	s0 =	sld [smem:$0x3F94];
	_ =	swait.ge [sflag:s4], $0x0  }
0x19: {  	s7 =	sld [smem:$0x3F95]  }
0x1a: {  	s8 =	sadd.s32 $0xFFFFE003, lr  }
0x1b: {  	s9 =	sadd.s32 $0xFFFFFEF7, lr;
	s5 =	simm.s32 $0xFFFFFFFF;
	p2 =	slt.u32 s8, $0xFFFFF086  }
0x1c: {  	p1 =	slt.u32 s9, $0xF7A;
	s5 =	simm.s32 @!p2 $0x0  }
0x1d: {  	s5 =	simm.s32 @p1 $0x1;
	p0 =	seq.s32 s7, s2  }
0x1e: {  	s7 =	smul.u32 @!p0 $0xF7A, s2;
	p2 =	seq.s32 @!p0 s5, $0x0  }
0x1f: {  	s9 =	smul.u32 $0xF7A, s1;
	s8 =	simm.s32 @!p0 $0x1BF5;
	p2 =	por !p2, p0  }
0x20: {  	[sflag:s8] =	ssyncset.s32 @!p0 $0xFFFFF086;
	s6 =	sadd.s32 @!p0 s3, s7;
	s7 =	simm.s32 @!p0 $0x108  }
0x21: {  	s3 =	sadd.s32 s3, s9;
	s6 =	sadd.s32 @!p0 $0x88, s6;
	s7 =	simm.s32 @p2 $0x1082  }
0x22: {  	[simem:s7], [sflag:s8] =	dma.local @!p0 [hbm:s6], $0xF7A  }
0x23: {  	s9 =	sor.u32 $0xD0000000, s2;
	s6 =	simm.s32 $0x108;
	_ =	swait.ge @!p0 [sflag:s8], $0x0  }
0x24: {  	s3 =	sadd.s32 $0x88, s3;
	s6 =	simm.s32 @!p1 $0x1082;
	[sflag:s4] =	ssyncset.s32 $0xFFFFF086  }
0x25: {  	[simem:s6], [sflag:s4] =	dma.local [hbm:s3], $0xF7A  }
0x26: {  	[smem:$0x3F95] =	sst s1;
	(tag) =	ssettag s2;
	_ =	strace s9  }
0x27: {  	s1 =	sld [smem:$0x3FA5]  }
0x28: {  	s2 =	sld [smem:$0x3FA6]  }
0x29: {  	s4 =	sld [smem:$0x3FA8]  }
0x2a: {  	p0 =	seq.s32 s5, $0x0;
	s5 =	sld [smem:$0x3FA9]  }
0x2b: {  	s6 =	sld [smem:$0x3FAA]  }
0x2c: {  	s7 =	sld [smem:$0x3FAB]  }
0x2d: {  	s3 =	simm.s32 $0x108;
	s8 =	sld [smem:$0x3FAC]  }
0x2e: {  	s3 =	simm.s32 @!p0 $0x1082;
	s9 =	sld [smem:$0x3FAD]  }
0x2f: {  	lr =	sadd.s32 s0, s3;
	s0 =	sld [smem:$0x3FA4]  }
0x30: {  	s3 =	sld [smem:$0x3FA7]  }
0x31: {  	[smem:$0x3FB0] =	sst s10  }
0x32: {  	s10 =	sld [smem:$0x3FAE];
	_ =	sdelay $0x3  }
0x33: {  	p0 =	seq.s32 s10, $0x1;
	s10 =	sld [smem:$0x3FB0];
	_ =	sdelay $0x3  }
0x34: {  	[smem:$0x3FB0] =	sst s10  }
0x35: {  	s10 =	sld [smem:$0x3FAF];
	_ =	sdelay $0x3  }
0x36: {  	p1 =	seq.s32 s10, $0x1;
	s10 =	sld [smem:$0x3FB0];
	_ =	sdelay $0x3  }
0x37: {  	[smem:$0x3FB0] =	sst s10  }
0x38: {  	s10 =	sld [smem:$0x3FB1]  }
0x39: {  	_ = 	snop;
	(pc) =	sbr.ind lr, $3  }
0x3a: {  	_ = 	snop  }
0x3b: {  	_ = 	snop  }
0x3c: {  	p2 =	seq.s32 s10, $0x1;
	s10 =	sld [smem:$0x3FB0]  }
0x3d: {  	_ =	shalt  }
0x3e: {  	_ =	shalt  }
0x3f: {  	_ =	shalt  }
0x40: {  	_ =	shalt  }
0x41: {  	_ =	shalt  }
0x42: {  	_ =	shalt  }
0x43: {  	_ =	shalt  }
0x44: {  	_ =	shalt  }
0x45: {  	_ =	shalt  }
0x46: {  	_ =	shalt  }
0x47: {  	_ =	shalt  }
0x48: {  	_ =	shalt  }
0x49: {  	_ =	shalt  }
0x4a: {  	_ =	shalt  }
0x4b: {  	_ =	shalt  }
0x4c: {  	_ =	shalt  }
0x4d: {  	_ =	shalt  }
0x4e: {  	_ =	shalt  }
0x4f: {  	_ =	shalt  }
0x50: {  	_ =	shalt  }
0x51: {  	_ =	shalt  }
0x52: {  	_ =	shalt  }
0x53: {  	_ =	shalt  }
0x54: {  	_ =	shalt  }
0x55: {  	_ =	shalt  }
0x56: {  	_ =	shalt  }
0x57: {  	_ =	shalt  }
0x58: {  	_ =	shalt  }
0x59: {  	_ =	shalt  }
0x5a: {  	_ =	shalt  }
0x5b: {  	_ =	shalt  }
0x5c: {  	_ =	shalt  }
0x5d: {  	_ =	shalt  }
0x5e: {  	_ =	shalt  }
0x5f: {  	_ =	shalt  }
0x60: {  	_ =	shalt  }
0x61: {  	_ =	shalt  }
0x62: {  	_ =	shalt  }
0x63: {  	_ =	shalt  }
0x64: {  	_ =	shalt  }
0x65: {  	_ =	shalt  }
0x66: {  	_ =	shalt  }
0x67: {  	_ =	shalt  }
0x68: {  	_ =	shalt  }
0x69: {  	_ =	shalt  }
0x6a: {  	_ =	shalt  }
0x6b: {  	_ =	shalt  }
0x6c: {  	_ =	shalt  }
0x6d: {  	_ =	shalt  }
0x6e: {  	_ =	shalt  }
0x6f: {  	_ =	shalt  }
0x70: {  	_ =	shalt  }
0x71: {  	_ =	shalt  }
0x72: {  	_ =	shalt  }
0x73: {  	_ =	shalt  }
0x74: {  	_ =	shalt  }
0x75: {  	_ =	shalt  }
0x76: {  	_ =	shalt  }
0x77: {  	_ =	shalt  }
0x78: {  	_ =	shalt  }
0x79: {  	_ =	shalt  }
0x7a: {  	_ =	shalt  }
0x7b: {  	_ =	shalt  }
0x7c: {  	_ =	shalt  }
0x7d: {  	_ =	shalt  }
0x7e: {  	_ =	shalt  }
0x7f: {  	_ =	shalt  }
0x80: {  	_ =	shalt  }
0x81: {  	_ =	shalt  }
0x82: {  	_ =	shalt  }
0x83: {  	_ =	shalt  }
0x84: {  	_ =	shalt  }
0x85: {  	_ =	shalt  }
0x86: {  	_ =	shalt  }
0x87: {  	_ =	shalt  }
.Lfunc_end0:
.L_simem_size_0:
called_computation.3_lowered:
.L_overlay_start_0:
0x88: {  	s2 =	sld [smem:$0x3FD9]  }
0x89: {  	s3 =	sld [smem:$0x3FFE];
	_ =	sdelay $0x1  }
0x8a: {  	s1 =	srdreg.scid  }
0x8b: {  	s0 =	sand.u32 $0x1, s1  }
0x8c: {  	s17 =	sshll.u32 s0, $0xA;
	s2 =	sadd.s32 s3, s2  }
0x8d: {  	s2 =	sadd.s32 s2, s17  }
0x8e: {  	[smem:$0x3FBC] =	sst s2  }
0x8f: {  	_ = 	snop  }
0x90: {  	s18 =	sld [smem:$0x3FC9];
	(tm) =	ssettm $0x1  }
0x91: {  	s19 =	sld [smem:$0x3FFB];
	_ =	sdelay $0x3  }
0x92: {  	_ =	strace s19  }
0x93: {  	s2 =	sld [smem:$0x3FFC];
	_ =	sdelay $0x3  }
0x94: {  	_ =	strace s2  }
0x95: {  	s2 =	sld [smem:$0x3FFD];
	_ =	sdelay $0x3  }
0x96: {  	_ =	strace s2  }
0x97: {  	_ =	strace $0x8FFFFFFF  }
0x98: {  	s20 =	sld [smem:$0x3FDB];
	_ =	sdelay $0x1  }
0x99: {  	s4 =	simm.s32 $_scs_section_size  }
0x9a: {  	s5 =	simm.s32 $_size__tile_overlayer_lowered;
	s6 =	simm.s32 $_tile_overlayer_lowered  }
0x9b: {  	s7 =	simm.s32 $0x1BFF;
	s21 =	sshll.u32 s6, $0x1;
	s4 =	sadd.s32 s4, s20  }
0x9c: {  	s22 =	simm.s32 $0x0;
	s5 =	sshll.u32 s5, $0x1;
	s6 =	sadd.s32 s21, s4  }
0x9d: {  	[timem:s22], [sflag:s7] =	dma.local [hbm:s6], s5  }
0x9e: {  	_ =	swait.ge [sflag:s7], s5  }
0x9f: {  	s5 =	ssub.s32 $0x0, s5;
	[sflag:s7] =	ssyncset.done $0x0  }
0xa0: {  	[sflag:s7] =	ssyncadd.s32 s5;
	_ =	sdelay $0x1  }
0xa1: {  	s23 =	simm.s32 $0x1B8B  }
0xa2: {  	_ =	swait.ge [sflag:s23], $0x1  }
0xa3: {  	[sflag:s23] =	ssyncset.done $0x0  }
0xa4: {  	[sflag:s23] =	ssyncadd.s32 $0xFFFFFFFF  }
0xa5: {  	s5 =	sld [smem:$0x0]  }
0xa6: {  	s6 =	sand.u32 $0xFFFFFFFE, s1  }
0xa7: {  	p0 =	sne.s32 s1, s6  }
0xa8: {  	s6 =	sshll.u32 @p0 s6, $0xE  }
0xa9: {  	s6 =	sadd.s32 @p0 $0x11B8D, s6;
	s7 =	sshll.u32 @p0 s5, $0x11  }
0xaa: {  	s6 =	sor.u32 @p0 s7, s6  }
0xab: {  	[sflag:s6] =	ssyncadd.remote.s32 @p0 $0x1;
	_ =	sdelay $0x1  }
0xac: {  	s6 =	simm.s32 @p0 $0x1B8D  }
0xad: {  	_ =	swait.eq @p0 [sflag:s6], $0x1  }
0xae: {  	[sflag:s6] =	ssyncadd.s32 @p0 $0xFFFFFFFF  }
0xaf: {  	s7 =	sshll.u32 @!p0 s1, $0xE  }
0xb0: {  	s7 =	sor.u32 @!p0 $0x4000, s7;
	s6 =	simm.s32 @!p0 $0x1B8D  }
0xb1: {  	s5 =	sshll.u32 @!p0 s5, $0x11;
	s7 =	sadd.s32 @!p0 $0x11B8D, s7;
	_ =	swait.eq @!p0 [sflag:s6], $0x1  }
0xb2: {  	s5 =	sor.u32 @!p0 s5, s7;
	[sflag:s6] =	ssyncadd.s32 @!p0 $0xFFFFFFFF  }
0xb3: {  	s25 =	simm.s32 $0x1B8E;
	s24 =	sld [smem:$0x3FFE];
	[sflag:s5] =	ssyncadd.remote.s32 @!p0 $0x1  }
0xb4: {  	s26 =	simm.s32 $execute0_lowered;
	[smem:$0x3FD2] =	sst s25  }
0xb5: {  	s6 =	sshll.u32 s26, $0x1;
	_ =	strace $0x8000004F;
	[dreg:$0x1] =	wrdreg $0xFFFFFFFF  }
0xb6: {  	s28 =	simm.s32 $_size_execute0_lowered;
	s4 =	sadd.s32 s4, s6;
	[dreg:$0x0] =	wrdreg $0x0  }
0xb7: {  	s6 =	sshll.u32 s28, $0x1;
	[dreg:$0x2] =	wrdreg s4  }
0xb8: {  	[dreg:$0x3] =	wrdreg s6  }
0xb9: {  	[dreg:$0x4] =	wrdreg $0xC0  }
0xba: {  	_ =	task [dreg:s22], $0x5FFFF  }
0xbb: {  	[dreg:$0x1] =	wrdreg $0xFFFFFFFF  }
0xbc: {  	[dreg:$0x0] =	wrdreg $0x60  }
0xbd: {  	[dreg:$0x2] =	wrdreg s18  }
0xbe: {  	[dreg:$0x3] =	wrdreg s24  }
0xbf: {  	[dreg:$0x4] =	wrdreg $0x0  }
0xc0: {  	[dreg:$0x5] =	wrdreg $0xC  }
0xc1: {  	_ =	task.clear_ibuf [dreg:s22], $0x6FFFF;
	_ =	strace $0x9000004F  }
0xc2: {  	s29 =	simm.s32 $0xC;
	_ =	strace $0x80000051  }
0xc3: {  	_ =	swait.ge [sflag:s29], $0x1  }
0xc4: {  	[sflag:s29] =	ssyncadd.s32 $0xFFFFFFFF  }
0xc5: {  	_ =	strace $0x90000051  }
0xc6: {  	_ =	sfence  }
0xc7: {  	s30 =	sld [smem:$0x0];
	_ =	sdelay $0x2  }
0xc8: {  	s31 =	sshll.u32 s1, $0xD;
	s1 =	sshrl.u32 s1, $0x2  }
0xc9: {  	s4 =	sand.u32 $0x4000, s31;
	s1 =	sadd.s32 s1, s30  }
0xca: {  	s0 =	sor.u32 s4, s0;
	s1 =	sshll.u32 s1, $0x11  }
0xcb: {  	s0 =	sor.u32 s1, s0  }
0xcc: {  	s0 =	sadd.s32 $0x8F2B, s0  }
0xcd: {  	[sflag:s0] =	ssyncadd.remote.s32 $0x1  }
0xce: {  	_ =	sfence.sel $0xFFFF  }
0xcf: {  	[dreg:$0x0] =	wrdreg $0xFFFFFFFF;
	(pc) =	sbr.abs _section_cstart, $3  }
0xd0: {  	[dreg:$0x1] =	wrdreg $0xFFFFFFFF  }
0xd1: {  	_ =	task.clear_ibuf [dreg:s22], $0x2FFFF;
	_ =	strace $0x9FFFFFFF  }
0xd2: {  	(tm) =	ssettm $0x7FFFFFFF  }
0xd3: {  	_ =	shalt  }
tec
execute0_lowered:
.L_overlay_start_1:
0x0: {  	(tag) =	ssettag $0x1  }
0x1: {  	s5 =	rddreg [dreg:$0x0];
	s1 =	srdreg.scid  }
0x2: {  	s0 =	stileid.u32;
	s4 =	rddreg [dreg:$0x1]  }
0x3: {  	s2 =	rddreg [dreg:$0x2];
	s3 =	simm.s32 $0x0;
	s18 =	simm.s32 $0x80  }
0x4: {  	s19 =	simm.s32 $0x14200;
	s20 =	simm.s32 $0x18200;
	s9 =	smul.u32 $0x4F000, s0  }
0x5: {  	s21 =	simm.s32 $0x1;
	s11 =	sand.u32 $0x1, s1;
	s10 =	smul.u32 $0x2780, s0  }
0x6: {  	s22 =	sshll.u32 s0, $0x1;
	s12 =	sadd.s32 $0x219C00, s4;
	s14 =	smul.u32 $0x96000, s0  }
0x7: {  	[smem:$0x7FF] =	sst s3;
	s13 =	sadd.s32 $0x128400, s2;
	s17 =	smul.u32 $0x12C00, s0  }
0x8: {  	p0 =	seq.s32 s0, $0xF;
	s6 =	sor.u32 s11, s22;
	s16 =	smul.u32 $0x4B000, s11  }
0x9: {  	_ =	strace $0x80000050;
	s8 =	ssub.s32 $0x2, s11;
	s28 =	smul.u32 $0x9600, s11  }
0xa: {  	s13 =	sshrl.u32 @p0 s13, $0x3;
	s22 =	simm.s32 $0x2;
	s7 =	smul.u32 $0x960, s6  }
0xb: {  	s23 =	sshrl.u32 s8, $0x1;
	s24 =	sshrl.u32 s9, $0x2;
	s25 =	smul.u32 $0x4B000, s6  }
0xc: {  	s26 =	smul.u32 $0x9600, s6;
	s30 =	sadd.s32 s17, s12;
	s17 =	simm.s32 $0x3  }
0xd: {  	s8 =	ssub.s32 s8, s23;
	s15 =	sadd.s32 s24, s2;
	s14 =	sadd.s32 s16, s14  }
0xe: {  	s31 =	sadd.s32 s28, s30;
	s16 =	simm.s32 $0x13880;
	s23 =	simm.s32 $0x14100  }
0xf: {  	s24 =	simm.s32 $0x60;
	s7 =	sshrl.u32 s7, $0x3;
	s9 =	sshrl.u32 s25, $0x3  }
0x10: {  	s8 =	smax.u32 s8, $0x1;
	s29 =	sshrl.u32 s14, $0x3;
	s14 =	sshll.u32 @!p0 s0, $0x6  }
0x11: {  	s15 =	sshrl.u32 @!p0 s15, $0x3;
	s25 =	simm.s32 $0x14180;
	s7 =	sadd.s32 s7, s4  }
0x12: {  	s4 =	sadd.s32 s5, s10;
	s5 =	sadd.s32 $0x25080, s5;
	s9 =	sadd.s32 s12, s9  }
0x13: {  	s10 =	sadd.s32 s12, s26;
	s11 =	sadd.s32 s29, s12;
	s12 =	sadd.s32 $0x800, s31  }
0x14: {  	s14 =	sor.u32 @!p0 $0x1C03, s14;
	s26 =	simm.s32 $0x0;
	s6 =	sadd.s32 $0xE9000, s7  }
0x15: {  	s7 =	sadd.s32 $0x9000, s9;
	s9 =	sadd.s32 $0x8000, s9;
	s10 =	sadd.s32 $0x8800, s10  }
.LBB2_1:
0x16: {  	s28 =	simm.s32 @p0 $0x1FC3  }
0x17: {  	[spmem:s13], [sflag:s28] =	dma.local @p0 [hbm:s5], $0x2080  }
0x18: {  	s28 =	simm.s32 @p0 $0x3  }
0x19: {  	_ =	swait.ge @p0 [sflag:s28], $0x2080  }
0x1a: {  	[sflag:s28] =	ssyncset.done @p0 $0x0  }
0x1b: {  	[sflag:s28] =	ssyncadd.s32 @p0 $0xFFFFDF80;
	s28 =	simm.s32 @!p0 $0x3  }
0x1c: {  	[spmem:s15], [sflag:s14] =	dma.local @!p0 [hbm:s4], $0x2780  }
0x1d: {  	_ =	swait.ge @!p0 [sflag:s28], $0x2780  }
0x1e: {  	[sflag:s28] =	ssyncset.done @!p0 $0x0  }
0x1f: {  	[sflag:s28] =	ssyncadd.s32 @!p0 $0xFFFFD880  }
0x20: {  	[tilespmem:s16], [sflag:$0x3] =	stream.linear.gather [hbm4b:s6+s3], $0x960, $0x38;
	[tilespmem:$0x1C200] =	vst v63  }
0x21: {  	_ =	swait.ge [sflag:s17], $0x960  }
0x22: {  	[sflag:s17] =	ssyncset.done $0x0  }
0x23: {  	[sflag:s17] =	ssyncadd.s32 $0xFFFFF6A0  }
0x24: {  	[bflag:$0x0] =	sbarrier.arrive $0xFFFF  }
0x25: {  	[tilespmem:s19], [sflag:$0x1] =	stream.indirect.gather [spmem:s2], $0x80, s16, s18, $0xb8;
	[tilespmem:$0x1C200] =	vst v63  }
0x26: {  	s28 =	simm.s32 $0x13900  }
0x27: {  	[tilespmem:s20], [sflag:$0x2] =	stream.indirect.gather [spmem:s2], $0x80, s28, s18, $0xb8;
	[tilespmem:$0x1C200] =	vst v63  }
0x28: {  	_ =	swait.ge [sflag:s21], $0x4000  }
0x29: {  	[sflag:s21] =	ssyncset.done $0x0  }
0x2a: {  	s28 =	sadd.s32 $0x0, s11;
	[sflag:s21] =	ssyncadd.s32 $0xFFFFC000  }
0x2b: {  	[hbm4b:s28+s3] =	stream.linear.scatter [tilespmem:s19], [sflag:$0x3], $0x4000, $0x38;
	[tilespmem:$0x1C200] =	vst v63  }
0x2c: {  	_ =	swait.ge [sflag:s17], $0x4000  }
0x2d: {  	[sflag:s17] =	ssyncset.done $0x0  }
0x2e: {  	s28 =	simm.s32 $0x13980;
	[sflag:s17] =	ssyncadd.s32 $0xFFFFC000  }
0x2f: {  	[tilespmem:s19], [sflag:$0x1] =	stream.indirect.gather [spmem:s2], $0x80, s28, s18, $0xb8;
	[tilespmem:$0x1C200] =	vst v63  }
0x30: {  	_ =	swait.ge [sflag:s22], $0x4000  }
0x31: {  	[sflag:s22] =	ssyncset.done $0x0  }
0x32: {  	s28 =	sadd.s32 $0x0, s12;
	[sflag:s22] =	ssyncadd.s32 $0xFFFFC000  }
0x33: {  	[hbm4b:s28+s3] =	stream.linear.scatter [tilespmem:s20], [sflag:$0x3], $0x4000, $0x38;
	[tilespmem:$0x1C200] =	vst v63  }
0x34: {  	s30 =	simm.s32 $0x2000;
	_ =	swait.ge [sflag:s17], $0x4000  }
0x35: {  	s29 =	simm.s32 $0x13A80;
	s28 =	simm.s32 $0x1000;
	[sflag:s17] =	ssyncset.done $0x0  }
.LBB2_2:
0x36: {  	p1 =	sne.s32 s30, $0x7000;
	s31 =	sadd.s32 $0xFFFFFF80, s29;
	[sflag:s17] =	ssyncadd.s32 $0xFFFFC000  }
0x37: {  	[tilespmem:s20], [sflag:$0x2] =	stream.indirect.gather [spmem:s2], $0x80, s31, s18, $0xb8;
	[tilespmem:$0x1C200] =	vst v63  }
0x38: {  	s31 =	smov.u32 s30;
	s30 =	sadd.s32 $0x1000, s30;
	_ =	swait.ge [sflag:s21], $0x4000  }
0x39: {  	[sflag:s21] =	ssyncset.done $0x0  }
0x3a: {  	s1 =	sadd.s32 s28, s11;
	[sflag:s21] =	ssyncadd.s32 $0xFFFFC000  }
0x3b: {  	[hbm4b:s1+s3] =	stream.linear.scatter [tilespmem:s19], [sflag:$0x3], $0x4000, $0x38;
	[tilespmem:$0x1C200] =	vst v63  }
0x3c: {  	_ =	swait.ge [sflag:s17], $0x4000  }
0x3d: {  	[sflag:s17] =	ssyncset.done $0x0  }
0x3e: {  	[sflag:s17] =	ssyncadd.s32 $0xFFFFC000  }
0x3f: {  	[tilespmem:s19], [sflag:$0x1] =	stream.indirect.gather [spmem:s2], $0x80, s29, s18, $0xb8;
	[tilespmem:$0x1C200] =	vst v63  }
0x40: {  	_ =	swait.ge [sflag:s22], $0x4000  }
.Ltmp0:
0x41: {  	[sflag:s22] =	ssyncset.done $0x0;
	(pc) =	sbr.rel @p1 .LBB2_2-.Ltmp0, $4  }
0x42: {  	s1 =	sadd.s32 s28, s12;
	s28 =	smov.u32 s31;
	[sflag:s22] =	ssyncadd.s32 $0xFFFFC000  }
0x43: {  	[hbm4b:s1+s3] =	stream.linear.scatter [tilespmem:s20], [sflag:$0x3], $0x4000, $0x38;
	[tilespmem:$0x1C200] =	vst v63  }
0x44: {  	_ =	swait.ge [sflag:s17], $0x4000  }
0x45: {  	s29 =	sadd.s32 $0x100, s29;
	[sflag:s17] =	ssyncset.done $0x0  }
0x46: {  	s1 =	sadd.s32 $0xFFFFFF80, s29;
	[sflag:s17] =	ssyncadd.s32 $0xFFFFC000  }
0x47: {  	[tilespmem:s20], [sflag:$0x2] =	stream.indirect.gather [spmem:s2], $0x80, s1, s18, $0xb8;
	[tilespmem:$0x1C200] =	vst v63  }
0x48: {  	_ =	swait.ge [sflag:s21], $0x4000  }
0x49: {  	[sflag:s21] =	ssyncset.done $0x0  }
0x4a: {  	s30 =	sadd.s32 s28, s11;
	[sflag:s21] =	ssyncadd.s32 $0xFFFFC000  }
0x4b: {  	[hbm4b:s30+s3] =	stream.linear.scatter [tilespmem:s19], [sflag:$0x3], $0x4000, $0x38;
	[tilespmem:$0x1C200] =	vst v63  }
0x4c: {  	_ =	swait.ge [sflag:s17], $0x4000  }
0x4d: {  	[sflag:s17] =	ssyncset.done $0x0  }
0x4e: {  	[sflag:s17] =	ssyncadd.s32 $0xFFFFC000  }
0x4f: {  	[tilespmem:s19], [sflag:$0x1] =	stream.indirect.gather [spmem:s2], $0x80, s29, s18, $0xb8;
	[tilespmem:$0x1C200] =	vst v63  }
0x50: {  	_ =	swait.ge [sflag:s22], $0x4000  }
0x51: {  	[sflag:s22] =	ssyncset.done $0x0  }
0x52: {  	s31 =	sadd.s32 s28, s12;
	[sflag:s22] =	ssyncadd.s32 $0xFFFFC000  }
0x53: {  	[hbm4b:s31+s3] =	stream.linear.scatter [tilespmem:s20], [sflag:$0x3], $0x4000, $0x38;
	[tilespmem:$0x1C200] =	vst v63  }
0x54: {  	_ =	swait.ge [sflag:s17], $0x4000  }
0x55: {  	[sflag:s17] =	ssyncset.done $0x0  }
0x56: {  	[sflag:s17] =	ssyncadd.s32 $0xFFFFC000  }
0x57: {  	[tilespmem:s20], [sflag:$0x2] =	stream.indirect.gather [spmem:s2], $0x80, s23, s18, $0xb8;
	[tilespmem:$0x1C200] =	vst v63  }
0x58: {  	_ =	swait.ge [sflag:s21], $0x4000  }
0x59: {  	[sflag:s21] =	ssyncset.done $0x0  }
0x5a: {  	[sflag:s21] =	ssyncadd.s32 $0xFFFFC000  }
0x5b: {  	[hbm4b:s9+s3] =	stream.linear.scatter [tilespmem:s19], [sflag:$0x3], $0x4000, $0x38;
	[tilespmem:$0x1C200] =	vst v63  }
0x5c: {  	_ =	swait.ge [sflag:s17], $0x4000  }
0x5d: {  	[sflag:s17] =	ssyncset.done $0x0  }
0x5e: {  	[sflag:s17] =	ssyncadd.s32 $0xFFFFC000  }
0x5f: {  	_ =	swait.ge [sflag:s22], $0x4000  }
0x60: {  	[sflag:s22] =	ssyncset.done $0x0  }
0x61: {  	[sflag:s22] =	ssyncadd.s32 $0xFFFFC000  }
0x62: {  	[hbm4b:s10+s3] =	stream.linear.scatter [tilespmem:s20], [sflag:$0x3], $0x4000, $0x38;
	[tilespmem:$0x1C200] =	vst v63  }
0x63: {  	_ =	swait.ge [sflag:s17], $0x4000  }
0x64: {  	[sflag:s17] =	ssyncset.done $0x0  }
0x65: {  	[sflag:s17] =	ssyncadd.s32 $0xFFFFC000  }
0x66: {  	[tilespmem:s20], [sflag:$0x2] =	stream.indirect.gather [spmem:s2], $0x80, s25, s24, $0xb8;
	[tilespmem:$0x1C200] =	vst v63  }
0x67: {  	s26 =	sadd.s32 $0x1, s26;
	_ =	swait.ge [sflag:s22], $0x3000  }
0x68: {  	p1 =	sne.s32 s26, s8;
	[sflag:s22] =	ssyncset.done $0x0  }
.Ltmp1:
0x69: {  	[sflag:s22] =	ssyncadd.s32 $0xFFFFD000;
	(pc) =	sbr.rel @p1 .LBB2_1-.Ltmp1, $4  }
0x6a: {  	[hbm4b:s7+s3] =	stream.linear.scatter [tilespmem:s20], [sflag:$0x3], $0x3000, $0x38;
	[tilespmem:$0x1C200] =	vst v63  }
0x6b: {  	_ =	swait.ge [sflag:s17], $0x3000  }
0x6c: {  	[sflag:s17] =	ssyncset.done $0x0  }
0x6d: {  	[sflag:s17] =	ssyncadd.s32 $0xFFFFD000  }
0x6e: {  	_ =	sfence.sel $0x180000  }
0x6f: {  	[bflag:$0x0] =	sbarrier.arrive $0xFFFF  }
0x70: {  	_ =	strace $0x90000050  }
0x71: {  	[bflag:$0x2] =	sbarrier.arrive $0xFFFF  }
0x72: {  	p0 =	sne.s32 s0, $0x0;
	s0 =	rddreg [dreg:$0x3]  }
0x73: {  	s0 =	sadd.s32 @!p0 $0x100000, s0  }
0x74: {  	[sflag:s0] =	ssyncadd.tile.s32 @!p0 $0x1;
	_ =	shalt  }
.Lfunc_end2:
_tile_overlayer_lowered:
.L_overlay_start_2:
0x75: {  	(tag) =	ssettag $0x2  }
0x76: {  	s0 =	rddreg [dreg:$0x0];
	s2 =	stileid.u32  }
0x77: {  	s1 =	rddreg [dreg:$0x1];
	p0 =	sne.s32 s2, $0x0  }
0x78: {  	s3 =	rddreg [dreg:$0x2];
	[bflag:$0x3] =	sbarrier.arrive $0xFFFF;
	s2 =	simm.s32 @!p0 $0x1C03  }
0x79: {  	[timem:s3], [sflag:s2] =	dma.local @!p0 [hbm:s0], s1  }
0x7a: {  	s0 =	simm.s32 @!p0 $0x3  }
0x7b: {  	_ =	swait.ge @!p0 [sflag:s0], s1  }
0x7c: {  	s1 =	ssub.s32 @!p0 $0x0, s1;
	[sflag:s0] =	ssyncset.done @!p0 $0x0  }
0x7d: {  	[sflag:s0] =	ssyncadd.s32 @!p0 s1  }
0x7e: {  	[bflag:$0x3] =	sbarrier.arrive $0xFFFF  }
0x7f: {  	_ =	shalt  }

// kernel: kernel.24.cloned.1.call-start
scs
__scs_entry_jumppad:
0x0: {  	(pc) =	sbr.rel $0x88, $3  }
0x1: {  	(tag) =	ssettag $0x0;
	lr =	simm.s32 $0x1  }
0x2: {  	[smem:$0x3F95] =	sst lr;
	_ =	strace $0xD0000000  }
0x3: {  	_ = 	snop  }
0x4: {  	_ = 	snop  }
0x5: {  	_ = 	snop  }
0x6: {  	_ = 	snop  }
0x7: {  	_ = 	snop  }
__scs_overlays_trampoline_lowered:
0x8: {  	[smem:$0x3FA4] =	sst s0  }
0x9: {  	[smem:$0x3FA5] =	sst s1  }
0xa: {  	[smem:$0x3FA6] =	sst s2  }
0xb: {  	[smem:$0x3FA7] =	sst s3  }
0xc: {  	[smem:$0x3FA8] =	sst s4  }
0xd: {  	[smem:$0x3FA9] =	sst s5  }
0xe: {  	[smem:$0x3FAA] =	sst s6  }
0xf: {  	[smem:$0x3FAB] =	sst s7  }
0x10: {  	[smem:$0x3FAC] =	sst s8  }
0x11: {  	[smem:$0x3FAD] =	sst s9;
	s0 =	simm.s32 @!p0 $0x0  }
0x12: {  	s1 =	sld [smem:$0x3F93];
	s0 =	simm.s32 @p0 $0x1  }
0x13: {  	[smem:$0x3FAE] =	sst s0;
	s0 =	simm.s32 @!p1 $0x0  }
0x14: {  	s2 =	sld [smem:$0x3F92];
	s0 =	simm.s32 @p1 $0x1  }
0x15: {  	[smem:$0x3FAF] =	sst s0;
	s0 =	simm.s32 @!p2 $0x0  }
0x16: {  	s3 =	sld [smem:$0x3FDB];
	s0 =	simm.s32 @p2 $0x1  }
0x17: {  	s4 =	simm.s32 $0x1BF5;
	[smem:$0x3FB1] =	sst s0  }
0x18: {  	s0 =	sld [smem:$0x3F94];
	_ =	swait.ge [sflag:s4], $0x0  }
0x19: {  	s7 =	sld [smem:$0x3F95]  }
0x1a: {  	s8 =	sadd.s32 $0xFFFFE003, lr  }
0x1b: {  	s9 =	sadd.s32 $0xFFFFFEF7, lr;
	s5 =	simm.s32 $0xFFFFFFFF;
	p2 =	slt.u32 s8, $0xFFFFF086  }
0x1c: {  	p1 =	slt.u32 s9, $0xF7A;
	s5 =	simm.s32 @!p2 $0x0  }
0x1d: {  	s5 =	simm.s32 @p1 $0x1;
	p0 =	seq.s32 s7, s2  }
0x1e: {  	s7 =	smul.u32 @!p0 $0xF7A, s2;
	p2 =	seq.s32 @!p0 s5, $0x0  }
0x1f: {  	s9 =	smul.u32 $0xF7A, s1;
	s8 =	simm.s32 @!p0 $0x1BF5;
	p2 =	por !p2, p0  }
0x20: {  	[sflag:s8] =	ssyncset.s32 @!p0 $0xFFFFF086;
	s6 =	sadd.s32 @!p0 s3, s7;
	s7 =	simm.s32 @!p0 $0x108  }
0x21: {  	s3 =	sadd.s32 s3, s9;
	s6 =	sadd.s32 @!p0 $0x88, s6;
	s7 =	simm.s32 @p2 $0x1082  }
0x22: {  	[simem:s7], [sflag:s8] =	dma.local @!p0 [hbm:s6], $0xF7A  }
0x23: {  	s9 =	sor.u32 $0xD0000000, s2;
	s6 =	simm.s32 $0x108;
	_ =	swait.ge @!p0 [sflag:s8], $0x0  }
0x24: {  	s3 =	sadd.s32 $0x88, s3;
	s6 =	simm.s32 @!p1 $0x1082;
	[sflag:s4] =	ssyncset.s32 $0xFFFFF086  }
0x25: {  	[simem:s6], [sflag:s4] =	dma.local [hbm:s3], $0xF7A  }
0x26: {  	[smem:$0x3F95] =	sst s1;
	(tag) =	ssettag s2;
	_ =	strace s9  }
0x27: {  	s1 =	sld [smem:$0x3FA5]  }
0x28: {  	s2 =	sld [smem:$0x3FA6]  }
0x29: {  	s4 =	sld [smem:$0x3FA8]  }
0x2a: {  	p0 =	seq.s32 s5, $0x0;
	s5 =	sld [smem:$0x3FA9]  }
0x2b: {  	s6 =	sld [smem:$0x3FAA]  }
0x2c: {  	s7 =	sld [smem:$0x3FAB]  }
0x2d: {  	s3 =	simm.s32 $0x108;
	s8 =	sld [smem:$0x3FAC]  }
0x2e: {  	s3 =	simm.s32 @!p0 $0x1082;
	s9 =	sld [smem:$0x3FAD]  }
0x2f: {  	lr =	sadd.s32 s0, s3;
	s0 =	sld [smem:$0x3FA4]  }
0x30: {  	s3 =	sld [smem:$0x3FA7]  }
0x31: {  	[smem:$0x3FB0] =	sst s10  }
0x32: {  	s10 =	sld [smem:$0x3FAE];
	_ =	sdelay $0x3  }
0x33: {  	p0 =	seq.s32 s10, $0x1;
	s10 =	sld [smem:$0x3FB0];
	_ =	sdelay $0x3  }
0x34: {  	[smem:$0x3FB0] =	sst s10  }
0x35: {  	s10 =	sld [smem:$0x3FAF];
	_ =	sdelay $0x3  }
0x36: {  	p1 =	seq.s32 s10, $0x1;
	s10 =	sld [smem:$0x3FB0];
	_ =	sdelay $0x3  }
0x37: {  	[smem:$0x3FB0] =	sst s10  }
0x38: {  	s10 =	sld [smem:$0x3FB1]  }
0x39: {  	_ = 	snop;
	(pc) =	sbr.ind lr, $3  }
0x3a: {  	_ = 	snop  }
0x3b: {  	_ = 	snop  }
0x3c: {  	p2 =	seq.s32 s10, $0x1;
	s10 =	sld [smem:$0x3FB0]  }
0x3d: {  	_ =	shalt  }
0x3e: {  	_ =	shalt  }
0x3f: {  	_ =	shalt  }
0x40: {  	_ =	shalt  }
0x41: {  	_ =	shalt  }
0x42: {  	_ =	shalt  }
0x43: {  	_ =	shalt  }
0x44: {  	_ =	shalt  }
0x45: {  	_ =	shalt  }
0x46: {  	_ =	shalt  }
0x47: {  	_ =	shalt  }
0x48: {  	_ =	shalt  }
0x49: {  	_ =	shalt  }
0x4a: {  	_ =	shalt  }
0x4b: {  	_ =	shalt  }
0x4c: {  	_ =	shalt  }
0x4d: {  	_ =	shalt  }
0x4e: {  	_ =	shalt  }
0x4f: {  	_ =	shalt  }
0x50: {  	_ =	shalt  }
0x51: {  	_ =	shalt  }
0x52: {  	_ =	shalt  }
0x53: {  	_ =	shalt  }
0x54: {  	_ =	shalt  }
0x55: {  	_ =	shalt  }
0x56: {  	_ =	shalt  }
0x57: {  	_ =	shalt  }
0x58: {  	_ =	shalt  }
0x59: {  	_ =	shalt  }
0x5a: {  	_ =	shalt  }
0x5b: {  	_ =	shalt  }
0x5c: {  	_ =	shalt  }
0x5d: {  	_ =	shalt  }
0x5e: {  	_ =	shalt  }
0x5f: {  	_ =	shalt  }
0x60: {  	_ =	shalt  }
0x61: {  	_ =	shalt  }
0x62: {  	_ =	shalt  }
0x63: {  	_ =	shalt  }
0x64: {  	_ =	shalt  }
0x65: {  	_ =	shalt  }
0x66: {  	_ =	shalt  }
0x67: {  	_ =	shalt  }
0x68: {  	_ =	shalt  }
0x69: {  	_ =	shalt  }
0x6a: {  	_ =	shalt  }
0x6b: {  	_ =	shalt  }
0x6c: {  	_ =	shalt  }
0x6d: {  	_ =	shalt  }
0x6e: {  	_ =	shalt  }
0x6f: {  	_ =	shalt  }
0x70: {  	_ =	shalt  }
0x71: {  	_ =	shalt  }
0x72: {  	_ =	shalt  }
0x73: {  	_ =	shalt  }
0x74: {  	_ =	shalt  }
0x75: {  	_ =	shalt  }
0x76: {  	_ =	shalt  }
0x77: {  	_ =	shalt  }
0x78: {  	_ =	shalt  }
0x79: {  	_ =	shalt  }
0x7a: {  	_ =	shalt  }
0x7b: {  	_ =	shalt  }
0x7c: {  	_ =	shalt  }
0x7d: {  	_ =	shalt  }
0x7e: {  	_ =	shalt  }
0x7f: {  	_ =	shalt  }
0x80: {  	_ =	shalt  }
0x81: {  	_ =	shalt  }
0x82: {  	_ =	shalt  }
0x83: {  	_ =	shalt  }
0x84: {  	_ =	shalt  }
0x85: {  	_ =	shalt  }
0x86: {  	_ =	shalt  }
0x87: {  	_ =	shalt  }
.Lfunc_end0:
.L_simem_size_0:
called_computation.4_lowered:
.L_overlay_start_0:
0x88: {  	s2 =	sld [smem:$0x3FD9]  }
0x89: {  	s3 =	sld [smem:$0x3FFE];
	_ =	sdelay $0x1  }
0x8a: {  	s1 =	srdreg.scid  }
0x8b: {  	s0 =	sand.u32 $0x1, s1  }
0x8c: {  	s17 =	sshll.u32 s0, $0xA;
	s2 =	sadd.s32 s3, s2  }
0x8d: {  	s2 =	sadd.s32 s2, s17  }
0x8e: {  	[smem:$0x3FBC] =	sst s2  }
0x8f: {  	_ = 	snop  }
0x90: {  	s18 =	sld [smem:$0x3FC9];
	(tm) =	ssettm $0x1  }
0x91: {  	s19 =	sld [smem:$0x3FFB];
	_ =	sdelay $0x3  }
0x92: {  	_ =	strace s19  }
0x93: {  	s2 =	sld [smem:$0x3FFC];
	_ =	sdelay $0x3  }
0x94: {  	_ =	strace s2  }
0x95: {  	s2 =	sld [smem:$0x3FFD];
	_ =	sdelay $0x3  }
0x96: {  	_ =	strace s2  }
0x97: {  	_ =	strace $0x8FFFFFFF  }
0x98: {  	s20 =	sld [smem:$0x3FDB];
	_ =	sdelay $0x1  }
0x99: {  	s4 =	simm.s32 $_scs_section_size  }
0x9a: {  	s5 =	simm.s32 $_size__tile_overlayer_lowered;
	s6 =	simm.s32 $_tile_overlayer_lowered  }
0x9b: {  	s7 =	simm.s32 $0x1BFF;
	s21 =	sshll.u32 s6, $0x1;
	s4 =	sadd.s32 s4, s20  }
0x9c: {  	s22 =	simm.s32 $0x0;
	s5 =	sshll.u32 s5, $0x1;
	s6 =	sadd.s32 s21, s4  }
0x9d: {  	[timem:s22], [sflag:s7] =	dma.local [hbm:s6], s5  }
0x9e: {  	_ =	swait.ge [sflag:s7], s5  }
0x9f: {  	s5 =	ssub.s32 $0x0, s5;
	[sflag:s7] =	ssyncset.done $0x0  }
0xa0: {  	[sflag:s7] =	ssyncadd.s32 s5;
	_ =	sdelay $0x1  }
0xa1: {  	s23 =	simm.s32 $0x1B8B  }
0xa2: {  	_ =	swait.ge [sflag:s23], $0x1  }
0xa3: {  	[sflag:s23] =	ssyncset.done $0x0  }
0xa4: {  	[sflag:s23] =	ssyncadd.s32 $0xFFFFFFFF  }
0xa5: {  	s5 =	sld [smem:$0x0]  }
0xa6: {  	s6 =	sand.u32 $0xFFFFFFFE, s1  }
0xa7: {  	p0 =	sne.s32 s1, s6  }
0xa8: {  	s6 =	sshll.u32 @p0 s6, $0xE  }
0xa9: {  	s6 =	sadd.s32 @p0 $0x11B8D, s6;
	s7 =	sshll.u32 @p0 s5, $0x11  }
0xaa: {  	s6 =	sor.u32 @p0 s7, s6  }
0xab: {  	[sflag:s6] =	ssyncadd.remote.s32 @p0 $0x1;
	_ =	sdelay $0x1  }
0xac: {  	s6 =	simm.s32 @p0 $0x1B8D  }
0xad: {  	_ =	swait.eq @p0 [sflag:s6], $0x1  }
0xae: {  	[sflag:s6] =	ssyncadd.s32 @p0 $0xFFFFFFFF  }
0xaf: {  	s7 =	sshll.u32 @!p0 s1, $0xE  }
0xb0: {  	s7 =	sor.u32 @!p0 $0x4000, s7;
	s6 =	simm.s32 @!p0 $0x1B8D  }
0xb1: {  	s5 =	sshll.u32 @!p0 s5, $0x11;
	s7 =	sadd.s32 @!p0 $0x11B8D, s7;
	_ =	swait.eq @!p0 [sflag:s6], $0x1  }
0xb2: {  	s5 =	sor.u32 @!p0 s5, s7;
	[sflag:s6] =	ssyncadd.s32 @!p0 $0xFFFFFFFF  }
0xb3: {  	s25 =	simm.s32 $0x1B8E;
	s24 =	sld [smem:$0x3FFE];
	[sflag:s5] =	ssyncadd.remote.s32 @!p0 $0x1  }
0xb4: {  	s26 =	simm.s32 $execute0_lowered;
	[smem:$0x3FD2] =	sst s25  }
0xb5: {  	s6 =	sshll.u32 s26, $0x1;
	_ =	strace $0x80000052;
	[dreg:$0x1] =	wrdreg $0xFFFFFFFF  }
0xb6: {  	s28 =	simm.s32 $_size_execute0_lowered;
	s4 =	sadd.s32 s4, s6;
	[dreg:$0x0] =	wrdreg $0x0  }
0xb7: {  	s6 =	sshll.u32 s28, $0x1;
	[dreg:$0x2] =	wrdreg s4  }
0xb8: {  	[dreg:$0x3] =	wrdreg s6  }
0xb9: {  	[dreg:$0x4] =	wrdreg $0xC0  }
0xba: {  	_ =	task [dreg:s22], $0x5FFFF  }
0xbb: {  	[dreg:$0x1] =	wrdreg $0xFFFFFFFF  }
0xbc: {  	[dreg:$0x0] =	wrdreg $0x60  }
0xbd: {  	[dreg:$0x2] =	wrdreg s18  }
0xbe: {  	[dreg:$0x3] =	wrdreg s24  }
0xbf: {  	[dreg:$0x4] =	wrdreg $0x0  }
0xc0: {  	[dreg:$0x5] =	wrdreg $0xD  }
0xc1: {  	_ =	task.clear_ibuf [dreg:s22], $0x6FFFF;
	_ =	strace $0x90000052  }
0xc2: {  	s29 =	simm.s32 $0xD;
	_ =	strace $0x80000054  }
0xc3: {  	_ =	swait.ge [sflag:s29], $0x1  }
0xc4: {  	[sflag:s29] =	ssyncadd.s32 $0xFFFFFFFF  }
0xc5: {  	_ =	strace $0x90000054  }
0xc6: {  	_ =	sfence  }
0xc7: {  	s30 =	sld [smem:$0x0];
	_ =	sdelay $0x2  }
0xc8: {  	s31 =	sshll.u32 s1, $0xD;
	s1 =	sshrl.u32 s1, $0x2  }
0xc9: {  	s4 =	sand.u32 $0x4000, s31;
	s1 =	sadd.s32 s1, s30  }
0xca: {  	s0 =	sor.u32 s4, s0;
	s1 =	sshll.u32 s1, $0x11  }
0xcb: {  	s0 =	sor.u32 s1, s0  }
0xcc: {  	s0 =	sadd.s32 $0x8F2B, s0  }
0xcd: {  	[sflag:s0] =	ssyncadd.remote.s32 $0x1  }
0xce: {  	_ =	sfence.sel $0xFFFF  }
0xcf: {  	[dreg:$0x0] =	wrdreg $0xFFFFFFFF;
	(pc) =	sbr.abs _section_cstart, $3  }
0xd0: {  	[dreg:$0x1] =	wrdreg $0xFFFFFFFF  }
0xd1: {  	_ =	task.clear_ibuf [dreg:s22], $0x2FFFF;
	_ =	strace $0x9FFFFFFF  }
0xd2: {  	(tm) =	ssettm $0x7FFFFFFF  }
0xd3: {  	_ =	shalt  }
tec
execute0_lowered:
.L_overlay_start_1:
0x0: {  	(tag) =	ssettag $0x1  }
0x1: {  	s5 =	rddreg [dreg:$0x0];
	s1 =	srdreg.scid  }
0x2: {  	s0 =	stileid.u32;
	s4 =	rddreg [dreg:$0x1]  }
0x3: {  	s2 =	rddreg [dreg:$0x2];
	s3 =	simm.s32 $0x0;
	s18 =	simm.s32 $0x80  }
0x4: {  	s19 =	simm.s32 $0x14200;
	s20 =	simm.s32 $0x18200;
	s9 =	smul.u32 $0x4F000, s0  }
0x5: {  	s21 =	simm.s32 $0x1;
	s11 =	sand.u32 $0x1, s1;
	s10 =	smul.u32 $0x2780, s0  }
0x6: {  	s22 =	sshll.u32 s0, $0x1;
	s12 =	sadd.s32 $0x345C00, s4;
	s14 =	smul.u32 $0x96000, s0  }
0x7: {  	[smem:$0x7FF] =	sst s3;
	s13 =	sadd.s32 $0x128400, s2;
	s17 =	smul.u32 $0x12C00, s0  }
0x8: {  	p0 =	seq.s32 s0, $0xF;
	s6 =	sor.u32 s11, s22;
	s16 =	smul.u32 $0x4B000, s11  }
0x9: {  	_ =	strace $0x80000053;
	s8 =	ssub.s32 $0x2, s11;
	s28 =	smul.u32 $0x9600, s11  }
0xa: {  	s13 =	sshrl.u32 @p0 s13, $0x3;
	s22 =	simm.s32 $0x2;
	s7 =	smul.u32 $0x960, s6  }
0xb: {  	s23 =	sshrl.u32 s8, $0x1;
	s24 =	sshrl.u32 s9, $0x2;
	s25 =	smul.u32 $0x4B000, s6  }
0xc: {  	s26 =	smul.u32 $0x9600, s6;
	s30 =	sadd.s32 s17, s12;
	s17 =	simm.s32 $0x3  }
0xd: {  	s8 =	ssub.s32 s8, s23;
	s15 =	sadd.s32 s24, s2;
	s14 =	sadd.s32 s16, s14  }
0xe: {  	s31 =	sadd.s32 s28, s30;
	s16 =	simm.s32 $0x13880;
	s23 =	simm.s32 $0x14100  }
0xf: {  	s24 =	simm.s32 $0x60;
	s7 =	sshrl.u32 s7, $0x3;
	s9 =	sshrl.u32 s25, $0x3  }
0x10: {  	s8 =	smax.u32 s8, $0x1;
	s29 =	sshrl.u32 s14, $0x3;
	s14 =	sshll.u32 @!p0 s0, $0x6  }
0x11: {  	s15 =	sshrl.u32 @!p0 s15, $0x3;
	s25 =	simm.s32 $0x14180;
	s7 =	sadd.s32 s7, s4  }
0x12: {  	s4 =	sadd.s32 s5, s10;
	s5 =	sadd.s32 $0x25080, s5;
	s9 =	sadd.s32 s12, s9  }
0x13: {  	s10 =	sadd.s32 s12, s26;
	s11 =	sadd.s32 s29, s12;
	s12 =	sadd.s32 $0x800, s31  }
0x14: {  	s14 =	sor.u32 @!p0 $0x1C03, s14;
	s26 =	simm.s32 $0x0;
	s6 =	sadd.s32 $0xEB600, s7  }
0x15: {  	s7 =	sadd.s32 $0x9000, s9;
	s9 =	sadd.s32 $0x8000, s9;
	s10 =	sadd.s32 $0x8800, s10  }
.LBB2_1:
0x16: {  	s28 =	simm.s32 @p0 $0x1FC3  }
0x17: {  	[spmem:s13], [sflag:s28] =	dma.local @p0 [hbm:s5], $0x2080  }
0x18: {  	s28 =	simm.s32 @p0 $0x3  }
0x19: {  	_ =	swait.ge @p0 [sflag:s28], $0x2080  }
0x1a: {  	[sflag:s28] =	ssyncset.done @p0 $0x0  }
0x1b: {  	[sflag:s28] =	ssyncadd.s32 @p0 $0xFFFFDF80;
	s28 =	simm.s32 @!p0 $0x3  }
0x1c: {  	[spmem:s15], [sflag:s14] =	dma.local @!p0 [hbm:s4], $0x2780  }
0x1d: {  	_ =	swait.ge @!p0 [sflag:s28], $0x2780  }
0x1e: {  	[sflag:s28] =	ssyncset.done @!p0 $0x0  }
0x1f: {  	[sflag:s28] =	ssyncadd.s32 @!p0 $0xFFFFD880  }
0x20: {  	[tilespmem:s16], [sflag:$0x3] =	stream.linear.gather [hbm4b:s6+s3], $0x960, $0x38;
	[tilespmem:$0x1C200] =	vst v63  }
0x21: {  	_ =	swait.ge [sflag:s17], $0x960  }
0x22: {  	[sflag:s17] =	ssyncset.done $0x0  }
0x23: {  	[sflag:s17] =	ssyncadd.s32 $0xFFFFF6A0  }
0x24: {  	[bflag:$0x0] =	sbarrier.arrive $0xFFFF  }
0x25: {  	[tilespmem:s19], [sflag:$0x1] =	stream.indirect.gather [spmem:s2], $0x80, s16, s18, $0xb8;
	[tilespmem:$0x1C200] =	vst v63  }
0x26: {  	s28 =	simm.s32 $0x13900  }
0x27: {  	[tilespmem:s20], [sflag:$0x2] =	stream.indirect.gather [spmem:s2], $0x80, s28, s18, $0xb8;
	[tilespmem:$0x1C200] =	vst v63  }
0x28: {  	_ =	swait.ge [sflag:s21], $0x4000  }
0x29: {  	[sflag:s21] =	ssyncset.done $0x0  }
0x2a: {  	s28 =	sadd.s32 $0x0, s11;
	[sflag:s21] =	ssyncadd.s32 $0xFFFFC000  }
0x2b: {  	[hbm4b:s28+s3] =	stream.linear.scatter [tilespmem:s19], [sflag:$0x3], $0x4000, $0x38;
	[tilespmem:$0x1C200] =	vst v63  }
0x2c: {  	_ =	swait.ge [sflag:s17], $0x4000  }
0x2d: {  	[sflag:s17] =	ssyncset.done $0x0  }
0x2e: {  	s28 =	simm.s32 $0x13980;
	[sflag:s17] =	ssyncadd.s32 $0xFFFFC000  }
0x2f: {  	[tilespmem:s19], [sflag:$0x1] =	stream.indirect.gather [spmem:s2], $0x80, s28, s18, $0xb8;
	[tilespmem:$0x1C200] =	vst v63  }
0x30: {  	_ =	swait.ge [sflag:s22], $0x4000  }
0x31: {  	[sflag:s22] =	ssyncset.done $0x0  }
0x32: {  	s28 =	sadd.s32 $0x0, s12;
	[sflag:s22] =	ssyncadd.s32 $0xFFFFC000  }
0x33: {  	[hbm4b:s28+s3] =	stream.linear.scatter [tilespmem:s20], [sflag:$0x3], $0x4000, $0x38;
	[tilespmem:$0x1C200] =	vst v63  }
0x34: {  	s30 =	simm.s32 $0x2000;
	_ =	swait.ge [sflag:s17], $0x4000  }
0x35: {  	s29 =	simm.s32 $0x13A80;
	s28 =	simm.s32 $0x1000;
	[sflag:s17] =	ssyncset.done $0x0  }
.LBB2_2:
0x36: {  	p1 =	sne.s32 s30, $0x7000;
	s31 =	sadd.s32 $0xFFFFFF80, s29;
	[sflag:s17] =	ssyncadd.s32 $0xFFFFC000  }
0x37: {  	[tilespmem:s20], [sflag:$0x2] =	stream.indirect.gather [spmem:s2], $0x80, s31, s18, $0xb8;
	[tilespmem:$0x1C200] =	vst v63  }
0x38: {  	s31 =	smov.u32 s30;
	s30 =	sadd.s32 $0x1000, s30;
	_ =	swait.ge [sflag:s21], $0x4000  }
0x39: {  	[sflag:s21] =	ssyncset.done $0x0  }
0x3a: {  	s1 =	sadd.s32 s28, s11;
	[sflag:s21] =	ssyncadd.s32 $0xFFFFC000  }
0x3b: {  	[hbm4b:s1+s3] =	stream.linear.scatter [tilespmem:s19], [sflag:$0x3], $0x4000, $0x38;
	[tilespmem:$0x1C200] =	vst v63  }
0x3c: {  	_ =	swait.ge [sflag:s17], $0x4000  }
0x3d: {  	[sflag:s17] =	ssyncset.done $0x0  }
0x3e: {  	[sflag:s17] =	ssyncadd.s32 $0xFFFFC000  }
0x3f: {  	[tilespmem:s19], [sflag:$0x1] =	stream.indirect.gather [spmem:s2], $0x80, s29, s18, $0xb8;
	[tilespmem:$0x1C200] =	vst v63  }
0x40: {  	_ =	swait.ge [sflag:s22], $0x4000  }
.Ltmp0:
0x41: {  	[sflag:s22] =	ssyncset.done $0x0;
	(pc) =	sbr.rel @p1 .LBB2_2-.Ltmp0, $4  }
0x42: {  	s1 =	sadd.s32 s28, s12;
	s28 =	smov.u32 s31;
	[sflag:s22] =	ssyncadd.s32 $0xFFFFC000  }
0x43: {  	[hbm4b:s1+s3] =	stream.linear.scatter [tilespmem:s20], [sflag:$0x3], $0x4000, $0x38;
	[tilespmem:$0x1C200] =	vst v63  }
0x44: {  	_ =	swait.ge [sflag:s17], $0x4000  }
0x45: {  	s29 =	sadd.s32 $0x100, s29;
	[sflag:s17] =	ssyncset.done $0x0  }
0x46: {  	s1 =	sadd.s32 $0xFFFFFF80, s29;
	[sflag:s17] =	ssyncadd.s32 $0xFFFFC000  }
0x47: {  	[tilespmem:s20], [sflag:$0x2] =	stream.indirect.gather [spmem:s2], $0x80, s1, s18, $0xb8;
	[tilespmem:$0x1C200] =	vst v63  }
0x48: {  	_ =	swait.ge [sflag:s21], $0x4000  }
0x49: {  	[sflag:s21] =	ssyncset.done $0x0  }
0x4a: {  	s30 =	sadd.s32 s28, s11;
	[sflag:s21] =	ssyncadd.s32 $0xFFFFC000  }
0x4b: {  	[hbm4b:s30+s3] =	stream.linear.scatter [tilespmem:s19], [sflag:$0x3], $0x4000, $0x38;
	[tilespmem:$0x1C200] =	vst v63  }
0x4c: {  	_ =	swait.ge [sflag:s17], $0x4000  }
0x4d: {  	[sflag:s17] =	ssyncset.done $0x0  }
0x4e: {  	[sflag:s17] =	ssyncadd.s32 $0xFFFFC000  }
0x4f: {  	[tilespmem:s19], [sflag:$0x1] =	stream.indirect.gather [spmem:s2], $0x80, s29, s18, $0xb8;
	[tilespmem:$0x1C200] =	vst v63  }
0x50: {  	_ =	swait.ge [sflag:s22], $0x4000  }
0x51: {  	[sflag:s22] =	ssyncset.done $0x0  }
0x52: {  	s31 =	sadd.s32 s28, s12;
	[sflag:s22] =	ssyncadd.s32 $0xFFFFC000  }
0x53: {  	[hbm4b:s31+s3] =	stream.linear.scatter [tilespmem:s20], [sflag:$0x3], $0x4000, $0x38;
	[tilespmem:$0x1C200] =	vst v63  }
0x54: {  	_ =	swait.ge [sflag:s17], $0x4000  }
0x55: {  	[sflag:s17] =	ssyncset.done $0x0  }
0x56: {  	[sflag:s17] =	ssyncadd.s32 $0xFFFFC000  }
0x57: {  	[tilespmem:s20], [sflag:$0x2] =	stream.indirect.gather [spmem:s2], $0x80, s23, s18, $0xb8;
	[tilespmem:$0x1C200] =	vst v63  }
0x58: {  	_ =	swait.ge [sflag:s21], $0x4000  }
0x59: {  	[sflag:s21] =	ssyncset.done $0x0  }
0x5a: {  	[sflag:s21] =	ssyncadd.s32 $0xFFFFC000  }
0x5b: {  	[hbm4b:s9+s3] =	stream.linear.scatter [tilespmem:s19], [sflag:$0x3], $0x4000, $0x38;
	[tilespmem:$0x1C200] =	vst v63  }
0x5c: {  	_ =	swait.ge [sflag:s17], $0x4000  }
0x5d: {  	[sflag:s17] =	ssyncset.done $0x0  }
0x5e: {  	[sflag:s17] =	ssyncadd.s32 $0xFFFFC000  }
0x5f: {  	_ =	swait.ge [sflag:s22], $0x4000  }
0x60: {  	[sflag:s22] =	ssyncset.done $0x0  }
0x61: {  	[sflag:s22] =	ssyncadd.s32 $0xFFFFC000  }
0x62: {  	[hbm4b:s10+s3] =	stream.linear.scatter [tilespmem:s20], [sflag:$0x3], $0x4000, $0x38;
	[tilespmem:$0x1C200] =	vst v63  }
0x63: {  	_ =	swait.ge [sflag:s17], $0x4000  }
0x64: {  	[sflag:s17] =	ssyncset.done $0x0  }
0x65: {  	[sflag:s17] =	ssyncadd.s32 $0xFFFFC000  }
0x66: {  	[tilespmem:s20], [sflag:$0x2] =	stream.indirect.gather [spmem:s2], $0x80, s25, s24, $0xb8;
	[tilespmem:$0x1C200] =	vst v63  }
0x67: {  	s26 =	sadd.s32 $0x1, s26;
	_ =	swait.ge [sflag:s22], $0x3000  }
0x68: {  	p1 =	sne.s32 s26, s8;
	[sflag:s22] =	ssyncset.done $0x0  }
.Ltmp1:
0x69: {  	[sflag:s22] =	ssyncadd.s32 $0xFFFFD000;
	(pc) =	sbr.rel @p1 .LBB2_1-.Ltmp1, $4  }
0x6a: {  	[hbm4b:s7+s3] =	stream.linear.scatter [tilespmem:s20], [sflag:$0x3], $0x3000, $0x38;
	[tilespmem:$0x1C200] =	vst v63  }
0x6b: {  	_ =	swait.ge [sflag:s17], $0x3000  }
0x6c: {  	[sflag:s17] =	ssyncset.done $0x0  }
0x6d: {  	[sflag:s17] =	ssyncadd.s32 $0xFFFFD000  }
0x6e: {  	_ =	sfence.sel $0x180000  }
0x6f: {  	[bflag:$0x0] =	sbarrier.arrive $0xFFFF  }
0x70: {  	_ =	strace $0x90000053  }
0x71: {  	[bflag:$0x2] =	sbarrier.arrive $0xFFFF  }
0x72: {  	p0 =	sne.s32 s0, $0x0;
	s0 =	rddreg [dreg:$0x3]  }
0x73: {  	s0 =	sadd.s32 @!p0 $0x100000, s0  }
0x74: {  	[sflag:s0] =	ssyncadd.tile.s32 @!p0 $0x1;
	_ =	shalt  }
.Lfunc_end2:
_tile_overlayer_lowered:
.L_overlay_start_2:
0x75: {  	(tag) =	ssettag $0x2  }
0x76: {  	s0 =	rddreg [dreg:$0x0];
	s2 =	stileid.u32  }
0x77: {  	s1 =	rddreg [dreg:$0x1];
	p0 =	sne.s32 s2, $0x0  }
0x78: {  	s3 =	rddreg [dreg:$0x2];
	[bflag:$0x3] =	sbarrier.arrive $0xFFFF;
	s2 =	simm.s32 @!p0 $0x1C03  }
0x79: {  	[timem:s3], [sflag:s2] =	dma.local @!p0 [hbm:s0], s1  }
0x7a: {  	s0 =	simm.s32 @!p0 $0x3  }
0x7b: {  	_ =	swait.ge @!p0 [sflag:s0], s1  }
0x7c: {  	s1 =	ssub.s32 @!p0 $0x0, s1;
	[sflag:s0] =	ssyncset.done @!p0 $0x0  }
0x7d: {  	[sflag:s0] =	ssyncadd.s32 @!p0 s1  }
0x7e: {  	[bflag:$0x3] =	sbarrier.arrive $0xFFFF  }
0x7f: {  	_ =	shalt  }

</sc_bundles>
